<compile_context>
chip_gen: v7x
topology: tpu7x:2x2x1
jax: 0.10.2.dev20260603
libtpu: 0.0.44.dev20260713+nightly
codegen_flags: <defaults>
</compile_context>

<pallas_src>
import functools

import jax
import jax.numpy as jnp
from jax import lax
from jax.experimental import pallas as pl
from jax.experimental.pallas import tpu as pltpu
from jax.experimental.pallas import tpu_sc as plsc

N = 16384
G = 1024
M = 128
TILE = 2048
EPS = 1e-5

NC = 2
NS = 16
NW = NC * NS
ROWS_PER_W = G // NW
GT = 128

INF_BITS = 0x7F800000



def _thresh_body(cx_ref, cy_ref, cz_ref, xs_ref, ys_ref, zs_ref,
                 d2_ref, t_ref):
    dx = cx_ref[...] - xs_ref[...]
    dy = cy_ref[...] - ys_ref[...]
    dz = cz_ref[...] - zs_ref[...]
    d2 = (dx * dx + dy * dy) + dz * dz
    d2_ref[...] = d2
    bits = lax.bitcast_convert_type(d2, jnp.int32)

    def it(_, lohi):
        lo, hi = lohi
        mid = lo + ((hi - lo) >> 1)
        cnt = jnp.sum((bits <= mid).astype(jnp.int32), axis=1, keepdims=True)
        ge = cnt >= M
        return (jnp.where(ge, lo, mid + 1), jnp.where(ge, mid, hi))

    lo0 = jnp.zeros((GT, 1), jnp.int32)
    hi0 = jnp.full((GT, 1), INF_BITS, jnp.int32)
    lo, _ = lax.fori_loop(0, 31, it, (lo0, hi0))
    t_ref[...] = jnp.broadcast_to(lax.bitcast_convert_type(lo, jnp.float32),
                                  (GT, 16))


def _knn_threshold(cx, cy, cz, xs, ys, zs):
    g = cx.shape[0]
    return pl.pallas_call(
        _thresh_body,
        grid=(g // GT,),
        in_specs=[
            pl.BlockSpec((GT, 1), lambda i: (i, 0)),
            pl.BlockSpec((GT, 1), lambda i: (i, 0)),
            pl.BlockSpec((GT, 1), lambda i: (i, 0)),
            pl.BlockSpec((1, N), lambda i: (0, 0)),
            pl.BlockSpec((1, N), lambda i: (0, 0)),
            pl.BlockSpec((1, N), lambda i: (0, 0)),
        ],
        out_specs=[
            pl.BlockSpec((GT, N), lambda i: (i, 0)),
            pl.BlockSpec((GT, 16), lambda i: (i, 0)),
        ],
        out_shape=[
            jax.ShapeDtypeStruct((g, N), jnp.float32),
            jax.ShapeDtypeStruct((g, 16), jnp.float32),
        ],
    )(cx, cy, cz, xs, ys, zs)



def _sc_compact_body(rpw, d2_hbm, t_hbm, idx_hbm, s_hbm, row_v, sel_v, t_v,
                     s_row):
    wid = lax.axis_index("s") * NC + lax.axis_index("c")
    base_row = wid * rpw
    pltpu.sync_copy(t_hbm.at[pl.ds(base_row, rpw)], t_v)
    iota16 = lax.iota(jnp.int32, 16)
    zeros16 = jnp.zeros((16,), jnp.float32)
    ones16 = jnp.ones((16,), jnp.float32)

    def zero_body(j, _c):
        for u in range(8):
            s_row[pl.ds(j * 128 + u * 16, 16)] = zeros16
        return _c

    lax.fori_loop(0, N // 128, zero_body, 0)

    def row_body(r, _):
        row = base_row + r
        pltpu.sync_copy(d2_hbm.at[row], row_v)
        tvec = t_v[r]

        def pass_b(j, off):
            for u in range(8):
                cbase = j * 128 + u * 16
                v = row_v[pl.ds(cbase, 16)]
                m = v <= tvec
                c = plsc.cumsum(m.astype(jnp.int32))
                pos = jnp.where(m, off + c - 1, N)
                plsc.store_scatter(sel_v, [pos], iota16 + cbase)
                off = off + plsc.all_reduce_population_count(m)[0]
            return off

        lax.fori_loop(0, N // 128, pass_b, jnp.int32(0))
        pltpu.sync_copy(sel_v.at[pl.ds(0, M)], idx_hbm.at[row])
        for k in range(M // 16):
            iv = sel_v[pl.ds(k * 16, 16)]
            plsc.store_scatter(s_row, [iv], ones16)
        pltpu.sync_copy(s_row, s_hbm.at[row])
        for k in range(M // 16):
            iv = sel_v[pl.ds(k * 16, 16)]
            plsc.store_scatter(s_row, [iv], zeros16)
        return 0

    lax.fori_loop(0, rpw, row_body, 0)


def _sc_compact(d2, t):
    g = d2.shape[0]
    rpw = g // NW
    mesh = plsc.VectorSubcoreMesh(core_axis_name="c", subcore_axis_name="s")
    f = functools.partial(
        pl.kernel,
        out_type=[jax.ShapeDtypeStruct((g, M), jnp.int32),
                  jax.ShapeDtypeStruct((g, N), jnp.float32)],
        mesh=mesh,
        compiler_params=pltpu.CompilerParams(needs_layout_passes=False),
        scratch_types=[
            pltpu.VMEM((N,), jnp.float32),
            pltpu.VMEM((N + 16,), jnp.int32),
            pltpu.VMEM((rpw, 16), jnp.float32),
            pltpu.VMEM((N,), jnp.float32),
        ],
    )(functools.partial(_sc_compact_body, rpw))
    return f(d2, t)



def _upsample_comb_body(s_ref, f_ref, o_ref):
    sums = lax.dot_general(s_ref[...], f_ref[...],
                           (((0,), (0,)), ((), ())),
                           precision=lax.Precision.HIGHEST,
                           preferred_element_type=jnp.float32)
    cnt = sums[:, 256:257]
    up = jnp.where(cnt > 0, sums[:, :256] / jnp.maximum(cnt, 1.0), 0.0)
    o_ref[...] = up


def _upsample_comb(s, f):
    return pl.pallas_call(
        _upsample_comb_body,
        grid=(N // TILE,),
        in_specs=[
            pl.BlockSpec((G, TILE), lambda i: (0, i)),
            pl.BlockSpec((G, 257), lambda i: (0, 0)),
        ],
        out_specs=pl.BlockSpec((TILE, 256), lambda i: (i, 0)),
        out_shape=jax.ShapeDtypeStruct((N, 256), jnp.float32),
    )(s, f)



def _mm_stats_body(x_ref, w_ref, b_ref, y_ref, s_ref):
    i = pl.program_id(0)
    y = jnp.dot(x_ref[...], w_ref[...], preferred_element_type=jnp.float32)
    y = y + b_ref[...]
    y_ref[...] = y

    @pl.when(i == 0)
    def _init():
        s_ref[...] = jnp.zeros_like(s_ref)

    s_ref[0:1, :] += jnp.sum(y, axis=0, keepdims=True)
    s_ref[1:2, :] += jnp.sum(y * y, axis=0, keepdims=True)


def _mm_stats(x, w, b):
    n, _ = x.shape
    o = w.shape[1]
    return pl.pallas_call(
        _mm_stats_body,
        grid=(n // TILE,),
        in_specs=[
            pl.BlockSpec((TILE, x.shape[1]), lambda i: (i, 0)),
            pl.BlockSpec((x.shape[1], o), lambda i: (0, 0)),
            pl.BlockSpec((1, o), lambda i: (0, 0)),
        ],
        out_specs=[
            pl.BlockSpec((TILE, o), lambda i: (i, 0)),
            pl.BlockSpec((2, o), lambda i: (0, 0)),
        ],
        out_shape=[
            jax.ShapeDtypeStruct((n, o), jnp.float32),
            jax.ShapeDtypeStruct((2, o), jnp.float32),
        ],
    )(x, w, b.reshape(1, -1))


def _bn_relu_mm_body(nrows, y_ref, st_ref, g_ref, be_ref, w_ref, b_ref,
                     x2_ref, w2_ref, o_ref, s_ref):
    i = pl.program_id(0)
    mu = st_ref[0:1, :] / nrows
    var = st_ref[1:2, :] / nrows - mu * mu
    x = g_ref[...] * (y_ref[...] - mu) / jnp.sqrt(var + EPS) + be_ref[...]
    x = jnp.maximum(x, 0.0)
    o = jnp.dot(x, w_ref[...], preferred_element_type=jnp.float32)
    if x2_ref is not None:
        o = o + jnp.dot(x2_ref[...], w2_ref[...],
                        preferred_element_type=jnp.float32)
    o = o + b_ref[...]
    o_ref[...] = o

    @pl.when(i == 0)
    def _init():
        s_ref[...] = jnp.zeros_like(s_ref)

    s_ref[0:1, :] += jnp.sum(o, axis=0, keepdims=True)
    s_ref[1:2, :] += jnp.sum(o * o, axis=0, keepdims=True)


def _bn_relu_mm(y, stats, gamma, beta, w, b, x2=None, w2=None):
    n, c = y.shape
    o = w.shape[1]
    has2 = x2 is not None
    body = functools.partial(_bn_relu_mm_body, n) if has2 else (
        lambda *a: _bn_relu_mm_body(n, *a[:6], None, None, *a[6:]))
    in_specs = [
        pl.BlockSpec((TILE, c), lambda i: (i, 0)),
        pl.BlockSpec((2, c), lambda i: (0, 0)),
        pl.BlockSpec((1, c), lambda i: (0, 0)),
        pl.BlockSpec((1, c), lambda i: (0, 0)),
        pl.BlockSpec((c, o), lambda i: (0, 0)),
        pl.BlockSpec((1, o), lambda i: (0, 0)),
    ]
    args = [y, stats, gamma.reshape(1, -1), beta.reshape(1, -1), w,
            b.reshape(1, -1)]
    if has2:
        in_specs += [
            pl.BlockSpec((TILE, x2.shape[1]), lambda i: (i, 0)),
            pl.BlockSpec((x2.shape[1], o), lambda i: (0, 0)),
        ]
        args += [x2, w2]
    return pl.pallas_call(
        body,
        grid=(n // TILE,),
        in_specs=in_specs,
        out_specs=[
            pl.BlockSpec((TILE, o), lambda i: (i, 0)),
            pl.BlockSpec((2, o), lambda i: (0, 0)),
        ],
        out_shape=[
            jax.ShapeDtypeStruct((n, o), jnp.float32),
            jax.ShapeDtypeStruct((2, o), jnp.float32),
        ],
    )(*args)


def _bn_relu_mm_final_body(nrows, y_ref, st_ref, g_ref, be_ref, w_ref, b_ref,
                           o_ref):
    mu = st_ref[0:1, :] / nrows
    var = st_ref[1:2, :] / nrows - mu * mu
    x = g_ref[...] * (y_ref[...] - mu) / jnp.sqrt(var + EPS) + be_ref[...]
    x = jnp.maximum(x, 0.0)
    o_ref[...] = jnp.dot(x, w_ref[...],
                         preferred_element_type=jnp.float32) + b_ref[...]


def _bn_relu_mm_final(y, stats, gamma, beta, w, b):
    n, c = y.shape
    o = w.shape[1]
    return pl.pallas_call(
        functools.partial(_bn_relu_mm_final_body, n),
        grid=(n // TILE,),
        in_specs=[
            pl.BlockSpec((TILE, c), lambda i: (i, 0)),
            pl.BlockSpec((2, c), lambda i: (0, 0)),
            pl.BlockSpec((1, c), lambda i: (0, 0)),
            pl.BlockSpec((1, c), lambda i: (0, 0)),
            pl.BlockSpec((c, o), lambda i: (0, 0)),
            pl.BlockSpec((1, o), lambda i: (0, 0)),
        ],
        out_specs=pl.BlockSpec((TILE, o), lambda i: (i, 0)),
        out_shape=jax.ShapeDtypeStruct((n, o), jnp.float32),
    )(y, stats, gamma.reshape(1, -1), beta.reshape(1, -1), w, b.reshape(1, -1))




def _bn(x, gamma, beta, axes):
    mu = jnp.mean(x, axis=axes, keepdims=True)
    var = jnp.var(x, axis=axes, keepdims=True)
    shape = [1] * x.ndim
    shape[1] = -1
    return gamma.reshape(shape) * (x - mu) / jnp.sqrt(var + EPS) + beta.reshape(shape)


def _upsample(feat, ori_idx, n_points):
    B, g, m = ori_idx.shape
    C = feat.shape[2]
    ef = jnp.broadcast_to(feat[:, :, None, :], (B, g, m, C)).reshape(B * g * m, C)
    ind = ori_idx.reshape(B * g * m)
    sums = jnp.zeros((B * n_points, C), dtype=feat.dtype).at[ind].add(ef)
    cnt = jnp.zeros((B * n_points,), dtype=feat.dtype).at[ind].add(1.0)
    out = jnp.where(cnt[:, None] > 0, sums / jnp.maximum(cnt, 1.0)[:, None],
                    jnp.zeros_like(sums))
    return out.reshape(B, n_points, C)


def kernel(xyz, sample_idx, sampled_point_features, cf_w1, cf_b1, cf_g1, cf_be1, cf_w2, cf_b2, cf_g2, cf_be2, fu_w, fu_b, fu_g, fu_be, m_w1, m_b1, m_g1, m_be1, m_w2, m_b2, m_g2, m_be2, m_w3, m_b3):
    B = xyz.shape[0]
    center = xyz[0][sample_idx]
    center = jnp.where(jnp.isnan(center), jnp.zeros_like(center), center)

    xsT = xyz[0].T
    H = G // 4
    parts = []
    for q in range(4):
        c_q = center[q * H:(q + 1) * H]
        d2q, tq = _knn_threshold(c_q[:, 0:1], c_q[:, 1:2], c_q[:, 2:3],
                                 xsT[0:1], xsT[1:2], xsT[2:3])
        parts.append(_sc_compact(d2q, tq))
    idx = jnp.concatenate([p[0] for p in parts], axis=0)[None]
    smat = jnp.concatenate([p[1] for p in parts], axis=0)

    neighborhood = xyz[0][idx.reshape(-1)].reshape(B, G, M, 3)
    neighborhood = neighborhood - center[None, :, None, :]
    x = neighborhood.transpose(0, 3, 1, 2)
    h = jnp.einsum('oc,bcgm->bogm', cf_w1, x) + cf_b1[None, :, None, None]
    h = jax.nn.relu(_bn(h, cf_g1, cf_be1, (0, 2, 3)))
    h = jnp.einsum('oc,bcgm->bogm', cf_w2, h) + cf_b2[None, :, None, None]
    h = jax.nn.relu(_bn(h, cf_g2, cf_be2, (0, 2, 3)))
    geo = jnp.max(h, axis=3).transpose(0, 2, 1)

    fmat = jnp.concatenate([sampled_point_features[0], geo[0],
                            jnp.ones((G, 1), jnp.float32)], axis=1)
    comb = _upsample_comb(smat, fmat)
    xyz2 = xyz.reshape(N, 3)
    y1, st1 = _mm_stats(comb, fu_w.T, fu_b)
    y2, st2 = _bn_relu_mm(y1, st1, fu_g, fu_be, m_w1[:, :128].T, m_b1,
                          x2=xyz2, w2=m_w1[:, 128:].T)
    y3, st3 = _bn_relu_mm(y2, st2, m_g1, m_be1, m_w2.T, m_b2)
    out = _bn_relu_mm_final(y3, st3, m_g2, m_be2, m_w3.T, m_b3)
    return out.reshape(B, N, 1)

# --- scband reference (transcript-rebuilt; emitter-appended) ---
"""Pipeline reference for scband-my-model-84559316124288 (READ-ONLY COPY).

The authoritative reference and input builder live on the scoring server;
editing this copy changes nothing except your own understanding.
"""

import jax, jax.numpy as jnp
import numpy as np

def _bn(x, gamma, beta, axes):
    mu = jnp.mean(x, axis=axes, keepdims=True)
    var = jnp.var(x, axis=axes, keepdims=True)
    shape = [1] * x.ndim
    shape[1] = -1
    return gamma.reshape(shape) * (x - mu) / jnp.sqrt(var + 1e-5) + beta.reshape(shape)

def _upsample(feat, ori_idx, n_points):
    B, G, M = ori_idx.shape
    C = feat.shape[2]
    ef = jnp.broadcast_to(feat[:, :, None, :], (B, G, M, C)).reshape(B * G * M, C)
    ind = ori_idx.reshape(B * G * M)
    sums = jnp.zeros((B * n_points, C), dtype=feat.dtype).at[ind].add(ef)
    cnt = jnp.zeros((B * n_points,), dtype=feat.dtype).at[ind].add(1.0)
    out = jnp.where(cnt[:, None] > 0, sums / jnp.maximum(cnt, 1.0)[:, None], jnp.zeros_like(sums))
    return out.reshape(B, n_points, C)

def _forward(xyz, sample_idx, spf, cf_w1, cf_b1, cf_g1, cf_be1, cf_w2, cf_b2, cf_g2, cf_be2, fu_w, fu_b, fu_g, fu_be, m_w1, m_b1, m_g1, m_be1, m_w2, m_b2, m_g2, m_be2, m_w3, m_b3):
    B, N, _ = xyz.shape
    G = sample_idx.shape[0]
    M = 128
    center = xyz[0][sample_idx][None, :, :]
    center = jnp.where(jnp.isnan(center), jnp.zeros_like(center), center)
    d2 = jnp.sum((center[:, :, None, :] - xyz[:, None, :, :]) ** 2, axis=-1)
    _, idx = jax.lax.top_k(-d2, M)
    idx_base = jnp.arange(B).reshape(-1, 1, 1) * N
    flat = (idx + idx_base).reshape(-1)
    neighborhood = xyz.reshape(B * N, 3)[flat].reshape(B, G, M, 3)
    neighborhood = neighborhood - center[:, :, None, :]
    up_feat = _upsample(spf, idx, N)
    x = neighborhood.transpose(0, 3, 1, 2)
    h = jnp.einsum('oc,bcgm->bogm', cf_w1, x) + cf_b1[None, :, None, None]
    h = jax.nn.relu(_bn(h, cf_g1, cf_be1, (0, 2, 3)))
    h = jnp.einsum('oc,bcgm->bogm', cf_w2, h) + cf_b2[None, :, None, None]
    h = jax.nn.relu(_bn(h, cf_g2, cf_be2, (0, 2, 3)))
    geo = jnp.max(h, axis=3).transpose(0, 2, 1)
    up_geo = _upsample(geo, idx, N)
    comb = jnp.concatenate([up_feat, up_geo], axis=-1).transpose(0, 2, 1)
    f = jnp.einsum('oc,bcn->bon', fu_w, comb) + fu_b[None, :, None]
    f = jax.nn.relu(_bn(f, fu_g, fu_be, (0, 2)))
    fi = jnp.concatenate([f, xyz.transpose(0, 2, 1)], axis=1)
    s = jnp.einsum('oc,bcn->bon', m_w1, fi) + m_b1[None, :, None]
    s = jax.nn.relu(_bn(s, m_g1, m_be1, (0, 2)))
    s = jnp.einsum('oc,bcn->bon', m_w2, s) + m_b2[None, :, None]
    s = jax.nn.relu(_bn(s, m_g2, m_be2, (0, 2)))
    s = jnp.einsum('oc,bcn->bon', m_w3, s) + m_b3[None, :, None]
    return s.transpose(0, 2, 1)

def setup_inputs(seed: int = 0):
    key = jax.random.key(seed)
    ks = jax.random.split(key, 16)
    N, G, C = 16384, 1024, 128
    def w(k, o, i):
        return (jax.random.normal(k, (o, i), dtype=jnp.float32) / np.sqrt(i)).astype(jnp.float32)
    return {
        'xyz': jax.random.normal(ks[0], (1, N, 3), dtype=jnp.float32),
        'sample_idx': jax.random.randint(ks[1], (G,), 0, N),
        'sampled_point_features': jax.random.normal(ks[2], (1, G, C), dtype=jnp.float32),
        'cf_w1': w(ks[3], 64, 3), 'cf_b1': jnp.zeros(64, jnp.float32),
        'cf_g1': jnp.ones(64, jnp.float32), 'cf_be1': jnp.zeros(64, jnp.float32),
        'cf_w2': w(ks[4], 128, 64), 'cf_b2': jnp.zeros(128, jnp.float32),
        'cf_g2': jnp.ones(128, jnp.float32), 'cf_be2': jnp.zeros(128, jnp.float32),
        'fu_w': w(ks[5], 128, 256), 'fu_b': jnp.zeros(128, jnp.float32),
        'fu_g': jnp.ones(128, jnp.float32), 'fu_be': jnp.zeros(128, jnp.float32),
        'm_w1': w(ks[6], 256, 131), 'm_b1': jnp.zeros(256, jnp.float32),
        'm_g1': jnp.ones(256, jnp.float32), 'm_be1': jnp.zeros(256, jnp.float32),
        'm_w2': w(ks[7], 128, 256), 'm_b2': jnp.zeros(128, jnp.float32),
        'm_g2': jnp.ones(128, jnp.float32), 'm_be2': jnp.zeros(128, jnp.float32),
        'm_w3': w(ks[8], 1, 128), 'm_b3': jnp.zeros(1, jnp.float32),
    }

def reference(xyz, sample_idx, sampled_point_features, cf_w1, cf_b1, cf_g1, cf_be1, cf_w2, cf_b2, cf_g2, cf_be2, fu_w, fu_b, fu_g, fu_be, m_w1, m_b1, m_g1, m_be1, m_w2, m_b2, m_g2, m_be2, m_w3, m_b3):
    return _forward(xyz, sample_idx, sampled_point_features, cf_w1, cf_b1, cf_g1, cf_be1, cf_w2, cf_b2, cf_g2, cf_be2, fu_w, fu_b, fu_g, fu_be, m_w1, m_b1, m_g1, m_be1, m_w2, m_b2, m_g2, m_be2, m_w3, m_b3)

if __name__ == "__main__":
    import jax
    _d = setup_inputs()
    print(jax.jit(kernel)(*tuple(_d.values())))

</pallas_src>

<mosaic_0001>
#map = affine_map<(d0, d1) -> (0, 0)>
module attributes {stable_mosaic.version = 14 : i64} {
  func.func @_sc_compact_body(%arg0: i32, %arg1: i32, %arg2: memref<256x16384xf32, #tpu.memory_space<hbm>>, %arg3: memref<256x16xf32, #tpu.memory_space<hbm>>, %arg4: memref<256x128xi32, #tpu.memory_space<hbm>>, %arg5: memref<256x16384xf32, #tpu.memory_space<hbm>>, %arg6: memref<16384xf32, #tpu.memory_space<vmem>>, %arg7: memref<16400xi32, #tpu.memory_space<vmem>>, %arg8: memref<8x16xf32, #tpu.memory_space<vmem>>, %arg9: memref<16384xf32, #tpu.memory_space<vmem>>) attributes {dimension_semantics = [#tpu.dimension_semantics<core_parallel>, #tpu.dimension_semantics<subcore_parallel>], iteration_bounds = array<i64: 2, 16>, scalar_prefetch = 0 : i64, scratch_operands = 4 : i64, tpu.core_type = #tpu.core_type<sc_vector_subcore>, window_params = [{transform_indices = #map}, {transform_indices = #map}, {transform_indices = #map}, {transform_indices = #map}]} {
    %mul3A = arith.constant 2 : i32
    %mul3A_0 = arith.muli %arg1, %mul3A : i32
    %add3A = arith.addi %mul3A_0, %arg0 : i32
    %mul3A_1 = arith.constant 8 : i32
    %mul3A_2 = arith.muli %add3A, %mul3A_1 : i32
    "tpu.region"() ({
      %run_scoped3A = tpu.sem_alloc : memref<!tpu.dma_semaphore, #tpu.memory_space<semaphore_mem>>
      %dma_start3A = arith.constant 0 : i32
      %dma_start3A_18 = tpu.memref_slice %arg3[%mul3A_2, %dma_start3A] : memref<256x16xf32, #tpu.memory_space<hbm>> -> memref<8x16xf32, #tpu.memory_space<hbm>>
      %dma_start3A_19 = arith.constant 0 : i32
      %dma_start3A_20 = tpu.memref_slice %arg3[%mul3A_2, %dma_start3A_19] : memref<256x16xf32, #tpu.memory_space<hbm>> -> memref<8x16xf32, #tpu.memory_space<hbm>>
      tpu.enqueue_dma source(%dma_start3A_20 : memref<8x16xf32, #tpu.memory_space<hbm>>) target(%arg8 : memref<8x16xf32, #tpu.memory_space<vmem>>) target_semaphore(%run_scoped3A : memref<!tpu.dma_semaphore, #tpu.memory_space<semaphore_mem>>)
      %dma_wait3A = arith.constant 0 : i32
      %dma_wait3A_21 = tpu.memref_slice %arg3[%mul3A_2, %dma_wait3A] : memref<256x16xf32, #tpu.memory_space<hbm>> -> memref<8x16xf32, #tpu.memory_space<hbm>>
      %dma_wait3A_22 = arith.constant 0 : i32
      %dma_wait3A_23 = tpu.memref_slice %arg3[%mul3A_2, %dma_wait3A_22] : memref<256x16xf32, #tpu.memory_space<hbm>> -> memref<8x16xf32, #tpu.memory_space<hbm>>
      tpu.wait_dma2 semaphore(%run_scoped3A : memref<!tpu.dma_semaphore, #tpu.memory_space<semaphore_mem>>) src(%dma_wait3A_23 : memref<8x16xf32, #tpu.memory_space<hbm>>) dst(%arg8 : memref<8x16xf32, #tpu.memory_space<vmem>>)
      tpu.yield
    }) : () -> ()
    %iota3A = tpu.iota {dimensions = array<i32: 0>} : vector<16xi32>
    %broadcast_in_dim3A = arith.constant 0.000000e+00 : f32
    %broadcast_in_dim3A_3 = vector.broadcast %broadcast_in_dim3A : f32 to vector<16xf32>
    %broadcast_in_dim3A_4 = arith.constant 1.000000e+00 : f32
    %broadcast_in_dim3A_5 = vector.broadcast %broadcast_in_dim3A_4 : f32 to vector<16xf32>
    %scan3A = arith.constant 0 : i32
    %scan3A_6 = arith.constant 0 : i32
    %scan3A_7 = arith.constant 128 : i32
    %scan3A_8 = arith.addi %scan3A_6, %scan3A_7 : i32
    %scan3A_9 = arith.constant 1 : i32
    scf.for %scan3A_18 = %scan3A_6 to %scan3A_8 step %scan3A_9  : i32 {
      %mul3A_19 = arith.constant 128 : i32
      %mul3A_20 = arith.muli %scan3A_18, %mul3A_19 : i32
      %add3A_21 = arith.constant 0 : i32
      %add3A_22 = arith.addi %mul3A_20, %add3A_21 : i32
      %swap3A = arith.index_cast %add3A_22 : i32 to index
      %swap3A_23 = tpu.vector_load %arg9[%swap3A] {strides = array<i32>} : memref<16384xf32, #tpu.memory_space<vmem>>, vector<16xf32>,
      tpu.vector_store %arg9[%swap3A], %broadcast_in_dim3A_3 {strides = array<i32>} : memref<16384xf32, #tpu.memory_space<vmem>>, vector<16xf32>,
      %mul3A_24 = arith.constant 128 : i32
      %mul3A_25 = arith.muli %scan3A_18, %mul3A_24 : i32
      %add3A_26 = arith.constant 16 : i32
      %add3A_27 = arith.addi %mul3A_25, %add3A_26 : i32
      %swap3A_28 = arith.index_cast %add3A_27 : i32 to index
      %swap3A_29 = tpu.vector_load %arg9[%swap3A_28] {strides = array<i32>} : memref<16384xf32, #tpu.memory_space<vmem>>, vector<16xf32>,
      tpu.vector_store %arg9[%swap3A_28], %broadcast_in_dim3A_3 {strides = array<i32>} : memref<16384xf32, #tpu.memory_space<vmem>>, vector<16xf32>,
      %mul3A_30 = arith.constant 128 : i32
      %mul3A_31 = arith.muli %scan3A_18, %mul3A_30 : i32
      %add3A_32 = arith.constant 32 : i32
      %add3A_33 = arith.addi %mul3A_31, %add3A_32 : i32
      %swap3A_34 = arith.index_cast %add3A_33 : i32 to index
      %swap3A_35 = tpu.vector_load %arg9[%swap3A_34] {strides = array<i32>} : memref<16384xf32, #tpu.memory_space<vmem>>, vector<16xf32>,
      tpu.vector_store %arg9[%swap3A_34], %broadcast_in_dim3A_3 {strides = array<i32>} : memref<16384xf32, #tpu.memory_space<vmem>>, vector<16xf32>,
      %mul3A_36 = arith.constant 128 : i32
      %mul3A_37 = arith.muli %scan3A_18, %mul3A_36 : i32
      %add3A_38 = arith.constant 48 : i32
      %add3A_39 = arith.addi %mul3A_37, %add3A_38 : i32
      %swap3A_40 = arith.index_cast %add3A_39 : i32 to index
      %swap3A_41 = tpu.vector_load %arg9[%swap3A_40] {strides = array<i32>} : memref<16384xf32, #tpu.memory_space<vmem>>, vector<16xf32>,
      tpu.vector_store %arg9[%swap3A_40], %broadcast_in_dim3A_3 {strides = array<i32>} : memref<16384xf32, #tpu.memory_space<vmem>>, vector<16xf32>,
      %mul3A_42 = arith.constant 128 : i32
      %mul3A_43 = arith.muli %scan3A_18, %mul3A_42 : i32
      %add3A_44 = arith.constant 64 : i32
      %add3A_45 = arith.addi %mul3A_43, %add3A_44 : i32
      %swap3A_46 = arith.index_cast %add3A_45 : i32 to index
      %swap3A_47 = tpu.vector_load %arg9[%swap3A_46] {strides = array<i32>} : memref<16384xf32, #tpu.memory_space<vmem>>, vector<16xf32>,
      tpu.vector_store %arg9[%swap3A_46], %broadcast_in_dim3A_3 {strides = array<i32>} : memref<16384xf32, #tpu.memory_space<vmem>>, vector<16xf32>,
      %mul3A_48 = arith.constant 128 : i32
      %mul3A_49 = arith.muli %scan3A_18, %mul3A_48 : i32
      %add3A_50 = arith.constant 80 : i32
      %add3A_51 = arith.addi %mul3A_49, %add3A_50 : i32
      %swap3A_52 = arith.index_cast %add3A_51 : i32 to index
      %swap3A_53 = tpu.vector_load %arg9[%swap3A_52] {strides = array<i32>} : memref<16384xf32, #tpu.memory_space<vmem>>, vector<16xf32>,
      tpu.vector_store %arg9[%swap3A_52], %broadcast_in_dim3A_3 {strides = array<i32>} : memref<16384xf32, #tpu.memory_space<vmem>>, vector<16xf32>,
      %mul3A_54 = arith.constant 128 : i32
      %mul3A_55 = arith.muli %scan3A_18, %mul3A_54 : i32
      %add3A_56 = arith.constant 96 : i32
      %add3A_57 = arith.addi %mul3A_55, %add3A_56 : i32
      %swap3A_58 = arith.index_cast %add3A_57 : i32 to index
      %swap3A_59 = tpu.vector_load %arg9[%swap3A_58] {strides = array<i32>} : memref<16384xf32, #tpu.memory_space<vmem>>, vector<16xf32>,
      tpu.vector_store %arg9[%swap3A_58], %broadcast_in_dim3A_3 {strides = array<i32>} : memref<16384xf32, #tpu.memory_space<vmem>>, vector<16xf32>,
      %mul3A_60 = arith.constant 128 : i32
      %mul3A_61 = arith.muli %scan3A_18, %mul3A_60 : i32
      %add3A_62 = arith.constant 112 : i32
      %add3A_63 = arith.addi %mul3A_61, %add3A_62 : i32
      %swap3A_64 = arith.index_cast %add3A_63 : i32 to index
      %swap3A_65 = tpu.vector_load %arg9[%swap3A_64] {strides = array<i32>} : memref<16384xf32, #tpu.memory_space<vmem>>, vector<16xf32>,
      tpu.vector_store %arg9[%swap3A_64], %broadcast_in_dim3A_3 {strides = array<i32>} : memref<16384xf32, #tpu.memory_space<vmem>>, vector<16xf32>,
    }
    %scan3A_10 = arith.constant 128 : i32
    %scan3A_11 = arith.constant 0 : i32
    %scan3A_12 = arith.constant 0 : i32
    %scan3A_13 = arith.constant 8 : i32
    %scan3A_14 = arith.addi %scan3A_12, %scan3A_13 : i32
    %scan3A_15 = arith.constant 1 : i32
    %scan3A_16 = scf.for %scan3A_18 = %scan3A_12 to %scan3A_14 step %scan3A_15 iter_args(%scan3A_19 = %scan3A_11) -> (i32)  : i32 {
      %add3A_20 = arith.addi %mul3A_2, %scan3A_18 : i32
      "tpu.region"() ({
        %run_scoped3A = tpu.sem_alloc : memref<!tpu.dma_semaphore, #tpu.memory_space<semaphore_mem>>
        %dma_start3A = arith.constant 0 : i32
        %dma_start3A_63 = tpu.memref_slice %arg2[%add3A_20, %dma_start3A] : memref<256x16384xf32, #tpu.memory_space<hbm>> -> memref<1x16384xf32, #tpu.memory_space<hbm>>
        %dma_start3A_64 = tpu.memref_squeeze %dma_start3A_63 : memref<1x16384xf32, #tpu.memory_space<hbm>> -> memref<16384xf32, #tpu.memory_space<hbm>>
        %dma_start3A_65 = arith.constant 0 : i32
        %dma_start3A_66 = tpu.memref_slice %arg2[%add3A_20, %dma_start3A_65] : memref<256x16384xf32, #tpu.memory_space<hbm>> -> memref<1x16384xf32, #tpu.memory_space<hbm>>
        %dma_start3A_67 = tpu.memref_squeeze %dma_start3A_66 : memref<1x16384xf32, #tpu.memory_space<hbm>> -> memref<16384xf32, #tpu.memory_space<hbm>>
        tpu.enqueue_dma source(%dma_start3A_67 : memref<16384xf32, #tpu.memory_space<hbm>>) target(%arg6 : memref<16384xf32, #tpu.memory_space<vmem>>) target_semaphore(%run_scoped3A : memref<!tpu.dma_semaphore, #tpu.memory_space<semaphore_mem>>)
        %dma_wait3A = arith.constant 0 : i32
        %dma_wait3A_68 = tpu.memref_slice %arg2[%add3A_20, %dma_wait3A] : memref<256x16384xf32, #tpu.memory_space<hbm>> -> memref<1x16384xf32, #tpu.memory_space<hbm>>
        %dma_wait3A_69 = tpu.memref_squeeze %dma_wait3A_68 : memref<1x16384xf32, #tpu.memory_space<hbm>> -> memref<16384xf32, #tpu.memory_space<hbm>>
        %dma_wait3A_70 = arith.constant 0 : i32
        %dma_wait3A_71 = tpu.memref_slice %arg2[%add3A_20, %dma_wait3A_70] : memref<256x16384xf32, #tpu.memory_space<hbm>> -> memref<1x16384xf32, #tpu.memory_space<hbm>>
        %dma_wait3A_72 = tpu.memref_squeeze %dma_wait3A_71 : memref<1x16384xf32, #tpu.memory_space<hbm>> -> memref<16384xf32, #tpu.memory_space<hbm>>
        tpu.wait_dma2 semaphore(%run_scoped3A : memref<!tpu.dma_semaphore, #tpu.memory_space<semaphore_mem>>) src(%dma_wait3A_72 : memref<16384xf32, #tpu.memory_space<hbm>>) dst(%arg6 : memref<16384xf32, #tpu.memory_space<vmem>>)
        tpu.yield
      }) : () -> ()
      %get3A = arith.index_cast %scan3A_18 : i32 to index
      %get3A_21 = arith.constant 0 : index
      %get3A_22 = tpu.vector_load %arg8[%get3A, %get3A_21] {strides = array<i32>} : memref<8x16xf32, #tpu.memory_space<vmem>>, vector<16xf32>,
      %scan3A_23 = arith.constant 0 : i32
      %scan3A_24 = arith.constant 0 : i32
      %scan3A_25 = arith.constant 128 : i32
      %scan3A_26 = arith.addi %scan3A_24, %scan3A_25 : i32
      %scan3A_27 = arith.constant 1 : i32
      %scan3A_28 = scf.for %scan3A_63 = %scan3A_24 to %scan3A_26 step %scan3A_27 iter_args(%scan3A_64 = %scan3A_23) -> (i32)  : i32 {
        %mul3A_65 = arith.constant 128 : i32
        %mul3A_66 = arith.muli %scan3A_63, %mul3A_65 : i32
        %add3A_67 = arith.constant 0 : i32
        %add3A_68 = arith.addi %mul3A_66, %add3A_67 : i32
        %get3A_69 = arith.index_cast %add3A_68 : i32 to index
        %get3A_70 = tpu.vector_load %arg6[%get3A_69] {strides = array<i32>} : memref<16384xf32, #tpu.memory_space<vmem>>, vector<16xf32>,
        %le3A = arith.cmpf ole, %get3A_70, %get3A_22 : vector<16xf32>
        %convert_element_type3A = arith.extui %le3A : vector<16xi1> to vector<16xi32>
        %broadcast_in_dim3A_71 = arith.constant true
        %broadcast_in_dim3A_72 = vector.broadcast %broadcast_in_dim3A_71 : i1 to vector<16xi1>
        %masked_cumsum3A = tpu.scan <sum>, %convert_element_type3A masked %broadcast_in_dim3A_72 : vector<16xi32>, vector<16xi1> -> vector<16xi32>
        %add3A_73 = vector.broadcast %scan3A_64 : i32 to vector<16xi32>
        %add3A_74 = arith.addi %add3A_73, %masked_cumsum3A : vector<16xi32>
        %sub3A = arith.constant 1 : i32
        %sub3A_75 = vector.broadcast %sub3A : i32 to vector<16xi32>
        %sub3A_76 = arith.subi %add3A_74, %sub3A_75 : vector<16xi32>
        %jit3A = arith.constant 16384 : i32
        %broadcast_in_dim3A_77 = vector.broadcast %jit3A : i32 to vector<16xi32>
        %select_n3A = arith.select %le3A, %sub3A_76, %broadcast_in_dim3A_77 : vector<16xi1>, vector<16xi32>
        %add3A_78 = vector.broadcast %add3A_68 : i32 to vector<16xi32>
        %add3A_79 = arith.addi %iota3A, %add3A_78 : vector<16xi32>
        tpu.vector_store_idx %arg7[%select_n3A], %add3A_79 : memref<16400xi32, #tpu.memory_space<vmem>>[vector<16xi32>], vector<16xi32>,
        %all_reduce_population_count3A = tpu.all_reduce %le3A {dim = 0 : i64, kind = #tpu.reduction_kind<sum>} : vector<16xi1> -> vector<16xi32>
        %slice3A = vector.extract_strided_slice %all_reduce_population_count3A {offsets = [0], sizes = [1], strides = [1]} : vector<16xi32> to vector<1xi32>
        %squeeze3A = vector.extract %slice3A[0] : i32 from vector<1xi32>
        %add3A_80 = arith.addi %scan3A_64, %squeeze3A : i32
        %mul3A_81 = arith.constant 128 : i32
        %mul3A_82 = arith.muli %scan3A_63, %mul3A_81 : i32
        %add3A_83 = arith.constant 16 : i32
        %add3A_84 = arith.addi %mul3A_82, %add3A_83 : i32
        %get3A_85 = arith.index_cast %add3A_84 : i32 to index
        %get3A_86 = tpu.vector_load %arg6[%get3A_85] {strides = array<i32>} : memref<16384xf32, #tpu.memory_space<vmem>>, vector<16xf32>,
        %le3A_87 = arith.cmpf ole, %get3A_86, %get3A_22 : vector<16xf32>
        %convert_element_type3A_88 = arith.extui %le3A_87 : vector<16xi1> to vector<16xi32>
        %broadcast_in_dim3A_89 = arith.constant true
        %broadcast_in_dim3A_90 = vector.broadcast %broadcast_in_dim3A_89 : i1 to vector<16xi1>
        %masked_cumsum3A_91 = tpu.scan <sum>, %convert_element_type3A_88 masked %broadcast_in_dim3A_90 : vector<16xi32>, vector<16xi1> -> vector<16xi32>
        %add3A_92 = vector.broadcast %add3A_80 : i32 to vector<16xi32>
        %add3A_93 = arith.addi %add3A_92, %masked_cumsum3A_91 : vector<16xi32>
        %sub3A_94 = arith.constant 1 : i32
        %sub3A_95 = vector.broadcast %sub3A_94 : i32 to vector<16xi32>
        %sub3A_96 = arith.subi %add3A_93, %sub3A_95 : vector<16xi32>
        %jit3A_97 = arith.constant 16384 : i32
        %broadcast_in_dim3A_98 = vector.broadcast %jit3A_97 : i32 to vector<16xi32>
        %select_n3A_99 = arith.select %le3A_87, %sub3A_96, %broadcast_in_dim3A_98 : vector<16xi1>, vector<16xi32>
        %add3A_100 = vector.broadcast %add3A_84 : i32 to vector<16xi32>
        %add3A_101 = arith.addi %iota3A, %add3A_100 : vector<16xi32>
        tpu.vector_store_idx %arg7[%select_n3A_99], %add3A_101 : memref<16400xi32, #tpu.memory_space<vmem>>[vector<16xi32>], vector<16xi32>,
        %all_reduce_population_count3A_102 = tpu.all_reduce %le3A_87 {dim = 0 : i64, kind = #tpu.reduction_kind<sum>} : vector<16xi1> -> vector<16xi32>
        %slice3A_103 = vector.extract_strided_slice %all_reduce_population_count3A_102 {offsets = [0], sizes = [1], strides = [1]} : vector<16xi32> to vector<1xi32>
        %squeeze3A_104 = vector.extract %slice3A_103[0] : i32 from vector<1xi32>
        %add3A_105 = arith.addi %add3A_80, %squeeze3A_104 : i32
        %mul3A_106 = arith.constant 128 : i32
        %mul3A_107 = arith.muli %scan3A_63, %mul3A_106 : i32
        %add3A_108 = arith.constant 32 : i32
        %add3A_109 = arith.addi %mul3A_107, %add3A_108 : i32
        %get3A_110 = arith.index_cast %add3A_109 : i32 to index
        %get3A_111 = tpu.vector_load %arg6[%get3A_110] {strides = array<i32>} : memref<16384xf32, #tpu.memory_space<vmem>>, vector<16xf32>,
        %le3A_112 = arith.cmpf ole, %get3A_111, %get3A_22 : vector<16xf32>
        %convert_element_type3A_113 = arith.extui %le3A_112 : vector<16xi1> to vector<16xi32>
        %broadcast_in_dim3A_114 = arith.constant true
        %broadcast_in_dim3A_115 = vector.broadcast %broadcast_in_dim3A_114 : i1 to vector<16xi1>
        %masked_cumsum3A_116 = tpu.scan <sum>, %convert_element_type3A_113 masked %broadcast_in_dim3A_115 : vector<16xi32>, vector<16xi1> -> vector<16xi32>
        %add3A_117 = vector.broadcast %add3A_105 : i32 to vector<16xi32>
        %add3A_118 = arith.addi %add3A_117, %masked_cumsum3A_116 : vector<16xi32>
        %sub3A_119 = arith.constant 1 : i32
        %sub3A_120 = vector.broadcast %sub3A_119 : i32 to vector<16xi32>
        %sub3A_121 = arith.subi %add3A_118, %sub3A_120 : vector<16xi32>
        %jit3A_122 = arith.constant 16384 : i32
        %broadcast_in_dim3A_123 = vector.broadcast %jit3A_122 : i32 to vector<16xi32>
        %select_n3A_124 = arith.select %le3A_112, %sub3A_121, %broadcast_in_dim3A_123 : vector<16xi1>, vector<16xi32>
        %add3A_125 = vector.broadcast %add3A_109 : i32 to vector<16xi32>
        %add3A_126 = arith.addi %iota3A, %add3A_125 : vector<16xi32>
        tpu.vector_store_idx %arg7[%select_n3A_124], %add3A_126 : memref<16400xi32, #tpu.memory_space<vmem>>[vector<16xi32>], vector<16xi32>,
        %all_reduce_population_count3A_127 = tpu.all_reduce %le3A_112 {dim = 0 : i64, kind = #tpu.reduction_kind<sum>} : vector<16xi1> -> vector<16xi32>
        %slice3A_128 = vector.extract_strided_slice %all_reduce_population_count3A_127 {offsets = [0], sizes = [1], strides = [1]} : vector<16xi32> to vector<1xi32>
        %squeeze3A_129 = vector.extract %slice3A_128[0] : i32 from vector<1xi32>
        %add3A_130 = arith.addi %add3A_105, %squeeze3A_129 : i32
        %mul3A_131 = arith.constant 128 : i32
        %mul3A_132 = arith.muli %scan3A_63, %mul3A_131 : i32
        %add3A_133 = arith.constant 48 : i32
        %add3A_134 = arith.addi %mul3A_132, %add3A_133 : i32
        %get3A_135 = arith.index_cast %add3A_134 : i32 to index
        %get3A_136 = tpu.vector_load %arg6[%get3A_135] {strides = array<i32>} : memref<16384xf32, #tpu.memory_space<vmem>>, vector<16xf32>,
        %le3A_137 = arith.cmpf ole, %get3A_136, %get3A_22 : vector<16xf32>
        %convert_element_type3A_138 = arith.extui %le3A_137 : vector<16xi1> to vector<16xi32>
        %broadcast_in_dim3A_139 = arith.constant true
        %broadcast_in_dim3A_140 = vector.broadcast %broadcast_in_dim3A_139 : i1 to vector<16xi1>
        %masked_cumsum3A_141 = tpu.scan <sum>, %convert_element_type3A_138 masked %broadcast_in_dim3A_140 : vector<16xi32>, vector<16xi1> -> vector<16xi32>
        %add3A_142 = vector.broadcast %add3A_130 : i32 to vector<16xi32>
        %add3A_143 = arith.addi %add3A_142, %masked_cumsum3A_141 : vector<16xi32>
        %sub3A_144 = arith.constant 1 : i32
        %sub3A_145 = vector.broadcast %sub3A_144 : i32 to vector<16xi32>
        %sub3A_146 = arith.subi %add3A_143, %sub3A_145 : vector<16xi32>
        %jit3A_147 = arith.constant 16384 : i32
        %broadcast_in_dim3A_148 = vector.broadcast %jit3A_147 : i32 to vector<16xi32>
        %select_n3A_149 = arith.select %le3A_137, %sub3A_146, %broadcast_in_dim3A_148 : vector<16xi1>, vector<16xi32>
        %add3A_150 = vector.broadcast %add3A_134 : i32 to vector<16xi32>
        %add3A_151 = arith.addi %iota3A, %add3A_150 : vector<16xi32>
        tpu.vector_store_idx %arg7[%select_n3A_149], %add3A_151 : memref<16400xi32, #tpu.memory_space<vmem>>[vector<16xi32>], vector<16xi32>,
        %all_reduce_population_count3A_152 = tpu.all_reduce %le3A_137 {dim = 0 : i64, kind = #tpu.reduction_kind<sum>} : vector<16xi1> -> vector<16xi32>
        %slice3A_153 = vector.extract_strided_slice %all_reduce_population_count3A_152 {offsets = [0], sizes = [1], strides = [1]} : vector<16xi32> to vector<1xi32>
        %squeeze3A_154 = vector.extract %slice3A_153[0] : i32 from vector<1xi32>
        %add3A_155 = arith.addi %add3A_130, %squeeze3A_154 : i32
        %mul3A_156 = arith.constant 128 : i32
        %mul3A_157 = arith.muli %scan3A_63, %mul3A_156 : i32
        %add3A_158 = arith.constant 64 : i32
        %add3A_159 = arith.addi %mul3A_157, %add3A_158 : i32
        %get3A_160 = arith.index_cast %add3A_159 : i32 to index
        %get3A_161 = tpu.vector_load %arg6[%get3A_160] {strides = array<i32>} : memref<16384xf32, #tpu.memory_space<vmem>>, vector<16xf32>,
        %le3A_162 = arith.cmpf ole, %get3A_161, %get3A_22 : vector<16xf32>
        %convert_element_type3A_163 = arith.extui %le3A_162 : vector<16xi1> to vector<16xi32>
        %broadcast_in_dim3A_164 = arith.constant true
        %broadcast_in_dim3A_165 = vector.broadcast %broadcast_in_dim3A_164 : i1 to vector<16xi1>
        %masked_cumsum3A_166 = tpu.scan <sum>, %convert_element_type3A_163 masked %broadcast_in_dim3A_165 : vector<16xi32>, vector<16xi1> -> vector<16xi32>
        %add3A_167 = vector.broadcast %add3A_155 : i32 to vector<16xi32>
        %add3A_168 = arith.addi %add3A_167, %masked_cumsum3A_166 : vector<16xi32>
        %sub3A_169 = arith.constant 1 : i32
        %sub3A_170 = vector.broadcast %sub3A_169 : i32 to vector<16xi32>
        %sub3A_171 = arith.subi %add3A_168, %sub3A_170 : vector<16xi32>
        %jit3A_172 = arith.constant 16384 : i32
        %broadcast_in_dim3A_173 = vector.broadcast %jit3A_172 : i32 to vector<16xi32>
        %select_n3A_174 = arith.select %le3A_162, %sub3A_171, %broadcast_in_dim3A_173 : vector<16xi1>, vector<16xi32>
        %add3A_175 = vector.broadcast %add3A_159 : i32 to vector<16xi32>
        %add3A_176 = arith.addi %iota3A, %add3A_175 : vector<16xi32>
        tpu.vector_store_idx %arg7[%select_n3A_174], %add3A_176 : memref<16400xi32, #tpu.memory_space<vmem>>[vector<16xi32>], vector<16xi32>,
        %all_reduce_population_count3A_177 = tpu.all_reduce %le3A_162 {dim = 0 : i64, kind = #tpu.reduction_kind<sum>} : vector<16xi1> -> vector<16xi32>
        %slice3A_178 = vector.extract_strided_slice %all_reduce_population_count3A_177 {offsets = [0], sizes = [1], strides = [1]} : vector<16xi32> to vector<1xi32>
        %squeeze3A_179 = vector.extract %slice3A_178[0] : i32 from vector<1xi32>
        %add3A_180 = arith.addi %add3A_155, %squeeze3A_179 : i32
        %mul3A_181 = arith.constant 128 : i32
        %mul3A_182 = arith.muli %scan3A_63, %mul3A_181 : i32
        %add3A_183 = arith.constant 80 : i32
        %add3A_184 = arith.addi %mul3A_182, %add3A_183 : i32
        %get3A_185 = arith.index_cast %add3A_184 : i32 to index
        %get3A_186 = tpu.vector_load %arg6[%get3A_185] {strides = array<i32>} : memref<16384xf32, #tpu.memory_space<vmem>>, vector<16xf32>,
        %le3A_187 = arith.cmpf ole, %get3A_186, %get3A_22 : vector<16xf32>
        %convert_element_type3A_188 = arith.extui %le3A_187 : vector<16xi1> to vector<16xi32>
        %broadcast_in_dim3A_189 = arith.constant true
        %broadcast_in_dim3A_190 = vector.broadcast %broadcast_in_dim3A_189 : i1 to vector<16xi1>
        %masked_cumsum3A_191 = tpu.scan <sum>, %convert_element_type3A_188 masked %broadcast_in_dim3A_190 : vector<16xi32>, vector<16xi1> -> vector<16xi32>
        %add3A_192 = vector.broadcast %add3A_180 : i32 to vector<16xi32>
        %add3A_193 = arith.addi %add3A_192, %masked_cumsum3A_191 : vector<16xi32>
        %sub3A_194 = arith.constant 1 : i32
        %sub3A_195 = vector.broadcast %sub3A_194 : i32 to vector<16xi32>
        %sub3A_196 = arith.subi %add3A_193, %sub3A_195 : vector<16xi32>
        %jit3A_197 = arith.constant 16384 : i32
        %broadcast_in_dim3A_198 = vector.broadcast %jit3A_197 : i32 to vector<16xi32>
        %select_n3A_199 = arith.select %le3A_187, %sub3A_196, %broadcast_in_dim3A_198 : vector<16xi1>, vector<16xi32>
        %add3A_200 = vector.broadcast %add3A_184 : i32 to vector<16xi32>
        %add3A_201 = arith.addi %iota3A, %add3A_200 : vector<16xi32>
        tpu.vector_store_idx %arg7[%select_n3A_199], %add3A_201 : memref<16400xi32, #tpu.memory_space<vmem>>[vector<16xi32>], vector<16xi32>,
        %all_reduce_population_count3A_202 = tpu.all_reduce %le3A_187 {dim = 0 : i64, kind = #tpu.reduction_kind<sum>} : vector<16xi1> -> vector<16xi32>
        %slice3A_203 = vector.extract_strided_slice %all_reduce_population_count3A_202 {offsets = [0], sizes = [1], strides = [1]} : vector<16xi32> to vector<1xi32>
        %squeeze3A_204 = vector.extract %slice3A_203[0] : i32 from vector<1xi32>
        %add3A_205 = arith.addi %add3A_180, %squeeze3A_204 : i32
        %mul3A_206 = arith.constant 128 : i32
        %mul3A_207 = arith.muli %scan3A_63, %mul3A_206 : i32
        %add3A_208 = arith.constant 96 : i32
        %add3A_209 = arith.addi %mul3A_207, %add3A_208 : i32
        %get3A_210 = arith.index_cast %add3A_209 : i32 to index
        %get3A_211 = tpu.vector_load %arg6[%get3A_210] {strides = array<i32>} : memref<16384xf32, #tpu.memory_space<vmem>>, vector<16xf32>,
        %le3A_212 = arith.cmpf ole, %get3A_211, %get3A_22 : vector<16xf32>
        %convert_element_type3A_213 = arith.extui %le3A_212 : vector<16xi1> to vector<16xi32>
        %broadcast_in_dim3A_214 = arith.constant true
        %broadcast_in_dim3A_215 = vector.broadcast %broadcast_in_dim3A_214 : i1 to vector<16xi1>
        %masked_cumsum3A_216 = tpu.scan <sum>, %convert_element_type3A_213 masked %broadcast_in_dim3A_215 : vector<16xi32>, vector<16xi1> -> vector<16xi32>
        %add3A_217 = vector.broadcast %add3A_205 : i32 to vector<16xi32>
        %add3A_218 = arith.addi %add3A_217, %masked_cumsum3A_216 : vector<16xi32>
        %sub3A_219 = arith.constant 1 : i32
        %sub3A_220 = vector.broadcast %sub3A_219 : i32 to vector<16xi32>
        %sub3A_221 = arith.subi %add3A_218, %sub3A_220 : vector<16xi32>
        %jit3A_222 = arith.constant 16384 : i32
        %broadcast_in_dim3A_223 = vector.broadcast %jit3A_222 : i32 to vector<16xi32>
        %select_n3A_224 = arith.select %le3A_212, %sub3A_221, %broadcast_in_dim3A_223 : vector<16xi1>, vector<16xi32>
        %add3A_225 = vector.broadcast %add3A_209 : i32 to vector<16xi32>
        %add3A_226 = arith.addi %iota3A, %add3A_225 : vector<16xi32>
        tpu.vector_store_idx %arg7[%select_n3A_224], %add3A_226 : memref<16400xi32, #tpu.memory_space<vmem>>[vector<16xi32>], vector<16xi32>,
        %all_reduce_population_count3A_227 = tpu.all_reduce %le3A_212 {dim = 0 : i64, kind = #tpu.reduction_kind<sum>} : vector<16xi1> -> vector<16xi32>
        %slice3A_228 = vector.extract_strided_slice %all_reduce_population_count3A_227 {offsets = [0], sizes = [1], strides = [1]} : vector<16xi32> to vector<1xi32>
        %squeeze3A_229 = vector.extract %slice3A_228[0] : i32 from vector<1xi32>
        %add3A_230 = arith.addi %add3A_205, %squeeze3A_229 : i32
        %mul3A_231 = arith.constant 128 : i32
        %mul3A_232 = arith.muli %scan3A_63, %mul3A_231 : i32
        %add3A_233 = arith.constant 112 : i32
        %add3A_234 = arith.addi %mul3A_232, %add3A_233 : i32
        %get3A_235 = arith.index_cast %add3A_234 : i32 to index
        %get3A_236 = tpu.vector_load %arg6[%get3A_235] {strides = array<i32>} : memref<16384xf32, #tpu.memory_space<vmem>>, vector<16xf32>,
        %le3A_237 = arith.cmpf ole, %get3A_236, %get3A_22 : vector<16xf32>
        %convert_element_type3A_238 = arith.extui %le3A_237 : vector<16xi1> to vector<16xi32>
        %broadcast_in_dim3A_239 = arith.constant true
        %broadcast_in_dim3A_240 = vector.broadcast %broadcast_in_dim3A_239 : i1 to vector<16xi1>
        %masked_cumsum3A_241 = tpu.scan <sum>, %convert_element_type3A_238 masked %broadcast_in_dim3A_240 : vector<16xi32>, vector<16xi1> -> vector<16xi32>
        %add3A_242 = vector.broadcast %add3A_230 : i32 to vector<16xi32>
        %add3A_243 = arith.addi %add3A_242, %masked_cumsum3A_241 : vector<16xi32>
        %sub3A_244 = arith.constant 1 : i32
        %sub3A_245 = vector.broadcast %sub3A_244 : i32 to vector<16xi32>
        %sub3A_246 = arith.subi %add3A_243, %sub3A_245 : vector<16xi32>
        %jit3A_247 = arith.constant 16384 : i32
        %broadcast_in_dim3A_248 = vector.broadcast %jit3A_247 : i32 to vector<16xi32>
        %select_n3A_249 = arith.select %le3A_237, %sub3A_246, %broadcast_in_dim3A_248 : vector<16xi1>, vector<16xi32>
        %add3A_250 = vector.broadcast %add3A_234 : i32 to vector<16xi32>
        %add3A_251 = arith.addi %iota3A, %add3A_250 : vector<16xi32>
        tpu.vector_store_idx %arg7[%select_n3A_249], %add3A_251 : memref<16400xi32, #tpu.memory_space<vmem>>[vector<16xi32>], vector<16xi32>,
        %all_reduce_population_count3A_252 = tpu.all_reduce %le3A_237 {dim = 0 : i64, kind = #tpu.reduction_kind<sum>} : vector<16xi1> -> vector<16xi32>
        %slice3A_253 = vector.extract_strided_slice %all_reduce_population_count3A_252 {offsets = [0], sizes = [1], strides = [1]} : vector<16xi32> to vector<1xi32>
        %squeeze3A_254 = vector.extract %slice3A_253[0] : i32 from vector<1xi32>
        %add3A_255 = arith.addi %add3A_230, %squeeze3A_254 : i32
        scf.yield %add3A_255 : i32
      }
      %scan3A_29 = arith.constant 128 : i32
      "tpu.region"() ({
        %run_scoped3A = tpu.sem_alloc : memref<!tpu.dma_semaphore, #tpu.memory_space<semaphore_mem>>
        %dma_start3A = arith.constant 0 : i32
        %dma_start3A_63 = tpu.memref_slice %arg7[%dma_start3A] : memref<16400xi32, #tpu.memory_space<vmem>> -> memref<128xi32, #tpu.memory_space<vmem>>
        %dma_start3A_64 = arith.constant 0 : i32
        %dma_start3A_65 = tpu.memref_slice %arg4[%add3A_20, %dma_start3A_64] : memref<256x128xi32, #tpu.memory_space<hbm>> -> memref<1x128xi32, #tpu.memory_space<hbm>>
        %dma_start3A_66 = tpu.memref_squeeze %dma_start3A_65 : memref<1x128xi32, #tpu.memory_space<hbm>> -> memref<128xi32, #tpu.memory_space<hbm>>
        %dma_start3A_67 = arith.constant 0 : i32
        %dma_start3A_68 = tpu.memref_slice %arg4[%add3A_20, %dma_start3A_67] : memref<256x128xi32, #tpu.memory_space<hbm>> -> memref<1x128xi32, #tpu.memory_space<hbm>>
        %dma_start3A_69 = tpu.memref_squeeze %dma_start3A_68 : memref<1x128xi32, #tpu.memory_space<hbm>> -> memref<128xi32, #tpu.memory_space<hbm>>
        %dma_start3A_70 = arith.constant 0 : i32
        %dma_start3A_71 = tpu.memref_slice %arg7[%dma_start3A_70] : memref<16400xi32, #tpu.memory_space<vmem>> -> memref<128xi32, #tpu.memory_space<vmem>>
        tpu.enqueue_dma source(%dma_start3A_71 : memref<128xi32, #tpu.memory_space<vmem>>) target(%dma_start3A_69 : memref<128xi32, #tpu.memory_space<hbm>>) target_semaphore(%run_scoped3A : memref<!tpu.dma_semaphore, #tpu.memory_space<semaphore_mem>>)
        %dma_wait3A = arith.constant 0 : i32
        %dma_wait3A_72 = tpu.memref_slice %arg7[%dma_wait3A] : memref<16400xi32, #tpu.memory_space<vmem>> -> memref<128xi32, #tpu.memory_space<vmem>>
        %dma_wait3A_73 = arith.constant 0 : i32
        %dma_wait3A_74 = tpu.memref_slice %arg4[%add3A_20, %dma_wait3A_73] : memref<256x128xi32, #tpu.memory_space<hbm>> -> memref<1x128xi32, #tpu.memory_space<hbm>>
        %dma_wait3A_75 = tpu.memref_squeeze %dma_wait3A_74 : memref<1x128xi32, #tpu.memory_space<hbm>> -> memref<128xi32, #tpu.memory_space<hbm>>
        %dma_wait3A_76 = arith.constant 0 : i32
        %dma_wait3A_77 = tpu.memref_slice %arg4[%add3A_20, %dma_wait3A_76] : memref<256x128xi32, #tpu.memory_space<hbm>> -> memref<1x128xi32, #tpu.memory_space<hbm>>
        %dma_wait3A_78 = tpu.memref_squeeze %dma_wait3A_77 : memref<1x128xi32, #tpu.memory_space<hbm>> -> memref<128xi32, #tpu.memory_space<hbm>>
        %dma_wait3A_79 = arith.constant 0 : i32
        %dma_wait3A_80 = tpu.memref_slice %arg7[%dma_wait3A_79] : memref<16400xi32, #tpu.memory_space<vmem>> -> memref<128xi32, #tpu.memory_space<vmem>>
        tpu.wait_dma2 semaphore(%run_scoped3A : memref<!tpu.dma_semaphore, #tpu.memory_space<semaphore_mem>>) src(%dma_wait3A_80 : memref<128xi32, #tpu.memory_space<vmem>>) dst(%dma_wait3A_78 : memref<128xi32, #tpu.memory_space<hbm>>)
        tpu.yield
      }) : () -> ()
      %get3A_30 = arith.constant 0 : index
      %get3A_31 = tpu.vector_load %arg7[%get3A_30] {strides = array<i32>} : memref<16400xi32, #tpu.memory_space<vmem>>, vector<16xi32>,
      tpu.vector_store_idx %arg9[%get3A_31], %broadcast_in_dim3A_5 : memref<16384xf32, #tpu.memory_space<vmem>>[vector<16xi32>], vector<16xf32>,
      %get3A_32 = arith.constant 16 : index
      %get3A_33 = tpu.vector_load %arg7[%get3A_32] {strides = array<i32>} : memref<16400xi32, #tpu.memory_space<vmem>>, vector<16xi32>,
      tpu.vector_store_idx %arg9[%get3A_33], %broadcast_in_dim3A_5 : memref<16384xf32, #tpu.memory_space<vmem>>[vector<16xi32>], vector<16xf32>,
      %get3A_34 = arith.constant 32 : index
      %get3A_35 = tpu.vector_load %arg7[%get3A_34] {strides = array<i32>} : memref<16400xi32, #tpu.memory_space<vmem>>, vector<16xi32>,
      tpu.vector_store_idx %arg9[%get3A_35], %broadcast_in_dim3A_5 : memref<16384xf32, #tpu.memory_space<vmem>>[vector<16xi32>], vector<16xf32>,
      %get3A_36 = arith.constant 48 : index
      %get3A_37 = tpu.vector_load %arg7[%get3A_36] {strides = array<i32>} : memref<16400xi32, #tpu.memory_space<vmem>>, vector<16xi32>,
      tpu.vector_store_idx %arg9[%get3A_37], %broadcast_in_dim3A_5 : memref<16384xf32, #tpu.memory_space<vmem>>[vector<16xi32>], vector<16xf32>,
      %get3A_38 = arith.constant 64 : index
      %get3A_39 = tpu.vector_load %arg7[%get3A_38] {strides = array<i32>} : memref<16400xi32, #tpu.memory_space<vmem>>, vector<16xi32>,
      tpu.vector_store_idx %arg9[%get3A_39], %broadcast_in_dim3A_5 : memref<16384xf32, #tpu.memory_space<vmem>>[vector<16xi32>], vector<16xf32>,
      %get3A_40 = arith.constant 80 : index
      %get3A_41 = tpu.vector_load %arg7[%get3A_40] {strides = array<i32>} : memref<16400xi32, #tpu.memory_space<vmem>>, vector<16xi32>,
      tpu.vector_store_idx %arg9[%get3A_41], %broadcast_in_dim3A_5 : memref<16384xf32, #tpu.memory_space<vmem>>[vector<16xi32>], vector<16xf32>,
      %get3A_42 = arith.constant 96 : index
      %get3A_43 = tpu.vector_load %arg7[%get3A_42] {strides = array<i32>} : memref<16400xi32, #tpu.memory_space<vmem>>, vector<16xi32>,
      tpu.vector_store_idx %arg9[%get3A_43], %broadcast_in_dim3A_5 : memref<16384xf32, #tpu.memory_space<vmem>>[vector<16xi32>], vector<16xf32>,
      %get3A_44 = arith.constant 112 : index
      %get3A_45 = tpu.vector_load %arg7[%get3A_44] {strides = array<i32>} : memref<16400xi32, #tpu.memory_space<vmem>>, vector<16xi32>,
      tpu.vector_store_idx %arg9[%get3A_45], %broadcast_in_dim3A_5 : memref<16384xf32, #tpu.memory_space<vmem>>[vector<16xi32>], vector<16xf32>,
      "tpu.region"() ({
        %run_scoped3A = tpu.sem_alloc : memref<!tpu.dma_semaphore, #tpu.memory_space<semaphore_mem>>
        %dma_start3A = arith.constant 0 : i32
        %dma_start3A_63 = tpu.memref_slice %arg5[%add3A_20, %dma_start3A] : memref<256x16384xf32, #tpu.memory_space<hbm>> -> memref<1x16384xf32, #tpu.memory_space<hbm>>
        %dma_start3A_64 = tpu.memref_squeeze %dma_start3A_63 : memref<1x16384xf32, #tpu.memory_space<hbm>> -> memref<16384xf32, #tpu.memory_space<hbm>>
        %dma_start3A_65 = arith.constant 0 : i32
        %dma_start3A_66 = tpu.memref_slice %arg5[%add3A_20, %dma_start3A_65] : memref<256x16384xf32, #tpu.memory_space<hbm>> -> memref<1x16384xf32, #tpu.memory_space<hbm>>
        %dma_start3A_67 = tpu.memref_squeeze %dma_start3A_66 : memref<1x16384xf32, #tpu.memory_space<hbm>> -> memref<16384xf32, #tpu.memory_space<hbm>>
        tpu.enqueue_dma source(%arg9 : memref<16384xf32, #tpu.memory_space<vmem>>) target(%dma_start3A_67 : memref<16384xf32, #tpu.memory_space<hbm>>) target_semaphore(%run_scoped3A : memref<!tpu.dma_semaphore, #tpu.memory_space<semaphore_mem>>)
        %dma_wait3A = arith.constant 0 : i32
        %dma_wait3A_68 = tpu.memref_slice %arg5[%add3A_20, %dma_wait3A] : memref<256x16384xf32, #tpu.memory_space<hbm>> -> memref<1x16384xf32, #tpu.memory_space<hbm>>
        %dma_wait3A_69 = tpu.memref_squeeze %dma_wait3A_68 : memref<1x16384xf32, #tpu.memory_space<hbm>> -> memref<16384xf32, #tpu.memory_space<hbm>>
        %dma_wait3A_70 = arith.constant 0 : i32
        %dma_wait3A_71 = tpu.memref_slice %arg5[%add3A_20, %dma_wait3A_70] : memref<256x16384xf32, #tpu.memory_space<hbm>> -> memref<1x16384xf32, #tpu.memory_space<hbm>>
        %dma_wait3A_72 = tpu.memref_squeeze %dma_wait3A_71 : memref<1x16384xf32, #tpu.memory_space<hbm>> -> memref<16384xf32, #tpu.memory_space<hbm>>
        tpu.wait_dma2 semaphore(%run_scoped3A : memref<!tpu.dma_semaphore, #tpu.memory_space<semaphore_mem>>) src(%arg9 : memref<16384xf32, #tpu.memory_space<vmem>>) dst(%dma_wait3A_72 : memref<16384xf32, #tpu.memory_space<hbm>>)
        tpu.yield
      }) : () -> ()
      %get3A_46 = arith.constant 0 : index
      %get3A_47 = tpu.vector_load %arg7[%get3A_46] {strides = array<i32>} : memref<16400xi32, #tpu.memory_space<vmem>>, vector<16xi32>,
      tpu.vector_store_idx %arg9[%get3A_47], %broadcast_in_dim3A_3 : memref<16384xf32, #tpu.memory_space<vmem>>[vector<16xi32>], vector<16xf32>,
      %get3A_48 = arith.constant 16 : index
      %get3A_49 = tpu.vector_load %arg7[%get3A_48] {strides = array<i32>} : memref<16400xi32, #tpu.memory_space<vmem>>, vector<16xi32>,
      tpu.vector_store_idx %arg9[%get3A_49], %broadcast_in_dim3A_3 : memref<16384xf32, #tpu.memory_space<vmem>>[vector<16xi32>], vector<16xf32>,
      %get3A_50 = arith.constant 32 : index
      %get3A_51 = tpu.vector_load %arg7[%get3A_50] {strides = array<i32>} : memref<16400xi32, #tpu.memory_space<vmem>>, vector<16xi32>,
      tpu.vector_store_idx %arg9[%get3A_51], %broadcast_in_dim3A_3 : memref<16384xf32, #tpu.memory_space<vmem>>[vector<16xi32>], vector<16xf32>,
      %get3A_52 = arith.constant 48 : index
      %get3A_53 = tpu.vector_load %arg7[%get3A_52] {strides = array<i32>} : memref<16400xi32, #tpu.memory_space<vmem>>, vector<16xi32>,
      tpu.vector_store_idx %arg9[%get3A_53], %broadcast_in_dim3A_3 : memref<16384xf32, #tpu.memory_space<vmem>>[vector<16xi32>], vector<16xf32>,
      %get3A_54 = arith.constant 64 : index
      %get3A_55 = tpu.vector_load %arg7[%get3A_54] {strides = array<i32>} : memref<16400xi32, #tpu.memory_space<vmem>>, vector<16xi32>,
      tpu.vector_store_idx %arg9[%get3A_55], %broadcast_in_dim3A_3 : memref<16384xf32, #tpu.memory_space<vmem>>[vector<16xi32>], vector<16xf32>,
      %get3A_56 = arith.constant 80 : index
      %get3A_57 = tpu.vector_load %arg7[%get3A_56] {strides = array<i32>} : memref<16400xi32, #tpu.memory_space<vmem>>, vector<16xi32>,
      tpu.vector_store_idx %arg9[%get3A_57], %broadcast_in_dim3A_3 : memref<16384xf32, #tpu.memory_space<vmem>>[vector<16xi32>], vector<16xf32>,
      %get3A_58 = arith.constant 96 : index
      %get3A_59 = tpu.vector_load %arg7[%get3A_58] {strides = array<i32>} : memref<16400xi32, #tpu.memory_space<vmem>>, vector<16xi32>,
      tpu.vector_store_idx %arg9[%get3A_59], %broadcast_in_dim3A_3 : memref<16384xf32, #tpu.memory_space<vmem>>[vector<16xi32>], vector<16xf32>,
      %get3A_60 = arith.constant 112 : index
      %get3A_61 = tpu.vector_load %arg7[%get3A_60] {strides = array<i32>} : memref<16400xi32, #tpu.memory_space<vmem>>, vector<16xi32>,
      tpu.vector_store_idx %arg9[%get3A_61], %broadcast_in_dim3A_3 : memref<16384xf32, #tpu.memory_space<vmem>>[vector<16xi32>], vector<16xf32>,
      %scan3A_62 = arith.constant 0 : i32
      scf.yield %scan3A_62 : i32
    }
    %scan3A_17 = arith.constant 8 : i32
    return
  }
}

#map = affine_map<(d0, d1) -> (0, 0)>
module attributes {stable_mosaic.version = 14 : i64} {
  func.func @_sc_compact_body(%arg0: i32, %arg1: i32, %arg2: memref<256x16384xf32, #tpu.memory_space<hbm>>, %arg3: memref<256x16xf32, #tpu.memory_space<hbm>>, %arg4: memref<256x128xi32, #tpu.memory_space<hbm>>, %arg5: memref<256x16384xf32, #tpu.memory_space<hbm>>, %arg6: memref<16384xf32, #tpu.memory_space<vmem>>, %arg7: memref<16400xi32, #tpu.memory_space<vmem>>, %arg8: memref<8x16xf32, #tpu.memory_space<vmem>>, %arg9: memref<16384xf32, #tpu.memory_space<vmem>>) attributes {dimension_semantics = [#tpu.dimension_semantics<core_parallel>, #tpu.dimension_semantics<subcore_parallel>], iteration_bounds = array<i64: 2, 16>, scalar_prefetch = 0 : i64, scratch_operands = 4 : i64, tpu.core_type = #tpu.core_type<sc_vector_subcore>, window_params = [{transform_indices = #map}, {transform_indices = #map}, {transform_indices = #map}, {transform_indices = #map}]} {
    %mul3A = arith.constant 2 : i32
    %mul3A_0 = arith.muli %arg1, %mul3A : i32
    %add3A = arith.addi %mul3A_0, %arg0 : i32
    %mul3A_1 = arith.constant 8 : i32
    %mul3A_2 = arith.muli %add3A, %mul3A_1 : i32
    "tpu.region"() ({
      %run_scoped3A = tpu.sem_alloc : memref<!tpu.dma_semaphore, #tpu.memory_space<semaphore_mem>>
      %dma_start3A = arith.constant 0 : i32
      %dma_start3A_18 = tpu.memref_slice %arg3[%mul3A_2, %dma_start3A] : memref<256x16xf32, #tpu.memory_space<hbm>> -> memref<8x16xf32, #tpu.memory_space<hbm>>
      %dma_start3A_19 = arith.constant 0 : i32
      %dma_start3A_20 = tpu.memref_slice %arg3[%mul3A_2, %dma_start3A_19] : memref<256x16xf32, #tpu.memory_space<hbm>> -> memref<8x16xf32, #tpu.memory_space<hbm>>
      tpu.enqueue_dma source(%dma_start3A_20 : memref<8x16xf32, #tpu.memory_space<hbm>>) target(%arg8 : memref<8x16xf32, #tpu.memory_space<vmem>>) target_semaphore(%run_scoped3A : memref<!tpu.dma_semaphore, #tpu.memory_space<semaphore_mem>>)
      %dma_wait3A = arith.constant 0 : i32
      %dma_wait3A_21 = tpu.memref_slice %arg3[%mul3A_2, %dma_wait3A] : memref<256x16xf32, #tpu.memory_space<hbm>> -> memref<8x16xf32, #tpu.memory_space<hbm>>
      %dma_wait3A_22 = arith.constant 0 : i32
      %dma_wait3A_23 = tpu.memref_slice %arg3[%mul3A_2, %dma_wait3A_22] : memref<256x16xf32, #tpu.memory_space<hbm>> -> memref<8x16xf32, #tpu.memory_space<hbm>>
      tpu.wait_dma2 semaphore(%run_scoped3A : memref<!tpu.dma_semaphore, #tpu.memory_space<semaphore_mem>>) src(%dma_wait3A_23 : memref<8x16xf32, #tpu.memory_space<hbm>>) dst(%arg8 : memref<8x16xf32, #tpu.memory_space<vmem>>)
      tpu.yield
    }) : () -> ()
    %iota3A = tpu.iota {dimensions = array<i32: 0>} : vector<16xi32>
    %broadcast_in_dim3A = arith.constant 0.000000e+00 : f32
    %broadcast_in_dim3A_3 = vector.broadcast %broadcast_in_dim3A : f32 to vector<16xf32>
    %broadcast_in_dim3A_4 = arith.constant 1.000000e+00 : f32
    %broadcast_in_dim3A_5 = vector.broadcast %broadcast_in_dim3A_4 : f32 to vector<16xf32>
    %scan3A = arith.constant 0 : i32
    %scan3A_6 = arith.constant 0 : i32
    %scan3A_7 = arith.constant 128 : i32
    %scan3A_8 = arith.addi %scan3A_6, %scan3A_7 : i32
    %scan3A_9 = arith.constant 1 : i32
    scf.for %scan3A_18 = %scan3A_6 to %scan3A_8 step %scan3A_9  : i32 {
      %mul3A_19 = arith.constant 128 : i32
      %mul3A_20 = arith.muli %scan3A_18, %mul3A_19 : i32
      %add3A_21 = arith.constant 0 : i32
      %add3A_22 = arith.addi %mul3A_20, %add3A_21 : i32
      %swap3A = arith.index_cast %add3A_22 : i32 to index
      %swap3A_23 = tpu.vector_load %arg9[%swap3A] {strides = array<i32>} : memref<16384xf32, #tpu.memory_space<vmem>>, vector<16xf32>,
      tpu.vector_store %arg9[%swap3A], %broadcast_in_dim3A_3 {strides = array<i32>} : memref<16384xf32, #tpu.memory_space<vmem>>, vector<16xf32>,
      %mul3A_24 = arith.constant 128 : i32
      %mul3A_25 = arith.muli %scan3A_18, %mul3A_24 : i32
      %add3A_26 = arith.constant 16 : i32
      %add3A_27 = arith.addi %mul3A_25, %add3A_26 : i32
      %swap3A_28 = arith.index_cast %add3A_27 : i32 to index
      %swap3A_29 = tpu.vector_load %arg9[%swap3A_28] {strides = array<i32>} : memref<16384xf32, #tpu.memory_space<vmem>>, vector<16xf32>,
      tpu.vector_store %arg9[%swap3A_28], %broadcast_in_dim3A_3 {strides = array<i32>} : memref<16384xf32, #tpu.memory_space<vmem>>, vector<16xf32>,
      %mul3A_30 = arith.constant 128 : i32
      %mul3A_31 = arith.muli %scan3A_18, %mul3A_30 : i32
      %add3A_32 = arith.constant 32 : i32
      %add3A_33 = arith.addi %mul3A_31, %add3A_32 : i32
      %swap3A_34 = arith.index_cast %add3A_33 : i32 to index
      %swap3A_35 = tpu.vector_load %arg9[%swap3A_34] {strides = array<i32>} : memref<16384xf32, #tpu.memory_space<vmem>>, vector<16xf32>,
      tpu.vector_store %arg9[%swap3A_34], %broadcast_in_dim3A_3 {strides = array<i32>} : memref<16384xf32, #tpu.memory_space<vmem>>, vector<16xf32>,
      %mul3A_36 = arith.constant 128 : i32
      %mul3A_37 = arith.muli %scan3A_18, %mul3A_36 : i32
      %add3A_38 = arith.constant 48 : i32
      %add3A_39 = arith.addi %mul3A_37, %add3A_38 : i32
      %swap3A_40 = arith.index_cast %add3A_39 : i32 to index
      %swap3A_41 = tpu.vector_load %arg9[%swap3A_40] {strides = array<i32>} : memref<16384xf32, #tpu.memory_space<vmem>>, vector<16xf32>,
      tpu.vector_store %arg9[%swap3A_40], %broadcast_in_dim3A_3 {strides = array<i32>} : memref<16384xf32, #tpu.memory_space<vmem>>, vector<16xf32>,
      %mul3A_42 = arith.constant 128 : i32
      %mul3A_43 = arith.muli %scan3A_18, %mul3A_42 : i32
      %add3A_44 = arith.constant 64 : i32
      %add3A_45 = arith.addi %mul3A_43, %add3A_44 : i32
      %swap3A_46 = arith.index_cast %add3A_45 : i32 to index
      %swap3A_47 = tpu.vector_load %arg9[%swap3A_46] {strides = array<i32>} : memref<16384xf32, #tpu.memory_space<vmem>>, vector<16xf32>,
      tpu.vector_store %arg9[%swap3A_46], %broadcast_in_dim3A_3 {strides = array<i32>} : memref<16384xf32, #tpu.memory_space<vmem>>, vector<16xf32>,
      %mul3A_48 = arith.constant 128 : i32
      %mul3A_49 = arith.muli %scan3A_18, %mul3A_48 : i32
      %add3A_50 = arith.constant 80 : i32
      %add3A_51 = arith.addi %mul3A_49, %add3A_50 : i32
      %swap3A_52 = arith.index_cast %add3A_51 : i32 to index
      %swap3A_53 = tpu.vector_load %arg9[%swap3A_52] {strides = array<i32>} : memref<16384xf32, #tpu.memory_space<vmem>>, vector<16xf32>,
      tpu.vector_store %arg9[%swap3A_52], %broadcast_in_dim3A_3 {strides = array<i32>} : memref<16384xf32, #tpu.memory_space<vmem>>, vector<16xf32>,
      %mul3A_54 = arith.constant 128 : i32
      %mul3A_55 = arith.muli %scan3A_18, %mul3A_54 : i32
      %add3A_56 = arith.constant 96 : i32
      %add3A_57 = arith.addi %mul3A_55, %add3A_56 : i32
      %swap3A_58 = arith.index_cast %add3A_57 : i32 to index
      %swap3A_59 = tpu.vector_load %arg9[%swap3A_58] {strides = array<i32>} : memref<16384xf32, #tpu.memory_space<vmem>>, vector<16xf32>,
      tpu.vector_store %arg9[%swap3A_58], %broadcast_in_dim3A_3 {strides = array<i32>} : memref<16384xf32, #tpu.memory_space<vmem>>, vector<16xf32>,
      %mul3A_60 = arith.constant 128 : i32
      %mul3A_61 = arith.muli %scan3A_18, %mul3A_60 : i32
      %add3A_62 = arith.constant 112 : i32
      %add3A_63 = arith.addi %mul3A_61, %add3A_62 : i32
      %swap3A_64 = arith.index_cast %add3A_63 : i32 to index
      %swap3A_65 = tpu.vector_load %arg9[%swap3A_64] {strides = array<i32>} : memref<16384xf32, #tpu.memory_space<vmem>>, vector<16xf32>,
      tpu.vector_store %arg9[%swap3A_64], %broadcast_in_dim3A_3 {strides = array<i32>} : memref<16384xf32, #tpu.memory_space<vmem>>, vector<16xf32>,
    }
    %scan3A_10 = arith.constant 128 : i32
    %scan3A_11 = arith.constant 0 : i32
    %scan3A_12 = arith.constant 0 : i32
    %scan3A_13 = arith.constant 8 : i32
    %scan3A_14 = arith.addi %scan3A_12, %scan3A_13 : i32
    %scan3A_15 = arith.constant 1 : i32
    %scan3A_16 = scf.for %scan3A_18 = %scan3A_12 to %scan3A_14 step %scan3A_15 iter_args(%scan3A_19 = %scan3A_11) -> (i32)  : i32 {
      %add3A_20 = arith.addi %mul3A_2, %scan3A_18 : i32
      "tpu.region"() ({
        %run_scoped3A = tpu.sem_alloc : memref<!tpu.dma_semaphore, #tpu.memory_space<semaphore_mem>>
        %dma_start3A = arith.constant 0 : i32
        %dma_start3A_63 = tpu.memref_slice %arg2[%add3A_20, %dma_start3A] : memref<256x16384xf32, #tpu.memory_space<hbm>> -> memref<1x16384xf32, #tpu.memory_space<hbm>>
        %dma_start3A_64 = tpu.memref_squeeze %dma_start3A_63 : memref<1x16384xf32, #tpu.memory_space<hbm>> -> memref<16384xf32, #tpu.memory_space<hbm>>
        %dma_start3A_65 = arith.constant 0 : i32
        %dma_start3A_66 = tpu.memref_slice %arg2[%add3A_20, %dma_start3A_65] : memref<256x16384xf32, #tpu.memory_space<hbm>> -> memref<1x16384xf32, #tpu.memory_space<hbm>>
        %dma_start3A_67 = tpu.memref_squeeze %dma_start3A_66 : memref<1x16384xf32, #tpu.memory_space<hbm>> -> memref<16384xf32, #tpu.memory_space<hbm>>
        tpu.enqueue_dma source(%dma_start3A_67 : memref<16384xf32, #tpu.memory_space<hbm>>) target(%arg6 : memref<16384xf32, #tpu.memory_space<vmem>>) target_semaphore(%run_scoped3A : memref<!tpu.dma_semaphore, #tpu.memory_space<semaphore_mem>>)
        %dma_wait3A = arith.constant 0 : i32
        %dma_wait3A_68 = tpu.memref_slice %arg2[%add3A_20, %dma_wait3A] : memref<256x16384xf32, #tpu.memory_space<hbm>> -> memref<1x16384xf32, #tpu.memory_space<hbm>>
        %dma_wait3A_69 = tpu.memref_squeeze %dma_wait3A_68 : memref<1x16384xf32, #tpu.memory_space<hbm>> -> memref<16384xf32, #tpu.memory_space<hbm>>
        %dma_wait3A_70 = arith.constant 0 : i32
        %dma_wait3A_71 = tpu.memref_slice %arg2[%add3A_20, %dma_wait3A_70] : memref<256x16384xf32, #tpu.memory_space<hbm>> -> memref<1x16384xf32, #tpu.memory_space<hbm>>
        %dma_wait3A_72 = tpu.memref_squeeze %dma_wait3A_71 : memref<1x16384xf32, #tpu.memory_space<hbm>> -> memref<16384xf32, #tpu.memory_space<hbm>>
        tpu.wait_dma2 semaphore(%run_scoped3A : memref<!tpu.dma_semaphore, #tpu.memory_space<semaphore_mem>>) src(%dma_wait3A_72 : memref<16384xf32, #tpu.memory_space<hbm>>) dst(%arg6 : memref<16384xf32, #tpu.memory_space<vmem>>)
        tpu.yield
      }) : () -> ()
      %get3A = arith.index_cast %scan3A_18 : i32 to index
      %get3A_21 = arith.constant 0 : index
      %get3A_22 = tpu.vector_load %arg8[%get3A, %get3A_21] {strides = array<i32>} : memref<8x16xf32, #tpu.memory_space<vmem>>, vector<16xf32>,
      %scan3A_23 = arith.constant 0 : i32
      %scan3A_24 = arith.constant 0 : i32
      %scan3A_25 = arith.constant 128 : i32
      %scan3A_26 = arith.addi %scan3A_24, %scan3A_25 : i32
      %scan3A_27 = arith.constant 1 : i32
      %scan3A_28 = scf.for %scan3A_63 = %scan3A_24 to %scan3A_26 step %scan3A_27 iter_args(%scan3A_64 = %scan3A_23) -> (i32)  : i32 {
        %mul3A_65 = arith.constant 128 : i32
        %mul3A_66 = arith.muli %scan3A_63, %mul3A_65 : i32
        %add3A_67 = arith.constant 0 : i32
        %add3A_68 = arith.addi %mul3A_66, %add3A_67 : i32
        %get3A_69 = arith.index_cast %add3A_68 : i32 to index
        %get3A_70 = tpu.vector_load %arg6[%get3A_69] {strides = array<i32>} : memref<16384xf32, #tpu.memory_space<vmem>>, vector<16xf32>,
        %le3A = arith.cmpf ole, %get3A_70, %get3A_22 : vector<16xf32>
        %convert_element_type3A = arith.extui %le3A : vector<16xi1> to vector<16xi32>
        %broadcast_in_dim3A_71 = arith.constant true
        %broadcast_in_dim3A_72 = vector.broadcast %broadcast_in_dim3A_71 : i1 to vector<16xi1>
        %masked_cumsum3A = tpu.scan <sum>, %convert_element_type3A masked %broadcast_in_dim3A_72 : vector<16xi32>, vector<16xi1> -> vector<16xi32>
        %add3A_73 = vector.broadcast %scan3A_64 : i32 to vector<16xi32>
        %add3A_74 = arith.addi %add3A_73, %masked_cumsum3A : vector<16xi32>
        %sub3A = arith.constant 1 : i32
        %sub3A_75 = vector.broadcast %sub3A : i32 to vector<16xi32>
        %sub3A_76 = arith.subi %add3A_74, %sub3A_75 : vector<16xi32>
        %jit3A = arith.constant 16384 : i32
        %broadcast_in_dim3A_77 = vector.broadcast %jit3A : i32 to vector<16xi32>
        %select_n3A = arith.select %le3A, %sub3A_76, %broadcast_in_dim3A_77 : vector<16xi1>, vector<16xi32>
        %add3A_78 = vector.broadcast %add3A_68 : i32 to vector<16xi32>
        %add3A_79 = arith.addi %iota3A, %add3A_78 : vector<16xi32>
        tpu.vector_store_idx %arg7[%select_n3A], %add3A_79 : memref<16400xi32, #tpu.memory_space<vmem>>[vector<16xi32>], vector<16xi32>,
        %all_reduce_population_count3A = tpu.all_reduce %le3A {dim = 0 : i64, kind = #tpu.reduction_kind<sum>} : vector<16xi1> -> vector<16xi32>
        %slice3A = vector.extract_strided_slice %all_reduce_population_count3A {offsets = [0], sizes = [1], strides = [1]} : vector<16xi32> to vector<1xi32>
        %squeeze3A = vector.extract %slice3A[0] : i32 from vector<1xi32>
        %add3A_80 = arith.addi %scan3A_64, %squeeze3A : i32
        %mul3A_81 = arith.constant 128 : i32
        %mul3A_82 = arith.muli %scan3A_63, %mul3A_81 : i32
        %add3A_83 = arith.constant 16 : i32
        %add3A_84 = arith.addi %mul3A_82, %add3A_83 : i32
        %get3A_85 = arith.index_cast %add3A_84 : i32 to index
        %get3A_86 = tpu.vector_load %arg6[%get3A_85] {strides = array<i32>} : memref<16384xf32, #tpu.memory_space<vmem>>, vector<16xf32>,
        %le3A_87 = arith.cmpf ole, %get3A_86, %get3A_22 : vector<16xf32>
        %convert_element_type3A_88 = arith.extui %le3A_87 : vector<16xi1> to vector<16xi32>
        %broadcast_in_dim3A_89 = arith.constant true
        %broadcast_in_dim3A_90 = vector.broadcast %broadcast_in_dim3A_89 : i1 to vector<16xi1>
        %masked_cumsum3A_91 = tpu.scan <sum>, %convert_element_type3A_88 masked %broadcast_in_dim3A_90 : vector<16xi32>, vector<16xi1> -> vector<16xi32>
        %add3A_92 = vector.broadcast %add3A_80 : i32 to vector<16xi32>
        %add3A_93 = arith.addi %add3A_92, %masked_cumsum3A_91 : vector<16xi32>
        %sub3A_94 = arith.constant 1 : i32
        %sub3A_95 = vector.broadcast %sub3A_94 : i32 to vector<16xi32>
        %sub3A_96 = arith.subi %add3A_93, %sub3A_95 : vector<16xi32>
        %jit3A_97 = arith.constant 16384 : i32
        %broadcast_in_dim3A_98 = vector.broadcast %jit3A_97 : i32 to vector<16xi32>
        %select_n3A_99 = arith.select %le3A_87, %sub3A_96, %broadcast_in_dim3A_98 : vector<16xi1>, vector<16xi32>
        %add3A_100 = vector.broadcast %add3A_84 : i32 to vector<16xi32>
        %add3A_101 = arith.addi %iota3A, %add3A_100 : vector<16xi32>
        tpu.vector_store_idx %arg7[%select_n3A_99], %add3A_101 : memref<16400xi32, #tpu.memory_space<vmem>>[vector<16xi32>], vector<16xi32>,
        %all_reduce_population_count3A_102 = tpu.all_reduce %le3A_87 {dim = 0 : i64, kind = #tpu.reduction_kind<sum>} : vector<16xi1> -> vector<16xi32>
        %slice3A_103 = vector.extract_strided_slice %all_reduce_population_count3A_102 {offsets = [0], sizes = [1], strides = [1]} : vector<16xi32> to vector<1xi32>
        %squeeze3A_104 = vector.extract %slice3A_103[0] : i32 from vector<1xi32>
        %add3A_105 = arith.addi %add3A_80, %squeeze3A_104 : i32
        %mul3A_106 = arith.constant 128 : i32
        %mul3A_107 = arith.muli %scan3A_63, %mul3A_106 : i32
        %add3A_108 = arith.constant 32 : i32
        %add3A_109 = arith.addi %mul3A_107, %add3A_108 : i32
        %get3A_110 = arith.index_cast %add3A_109 : i32 to index
        %get3A_111 = tpu.vector_load %arg6[%get3A_110] {strides = array<i32>} : memref<16384xf32, #tpu.memory_space<vmem>>, vector<16xf32>,
        %le3A_112 = arith.cmpf ole, %get3A_111, %get3A_22 : vector<16xf32>
        %convert_element_type3A_113 = arith.extui %le3A_112 : vector<16xi1> to vector<16xi32>
        %broadcast_in_dim3A_114 = arith.constant true
        %broadcast_in_dim3A_115 = vector.broadcast %broadcast_in_dim3A_114 : i1 to vector<16xi1>
        %masked_cumsum3A_116 = tpu.scan <sum>, %convert_element_type3A_113 masked %broadcast_in_dim3A_115 : vector<16xi32>, vector<16xi1> -> vector<16xi32>
        %add3A_117 = vector.broadcast %add3A_105 : i32 to vector<16xi32>
        %add3A_118 = arith.addi %add3A_117, %masked_cumsum3A_116 : vector<16xi32>
        %sub3A_119 = arith.constant 1 : i32
        %sub3A_120 = vector.broadcast %sub3A_119 : i32 to vector<16xi32>
        %sub3A_121 = arith.subi %add3A_118, %sub3A_120 : vector<16xi32>
        %jit3A_122 = arith.constant 16384 : i32
        %broadcast_in_dim3A_123 = vector.broadcast %jit3A_122 : i32 to vector<16xi32>
        %select_n3A_124 = arith.select %le3A_112, %sub3A_121, %broadcast_in_dim3A_123 : vector<16xi1>, vector<16xi32>
        %add3A_125 = vector.broadcast %add3A_109 : i32 to vector<16xi32>
        %add3A_126 = arith.addi %iota3A, %add3A_125 : vector<16xi32>
        tpu.vector_store_idx %arg7[%select_n3A_124], %add3A_126 : memref<16400xi32, #tpu.memory_space<vmem>>[vector<16xi32>], vector<16xi32>,
        %all_reduce_population_count3A_127 = tpu.all_reduce %le3A_112 {dim = 0 : i64, kind = #tpu.reduction_kind<sum>} : vector<16xi1> -> vector<16xi32>
        %slice3A_128 = vector.extract_strided_slice %all_reduce_population_count3A_127 {offsets = [0], sizes = [1], strides = [1]} : vector<16xi32> to vector<1xi32>
        %squeeze3A_129 = vector.extract %slice3A_128[0] : i32 from vector<1xi32>
        %add3A_130 = arith.addi %add3A_105, %squeeze3A_129 : i32
        %mul3A_131 = arith.constant 128 : i32
        %mul3A_132 = arith.muli %scan3A_63, %mul3A_131 : i32
        %add3A_133 = arith.constant 48 : i32
        %add3A_134 = arith.addi %mul3A_132, %add3A_133 : i32
        %get3A_135 = arith.index_cast %add3A_134 : i32 to index
        %get3A_136 = tpu.vector_load %arg6[%get3A_135] {strides = array<i32>} : memref<16384xf32, #tpu.memory_space<vmem>>, vector<16xf32>,
        %le3A_137 = arith.cmpf ole, %get3A_136, %get3A_22 : vector<16xf32>
        %convert_element_type3A_138 = arith.extui %le3A_137 : vector<16xi1> to vector<16xi32>
        %broadcast_in_dim3A_139 = arith.constant true
        %broadcast_in_dim3A_140 = vector.broadcast %broadcast_in_dim3A_139 : i1 to vector<16xi1>
        %masked_cumsum3A_141 = tpu.scan <sum>, %convert_element_type3A_138 masked %broadcast_in_dim3A_140 : vector<16xi32>, vector<16xi1> -> vector<16xi32>
        %add3A_142 = vector.broadcast %add3A_130 : i32 to vector<16xi32>
        %add3A_143 = arith.addi %add3A_142, %masked_cumsum3A_141 : vector<16xi32>
        %sub3A_144 = arith.constant 1 : i32
        %sub3A_145 = vector.broadcast %sub3A_144 : i32 to vector<16xi32>
        %sub3A_146 = arith.subi %add3A_143, %sub3A_145 : vector<16xi32>
        %jit3A_147 = arith.constant 16384 : i32
        %broadcast_in_dim3A_148 = vector.broadcast %jit3A_147 : i32 to vector<16xi32>
        %select_n3A_149 = arith.select %le3A_137, %sub3A_146, %broadcast_in_dim3A_148 : vector<16xi1>, vector<16xi32>
        %add3A_150 = vector.broadcast %add3A_134 : i32 to vector<16xi32>
        %add3A_151 = arith.addi %iota3A, %add3A_150 : vector<16xi32>
        tpu.vector_store_idx %arg7[%select_n3A_149], %add3A_151 : memref<16400xi32, #tpu.memory_space<vmem>>[vector<16xi32>], vector<16xi32>,
        %all_reduce_population_count3A_152 = tpu.all_reduce %le3A_137 {dim = 0 : i64, kind = #tpu.reduction_kind<sum>} : vector<16xi1> -> vector<16xi32>
        %slice3A_153 = vector.extract_strided_slice %all_reduce_population_count3A_152 {offsets = [0], sizes = [1], strides = [1]} : vector<16xi32> to vector<1xi32>
        %squeeze3A_154 = vector.extract %slice3A_153[0] : i32 from vector<1xi32>
        %add3A_155 = arith.addi %add3A_130, %squeeze3A_154 : i32
        %mul3A_156 = arith.constant 128 : i32
        %mul3A_157 = arith.muli %scan3A_63, %mul3A_156 : i32
        %add3A_158 = arith.constant 64 : i32
        %add3A_159 = arith.addi %mul3A_157, %add3A_158 : i32
        %get3A_160 = arith.index_cast %add3A_159 : i32 to index
        %get3A_161 = tpu.vector_load %arg6[%get3A_160] {strides = array<i32>} : memref<16384xf32, #tpu.memory_space<vmem>>, vector<16xf32>,
        %le3A_162 = arith.cmpf ole, %get3A_161, %get3A_22 : vector<16xf32>
        %convert_element_type3A_163 = arith.extui %le3A_162 : vector<16xi1> to vector<16xi32>
        %broadcast_in_dim3A_164 = arith.constant true
        %broadcast_in_dim3A_165 = vector.broadcast %broadcast_in_dim3A_164 : i1 to vector<16xi1>
        %masked_cumsum3A_166 = tpu.scan <sum>, %convert_element_type3A_163 masked %broadcast_in_dim3A_165 : vector<16xi32>, vector<16xi1> -> vector<16xi32>
        %add3A_167 = vector.broadcast %add3A_155 : i32 to vector<16xi32>
        %add3A_168 = arith.addi %add3A_167, %masked_cumsum3A_166 : vector<16xi32>
        %sub3A_169 = arith.constant 1 : i32
        %sub3A_170 = vector.broadcast %sub3A_169 : i32 to vector<16xi32>
        %sub3A_171 = arith.subi %add3A_168, %sub3A_170 : vector<16xi32>
        %jit3A_172 = arith.constant 16384 : i32
        %broadcast_in_dim3A_173 = vector.broadcast %jit3A_172 : i32 to vector<16xi32>
        %select_n3A_174 = arith.select %le3A_162, %sub3A_171, %broadcast_in_dim3A_173 : vector<16xi1>, vector<16xi32>
        %add3A_175 = vector.broadcast %add3A_159 : i32 to vector<16xi32>
        %add3A_176 = arith.addi %iota3A, %add3A_175 : vector<16xi32>
        tpu.vector_store_idx %arg7[%select_n3A_174], %add3A_176 : memref<16400xi32, #tpu.memory_space<vmem>>[vector<16xi32>], vector<16xi32>,
        %all_reduce_population_count3A_177 = tpu.all_reduce %le3A_162 {dim = 0 : i64, kind = #tpu.reduction_kind<sum>} : vector<16xi1> -> vector<16xi32>
        %slice3A_178 = vector.extract_strided_slice %all_reduce_population_count3A_177 {offsets = [0], sizes = [1], strides = [1]} : vector<16xi32> to vector<1xi32>
        %squeeze3A_179 = vector.extract %slice3A_178[0] : i32 from vector<1xi32>
        %add3A_180 = arith.addi %add3A_155, %squeeze3A_179 : i32
        %mul3A_181 = arith.constant 128 : i32
        %mul3A_182 = arith.muli %scan3A_63, %mul3A_181 : i32
        %add3A_183 = arith.constant 80 : i32
        %add3A_184 = arith.addi %mul3A_182, %add3A_183 : i32
        %get3A_185 = arith.index_cast %add3A_184 : i32 to index
        %get3A_186 = tpu.vector_load %arg6[%get3A_185] {strides = array<i32>} : memref<16384xf32, #tpu.memory_space<vmem>>, vector<16xf32>,
        %le3A_187 = arith.cmpf ole, %get3A_186, %get3A_22 : vector<16xf32>
        %convert_element_type3A_188 = arith.extui %le3A_187 : vector<16xi1> to vector<16xi32>
        %broadcast_in_dim3A_189 = arith.constant true
        %broadcast_in_dim3A_190 = vector.broadcast %broadcast_in_dim3A_189 : i1 to vector<16xi1>
        %masked_cumsum3A_191 = tpu.scan <sum>, %convert_element_type3A_188 masked %broadcast_in_dim3A_190 : vector<16xi32>, vector<16xi1> -> vector<16xi32>
        %add3A_192 = vector.broadcast %add3A_180 : i32 to vector<16xi32>
        %add3A_193 = arith.addi %add3A_192, %masked_cumsum3A_191 : vector<16xi32>
        %sub3A_194 = arith.constant 1 : i32
        %sub3A_195 = vector.broadcast %sub3A_194 : i32 to vector<16xi32>
        %sub3A_196 = arith.subi %add3A_193, %sub3A_195 : vector<16xi32>
        %jit3A_197 = arith.constant 16384 : i32
        %broadcast_in_dim3A_198 = vector.broadcast %jit3A_197 : i32 to vector<16xi32>
        %select_n3A_199 = arith.select %le3A_187, %sub3A_196, %broadcast_in_dim3A_198 : vector<16xi1>, vector<16xi32>
        %add3A_200 = vector.broadcast %add3A_184 : i32 to vector<16xi32>
        %add3A_201 = arith.addi %iota3A, %add3A_200 : vector<16xi32>
        tpu.vector_store_idx %arg7[%select_n3A_199], %add3A_201 : memref<16400xi32, #tpu.memory_space<vmem>>[vector<16xi32>], vector<16xi32>,
        %all_reduce_population_count3A_202 = tpu.all_reduce %le3A_187 {dim = 0 : i64, kind = #tpu.reduction_kind<sum>} : vector<16xi1> -> vector<16xi32>
        %slice3A_203 = vector.extract_strided_slice %all_reduce_population_count3A_202 {offsets = [0], sizes = [1], strides = [1]} : vector<16xi32> to vector<1xi32>
        %squeeze3A_204 = vector.extract %slice3A_203[0] : i32 from vector<1xi32>
        %add3A_205 = arith.addi %add3A_180, %squeeze3A_204 : i32
        %mul3A_206 = arith.constant 128 : i32
        %mul3A_207 = arith.muli %scan3A_63, %mul3A_206 : i32
        %add3A_208 = arith.constant 96 : i32
        %add3A_209 = arith.addi %mul3A_207, %add3A_208 : i32
        %get3A_210 = arith.index_cast %add3A_209 : i32 to index
        %get3A_211 = tpu.vector_load %arg6[%get3A_210] {strides = array<i32>} : memref<16384xf32, #tpu.memory_space<vmem>>, vector<16xf32>,
        %le3A_212 = arith.cmpf ole, %get3A_211, %get3A_22 : vector<16xf32>
        %convert_element_type3A_213 = arith.extui %le3A_212 : vector<16xi1> to vector<16xi32>
        %broadcast_in_dim3A_214 = arith.constant true
        %broadcast_in_dim3A_215 = vector.broadcast %broadcast_in_dim3A_214 : i1 to vector<16xi1>
        %masked_cumsum3A_216 = tpu.scan <sum>, %convert_element_type3A_213 masked %broadcast_in_dim3A_215 : vector<16xi32>, vector<16xi1> -> vector<16xi32>
        %add3A_217 = vector.broadcast %add3A_205 : i32 to vector<16xi32>
        %add3A_218 = arith.addi %add3A_217, %masked_cumsum3A_216 : vector<16xi32>
        %sub3A_219 = arith.constant 1 : i32
        %sub3A_220 = vector.broadcast %sub3A_219 : i32 to vector<16xi32>
        %sub3A_221 = arith.subi %add3A_218, %sub3A_220 : vector<16xi32>
        %jit3A_222 = arith.constant 16384 : i32
        %broadcast_in_dim3A_223 = vector.broadcast %jit3A_222 : i32 to vector<16xi32>
        %select_n3A_224 = arith.select %le3A_212, %sub3A_221, %broadcast_in_dim3A_223 : vector<16xi1>, vector<16xi32>
        %add3A_225 = vector.broadcast %add3A_209 : i32 to vector<16xi32>
        %add3A_226 = arith.addi %iota3A, %add3A_225 : vector<16xi32>
        tpu.vector_store_idx %arg7[%select_n3A_224], %add3A_226 : memref<16400xi32, #tpu.memory_space<vmem>>[vector<16xi32>], vector<16xi32>,
        %all_reduce_population_count3A_227 = tpu.all_reduce %le3A_212 {dim = 0 : i64, kind = #tpu.reduction_kind<sum>} : vector<16xi1> -> vector<16xi32>
        %slice3A_228 = vector.extract_strided_slice %all_reduce_population_count3A_227 {offsets = [0], sizes = [1], strides = [1]} : vector<16xi32> to vector<1xi32>
        %squeeze3A_229 = vector.extract %slice3A_228[0] : i32 from vector<1xi32>
        %add3A_230 = arith.addi %add3A_205, %squeeze3A_229 : i32
        %mul3A_231 = arith.constant 128 : i32
        %mul3A_232 = arith.muli %scan3A_63, %mul3A_231 : i32
        %add3A_233 = arith.constant 112 : i32
        %add3A_234 = arith.addi %mul3A_232, %add3A_233 : i32
        %get3A_235 = arith.index_cast %add3A_234 : i32 to index
        %get3A_236 = tpu.vector_load %arg6[%get3A_235] {strides = array<i32>} : memref<16384xf32, #tpu.memory_space<vmem>>, vector<16xf32>,
        %le3A_237 = arith.cmpf ole, %get3A_236, %get3A_22 : vector<16xf32>
        %convert_element_type3A_238 = arith.extui %le3A_237 : vector<16xi1> to vector<16xi32>
        %broadcast_in_dim3A_239 = arith.constant true
        %broadcast_in_dim3A_240 = vector.broadcast %broadcast_in_dim3A_239 : i1 to vector<16xi1>
        %masked_cumsum3A_241 = tpu.scan <sum>, %convert_element_type3A_238 masked %broadcast_in_dim3A_240 : vector<16xi32>, vector<16xi1> -> vector<16xi32>
        %add3A_242 = vector.broadcast %add3A_230 : i32 to vector<16xi32>
        %add3A_243 = arith.addi %add3A_242, %masked_cumsum3A_241 : vector<16xi32>
        %sub3A_244 = arith.constant 1 : i32
        %sub3A_245 = vector.broadcast %sub3A_244 : i32 to vector<16xi32>
        %sub3A_246 = arith.subi %add3A_243, %sub3A_245 : vector<16xi32>
        %jit3A_247 = arith.constant 16384 : i32
        %broadcast_in_dim3A_248 = vector.broadcast %jit3A_247 : i32 to vector<16xi32>
        %select_n3A_249 = arith.select %le3A_237, %sub3A_246, %broadcast_in_dim3A_248 : vector<16xi1>, vector<16xi32>
        %add3A_250 = vector.broadcast %add3A_234 : i32 to vector<16xi32>
        %add3A_251 = arith.addi %iota3A, %add3A_250 : vector<16xi32>
        tpu.vector_store_idx %arg7[%select_n3A_249], %add3A_251 : memref<16400xi32, #tpu.memory_space<vmem>>[vector<16xi32>], vector<16xi32>,
        %all_reduce_population_count3A_252 = tpu.all_reduce %le3A_237 {dim = 0 : i64, kind = #tpu.reduction_kind<sum>} : vector<16xi1> -> vector<16xi32>
        %slice3A_253 = vector.extract_strided_slice %all_reduce_population_count3A_252 {offsets = [0], sizes = [1], strides = [1]} : vector<16xi32> to vector<1xi32>
        %squeeze3A_254 = vector.extract %slice3A_253[0] : i32 from vector<1xi32>
        %add3A_255 = arith.addi %add3A_230, %squeeze3A_254 : i32
        scf.yield %add3A_255 : i32
      }
      %scan3A_29 = arith.constant 128 : i32
      "tpu.region"() ({
        %run_scoped3A = tpu.sem_alloc : memref<!tpu.dma_semaphore, #tpu.memory_space<semaphore_mem>>
        %dma_start3A = arith.constant 0 : i32
        %dma_start3A_63 = tpu.memref_slice %arg7[%dma_start3A] : memref<16400xi32, #tpu.memory_space<vmem>> -> memref<128xi32, #tpu.memory_space<vmem>>
        %dma_start3A_64 = arith.constant 0 : i32
        %dma_start3A_65 = tpu.memref_slice %arg4[%add3A_20, %dma_start3A_64] : memref<256x128xi32, #tpu.memory_space<hbm>> -> memref<1x128xi32, #tpu.memory_space<hbm>>
        %dma_start3A_66 = tpu.memref_squeeze %dma_start3A_65 : memref<1x128xi32, #tpu.memory_space<hbm>> -> memref<128xi32, #tpu.memory_space<hbm>>
        %dma_start3A_67 = arith.constant 0 : i32
        %dma_start3A_68 = tpu.memref_slice %arg4[%add3A_20, %dma_start3A_67] : memref<256x128xi32, #tpu.memory_space<hbm>> -> memref<1x128xi32, #tpu.memory_space<hbm>>
        %dma_start3A_69 = tpu.memref_squeeze %dma_start3A_68 : memref<1x128xi32, #tpu.memory_space<hbm>> -> memref<128xi32, #tpu.memory_space<hbm>>
        %dma_start3A_70 = arith.constant 0 : i32
        %dma_start3A_71 = tpu.memref_slice %arg7[%dma_start3A_70] : memref<16400xi32, #tpu.memory_space<vmem>> -> memref<128xi32, #tpu.memory_space<vmem>>
        tpu.enqueue_dma source(%dma_start3A_71 : memref<128xi32, #tpu.memory_space<vmem>>) target(%dma_start3A_69 : memref<128xi32, #tpu.memory_space<hbm>>) target_semaphore(%run_scoped3A : memref<!tpu.dma_semaphore, #tpu.memory_space<semaphore_mem>>)
        %dma_wait3A = arith.constant 0 : i32
        %dma_wait3A_72 = tpu.memref_slice %arg7[%dma_wait3A] : memref<16400xi32, #tpu.memory_space<vmem>> -> memref<128xi32, #tpu.memory_space<vmem>>
        %dma_wait3A_73 = arith.constant 0 : i32
        %dma_wait3A_74 = tpu.memref_slice %arg4[%add3A_20, %dma_wait3A_73] : memref<256x128xi32, #tpu.memory_space<hbm>> -> memref<1x128xi32, #tpu.memory_space<hbm>>
        %dma_wait3A_75 = tpu.memref_squeeze %dma_wait3A_74 : memref<1x128xi32, #tpu.memory_space<hbm>> -> memref<128xi32, #tpu.memory_space<hbm>>
        %dma_wait3A_76 = arith.constant 0 : i32
        %dma_wait3A_77 = tpu.memref_slice %arg4[%add3A_20, %dma_wait3A_76] : memref<256x128xi32, #tpu.memory_space<hbm>> -> memref<1x128xi32, #tpu.memory_space<hbm>>
        %dma_wait3A_78 = tpu.memref_squeeze %dma_wait3A_77 : memref<1x128xi32, #tpu.memory_space<hbm>> -> memref<128xi32, #tpu.memory_space<hbm>>
        %dma_wait3A_79 = arith.constant 0 : i32
        %dma_wait3A_80 = tpu.memref_slice %arg7[%dma_wait3A_79] : memref<16400xi32, #tpu.memory_space<vmem>> -> memref<128xi32, #tpu.memory_space<vmem>>
        tpu.wait_dma2 semaphore(%run_scoped3A : memref<!tpu.dma_semaphore, #tpu.memory_space<semaphore_mem>>) src(%dma_wait3A_80 : memref<128xi32, #tpu.memory_space<vmem>>) dst(%dma_wait3A_78 : memref<128xi32, #tpu.memory_space<hbm>>)
        tpu.yield
      }) : () -> ()
      %get3A_30 = arith.constant 0 : index
      %get3A_31 = tpu.vector_load %arg7[%get3A_30] {strides = array<i32>} : memref<16400xi32, #tpu.memory_space<vmem>>, vector<16xi32>,
      tpu.vector_store_idx %arg9[%get3A_31], %broadcast_in_dim3A_5 : memref<16384xf32, #tpu.memory_space<vmem>>[vector<16xi32>], vector<16xf32>,
      %get3A_32 = arith.constant 16 : index
      %get3A_33 = tpu.vector_load %arg7[%get3A_32] {strides = array<i32>} : memref<16400xi32, #tpu.memory_space<vmem>>, vector<16xi32>,
      tpu.vector_store_idx %arg9[%get3A_33], %broadcast_in_dim3A_5 : memref<16384xf32, #tpu.memory_space<vmem>>[vector<16xi32>], vector<16xf32>,
      %get3A_34 = arith.constant 32 : index
      %get3A_35 = tpu.vector_load %arg7[%get3A_34] {strides = array<i32>} : memref<16400xi32, #tpu.memory_space<vmem>>, vector<16xi32>,
      tpu.vector_store_idx %arg9[%get3A_35], %broadcast_in_dim3A_5 : memref<16384xf32, #tpu.memory_space<vmem>>[vector<16xi32>], vector<16xf32>,
      %get3A_36 = arith.constant 48 : index
      %get3A_37 = tpu.vector_load %arg7[%get3A_36] {strides = array<i32>} : memref<16400xi32, #tpu.memory_space<vmem>>, vector<16xi32>,
      tpu.vector_store_idx %arg9[%get3A_37], %broadcast_in_dim3A_5 : memref<16384xf32, #tpu.memory_space<vmem>>[vector<16xi32>], vector<16xf32>,
      %get3A_38 = arith.constant 64 : index
      %get3A_39 = tpu.vector_load %arg7[%get3A_38] {strides = array<i32>} : memref<16400xi32, #tpu.memory_space<vmem>>, vector<16xi32>,
      tpu.vector_store_idx %arg9[%get3A_39], %broadcast_in_dim3A_5 : memref<16384xf32, #tpu.memory_space<vmem>>[vector<16xi32>], vector<16xf32>,
      %get3A_40 = arith.constant 80 : index
      %get3A_41 = tpu.vector_load %arg7[%get3A_40] {strides = array<i32>} : memref<16400xi32, #tpu.memory_space<vmem>>, vector<16xi32>,
      tpu.vector_store_idx %arg9[%get3A_41], %broadcast_in_dim3A_5 : memref<16384xf32, #tpu.memory_space<vmem>>[vector<16xi32>], vector<16xf32>,
      %get3A_42 = arith.constant 96 : index
      %get3A_43 = tpu.vector_load %arg7[%get3A_42] {strides = array<i32>} : memref<16400xi32, #tpu.memory_space<vmem>>, vector<16xi32>,
      tpu.vector_store_idx %arg9[%get3A_43], %broadcast_in_dim3A_5 : memref<16384xf32, #tpu.memory_space<vmem>>[vector<16xi32>], vector<16xf32>,
      %get3A_44 = arith.constant 112 : index
      %get3A_45 = tpu.vector_load %arg7[%get3A_44] {strides = array<i32>} : memref<16400xi32, #tpu.memory_space<vmem>>, vector<16xi32>,
      tpu.vector_store_idx %arg9[%get3A_45], %broadcast_in_dim3A_5 : memref<16384xf32, #tpu.memory_space<vmem>>[vector<16xi32>], vector<16xf32>,
      "tpu.region"() ({
        %run_scoped3A = tpu.sem_alloc : memref<!tpu.dma_semaphore, #tpu.memory_space<semaphore_mem>>
        %dma_start3A = arith.constant 0 : i32
        %dma_start3A_63 = tpu.memref_slice %arg5[%add3A_20, %dma_start3A] : memref<256x16384xf32, #tpu.memory_space<hbm>> -> memref<1x16384xf32, #tpu.memory_space<hbm>>
        %dma_start3A_64 = tpu.memref_squeeze %dma_start3A_63 : memref<1x16384xf32, #tpu.memory_space<hbm>> -> memref<16384xf32, #tpu.memory_space<hbm>>
        %dma_start3A_65 = arith.constant 0 : i32
        %dma_start3A_66 = tpu.memref_slice %arg5[%add3A_20, %dma_start3A_65] : memref<256x16384xf32, #tpu.memory_space<hbm>> -> memref<1x16384xf32, #tpu.memory_space<hbm>>
        %dma_start3A_67 = tpu.memref_squeeze %dma_start3A_66 : memref<1x16384xf32, #tpu.memory_space<hbm>> -> memref<16384xf32, #tpu.memory_space<hbm>>
        tpu.enqueue_dma source(%arg9 : memref<16384xf32, #tpu.memory_space<vmem>>) target(%dma_start3A_67 : memref<16384xf32, #tpu.memory_space<hbm>>) target_semaphore(%run_scoped3A : memref<!tpu.dma_semaphore, #tpu.memory_space<semaphore_mem>>)
        %dma_wait3A = arith.constant 0 : i32
        %dma_wait3A_68 = tpu.memref_slice %arg5[%add3A_20, %dma_wait3A] : memref<256x16384xf32, #tpu.memory_space<hbm>> -> memref<1x16384xf32, #tpu.memory_space<hbm>>
        %dma_wait3A_69 = tpu.memref_squeeze %dma_wait3A_68 : memref<1x16384xf32, #tpu.memory_space<hbm>> -> memref<16384xf32, #tpu.memory_space<hbm>>
        %dma_wait3A_70 = arith.constant 0 : i32
        %dma_wait3A_71 = tpu.memref_slice %arg5[%add3A_20, %dma_wait3A_70] : memref<256x16384xf32, #tpu.memory_space<hbm>> -> memref<1x16384xf32, #tpu.memory_space<hbm>>
        %dma_wait3A_72 = tpu.memref_squeeze %dma_wait3A_71 : memref<1x16384xf32, #tpu.memory_space<hbm>> -> memref<16384xf32, #tpu.memory_space<hbm>>
        tpu.wait_dma2 semaphore(%run_scoped3A : memref<!tpu.dma_semaphore, #tpu.memory_space<semaphore_mem>>) src(%arg9 : memref<16384xf32, #tpu.memory_space<vmem>>) dst(%dma_wait3A_72 : memref<16384xf32, #tpu.memory_space<hbm>>)
        tpu.yield
      }) : () -> ()
      %get3A_46 = arith.constant 0 : index
      %get3A_47 = tpu.vector_load %arg7[%get3A_46] {strides = array<i32>} : memref<16400xi32, #tpu.memory_space<vmem>>, vector<16xi32>,
      tpu.vector_store_idx %arg9[%get3A_47], %broadcast_in_dim3A_3 : memref<16384xf32, #tpu.memory_space<vmem>>[vector<16xi32>], vector<16xf32>,
      %get3A_48 = arith.constant 16 : index
      %get3A_49 = tpu.vector_load %arg7[%get3A_48] {strides = array<i32>} : memref<16400xi32, #tpu.memory_space<vmem>>, vector<16xi32>,
      tpu.vector_store_idx %arg9[%get3A_49], %broadcast_in_dim3A_3 : memref<16384xf32, #tpu.memory_space<vmem>>[vector<16xi32>], vector<16xf32>,
      %get3A_50 = arith.constant 32 : index
      %get3A_51 = tpu.vector_load %arg7[%get3A_50] {strides = array<i32>} : memref<16400xi32, #tpu.memory_space<vmem>>, vector<16xi32>,
      tpu.vector_store_idx %arg9[%get3A_51], %broadcast_in_dim3A_3 : memref<16384xf32, #tpu.memory_space<vmem>>[vector<16xi32>], vector<16xf32>,
      %get3A_52 = arith.constant 48 : index
      %get3A_53 = tpu.vector_load %arg7[%get3A_52] {strides = array<i32>} : memref<16400xi32, #tpu.memory_space<vmem>>, vector<16xi32>,
      tpu.vector_store_idx %arg9[%get3A_53], %broadcast_in_dim3A_3 : memref<16384xf32, #tpu.memory_space<vmem>>[vector<16xi32>], vector<16xf32>,
      %get3A_54 = arith.constant 64 : index
      %get3A_55 = tpu.vector_load %arg7[%get3A_54] {strides = array<i32>} : memref<16400xi32, #tpu.memory_space<vmem>>, vector<16xi32>,
      tpu.vector_store_idx %arg9[%get3A_55], %broadcast_in_dim3A_3 : memref<16384xf32, #tpu.memory_space<vmem>>[vector<16xi32>], vector<16xf32>,
      %get3A_56 = arith.constant 80 : index
      %get3A_57 = tpu.vector_load %arg7[%get3A_56] {strides = array<i32>} : memref<16400xi32, #tpu.memory_space<vmem>>, vector<16xi32>,
      tpu.vector_store_idx %arg9[%get3A_57], %broadcast_in_dim3A_3 : memref<16384xf32, #tpu.memory_space<vmem>>[vector<16xi32>], vector<16xf32>,
      %get3A_58 = arith.constant 96 : index
      %get3A_59 = tpu.vector_load %arg7[%get3A_58] {strides = array<i32>} : memref<16400xi32, #tpu.memory_space<vmem>>, vector<16xi32>,
      tpu.vector_store_idx %arg9[%get3A_59], %broadcast_in_dim3A_3 : memref<16384xf32, #tpu.memory_space<vmem>>[vector<16xi32>], vector<16xf32>,
      %get3A_60 = arith.constant 112 : index
      %get3A_61 = tpu.vector_load %arg7[%get3A_60] {strides = array<i32>} : memref<16400xi32, #tpu.memory_space<vmem>>, vector<16xi32>,
      tpu.vector_store_idx %arg9[%get3A_61], %broadcast_in_dim3A_3 : memref<16384xf32, #tpu.memory_space<vmem>>[vector<16xi32>], vector<16xf32>,
      %scan3A_62 = arith.constant 0 : i32
      scf.yield %scan3A_62 : i32
    }
    %scan3A_17 = arith.constant 8 : i32
    return
  }
}

#map = affine_map<(d0, d1) -> (0, 0)>
module attributes {stable_mosaic.version = 14 : i64} {
  func.func @_sc_compact_body(%arg0: i32, %arg1: i32, %arg2: memref<256x16384xf32, #tpu.memory_space<hbm>>, %arg3: memref<256x16xf32, #tpu.memory_space<hbm>>, %arg4: memref<256x128xi32, #tpu.memory_space<hbm>>, %arg5: memref<256x16384xf32, #tpu.memory_space<hbm>>, %arg6: memref<16384xf32, #tpu.memory_space<vmem>>, %arg7: memref<16400xi32, #tpu.memory_space<vmem>>, %arg8: memref<8x16xf32, #tpu.memory_space<vmem>>, %arg9: memref<16384xf32, #tpu.memory_space<vmem>>) attributes {dimension_semantics = [#tpu.dimension_semantics<core_parallel>, #tpu.dimension_semantics<subcore_parallel>], iteration_bounds = array<i64: 2, 16>, scalar_prefetch = 0 : i64, scratch_operands = 4 : i64, tpu.core_type = #tpu.core_type<sc_vector_subcore>, window_params = [{transform_indices = #map}, {transform_indices = #map}, {transform_indices = #map}, {transform_indices = #map}]} {
    %mul3A = arith.constant 2 : i32
    %mul3A_0 = arith.muli %arg1, %mul3A : i32
    %add3A = arith.addi %mul3A_0, %arg0 : i32
    %mul3A_1 = arith.constant 8 : i32
    %mul3A_2 = arith.muli %add3A, %mul3A_1 : i32
    "tpu.region"() ({
      %run_scoped3A = tpu.sem_alloc : memref<!tpu.dma_semaphore, #tpu.memory_space<semaphore_mem>>
      %dma_start3A = arith.constant 0 : i32
      %dma_start3A_18 = tpu.memref_slice %arg3[%mul3A_2, %dma_start3A] : memref<256x16xf32, #tpu.memory_space<hbm>> -> memref<8x16xf32, #tpu.memory_space<hbm>>
      %dma_start3A_19 = arith.constant 0 : i32
      %dma_start3A_20 = tpu.memref_slice %arg3[%mul3A_2, %dma_start3A_19] : memref<256x16xf32, #tpu.memory_space<hbm>> -> memref<8x16xf32, #tpu.memory_space<hbm>>
      tpu.enqueue_dma source(%dma_start3A_20 : memref<8x16xf32, #tpu.memory_space<hbm>>) target(%arg8 : memref<8x16xf32, #tpu.memory_space<vmem>>) target_semaphore(%run_scoped3A : memref<!tpu.dma_semaphore, #tpu.memory_space<semaphore_mem>>)
      %dma_wait3A = arith.constant 0 : i32
      %dma_wait3A_21 = tpu.memref_slice %arg3[%mul3A_2, %dma_wait3A] : memref<256x16xf32, #tpu.memory_space<hbm>> -> memref<8x16xf32, #tpu.memory_space<hbm>>
      %dma_wait3A_22 = arith.constant 0 : i32
      %dma_wait3A_23 = tpu.memref_slice %arg3[%mul3A_2, %dma_wait3A_22] : memref<256x16xf32, #tpu.memory_space<hbm>> -> memref<8x16xf32, #tpu.memory_space<hbm>>
      tpu.wait_dma2 semaphore(%run_scoped3A : memref<!tpu.dma_semaphore, #tpu.memory_space<semaphore_mem>>) src(%dma_wait3A_23 : memref<8x16xf32, #tpu.memory_space<hbm>>) dst(%arg8 : memref<8x16xf32, #tpu.memory_space<vmem>>)
      tpu.yield
    }) : () -> ()
    %iota3A = tpu.iota {dimensions = array<i32: 0>} : vector<16xi32>
    %broadcast_in_dim3A = arith.constant 0.000000e+00 : f32
    %broadcast_in_dim3A_3 = vector.broadcast %broadcast_in_dim3A : f32 to vector<16xf32>
    %broadcast_in_dim3A_4 = arith.constant 1.000000e+00 : f32
    %broadcast_in_dim3A_5 = vector.broadcast %broadcast_in_dim3A_4 : f32 to vector<16xf32>
    %scan3A = arith.constant 0 : i32
    %scan3A_6 = arith.constant 0 : i32
    %scan3A_7 = arith.constant 128 : i32
    %scan3A_8 = arith.addi %scan3A_6, %scan3A_7 : i32
    %scan3A_9 = arith.constant 1 : i32
    scf.for %scan3A_18 = %scan3A_6 to %scan3A_8 step %scan3A_9  : i32 {
      %mul3A_19 = arith.constant 128 : i32
      %mul3A_20 = arith.muli %scan3A_18, %mul3A_19 : i32
      %add3A_21 = arith.constant 0 : i32
      %add3A_22 = arith.addi %mul3A_20, %add3A_21 : i32
      %swap3A = arith.index_cast %add3A_22 : i32 to index
      %swap3A_23 = tpu.vector_load %arg9[%swap3A] {strides = array<i32>} : memref<16384xf32, #tpu.memory_space<vmem>>, vector<16xf32>,
      tpu.vector_store %arg9[%swap3A], %broadcast_in_dim3A_3 {strides = array<i32>} : memref<16384xf32, #tpu.memory_space<vmem>>, vector<16xf32>,
      %mul3A_24 = arith.constant 128 : i32
      %mul3A_25 = arith.muli %scan3A_18, %mul3A_24 : i32
      %add3A_26 = arith.constant 16 : i32
      %add3A_27 = arith.addi %mul3A_25, %add3A_26 : i32
      %swap3A_28 = arith.index_cast %add3A_27 : i32 to index
      %swap3A_29 = tpu.vector_load %arg9[%swap3A_28] {strides = array<i32>} : memref<16384xf32, #tpu.memory_space<vmem>>, vector<16xf32>,
      tpu.vector_store %arg9[%swap3A_28], %broadcast_in_dim3A_3 {strides = array<i32>} : memref<16384xf32, #tpu.memory_space<vmem>>, vector<16xf32>,
      %mul3A_30 = arith.constant 128 : i32
      %mul3A_31 = arith.muli %scan3A_18, %mul3A_30 : i32
      %add3A_32 = arith.constant 32 : i32
      %add3A_33 = arith.addi %mul3A_31, %add3A_32 : i32
      %swap3A_34 = arith.index_cast %add3A_33 : i32 to index
      %swap3A_35 = tpu.vector_load %arg9[%swap3A_34] {strides = array<i32>} : memref<16384xf32, #tpu.memory_space<vmem>>, vector<16xf32>,
      tpu.vector_store %arg9[%swap3A_34], %broadcast_in_dim3A_3 {strides = array<i32>} : memref<16384xf32, #tpu.memory_space<vmem>>, vector<16xf32>,
      %mul3A_36 = arith.constant 128 : i32
      %mul3A_37 = arith.muli %scan3A_18, %mul3A_36 : i32
      %add3A_38 = arith.constant 48 : i32
      %add3A_39 = arith.addi %mul3A_37, %add3A_38 : i32
      %swap3A_40 = arith.index_cast %add3A_39 : i32 to index
      %swap3A_41 = tpu.vector_load %arg9[%swap3A_40] {strides = array<i32>} : memref<16384xf32, #tpu.memory_space<vmem>>, vector<16xf32>,
      tpu.vector_store %arg9[%swap3A_40], %broadcast_in_dim3A_3 {strides = array<i32>} : memref<16384xf32, #tpu.memory_space<vmem>>, vector<16xf32>,
      %mul3A_42 = arith.constant 128 : i32
      %mul3A_43 = arith.muli %scan3A_18, %mul3A_42 : i32
      %add3A_44 = arith.constant 64 : i32
      %add3A_45 = arith.addi %mul3A_43, %add3A_44 : i32
      %swap3A_46 = arith.index_cast %add3A_45 : i32 to index
      %swap3A_47 = tpu.vector_load %arg9[%swap3A_46] {strides = array<i32>} : memref<16384xf32, #tpu.memory_space<vmem>>, vector<16xf32>,
      tpu.vector_store %arg9[%swap3A_46], %broadcast_in_dim3A_3 {strides = array<i32>} : memref<16384xf32, #tpu.memory_space<vmem>>, vector<16xf32>,
      %mul3A_48 = arith.constant 128 : i32
      %mul3A_49 = arith.muli %scan3A_18, %mul3A_48 : i32
      %add3A_50 = arith.constant 80 : i32
      %add3A_51 = arith.addi %mul3A_49, %add3A_50 : i32
      %swap3A_52 = arith.index_cast %add3A_51 : i32 to index
      %swap3A_53 = tpu.vector_load %arg9[%swap3A_52] {strides = array<i32>} : memref<16384xf32, #tpu.memory_space<vmem>>, vector<16xf32>,
      tpu.vector_store %arg9[%swap3A_52], %broadcast_in_dim3A_3 {strides = array<i32>} : memref<16384xf32, #tpu.memory_space<vmem>>, vector<16xf32>,
      %mul3A_54 = arith.constant 128 : i32
      %mul3A_55 = arith.muli %scan3A_18, %mul3A_54 : i32
      %add3A_56 = arith.constant 96 : i32
      %add3A_57 = arith.addi %mul3A_55, %add3A_56 : i32
      %swap3A_58 = arith.index_cast %add3A_57 : i32 to index
      %swap3A_59 = tpu.vector_load %arg9[%swap3A_58] {strides = array<i32>} : memref<16384xf32, #tpu.memory_space<vmem>>, vector<16xf32>,
      tpu.vector_store %arg9[%swap3A_58], %broadcast_in_dim3A_3 {strides = array<i32>} : memref<16384xf32, #tpu.memory_space<vmem>>, vector<16xf32>,
      %mul3A_60 = arith.constant 128 : i32
      %mul3A_61 = arith.muli %scan3A_18, %mul3A_60 : i32
      %add3A_62 = arith.constant 112 : i32
      %add3A_63 = arith.addi %mul3A_61, %add3A_62 : i32
      %swap3A_64 = arith.index_cast %add3A_63 : i32 to index
      %swap3A_65 = tpu.vector_load %arg9[%swap3A_64] {strides = array<i32>} : memref<16384xf32, #tpu.memory_space<vmem>>, vector<16xf32>,
      tpu.vector_store %arg9[%swap3A_64], %broadcast_in_dim3A_3 {strides = array<i32>} : memref<16384xf32, #tpu.memory_space<vmem>>, vector<16xf32>,
    }
    %scan3A_10 = arith.constant 128 : i32
    %scan3A_11 = arith.constant 0 : i32
    %scan3A_12 = arith.constant 0 : i32
    %scan3A_13 = arith.constant 8 : i32
    %scan3A_14 = arith.addi %scan3A_12, %scan3A_13 : i32
    %scan3A_15 = arith.constant 1 : i32
    %scan3A_16 = scf.for %scan3A_18 = %scan3A_12 to %scan3A_14 step %scan3A_15 iter_args(%scan3A_19 = %scan3A_11) -> (i32)  : i32 {
      %add3A_20 = arith.addi %mul3A_2, %scan3A_18 : i32
      "tpu.region"() ({
        %run_scoped3A = tpu.sem_alloc : memref<!tpu.dma_semaphore, #tpu.memory_space<semaphore_mem>>
        %dma_start3A = arith.constant 0 : i32
        %dma_start3A_63 = tpu.memref_slice %arg2[%add3A_20, %dma_start3A] : memref<256x16384xf32, #tpu.memory_space<hbm>> -> memref<1x16384xf32, #tpu.memory_space<hbm>>
        %dma_start3A_64 = tpu.memref_squeeze %dma_start3A_63 : memref<1x16384xf32, #tpu.memory_space<hbm>> -> memref<16384xf32, #tpu.memory_space<hbm>>
        %dma_start3A_65 = arith.constant 0 : i32
        %dma_start3A_66 = tpu.memref_slice %arg2[%add3A_20, %dma_start3A_65] : memref<256x16384xf32, #tpu.memory_space<hbm>> -> memref<1x16384xf32, #tpu.memory_space<hbm>>
        %dma_start3A_67 = tpu.memref_squeeze %dma_start3A_66 : memref<1x16384xf32, #tpu.memory_space<hbm>> -> memref<16384xf32, #tpu.memory_space<hbm>>
        tpu.enqueue_dma source(%dma_start3A_67 : memref<16384xf32, #tpu.memory_space<hbm>>) target(%arg6 : memref<16384xf32, #tpu.memory_space<vmem>>) target_semaphore(%run_scoped3A : memref<!tpu.dma_semaphore, #tpu.memory_space<semaphore_mem>>)
        %dma_wait3A = arith.constant 0 : i32
        %dma_wait3A_68 = tpu.memref_slice %arg2[%add3A_20, %dma_wait3A] : memref<256x16384xf32, #tpu.memory_space<hbm>> -> memref<1x16384xf32, #tpu.memory_space<hbm>>
        %dma_wait3A_69 = tpu.memref_squeeze %dma_wait3A_68 : memref<1x16384xf32, #tpu.memory_space<hbm>> -> memref<16384xf32, #tpu.memory_space<hbm>>
        %dma_wait3A_70 = arith.constant 0 : i32
        %dma_wait3A_71 = tpu.memref_slice %arg2[%add3A_20, %dma_wait3A_70] : memref<256x16384xf32, #tpu.memory_space<hbm>> -> memref<1x16384xf32, #tpu.memory_space<hbm>>
        %dma_wait3A_72 = tpu.memref_squeeze %dma_wait3A_71 : memref<1x16384xf32, #tpu.memory_space<hbm>> -> memref<16384xf32, #tpu.memory_space<hbm>>
        tpu.wait_dma2 semaphore(%run_scoped3A : memref<!tpu.dma_semaphore, #tpu.memory_space<semaphore_mem>>) src(%dma_wait3A_72 : memref<16384xf32, #tpu.memory_space<hbm>>) dst(%arg6 : memref<16384xf32, #tpu.memory_space<vmem>>)
        tpu.yield
      }) : () -> ()
      %get3A = arith.index_cast %scan3A_18 : i32 to index
      %get3A_21 = arith.constant 0 : index
      %get3A_22 = tpu.vector_load %arg8[%get3A, %get3A_21] {strides = array<i32>} : memref<8x16xf32, #tpu.memory_space<vmem>>, vector<16xf32>,
      %scan3A_23 = arith.constant 0 : i32
      %scan3A_24 = arith.constant 0 : i32
      %scan3A_25 = arith.constant 128 : i32
      %scan3A_26 = arith.addi %scan3A_24, %scan3A_25 : i32
      %scan3A_27 = arith.constant 1 : i32
      %scan3A_28 = scf.for %scan3A_63 = %scan3A_24 to %scan3A_26 step %scan3A_27 iter_args(%scan3A_64 = %scan3A_23) -> (i32)  : i32 {
        %mul3A_65 = arith.constant 128 : i32
        %mul3A_66 = arith.muli %scan3A_63, %mul3A_65 : i32
        %add3A_67 = arith.constant 0 : i32
        %add3A_68 = arith.addi %mul3A_66, %add3A_67 : i32
        %get3A_69 = arith.index_cast %add3A_68 : i32 to index
        %get3A_70 = tpu.vector_load %arg6[%get3A_69] {strides = array<i32>} : memref<16384xf32, #tpu.memory_space<vmem>>, vector<16xf32>,
        %le3A = arith.cmpf ole, %get3A_70, %get3A_22 : vector<16xf32>
        %convert_element_type3A = arith.extui %le3A : vector<16xi1> to vector<16xi32>
        %broadcast_in_dim3A_71 = arith.constant true
        %broadcast_in_dim3A_72 = vector.broadcast %broadcast_in_dim3A_71 : i1 to vector<16xi1>
        %masked_cumsum3A = tpu.scan <sum>, %convert_element_type3A masked %broadcast_in_dim3A_72 : vector<16xi32>, vector<16xi1> -> vector<16xi32>
        %add3A_73 = vector.broadcast %scan3A_64 : i32 to vector<16xi32>
        %add3A_74 = arith.addi %add3A_73, %masked_cumsum3A : vector<16xi32>
        %sub3A = arith.constant 1 : i32
        %sub3A_75 = vector.broadcast %sub3A : i32 to vector<16xi32>
        %sub3A_76 = arith.subi %add3A_74, %sub3A_75 : vector<16xi32>
        %jit3A = arith.constant 16384 : i32
        %broadcast_in_dim3A_77 = vector.broadcast %jit3A : i32 to vector<16xi32>
        %select_n3A = arith.select %le3A, %sub3A_76, %broadcast_in_dim3A_77 : vector<16xi1>, vector<16xi32>
        %add3A_78 = vector.broadcast %add3A_68 : i32 to vector<16xi32>
        %add3A_79 = arith.addi %iota3A, %add3A_78 : vector<16xi32>
        tpu.vector_store_idx %arg7[%select_n3A], %add3A_79 : memref<16400xi32, #tpu.memory_space<vmem>>[vector<16xi32>], vector<16xi32>,
        %all_reduce_population_count3A = tpu.all_reduce %le3A {dim = 0 : i64, kind = #tpu.reduction_kind<sum>} : vector<16xi1> -> vector<16xi32>
        %slice3A = vector.extract_strided_slice %all_reduce_population_count3A {offsets = [0], sizes = [1], strides = [1]} : vector<16xi32> to vector<1xi32>
        %squeeze3A = vector.extract %slice3A[0] : i32 from vector<1xi32>
        %add3A_80 = arith.addi %scan3A_64, %squeeze3A : i32
        %mul3A_81 = arith.constant 128 : i32
        %mul3A_82 = arith.muli %scan3A_63, %mul3A_81 : i32
        %add3A_83 = arith.constant 16 : i32
        %add3A_84 = arith.addi %mul3A_82, %add3A_83 : i32
        %get3A_85 = arith.index_cast %add3A_84 : i32 to index
        %get3A_86 = tpu.vector_load %arg6[%get3A_85] {strides = array<i32>} : memref<16384xf32, #tpu.memory_space<vmem>>, vector<16xf32>,
        %le3A_87 = arith.cmpf ole, %get3A_86, %get3A_22 : vector<16xf32>
        %convert_element_type3A_88 = arith.extui %le3A_87 : vector<16xi1> to vector<16xi32>
        %broadcast_in_dim3A_89 = arith.constant true
        %broadcast_in_dim3A_90 = vector.broadcast %broadcast_in_dim3A_89 : i1 to vector<16xi1>
        %masked_cumsum3A_91 = tpu.scan <sum>, %convert_element_type3A_88 masked %broadcast_in_dim3A_90 : vector<16xi32>, vector<16xi1> -> vector<16xi32>
        %add3A_92 = vector.broadcast %add3A_80 : i32 to vector<16xi32>
        %add3A_93 = arith.addi %add3A_92, %masked_cumsum3A_91 : vector<16xi32>
        %sub3A_94 = arith.constant 1 : i32
        %sub3A_95 = vector.broadcast %sub3A_94 : i32 to vector<16xi32>
        %sub3A_96 = arith.subi %add3A_93, %sub3A_95 : vector<16xi32>
        %jit3A_97 = arith.constant 16384 : i32
        %broadcast_in_dim3A_98 = vector.broadcast %jit3A_97 : i32 to vector<16xi32>
        %select_n3A_99 = arith.select %le3A_87, %sub3A_96, %broadcast_in_dim3A_98 : vector<16xi1>, vector<16xi32>
        %add3A_100 = vector.broadcast %add3A_84 : i32 to vector<16xi32>
        %add3A_101 = arith.addi %iota3A, %add3A_100 : vector<16xi32>
        tpu.vector_store_idx %arg7[%select_n3A_99], %add3A_101 : memref<16400xi32, #tpu.memory_space<vmem>>[vector<16xi32>], vector<16xi32>,
        %all_reduce_population_count3A_102 = tpu.all_reduce %le3A_87 {dim = 0 : i64, kind = #tpu.reduction_kind<sum>} : vector<16xi1> -> vector<16xi32>
        %slice3A_103 = vector.extract_strided_slice %all_reduce_population_count3A_102 {offsets = [0], sizes = [1], strides = [1]} : vector<16xi32> to vector<1xi32>
        %squeeze3A_104 = vector.extract %slice3A_103[0] : i32 from vector<1xi32>
        %add3A_105 = arith.addi %add3A_80, %squeeze3A_104 : i32
        %mul3A_106 = arith.constant 128 : i32
        %mul3A_107 = arith.muli %scan3A_63, %mul3A_106 : i32
        %add3A_108 = arith.constant 32 : i32
        %add3A_109 = arith.addi %mul3A_107, %add3A_108 : i32
        %get3A_110 = arith.index_cast %add3A_109 : i32 to index
        %get3A_111 = tpu.vector_load %arg6[%get3A_110] {strides = array<i32>} : memref<16384xf32, #tpu.memory_space<vmem>>, vector<16xf32>,
        %le3A_112 = arith.cmpf ole, %get3A_111, %get3A_22 : vector<16xf32>
        %convert_element_type3A_113 = arith.extui %le3A_112 : vector<16xi1> to vector<16xi32>
        %broadcast_in_dim3A_114 = arith.constant true
        %broadcast_in_dim3A_115 = vector.broadcast %broadcast_in_dim3A_114 : i1 to vector<16xi1>
        %masked_cumsum3A_116 = tpu.scan <sum>, %convert_element_type3A_113 masked %broadcast_in_dim3A_115 : vector<16xi32>, vector<16xi1> -> vector<16xi32>
        %add3A_117 = vector.broadcast %add3A_105 : i32 to vector<16xi32>
        %add3A_118 = arith.addi %add3A_117, %masked_cumsum3A_116 : vector<16xi32>
        %sub3A_119 = arith.constant 1 : i32
        %sub3A_120 = vector.broadcast %sub3A_119 : i32 to vector<16xi32>
        %sub3A_121 = arith.subi %add3A_118, %sub3A_120 : vector<16xi32>
        %jit3A_122 = arith.constant 16384 : i32
        %broadcast_in_dim3A_123 = vector.broadcast %jit3A_122 : i32 to vector<16xi32>
        %select_n3A_124 = arith.select %le3A_112, %sub3A_121, %broadcast_in_dim3A_123 : vector<16xi1>, vector<16xi32>
        %add3A_125 = vector.broadcast %add3A_109 : i32 to vector<16xi32>
        %add3A_126 = arith.addi %iota3A, %add3A_125 : vector<16xi32>
        tpu.vector_store_idx %arg7[%select_n3A_124], %add3A_126 : memref<16400xi32, #tpu.memory_space<vmem>>[vector<16xi32>], vector<16xi32>,
        %all_reduce_population_count3A_127 = tpu.all_reduce %le3A_112 {dim = 0 : i64, kind = #tpu.reduction_kind<sum>} : vector<16xi1> -> vector<16xi32>
        %slice3A_128 = vector.extract_strided_slice %all_reduce_population_count3A_127 {offsets = [0], sizes = [1], strides = [1]} : vector<16xi32> to vector<1xi32>
        %squeeze3A_129 = vector.extract %slice3A_128[0] : i32 from vector<1xi32>
        %add3A_130 = arith.addi %add3A_105, %squeeze3A_129 : i32
        %mul3A_131 = arith.constant 128 : i32
        %mul3A_132 = arith.muli %scan3A_63, %mul3A_131 : i32
        %add3A_133 = arith.constant 48 : i32
        %add3A_134 = arith.addi %mul3A_132, %add3A_133 : i32
        %get3A_135 = arith.index_cast %add3A_134 : i32 to index
        %get3A_136 = tpu.vector_load %arg6[%get3A_135] {strides = array<i32>} : memref<16384xf32, #tpu.memory_space<vmem>>, vector<16xf32>,
        %le3A_137 = arith.cmpf ole, %get3A_136, %get3A_22 : vector<16xf32>
        %convert_element_type3A_138 = arith.extui %le3A_137 : vector<16xi1> to vector<16xi32>
        %broadcast_in_dim3A_139 = arith.constant true
        %broadcast_in_dim3A_140 = vector.broadcast %broadcast_in_dim3A_139 : i1 to vector<16xi1>
        %masked_cumsum3A_141 = tpu.scan <sum>, %convert_element_type3A_138 masked %broadcast_in_dim3A_140 : vector<16xi32>, vector<16xi1> -> vector<16xi32>
        %add3A_142 = vector.broadcast %add3A_130 : i32 to vector<16xi32>
        %add3A_143 = arith.addi %add3A_142, %masked_cumsum3A_141 : vector<16xi32>
        %sub3A_144 = arith.constant 1 : i32
        %sub3A_145 = vector.broadcast %sub3A_144 : i32 to vector<16xi32>
        %sub3A_146 = arith.subi %add3A_143, %sub3A_145 : vector<16xi32>
        %jit3A_147 = arith.constant 16384 : i32
        %broadcast_in_dim3A_148 = vector.broadcast %jit3A_147 : i32 to vector<16xi32>
        %select_n3A_149 = arith.select %le3A_137, %sub3A_146, %broadcast_in_dim3A_148 : vector<16xi1>, vector<16xi32>
        %add3A_150 = vector.broadcast %add3A_134 : i32 to vector<16xi32>
        %add3A_151 = arith.addi %iota3A, %add3A_150 : vector<16xi32>
        tpu.vector_store_idx %arg7[%select_n3A_149], %add3A_151 : memref<16400xi32, #tpu.memory_space<vmem>>[vector<16xi32>], vector<16xi32>,
        %all_reduce_population_count3A_152 = tpu.all_reduce %le3A_137 {dim = 0 : i64, kind = #tpu.reduction_kind<sum>} : vector<16xi1> -> vector<16xi32>
        %slice3A_153 = vector.extract_strided_slice %all_reduce_population_count3A_152 {offsets = [0], sizes = [1], strides = [1]} : vector<16xi32> to vector<1xi32>
        %squeeze3A_154 = vector.extract %slice3A_153[0] : i32 from vector<1xi32>
        %add3A_155 = arith.addi %add3A_130, %squeeze3A_154 : i32
        %mul3A_156 = arith.constant 128 : i32
        %mul3A_157 = arith.muli %scan3A_63, %mul3A_156 : i32
        %add3A_158 = arith.constant 64 : i32
        %add3A_159 = arith.addi %mul3A_157, %add3A_158 : i32
        %get3A_160 = arith.index_cast %add3A_159 : i32 to index
        %get3A_161 = tpu.vector_load %arg6[%get3A_160] {strides = array<i32>} : memref<16384xf32, #tpu.memory_space<vmem>>, vector<16xf32>,
        %le3A_162 = arith.cmpf ole, %get3A_161, %get3A_22 : vector<16xf32>
        %convert_element_type3A_163 = arith.extui %le3A_162 : vector<16xi1> to vector<16xi32>
        %broadcast_in_dim3A_164 = arith.constant true
        %broadcast_in_dim3A_165 = vector.broadcast %broadcast_in_dim3A_164 : i1 to vector<16xi1>
        %masked_cumsum3A_166 = tpu.scan <sum>, %convert_element_type3A_163 masked %broadcast_in_dim3A_165 : vector<16xi32>, vector<16xi1> -> vector<16xi32>
        %add3A_167 = vector.broadcast %add3A_155 : i32 to vector<16xi32>
        %add3A_168 = arith.addi %add3A_167, %masked_cumsum3A_166 : vector<16xi32>
        %sub3A_169 = arith.constant 1 : i32
        %sub3A_170 = vector.broadcast %sub3A_169 : i32 to vector<16xi32>
        %sub3A_171 = arith.subi %add3A_168, %sub3A_170 : vector<16xi32>
        %jit3A_172 = arith.constant 16384 : i32
        %broadcast_in_dim3A_173 = vector.broadcast %jit3A_172 : i32 to vector<16xi32>
        %select_n3A_174 = arith.select %le3A_162, %sub3A_171, %broadcast_in_dim3A_173 : vector<16xi1>, vector<16xi32>
        %add3A_175 = vector.broadcast %add3A_159 : i32 to vector<16xi32>
        %add3A_176 = arith.addi %iota3A, %add3A_175 : vector<16xi32>
        tpu.vector_store_idx %arg7[%select_n3A_174], %add3A_176 : memref<16400xi32, #tpu.memory_space<vmem>>[vector<16xi32>], vector<16xi32>,
        %all_reduce_population_count3A_177 = tpu.all_reduce %le3A_162 {dim = 0 : i64, kind = #tpu.reduction_kind<sum>} : vector<16xi1> -> vector<16xi32>
        %slice3A_178 = vector.extract_strided_slice %all_reduce_population_count3A_177 {offsets = [0], sizes = [1], strides = [1]} : vector<16xi32> to vector<1xi32>
        %squeeze3A_179 = vector.extract %slice3A_178[0] : i32 from vector<1xi32>
        %add3A_180 = arith.addi %add3A_155, %squeeze3A_179 : i32
        %mul3A_181 = arith.constant 128 : i32
        %mul3A_182 = arith.muli %scan3A_63, %mul3A_181 : i32
        %add3A_183 = arith.constant 80 : i32
        %add3A_184 = arith.addi %mul3A_182, %add3A_183 : i32
        %get3A_185 = arith.index_cast %add3A_184 : i32 to index
        %get3A_186 = tpu.vector_load %arg6[%get3A_185] {strides = array<i32>} : memref<16384xf32, #tpu.memory_space<vmem>>, vector<16xf32>,
        %le3A_187 = arith.cmpf ole, %get3A_186, %get3A_22 : vector<16xf32>
        %convert_element_type3A_188 = arith.extui %le3A_187 : vector<16xi1> to vector<16xi32>
        %broadcast_in_dim3A_189 = arith.constant true
        %broadcast_in_dim3A_190 = vector.broadcast %broadcast_in_dim3A_189 : i1 to vector<16xi1>
        %masked_cumsum3A_191 = tpu.scan <sum>, %convert_element_type3A_188 masked %broadcast_in_dim3A_190 : vector<16xi32>, vector<16xi1> -> vector<16xi32>
        %add3A_192 = vector.broadcast %add3A_180 : i32 to vector<16xi32>
        %add3A_193 = arith.addi %add3A_192, %masked_cumsum3A_191 : vector<16xi32>
        %sub3A_194 = arith.constant 1 : i32
        %sub3A_195 = vector.broadcast %sub3A_194 : i32 to vector<16xi32>
        %sub3A_196 = arith.subi %add3A_193, %sub3A_195 : vector<16xi32>
        %jit3A_197 = arith.constant 16384 : i32
        %broadcast_in_dim3A_198 = vector.broadcast %jit3A_197 : i32 to vector<16xi32>
        %select_n3A_199 = arith.select %le3A_187, %sub3A_196, %broadcast_in_dim3A_198 : vector<16xi1>, vector<16xi32>
        %add3A_200 = vector.broadcast %add3A_184 : i32 to vector<16xi32>
        %add3A_201 = arith.addi %iota3A, %add3A_200 : vector<16xi32>
        tpu.vector_store_idx %arg7[%select_n3A_199], %add3A_201 : memref<16400xi32, #tpu.memory_space<vmem>>[vector<16xi32>], vector<16xi32>,
        %all_reduce_population_count3A_202 = tpu.all_reduce %le3A_187 {dim = 0 : i64, kind = #tpu.reduction_kind<sum>} : vector<16xi1> -> vector<16xi32>
        %slice3A_203 = vector.extract_strided_slice %all_reduce_population_count3A_202 {offsets = [0], sizes = [1], strides = [1]} : vector<16xi32> to vector<1xi32>
        %squeeze3A_204 = vector.extract %slice3A_203[0] : i32 from vector<1xi32>
        %add3A_205 = arith.addi %add3A_180, %squeeze3A_204 : i32
        %mul3A_206 = arith.constant 128 : i32
        %mul3A_207 = arith.muli %scan3A_63, %mul3A_206 : i32
        %add3A_208 = arith.constant 96 : i32
        %add3A_209 = arith.addi %mul3A_207, %add3A_208 : i32
        %get3A_210 = arith.index_cast %add3A_209 : i32 to index
        %get3A_211 = tpu.vector_load %arg6[%get3A_210] {strides = array<i32>} : memref<16384xf32, #tpu.memory_space<vmem>>, vector<16xf32>,
        %le3A_212 = arith.cmpf ole, %get3A_211, %get3A_22 : vector<16xf32>
        %convert_element_type3A_213 = arith.extui %le3A_212 : vector<16xi1> to vector<16xi32>
        %broadcast_in_dim3A_214 = arith.constant true
        %broadcast_in_dim3A_215 = vector.broadcast %broadcast_in_dim3A_214 : i1 to vector<16xi1>
        %masked_cumsum3A_216 = tpu.scan <sum>, %convert_element_type3A_213 masked %broadcast_in_dim3A_215 : vector<16xi32>, vector<16xi1> -> vector<16xi32>
        %add3A_217 = vector.broadcast %add3A_205 : i32 to vector<16xi32>
        %add3A_218 = arith.addi %add3A_217, %masked_cumsum3A_216 : vector<16xi32>
        %sub3A_219 = arith.constant 1 : i32
        %sub3A_220 = vector.broadcast %sub3A_219 : i32 to vector<16xi32>
        %sub3A_221 = arith.subi %add3A_218, %sub3A_220 : vector<16xi32>
        %jit3A_222 = arith.constant 16384 : i32
        %broadcast_in_dim3A_223 = vector.broadcast %jit3A_222 : i32 to vector<16xi32>
        %select_n3A_224 = arith.select %le3A_212, %sub3A_221, %broadcast_in_dim3A_223 : vector<16xi1>, vector<16xi32>
        %add3A_225 = vector.broadcast %add3A_209 : i32 to vector<16xi32>
        %add3A_226 = arith.addi %iota3A, %add3A_225 : vector<16xi32>
        tpu.vector_store_idx %arg7[%select_n3A_224], %add3A_226 : memref<16400xi32, #tpu.memory_space<vmem>>[vector<16xi32>], vector<16xi32>,
        %all_reduce_population_count3A_227 = tpu.all_reduce %le3A_212 {dim = 0 : i64, kind = #tpu.reduction_kind<sum>} : vector<16xi1> -> vector<16xi32>
        %slice3A_228 = vector.extract_strided_slice %all_reduce_population_count3A_227 {offsets = [0], sizes = [1], strides = [1]} : vector<16xi32> to vector<1xi32>
        %squeeze3A_229 = vector.extract %slice3A_228[0] : i32 from vector<1xi32>
        %add3A_230 = arith.addi %add3A_205, %squeeze3A_229 : i32
        %mul3A_231 = arith.constant 128 : i32
        %mul3A_232 = arith.muli %scan3A_63, %mul3A_231 : i32
        %add3A_233 = arith.constant 112 : i32
        %add3A_234 = arith.addi %mul3A_232, %add3A_233 : i32
        %get3A_235 = arith.index_cast %add3A_234 : i32 to index
        %get3A_236 = tpu.vector_load %arg6[%get3A_235] {strides = array<i32>} : memref<16384xf32, #tpu.memory_space<vmem>>, vector<16xf32>,
        %le3A_237 = arith.cmpf ole, %get3A_236, %get3A_22 : vector<16xf32>
        %convert_element_type3A_238 = arith.extui %le3A_237 : vector<16xi1> to vector<16xi32>
        %broadcast_in_dim3A_239 = arith.constant true
        %broadcast_in_dim3A_240 = vector.broadcast %broadcast_in_dim3A_239 : i1 to vector<16xi1>
        %masked_cumsum3A_241 = tpu.scan <sum>, %convert_element_type3A_238 masked %broadcast_in_dim3A_240 : vector<16xi32>, vector<16xi1> -> vector<16xi32>
        %add3A_242 = vector.broadcast %add3A_230 : i32 to vector<16xi32>
        %add3A_243 = arith.addi %add3A_242, %masked_cumsum3A_241 : vector<16xi32>
        %sub3A_244 = arith.constant 1 : i32
        %sub3A_245 = vector.broadcast %sub3A_244 : i32 to vector<16xi32>
        %sub3A_246 = arith.subi %add3A_243, %sub3A_245 : vector<16xi32>
        %jit3A_247 = arith.constant 16384 : i32
        %broadcast_in_dim3A_248 = vector.broadcast %jit3A_247 : i32 to vector<16xi32>
        %select_n3A_249 = arith.select %le3A_237, %sub3A_246, %broadcast_in_dim3A_248 : vector<16xi1>, vector<16xi32>
        %add3A_250 = vector.broadcast %add3A_234 : i32 to vector<16xi32>
        %add3A_251 = arith.addi %iota3A, %add3A_250 : vector<16xi32>
        tpu.vector_store_idx %arg7[%select_n3A_249], %add3A_251 : memref<16400xi32, #tpu.memory_space<vmem>>[vector<16xi32>], vector<16xi32>,
        %all_reduce_population_count3A_252 = tpu.all_reduce %le3A_237 {dim = 0 : i64, kind = #tpu.reduction_kind<sum>} : vector<16xi1> -> vector<16xi32>
        %slice3A_253 = vector.extract_strided_slice %all_reduce_population_count3A_252 {offsets = [0], sizes = [1], strides = [1]} : vector<16xi32> to vector<1xi32>
        %squeeze3A_254 = vector.extract %slice3A_253[0] : i32 from vector<1xi32>
        %add3A_255 = arith.addi %add3A_230, %squeeze3A_254 : i32
        scf.yield %add3A_255 : i32
      }
      %scan3A_29 = arith.constant 128 : i32
      "tpu.region"() ({
        %run_scoped3A = tpu.sem_alloc : memref<!tpu.dma_semaphore, #tpu.memory_space<semaphore_mem>>
        %dma_start3A = arith.constant 0 : i32
        %dma_start3A_63 = tpu.memref_slice %arg7[%dma_start3A] : memref<16400xi32, #tpu.memory_space<vmem>> -> memref<128xi32, #tpu.memory_space<vmem>>
        %dma_start3A_64 = arith.constant 0 : i32
        %dma_start3A_65 = tpu.memref_slice %arg4[%add3A_20, %dma_start3A_64] : memref<256x128xi32, #tpu.memory_space<hbm>> -> memref<1x128xi32, #tpu.memory_space<hbm>>
        %dma_start3A_66 = tpu.memref_squeeze %dma_start3A_65 : memref<1x128xi32, #tpu.memory_space<hbm>> -> memref<128xi32, #tpu.memory_space<hbm>>
        %dma_start3A_67 = arith.constant 0 : i32
        %dma_start3A_68 = tpu.memref_slice %arg4[%add3A_20, %dma_start3A_67] : memref<256x128xi32, #tpu.memory_space<hbm>> -> memref<1x128xi32, #tpu.memory_space<hbm>>
        %dma_start3A_69 = tpu.memref_squeeze %dma_start3A_68 : memref<1x128xi32, #tpu.memory_space<hbm>> -> memref<128xi32, #tpu.memory_space<hbm>>
        %dma_start3A_70 = arith.constant 0 : i32
        %dma_start3A_71 = tpu.memref_slice %arg7[%dma_start3A_70] : memref<16400xi32, #tpu.memory_space<vmem>> -> memref<128xi32, #tpu.memory_space<vmem>>
        tpu.enqueue_dma source(%dma_start3A_71 : memref<128xi32, #tpu.memory_space<vmem>>) target(%dma_start3A_69 : memref<128xi32, #tpu.memory_space<hbm>>) target_semaphore(%run_scoped3A : memref<!tpu.dma_semaphore, #tpu.memory_space<semaphore_mem>>)
        %dma_wait3A = arith.constant 0 : i32
        %dma_wait3A_72 = tpu.memref_slice %arg7[%dma_wait3A] : memref<16400xi32, #tpu.memory_space<vmem>> -> memref<128xi32, #tpu.memory_space<vmem>>
        %dma_wait3A_73 = arith.constant 0 : i32
        %dma_wait3A_74 = tpu.memref_slice %arg4[%add3A_20, %dma_wait3A_73] : memref<256x128xi32, #tpu.memory_space<hbm>> -> memref<1x128xi32, #tpu.memory_space<hbm>>
        %dma_wait3A_75 = tpu.memref_squeeze %dma_wait3A_74 : memref<1x128xi32, #tpu.memory_space<hbm>> -> memref<128xi32, #tpu.memory_space<hbm>>
        %dma_wait3A_76 = arith.constant 0 : i32
        %dma_wait3A_77 = tpu.memref_slice %arg4[%add3A_20, %dma_wait3A_76] : memref<256x128xi32, #tpu.memory_space<hbm>> -> memref<1x128xi32, #tpu.memory_space<hbm>>
        %dma_wait3A_78 = tpu.memref_squeeze %dma_wait3A_77 : memref<1x128xi32, #tpu.memory_space<hbm>> -> memref<128xi32, #tpu.memory_space<hbm>>
        %dma_wait3A_79 = arith.constant 0 : i32
        %dma_wait3A_80 = tpu.memref_slice %arg7[%dma_wait3A_79] : memref<16400xi32, #tpu.memory_space<vmem>> -> memref<128xi32, #tpu.memory_space<vmem>>
        tpu.wait_dma2 semaphore(%run_scoped3A : memref<!tpu.dma_semaphore, #tpu.memory_space<semaphore_mem>>) src(%dma_wait3A_80 : memref<128xi32, #tpu.memory_space<vmem>>) dst(%dma_wait3A_78 : memref<128xi32, #tpu.memory_space<hbm>>)
        tpu.yield
      }) : () -> ()
      %get3A_30 = arith.constant 0 : index
      %get3A_31 = tpu.vector_load %arg7[%get3A_30] {strides = array<i32>} : memref<16400xi32, #tpu.memory_space<vmem>>, vector<16xi32>,
      tpu.vector_store_idx %arg9[%get3A_31], %broadcast_in_dim3A_5 : memref<16384xf32, #tpu.memory_space<vmem>>[vector<16xi32>], vector<16xf32>,
      %get3A_32 = arith.constant 16 : index
      %get3A_33 = tpu.vector_load %arg7[%get3A_32] {strides = array<i32>} : memref<16400xi32, #tpu.memory_space<vmem>>, vector<16xi32>,
      tpu.vector_store_idx %arg9[%get3A_33], %broadcast_in_dim3A_5 : memref<16384xf32, #tpu.memory_space<vmem>>[vector<16xi32>], vector<16xf32>,
      %get3A_34 = arith.constant 32 : index
      %get3A_35 = tpu.vector_load %arg7[%get3A_34] {strides = array<i32>} : memref<16400xi32, #tpu.memory_space<vmem>>, vector<16xi32>,
      tpu.vector_store_idx %arg9[%get3A_35], %broadcast_in_dim3A_5 : memref<16384xf32, #tpu.memory_space<vmem>>[vector<16xi32>], vector<16xf32>,
      %get3A_36 = arith.constant 48 : index
      %get3A_37 = tpu.vector_load %arg7[%get3A_36] {strides = array<i32>} : memref<16400xi32, #tpu.memory_space<vmem>>, vector<16xi32>,
      tpu.vector_store_idx %arg9[%get3A_37], %broadcast_in_dim3A_5 : memref<16384xf32, #tpu.memory_space<vmem>>[vector<16xi32>], vector<16xf32>,
      %get3A_38 = arith.constant 64 : index
      %get3A_39 = tpu.vector_load %arg7[%get3A_38] {strides = array<i32>} : memref<16400xi32, #tpu.memory_space<vmem>>, vector<16xi32>,
      tpu.vector_store_idx %arg9[%get3A_39], %broadcast_in_dim3A_5 : memref<16384xf32, #tpu.memory_space<vmem>>[vector<16xi32>], vector<16xf32>,
      %get3A_40 = arith.constant 80 : index
      %get3A_41 = tpu.vector_load %arg7[%get3A_40] {strides = array<i32>} : memref<16400xi32, #tpu.memory_space<vmem>>, vector<16xi32>,
      tpu.vector_store_idx %arg9[%get3A_41], %broadcast_in_dim3A_5 : memref<16384xf32, #tpu.memory_space<vmem>>[vector<16xi32>], vector<16xf32>,
      %get3A_42 = arith.constant 96 : index
      %get3A_43 = tpu.vector_load %arg7[%get3A_42] {strides = array<i32>} : memref<16400xi32, #tpu.memory_space<vmem>>, vector<16xi32>,
      tpu.vector_store_idx %arg9[%get3A_43], %broadcast_in_dim3A_5 : memref<16384xf32, #tpu.memory_space<vmem>>[vector<16xi32>], vector<16xf32>,
      %get3A_44 = arith.constant 112 : index
      %get3A_45 = tpu.vector_load %arg7[%get3A_44] {strides = array<i32>} : memref<16400xi32, #tpu.memory_space<vmem>>, vector<16xi32>,
      tpu.vector_store_idx %arg9[%get3A_45], %broadcast_in_dim3A_5 : memref<16384xf32, #tpu.memory_space<vmem>>[vector<16xi32>], vector<16xf32>,
      "tpu.region"() ({
        %run_scoped3A = tpu.sem_alloc : memref<!tpu.dma_semaphore, #tpu.memory_space<semaphore_mem>>
        %dma_start3A = arith.constant 0 : i32
        %dma_start3A_63 = tpu.memref_slice %arg5[%add3A_20, %dma_start3A] : memref<256x16384xf32, #tpu.memory_space<hbm>> -> memref<1x16384xf32, #tpu.memory_space<hbm>>
        %dma_start3A_64 = tpu.memref_squeeze %dma_start3A_63 : memref<1x16384xf32, #tpu.memory_space<hbm>> -> memref<16384xf32, #tpu.memory_space<hbm>>
        %dma_start3A_65 = arith.constant 0 : i32
        %dma_start3A_66 = tpu.memref_slice %arg5[%add3A_20, %dma_start3A_65] : memref<256x16384xf32, #tpu.memory_space<hbm>> -> memref<1x16384xf32, #tpu.memory_space<hbm>>
        %dma_start3A_67 = tpu.memref_squeeze %dma_start3A_66 : memref<1x16384xf32, #tpu.memory_space<hbm>> -> memref<16384xf32, #tpu.memory_space<hbm>>
        tpu.enqueue_dma source(%arg9 : memref<16384xf32, #tpu.memory_space<vmem>>) target(%dma_start3A_67 : memref<16384xf32, #tpu.memory_space<hbm>>) target_semaphore(%run_scoped3A : memref<!tpu.dma_semaphore, #tpu.memory_space<semaphore_mem>>)
        %dma_wait3A = arith.constant 0 : i32
        %dma_wait3A_68 = tpu.memref_slice %arg5[%add3A_20, %dma_wait3A] : memref<256x16384xf32, #tpu.memory_space<hbm>> -> memref<1x16384xf32, #tpu.memory_space<hbm>>
        %dma_wait3A_69 = tpu.memref_squeeze %dma_wait3A_68 : memref<1x16384xf32, #tpu.memory_space<hbm>> -> memref<16384xf32, #tpu.memory_space<hbm>>
        %dma_wait3A_70 = arith.constant 0 : i32
        %dma_wait3A_71 = tpu.memref_slice %arg5[%add3A_20, %dma_wait3A_70] : memref<256x16384xf32, #tpu.memory_space<hbm>> -> memref<1x16384xf32, #tpu.memory_space<hbm>>
        %dma_wait3A_72 = tpu.memref_squeeze %dma_wait3A_71 : memref<1x16384xf32, #tpu.memory_space<hbm>> -> memref<16384xf32, #tpu.memory_space<hbm>>
        tpu.wait_dma2 semaphore(%run_scoped3A : memref<!tpu.dma_semaphore, #tpu.memory_space<semaphore_mem>>) src(%arg9 : memref<16384xf32, #tpu.memory_space<vmem>>) dst(%dma_wait3A_72 : memref<16384xf32, #tpu.memory_space<hbm>>)
        tpu.yield
      }) : () -> ()
      %get3A_46 = arith.constant 0 : index
      %get3A_47 = tpu.vector_load %arg7[%get3A_46] {strides = array<i32>} : memref<16400xi32, #tpu.memory_space<vmem>>, vector<16xi32>,
      tpu.vector_store_idx %arg9[%get3A_47], %broadcast_in_dim3A_3 : memref<16384xf32, #tpu.memory_space<vmem>>[vector<16xi32>], vector<16xf32>,
      %get3A_48 = arith.constant 16 : index
      %get3A_49 = tpu.vector_load %arg7[%get3A_48] {strides = array<i32>} : memref<16400xi32, #tpu.memory_space<vmem>>, vector<16xi32>,
      tpu.vector_store_idx %arg9[%get3A_49], %broadcast_in_dim3A_3 : memref<16384xf32, #tpu.memory_space<vmem>>[vector<16xi32>], vector<16xf32>,
      %get3A_50 = arith.constant 32 : index
      %get3A_51 = tpu.vector_load %arg7[%get3A_50] {strides = array<i32>} : memref<16400xi32, #tpu.memory_space<vmem>>, vector<16xi32>,
      tpu.vector_store_idx %arg9[%get3A_51], %broadcast_in_dim3A_3 : memref<16384xf32, #tpu.memory_space<vmem>>[vector<16xi32>], vector<16xf32>,
      %get3A_52 = arith.constant 48 : index
      %get3A_53 = tpu.vector_load %arg7[%get3A_52] {strides = array<i32>} : memref<16400xi32, #tpu.memory_space<vmem>>, vector<16xi32>,
      tpu.vector_store_idx %arg9[%get3A_53], %broadcast_in_dim3A_3 : memref<16384xf32, #tpu.memory_space<vmem>>[vector<16xi32>], vector<16xf32>,
      %get3A_54 = arith.constant 64 : index
      %get3A_55 = tpu.vector_load %arg7[%get3A_54] {strides = array<i32>} : memref<16400xi32, #tpu.memory_space<vmem>>, vector<16xi32>,
      tpu.vector_store_idx %arg9[%get3A_55], %broadcast_in_dim3A_3 : memref<16384xf32, #tpu.memory_space<vmem>>[vector<16xi32>], vector<16xf32>,
      %get3A_56 = arith.constant 80 : index
      %get3A_57 = tpu.vector_load %arg7[%get3A_56] {strides = array<i32>} : memref<16400xi32, #tpu.memory_space<vmem>>, vector<16xi32>,
      tpu.vector_store_idx %arg9[%get3A_57], %broadcast_in_dim3A_3 : memref<16384xf32, #tpu.memory_space<vmem>>[vector<16xi32>], vector<16xf32>,
      %get3A_58 = arith.constant 96 : index
      %get3A_59 = tpu.vector_load %arg7[%get3A_58] {strides = array<i32>} : memref<16400xi32, #tpu.memory_space<vmem>>, vector<16xi32>,
      tpu.vector_store_idx %arg9[%get3A_59], %broadcast_in_dim3A_3 : memref<16384xf32, #tpu.memory_space<vmem>>[vector<16xi32>], vector<16xf32>,
      %get3A_60 = arith.constant 112 : index
      %get3A_61 = tpu.vector_load %arg7[%get3A_60] {strides = array<i32>} : memref<16400xi32, #tpu.memory_space<vmem>>, vector<16xi32>,
      tpu.vector_store_idx %arg9[%get3A_61], %broadcast_in_dim3A_3 : memref<16384xf32, #tpu.memory_space<vmem>>[vector<16xi32>], vector<16xf32>,
      %scan3A_62 = arith.constant 0 : i32
      scf.yield %scan3A_62 : i32
    }
    %scan3A_17 = arith.constant 8 : i32
    return
  }
}

#map = affine_map<(d0, d1) -> (0, 0)>
module attributes {stable_mosaic.version = 14 : i64} {
  func.func @_sc_compact_body(%arg0: i32, %arg1: i32, %arg2: memref<256x16384xf32, #tpu.memory_space<hbm>>, %arg3: memref<256x16xf32, #tpu.memory_space<hbm>>, %arg4: memref<256x128xi32, #tpu.memory_space<hbm>>, %arg5: memref<256x16384xf32, #tpu.memory_space<hbm>>, %arg6: memref<16384xf32, #tpu.memory_space<vmem>>, %arg7: memref<16400xi32, #tpu.memory_space<vmem>>, %arg8: memref<8x16xf32, #tpu.memory_space<vmem>>, %arg9: memref<16384xf32, #tpu.memory_space<vmem>>) attributes {dimension_semantics = [#tpu.dimension_semantics<core_parallel>, #tpu.dimension_semantics<subcore_parallel>], iteration_bounds = array<i64: 2, 16>, scalar_prefetch = 0 : i64, scratch_operands = 4 : i64, tpu.core_type = #tpu.core_type<sc_vector_subcore>, window_params = [{transform_indices = #map}, {transform_indices = #map}, {transform_indices = #map}, {transform_indices = #map}]} {
    %mul3A = arith.constant 2 : i32
    %mul3A_0 = arith.muli %arg1, %mul3A : i32
    %add3A = arith.addi %mul3A_0, %arg0 : i32
    %mul3A_1 = arith.constant 8 : i32
    %mul3A_2 = arith.muli %add3A, %mul3A_1 : i32
    "tpu.region"() ({
      %run_scoped3A = tpu.sem_alloc : memref<!tpu.dma_semaphore, #tpu.memory_space<semaphore_mem>>
      %dma_start3A = arith.constant 0 : i32
      %dma_start3A_18 = tpu.memref_slice %arg3[%mul3A_2, %dma_start3A] : memref<256x16xf32, #tpu.memory_space<hbm>> -> memref<8x16xf32, #tpu.memory_space<hbm>>
      %dma_start3A_19 = arith.constant 0 : i32
      %dma_start3A_20 = tpu.memref_slice %arg3[%mul3A_2, %dma_start3A_19] : memref<256x16xf32, #tpu.memory_space<hbm>> -> memref<8x16xf32, #tpu.memory_space<hbm>>
      tpu.enqueue_dma source(%dma_start3A_20 : memref<8x16xf32, #tpu.memory_space<hbm>>) target(%arg8 : memref<8x16xf32, #tpu.memory_space<vmem>>) target_semaphore(%run_scoped3A : memref<!tpu.dma_semaphore, #tpu.memory_space<semaphore_mem>>)
      %dma_wait3A = arith.constant 0 : i32
      %dma_wait3A_21 = tpu.memref_slice %arg3[%mul3A_2, %dma_wait3A] : memref<256x16xf32, #tpu.memory_space<hbm>> -> memref<8x16xf32, #tpu.memory_space<hbm>>
      %dma_wait3A_22 = arith.constant 0 : i32
      %dma_wait3A_23 = tpu.memref_slice %arg3[%mul3A_2, %dma_wait3A_22] : memref<256x16xf32, #tpu.memory_space<hbm>> -> memref<8x16xf32, #tpu.memory_space<hbm>>
      tpu.wait_dma2 semaphore(%run_scoped3A : memref<!tpu.dma_semaphore, #tpu.memory_space<semaphore_mem>>) src(%dma_wait3A_23 : memref<8x16xf32, #tpu.memory_space<hbm>>) dst(%arg8 : memref<8x16xf32, #tpu.memory_space<vmem>>)
      tpu.yield
    }) : () -> ()
    %iota3A = tpu.iota {dimensions = array<i32: 0>} : vector<16xi32>
    %broadcast_in_dim3A = arith.constant 0.000000e+00 : f32
    %broadcast_in_dim3A_3 = vector.broadcast %broadcast_in_dim3A : f32 to vector<16xf32>
    %broadcast_in_dim3A_4 = arith.constant 1.000000e+00 : f32
    %broadcast_in_dim3A_5 = vector.broadcast %broadcast_in_dim3A_4 : f32 to vector<16xf32>
    %scan3A = arith.constant 0 : i32
    %scan3A_6 = arith.constant 0 : i32
    %scan3A_7 = arith.constant 128 : i32
    %scan3A_8 = arith.addi %scan3A_6, %scan3A_7 : i32
    %scan3A_9 = arith.constant 1 : i32
    scf.for %scan3A_18 = %scan3A_6 to %scan3A_8 step %scan3A_9  : i32 {
      %mul3A_19 = arith.constant 128 : i32
      %mul3A_20 = arith.muli %scan3A_18, %mul3A_19 : i32
      %add3A_21 = arith.constant 0 : i32
      %add3A_22 = arith.addi %mul3A_20, %add3A_21 : i32
      %swap3A = arith.index_cast %add3A_22 : i32 to index
      %swap3A_23 = tpu.vector_load %arg9[%swap3A] {strides = array<i32>} : memref<16384xf32, #tpu.memory_space<vmem>>, vector<16xf32>,
      tpu.vector_store %arg9[%swap3A], %broadcast_in_dim3A_3 {strides = array<i32>} : memref<16384xf32, #tpu.memory_space<vmem>>, vector<16xf32>,
      %mul3A_24 = arith.constant 128 : i32
      %mul3A_25 = arith.muli %scan3A_18, %mul3A_24 : i32
      %add3A_26 = arith.constant 16 : i32
      %add3A_27 = arith.addi %mul3A_25, %add3A_26 : i32
      %swap3A_28 = arith.index_cast %add3A_27 : i32 to index
      %swap3A_29 = tpu.vector_load %arg9[%swap3A_28] {strides = array<i32>} : memref<16384xf32, #tpu.memory_space<vmem>>, vector<16xf32>,
      tpu.vector_store %arg9[%swap3A_28], %broadcast_in_dim3A_3 {strides = array<i32>} : memref<16384xf32, #tpu.memory_space<vmem>>, vector<16xf32>,
      %mul3A_30 = arith.constant 128 : i32
      %mul3A_31 = arith.muli %scan3A_18, %mul3A_30 : i32
      %add3A_32 = arith.constant 32 : i32
      %add3A_33 = arith.addi %mul3A_31, %add3A_32 : i32
      %swap3A_34 = arith.index_cast %add3A_33 : i32 to index
      %swap3A_35 = tpu.vector_load %arg9[%swap3A_34] {strides = array<i32>} : memref<16384xf32, #tpu.memory_space<vmem>>, vector<16xf32>,
      tpu.vector_store %arg9[%swap3A_34], %broadcast_in_dim3A_3 {strides = array<i32>} : memref<16384xf32, #tpu.memory_space<vmem>>, vector<16xf32>,
      %mul3A_36 = arith.constant 128 : i32
      %mul3A_37 = arith.muli %scan3A_18, %mul3A_36 : i32
      %add3A_38 = arith.constant 48 : i32
      %add3A_39 = arith.addi %mul3A_37, %add3A_38 : i32
      %swap3A_40 = arith.index_cast %add3A_39 : i32 to index
      %swap3A_41 = tpu.vector_load %arg9[%swap3A_40] {strides = array<i32>} : memref<16384xf32, #tpu.memory_space<vmem>>, vector<16xf32>,
      tpu.vector_store %arg9[%swap3A_40], %broadcast_in_dim3A_3 {strides = array<i32>} : memref<16384xf32, #tpu.memory_space<vmem>>, vector<16xf32>,
      %mul3A_42 = arith.constant 128 : i32
      %mul3A_43 = arith.muli %scan3A_18, %mul3A_42 : i32
      %add3A_44 = arith.constant 64 : i32
      %add3A_45 = arith.addi %mul3A_43, %add3A_44 : i32
      %swap3A_46 = arith.index_cast %add3A_45 : i32 to index
      %swap3A_47 = tpu.vector_load %arg9[%swap3A_46] {strides = array<i32>} : memref<16384xf32, #tpu.memory_space<vmem>>, vector<16xf32>,
      tpu.vector_store %arg9[%swap3A_46], %broadcast_in_dim3A_3 {strides = array<i32>} : memref<16384xf32, #tpu.memory_space<vmem>>, vector<16xf32>,
      %mul3A_48 = arith.constant 128 : i32
      %mul3A_49 = arith.muli %scan3A_18, %mul3A_48 : i32
      %add3A_50 = arith.constant 80 : i32
      %add3A_51 = arith.addi %mul3A_49, %add3A_50 : i32
      %swap3A_52 = arith.index_cast %add3A_51 : i32 to index
      %swap3A_53 = tpu.vector_load %arg9[%swap3A_52] {strides = array<i32>} : memref<16384xf32, #tpu.memory_space<vmem>>, vector<16xf32>,
      tpu.vector_store %arg9[%swap3A_52], %broadcast_in_dim3A_3 {strides = array<i32>} : memref<16384xf32, #tpu.memory_space<vmem>>, vector<16xf32>,
      %mul3A_54 = arith.constant 128 : i32
      %mul3A_55 = arith.muli %scan3A_18, %mul3A_54 : i32
      %add3A_56 = arith.constant 96 : i32
      %add3A_57 = arith.addi %mul3A_55, %add3A_56 : i32
      %swap3A_58 = arith.index_cast %add3A_57 : i32 to index
      %swap3A_59 = tpu.vector_load %arg9[%swap3A_58] {strides = array<i32>} : memref<16384xf32, #tpu.memory_space<vmem>>, vector<16xf32>,
      tpu.vector_store %arg9[%swap3A_58], %broadcast_in_dim3A_3 {strides = array<i32>} : memref<16384xf32, #tpu.memory_space<vmem>>, vector<16xf32>,
      %mul3A_60 = arith.constant 128 : i32
      %mul3A_61 = arith.muli %scan3A_18, %mul3A_60 : i32
      %add3A_62 = arith.constant 112 : i32
      %add3A_63 = arith.addi %mul3A_61, %add3A_62 : i32
      %swap3A_64 = arith.index_cast %add3A_63 : i32 to index
      %swap3A_65 = tpu.vector_load %arg9[%swap3A_64] {strides = array<i32>} : memref<16384xf32, #tpu.memory_space<vmem>>, vector<16xf32>,
      tpu.vector_store %arg9[%swap3A_64], %broadcast_in_dim3A_3 {strides = array<i32>} : memref<16384xf32, #tpu.memory_space<vmem>>, vector<16xf32>,
    }
    %scan3A_10 = arith.constant 128 : i32
    %scan3A_11 = arith.constant 0 : i32
    %scan3A_12 = arith.constant 0 : i32
    %scan3A_13 = arith.constant 8 : i32
    %scan3A_14 = arith.addi %scan3A_12, %scan3A_13 : i32
    %scan3A_15 = arith.constant 1 : i32
    %scan3A_16 = scf.for %scan3A_18 = %scan3A_12 to %scan3A_14 step %scan3A_15 iter_args(%scan3A_19 = %scan3A_11) -> (i32)  : i32 {
      %add3A_20 = arith.addi %mul3A_2, %scan3A_18 : i32
      "tpu.region"() ({
        %run_scoped3A = tpu.sem_alloc : memref<!tpu.dma_semaphore, #tpu.memory_space<semaphore_mem>>
        %dma_start3A = arith.constant 0 : i32
        %dma_start3A_63 = tpu.memref_slice %arg2[%add3A_20, %dma_start3A] : memref<256x16384xf32, #tpu.memory_space<hbm>> -> memref<1x16384xf32, #tpu.memory_space<hbm>>
        %dma_start3A_64 = tpu.memref_squeeze %dma_start3A_63 : memref<1x16384xf32, #tpu.memory_space<hbm>> -> memref<16384xf32, #tpu.memory_space<hbm>>
        %dma_start3A_65 = arith.constant 0 : i32
        %dma_start3A_66 = tpu.memref_slice %arg2[%add3A_20, %dma_start3A_65] : memref<256x16384xf32, #tpu.memory_space<hbm>> -> memref<1x16384xf32, #tpu.memory_space<hbm>>
        %dma_start3A_67 = tpu.memref_squeeze %dma_start3A_66 : memref<1x16384xf32, #tpu.memory_space<hbm>> -> memref<16384xf32, #tpu.memory_space<hbm>>
        tpu.enqueue_dma source(%dma_start3A_67 : memref<16384xf32, #tpu.memory_space<hbm>>) target(%arg6 : memref<16384xf32, #tpu.memory_space<vmem>>) target_semaphore(%run_scoped3A : memref<!tpu.dma_semaphore, #tpu.memory_space<semaphore_mem>>)
        %dma_wait3A = arith.constant 0 : i32
        %dma_wait3A_68 = tpu.memref_slice %arg2[%add3A_20, %dma_wait3A] : memref<256x16384xf32, #tpu.memory_space<hbm>> -> memref<1x16384xf32, #tpu.memory_space<hbm>>
        %dma_wait3A_69 = tpu.memref_squeeze %dma_wait3A_68 : memref<1x16384xf32, #tpu.memory_space<hbm>> -> memref<16384xf32, #tpu.memory_space<hbm>>
        %dma_wait3A_70 = arith.constant 0 : i32
        %dma_wait3A_71 = tpu.memref_slice %arg2[%add3A_20, %dma_wait3A_70] : memref<256x16384xf32, #tpu.memory_space<hbm>> -> memref<1x16384xf32, #tpu.memory_space<hbm>>
        %dma_wait3A_72 = tpu.memref_squeeze %dma_wait3A_71 : memref<1x16384xf32, #tpu.memory_space<hbm>> -> memref<16384xf32, #tpu.memory_space<hbm>>
        tpu.wait_dma2 semaphore(%run_scoped3A : memref<!tpu.dma_semaphore, #tpu.memory_space<semaphore_mem>>) src(%dma_wait3A_72 : memref<16384xf32, #tpu.memory_space<hbm>>) dst(%arg6 : memref<16384xf32, #tpu.memory_space<vmem>>)
        tpu.yield
      }) : () -> ()
      %get3A = arith.index_cast %scan3A_18 : i32 to index
      %get3A_21 = arith.constant 0 : index
      %get3A_22 = tpu.vector_load %arg8[%get3A, %get3A_21] {strides = array<i32>} : memref<8x16xf32, #tpu.memory_space<vmem>>, vector<16xf32>,
      %scan3A_23 = arith.constant 0 : i32
      %scan3A_24 = arith.constant 0 : i32
      %scan3A_25 = arith.constant 128 : i32
      %scan3A_26 = arith.addi %scan3A_24, %scan3A_25 : i32
      %scan3A_27 = arith.constant 1 : i32
      %scan3A_28 = scf.for %scan3A_63 = %scan3A_24 to %scan3A_26 step %scan3A_27 iter_args(%scan3A_64 = %scan3A_23) -> (i32)  : i32 {
        %mul3A_65 = arith.constant 128 : i32
        %mul3A_66 = arith.muli %scan3A_63, %mul3A_65 : i32
        %add3A_67 = arith.constant 0 : i32
        %add3A_68 = arith.addi %mul3A_66, %add3A_67 : i32
        %get3A_69 = arith.index_cast %add3A_68 : i32 to index
        %get3A_70 = tpu.vector_load %arg6[%get3A_69] {strides = array<i32>} : memref<16384xf32, #tpu.memory_space<vmem>>, vector<16xf32>,
        %le3A = arith.cmpf ole, %get3A_70, %get3A_22 : vector<16xf32>
        %convert_element_type3A = arith.extui %le3A : vector<16xi1> to vector<16xi32>
        %broadcast_in_dim3A_71 = arith.constant true
        %broadcast_in_dim3A_72 = vector.broadcast %broadcast_in_dim3A_71 : i1 to vector<16xi1>
        %masked_cumsum3A = tpu.scan <sum>, %convert_element_type3A masked %broadcast_in_dim3A_72 : vector<16xi32>, vector<16xi1> -> vector<16xi32>
        %add3A_73 = vector.broadcast %scan3A_64 : i32 to vector<16xi32>
        %add3A_74 = arith.addi %add3A_73, %masked_cumsum3A : vector<16xi32>
        %sub3A = arith.constant 1 : i32
        %sub3A_75 = vector.broadcast %sub3A : i32 to vector<16xi32>
        %sub3A_76 = arith.subi %add3A_74, %sub3A_75 : vector<16xi32>
        %jit3A = arith.constant 16384 : i32
        %broadcast_in_dim3A_77 = vector.broadcast %jit3A : i32 to vector<16xi32>
        %select_n3A = arith.select %le3A, %sub3A_76, %broadcast_in_dim3A_77 : vector<16xi1>, vector<16xi32>
        %add3A_78 = vector.broadcast %add3A_68 : i32 to vector<16xi32>
        %add3A_79 = arith.addi %iota3A, %add3A_78 : vector<16xi32>
        tpu.vector_store_idx %arg7[%select_n3A], %add3A_79 : memref<16400xi32, #tpu.memory_space<vmem>>[vector<16xi32>], vector<16xi32>,
        %all_reduce_population_count3A = tpu.all_reduce %le3A {dim = 0 : i64, kind = #tpu.reduction_kind<sum>} : vector<16xi1> -> vector<16xi32>
        %slice3A = vector.extract_strided_slice %all_reduce_population_count3A {offsets = [0], sizes = [1], strides = [1]} : vector<16xi32> to vector<1xi32>
        %squeeze3A = vector.extract %slice3A[0] : i32 from vector<1xi32>
        %add3A_80 = arith.addi %scan3A_64, %squeeze3A : i32
        %mul3A_81 = arith.constant 128 : i32
        %mul3A_82 = arith.muli %scan3A_63, %mul3A_81 : i32
        %add3A_83 = arith.constant 16 : i32
        %add3A_84 = arith.addi %mul3A_82, %add3A_83 : i32
        %get3A_85 = arith.index_cast %add3A_84 : i32 to index
        %get3A_86 = tpu.vector_load %arg6[%get3A_85] {strides = array<i32>} : memref<16384xf32, #tpu.memory_space<vmem>>, vector<16xf32>,
        %le3A_87 = arith.cmpf ole, %get3A_86, %get3A_22 : vector<16xf32>
        %convert_element_type3A_88 = arith.extui %le3A_87 : vector<16xi1> to vector<16xi32>
        %broadcast_in_dim3A_89 = arith.constant true
        %broadcast_in_dim3A_90 = vector.broadcast %broadcast_in_dim3A_89 : i1 to vector<16xi1>
        %masked_cumsum3A_91 = tpu.scan <sum>, %convert_element_type3A_88 masked %broadcast_in_dim3A_90 : vector<16xi32>, vector<16xi1> -> vector<16xi32>
        %add3A_92 = vector.broadcast %add3A_80 : i32 to vector<16xi32>
        %add3A_93 = arith.addi %add3A_92, %masked_cumsum3A_91 : vector<16xi32>
        %sub3A_94 = arith.constant 1 : i32
        %sub3A_95 = vector.broadcast %sub3A_94 : i32 to vector<16xi32>
        %sub3A_96 = arith.subi %add3A_93, %sub3A_95 : vector<16xi32>
        %jit3A_97 = arith.constant 16384 : i32
        %broadcast_in_dim3A_98 = vector.broadcast %jit3A_97 : i32 to vector<16xi32>
        %select_n3A_99 = arith.select %le3A_87, %sub3A_96, %broadcast_in_dim3A_98 : vector<16xi1>, vector<16xi32>
        %add3A_100 = vector.broadcast %add3A_84 : i32 to vector<16xi32>
        %add3A_101 = arith.addi %iota3A, %add3A_100 : vector<16xi32>
        tpu.vector_store_idx %arg7[%select_n3A_99], %add3A_101 : memref<16400xi32, #tpu.memory_space<vmem>>[vector<16xi32>], vector<16xi32>,
        %all_reduce_population_count3A_102 = tpu.all_reduce %le3A_87 {dim = 0 : i64, kind = #tpu.reduction_kind<sum>} : vector<16xi1> -> vector<16xi32>
        %slice3A_103 = vector.extract_strided_slice %all_reduce_population_count3A_102 {offsets = [0], sizes = [1], strides = [1]} : vector<16xi32> to vector<1xi32>
        %squeeze3A_104 = vector.extract %slice3A_103[0] : i32 from vector<1xi32>
        %add3A_105 = arith.addi %add3A_80, %squeeze3A_104 : i32
        %mul3A_106 = arith.constant 128 : i32
        %mul3A_107 = arith.muli %scan3A_63, %mul3A_106 : i32
        %add3A_108 = arith.constant 32 : i32
        %add3A_109 = arith.addi %mul3A_107, %add3A_108 : i32
        %get3A_110 = arith.index_cast %add3A_109 : i32 to index
        %get3A_111 = tpu.vector_load %arg6[%get3A_110] {strides = array<i32>} : memref<16384xf32, #tpu.memory_space<vmem>>, vector<16xf32>,
        %le3A_112 = arith.cmpf ole, %get3A_111, %get3A_22 : vector<16xf32>
        %convert_element_type3A_113 = arith.extui %le3A_112 : vector<16xi1> to vector<16xi32>
        %broadcast_in_dim3A_114 = arith.constant true
        %broadcast_in_dim3A_115 = vector.broadcast %broadcast_in_dim3A_114 : i1 to vector<16xi1>
        %masked_cumsum3A_116 = tpu.scan <sum>, %convert_element_type3A_113 masked %broadcast_in_dim3A_115 : vector<16xi32>, vector<16xi1> -> vector<16xi32>
        %add3A_117 = vector.broadcast %add3A_105 : i32 to vector<16xi32>
        %add3A_118 = arith.addi %add3A_117, %masked_cumsum3A_116 : vector<16xi32>
        %sub3A_119 = arith.constant 1 : i32
        %sub3A_120 = vector.broadcast %sub3A_119 : i32 to vector<16xi32>
        %sub3A_121 = arith.subi %add3A_118, %sub3A_120 : vector<16xi32>
        %jit3A_122 = arith.constant 16384 : i32
        %broadcast_in_dim3A_123 = vector.broadcast %jit3A_122 : i32 to vector<16xi32>
        %select_n3A_124 = arith.select %le3A_112, %sub3A_121, %broadcast_in_dim3A_123 : vector<16xi1>, vector<16xi32>
        %add3A_125 = vector.broadcast %add3A_109 : i32 to vector<16xi32>
        %add3A_126 = arith.addi %iota3A, %add3A_125 : vector<16xi32>
        tpu.vector_store_idx %arg7[%select_n3A_124], %add3A_126 : memref<16400xi32, #tpu.memory_space<vmem>>[vector<16xi32>], vector<16xi32>,
        %all_reduce_population_count3A_127 = tpu.all_reduce %le3A_112 {dim = 0 : i64, kind = #tpu.reduction_kind<sum>} : vector<16xi1> -> vector<16xi32>
        %slice3A_128 = vector.extract_strided_slice %all_reduce_population_count3A_127 {offsets = [0], sizes = [1], strides = [1]} : vector<16xi32> to vector<1xi32>
        %squeeze3A_129 = vector.extract %slice3A_128[0] : i32 from vector<1xi32>
        %add3A_130 = arith.addi %add3A_105, %squeeze3A_129 : i32
        %mul3A_131 = arith.constant 128 : i32
        %mul3A_132 = arith.muli %scan3A_63, %mul3A_131 : i32
        %add3A_133 = arith.constant 48 : i32
        %add3A_134 = arith.addi %mul3A_132, %add3A_133 : i32
        %get3A_135 = arith.index_cast %add3A_134 : i32 to index
        %get3A_136 = tpu.vector_load %arg6[%get3A_135] {strides = array<i32>} : memref<16384xf32, #tpu.memory_space<vmem>>, vector<16xf32>,
        %le3A_137 = arith.cmpf ole, %get3A_136, %get3A_22 : vector<16xf32>
        %convert_element_type3A_138 = arith.extui %le3A_137 : vector<16xi1> to vector<16xi32>
        %broadcast_in_dim3A_139 = arith.constant true
        %broadcast_in_dim3A_140 = vector.broadcast %broadcast_in_dim3A_139 : i1 to vector<16xi1>
        %masked_cumsum3A_141 = tpu.scan <sum>, %convert_element_type3A_138 masked %broadcast_in_dim3A_140 : vector<16xi32>, vector<16xi1> -> vector<16xi32>
        %add3A_142 = vector.broadcast %add3A_130 : i32 to vector<16xi32>
        %add3A_143 = arith.addi %add3A_142, %masked_cumsum3A_141 : vector<16xi32>
        %sub3A_144 = arith.constant 1 : i32
        %sub3A_145 = vector.broadcast %sub3A_144 : i32 to vector<16xi32>
        %sub3A_146 = arith.subi %add3A_143, %sub3A_145 : vector<16xi32>
        %jit3A_147 = arith.constant 16384 : i32
        %broadcast_in_dim3A_148 = vector.broadcast %jit3A_147 : i32 to vector<16xi32>
        %select_n3A_149 = arith.select %le3A_137, %sub3A_146, %broadcast_in_dim3A_148 : vector<16xi1>, vector<16xi32>
        %add3A_150 = vector.broadcast %add3A_134 : i32 to vector<16xi32>
        %add3A_151 = arith.addi %iota3A, %add3A_150 : vector<16xi32>
        tpu.vector_store_idx %arg7[%select_n3A_149], %add3A_151 : memref<16400xi32, #tpu.memory_space<vmem>>[vector<16xi32>], vector<16xi32>,
        %all_reduce_population_count3A_152 = tpu.all_reduce %le3A_137 {dim = 0 : i64, kind = #tpu.reduction_kind<sum>} : vector<16xi1> -> vector<16xi32>
        %slice3A_153 = vector.extract_strided_slice %all_reduce_population_count3A_152 {offsets = [0], sizes = [1], strides = [1]} : vector<16xi32> to vector<1xi32>
        %squeeze3A_154 = vector.extract %slice3A_153[0] : i32 from vector<1xi32>
        %add3A_155 = arith.addi %add3A_130, %squeeze3A_154 : i32
        %mul3A_156 = arith.constant 128 : i32
        %mul3A_157 = arith.muli %scan3A_63, %mul3A_156 : i32
        %add3A_158 = arith.constant 64 : i32
        %add3A_159 = arith.addi %mul3A_157, %add3A_158 : i32
        %get3A_160 = arith.index_cast %add3A_159 : i32 to index
        %get3A_161 = tpu.vector_load %arg6[%get3A_160] {strides = array<i32>} : memref<16384xf32, #tpu.memory_space<vmem>>, vector<16xf32>,
        %le3A_162 = arith.cmpf ole, %get3A_161, %get3A_22 : vector<16xf32>
        %convert_element_type3A_163 = arith.extui %le3A_162 : vector<16xi1> to vector<16xi32>
        %broadcast_in_dim3A_164 = arith.constant true
        %broadcast_in_dim3A_165 = vector.broadcast %broadcast_in_dim3A_164 : i1 to vector<16xi1>
        %masked_cumsum3A_166 = tpu.scan <sum>, %convert_element_type3A_163 masked %broadcast_in_dim3A_165 : vector<16xi32>, vector<16xi1> -> vector<16xi32>
        %add3A_167 = vector.broadcast %add3A_155 : i32 to vector<16xi32>
        %add3A_168 = arith.addi %add3A_167, %masked_cumsum3A_166 : vector<16xi32>
        %sub3A_169 = arith.constant 1 : i32
        %sub3A_170 = vector.broadcast %sub3A_169 : i32 to vector<16xi32>
        %sub3A_171 = arith.subi %add3A_168, %sub3A_170 : vector<16xi32>
        %jit3A_172 = arith.constant 16384 : i32
        %broadcast_in_dim3A_173 = vector.broadcast %jit3A_172 : i32 to vector<16xi32>
        %select_n3A_174 = arith.select %le3A_162, %sub3A_171, %broadcast_in_dim3A_173 : vector<16xi1>, vector<16xi32>
        %add3A_175 = vector.broadcast %add3A_159 : i32 to vector<16xi32>
        %add3A_176 = arith.addi %iota3A, %add3A_175 : vector<16xi32>
        tpu.vector_store_idx %arg7[%select_n3A_174], %add3A_176 : memref<16400xi32, #tpu.memory_space<vmem>>[vector<16xi32>], vector<16xi32>,
        %all_reduce_population_count3A_177 = tpu.all_reduce %le3A_162 {dim = 0 : i64, kind = #tpu.reduction_kind<sum>} : vector<16xi1> -> vector<16xi32>
        %slice3A_178 = vector.extract_strided_slice %all_reduce_population_count3A_177 {offsets = [0], sizes = [1], strides = [1]} : vector<16xi32> to vector<1xi32>
        %squeeze3A_179 = vector.extract %slice3A_178[0] : i32 from vector<1xi32>
        %add3A_180 = arith.addi %add3A_155, %squeeze3A_179 : i32
        %mul3A_181 = arith.constant 128 : i32
        %mul3A_182 = arith.muli %scan3A_63, %mul3A_181 : i32
        %add3A_183 = arith.constant 80 : i32
        %add3A_184 = arith.addi %mul3A_182, %add3A_183 : i32
        %get3A_185 = arith.index_cast %add3A_184 : i32 to index
        %get3A_186 = tpu.vector_load %arg6[%get3A_185] {strides = array<i32>} : memref<16384xf32, #tpu.memory_space<vmem>>, vector<16xf32>,
        %le3A_187 = arith.cmpf ole, %get3A_186, %get3A_22 : vector<16xf32>
        %convert_element_type3A_188 = arith.extui %le3A_187 : vector<16xi1> to vector<16xi32>
        %broadcast_in_dim3A_189 = arith.constant true
        %broadcast_in_dim3A_190 = vector.broadcast %broadcast_in_dim3A_189 : i1 to vector<16xi1>
        %masked_cumsum3A_191 = tpu.scan <sum>, %convert_element_type3A_188 masked %broadcast_in_dim3A_190 : vector<16xi32>, vector<16xi1> -> vector<16xi32>
        %add3A_192 = vector.broadcast %add3A_180 : i32 to vector<16xi32>
        %add3A_193 = arith.addi %add3A_192, %masked_cumsum3A_191 : vector<16xi32>
        %sub3A_194 = arith.constant 1 : i32
        %sub3A_195 = vector.broadcast %sub3A_194 : i32 to vector<16xi32>
        %sub3A_196 = arith.subi %add3A_193, %sub3A_195 : vector<16xi32>
        %jit3A_197 = arith.constant 16384 : i32
        %broadcast_in_dim3A_198 = vector.broadcast %jit3A_197 : i32 to vector<16xi32>
        %select_n3A_199 = arith.select %le3A_187, %sub3A_196, %broadcast_in_dim3A_198 : vector<16xi1>, vector<16xi32>
        %add3A_200 = vector.broadcast %add3A_184 : i32 to vector<16xi32>
        %add3A_201 = arith.addi %iota3A, %add3A_200 : vector<16xi32>
        tpu.vector_store_idx %arg7[%select_n3A_199], %add3A_201 : memref<16400xi32, #tpu.memory_space<vmem>>[vector<16xi32>], vector<16xi32>,
        %all_reduce_population_count3A_202 = tpu.all_reduce %le3A_187 {dim = 0 : i64, kind = #tpu.reduction_kind<sum>} : vector<16xi1> -> vector<16xi32>
        %slice3A_203 = vector.extract_strided_slice %all_reduce_population_count3A_202 {offsets = [0], sizes = [1], strides = [1]} : vector<16xi32> to vector<1xi32>
        %squeeze3A_204 = vector.extract %slice3A_203[0] : i32 from vector<1xi32>
        %add3A_205 = arith.addi %add3A_180, %squeeze3A_204 : i32
        %mul3A_206 = arith.constant 128 : i32
        %mul3A_207 = arith.muli %scan3A_63, %mul3A_206 : i32
        %add3A_208 = arith.constant 96 : i32
        %add3A_209 = arith.addi %mul3A_207, %add3A_208 : i32
        %get3A_210 = arith.index_cast %add3A_209 : i32 to index
        %get3A_211 = tpu.vector_load %arg6[%get3A_210] {strides = array<i32>} : memref<16384xf32, #tpu.memory_space<vmem>>, vector<16xf32>,
        %le3A_212 = arith.cmpf ole, %get3A_211, %get3A_22 : vector<16xf32>
        %convert_element_type3A_213 = arith.extui %le3A_212 : vector<16xi1> to vector<16xi32>
        %broadcast_in_dim3A_214 = arith.constant true
        %broadcast_in_dim3A_215 = vector.broadcast %broadcast_in_dim3A_214 : i1 to vector<16xi1>
        %masked_cumsum3A_216 = tpu.scan <sum>, %convert_element_type3A_213 masked %broadcast_in_dim3A_215 : vector<16xi32>, vector<16xi1> -> vector<16xi32>
        %add3A_217 = vector.broadcast %add3A_205 : i32 to vector<16xi32>
        %add3A_218 = arith.addi %add3A_217, %masked_cumsum3A_216 : vector<16xi32>
        %sub3A_219 = arith.constant 1 : i32
        %sub3A_220 = vector.broadcast %sub3A_219 : i32 to vector<16xi32>
        %sub3A_221 = arith.subi %add3A_218, %sub3A_220 : vector<16xi32>
        %jit3A_222 = arith.constant 16384 : i32
        %broadcast_in_dim3A_223 = vector.broadcast %jit3A_222 : i32 to vector<16xi32>
        %select_n3A_224 = arith.select %le3A_212, %sub3A_221, %broadcast_in_dim3A_223 : vector<16xi1>, vector<16xi32>
        %add3A_225 = vector.broadcast %add3A_209 : i32 to vector<16xi32>
        %add3A_226 = arith.addi %iota3A, %add3A_225 : vector<16xi32>
        tpu.vector_store_idx %arg7[%select_n3A_224], %add3A_226 : memref<16400xi32, #tpu.memory_space<vmem>>[vector<16xi32>], vector<16xi32>,
        %all_reduce_population_count3A_227 = tpu.all_reduce %le3A_212 {dim = 0 : i64, kind = #tpu.reduction_kind<sum>} : vector<16xi1> -> vector<16xi32>
        %slice3A_228 = vector.extract_strided_slice %all_reduce_population_count3A_227 {offsets = [0], sizes = [1], strides = [1]} : vector<16xi32> to vector<1xi32>
        %squeeze3A_229 = vector.extract %slice3A_228[0] : i32 from vector<1xi32>
        %add3A_230 = arith.addi %add3A_205, %squeeze3A_229 : i32
        %mul3A_231 = arith.constant 128 : i32
        %mul3A_232 = arith.muli %scan3A_63, %mul3A_231 : i32
        %add3A_233 = arith.constant 112 : i32
        %add3A_234 = arith.addi %mul3A_232, %add3A_233 : i32
        %get3A_235 = arith.index_cast %add3A_234 : i32 to index
        %get3A_236 = tpu.vector_load %arg6[%get3A_235] {strides = array<i32>} : memref<16384xf32, #tpu.memory_space<vmem>>, vector<16xf32>,
        %le3A_237 = arith.cmpf ole, %get3A_236, %get3A_22 : vector<16xf32>
        %convert_element_type3A_238 = arith.extui %le3A_237 : vector<16xi1> to vector<16xi32>
        %broadcast_in_dim3A_239 = arith.constant true
        %broadcast_in_dim3A_240 = vector.broadcast %broadcast_in_dim3A_239 : i1 to vector<16xi1>
        %masked_cumsum3A_241 = tpu.scan <sum>, %convert_element_type3A_238 masked %broadcast_in_dim3A_240 : vector<16xi32>, vector<16xi1> -> vector<16xi32>
        %add3A_242 = vector.broadcast %add3A_230 : i32 to vector<16xi32>
        %add3A_243 = arith.addi %add3A_242, %masked_cumsum3A_241 : vector<16xi32>
        %sub3A_244 = arith.constant 1 : i32
        %sub3A_245 = vector.broadcast %sub3A_244 : i32 to vector<16xi32>
        %sub3A_246 = arith.subi %add3A_243, %sub3A_245 : vector<16xi32>
        %jit3A_247 = arith.constant 16384 : i32
        %broadcast_in_dim3A_248 = vector.broadcast %jit3A_247 : i32 to vector<16xi32>
        %select_n3A_249 = arith.select %le3A_237, %sub3A_246, %broadcast_in_dim3A_248 : vector<16xi1>, vector<16xi32>
        %add3A_250 = vector.broadcast %add3A_234 : i32 to vector<16xi32>
        %add3A_251 = arith.addi %iota3A, %add3A_250 : vector<16xi32>
        tpu.vector_store_idx %arg7[%select_n3A_249], %add3A_251 : memref<16400xi32, #tpu.memory_space<vmem>>[vector<16xi32>], vector<16xi32>,
        %all_reduce_population_count3A_252 = tpu.all_reduce %le3A_237 {dim = 0 : i64, kind = #tpu.reduction_kind<sum>} : vector<16xi1> -> vector<16xi32>
        %slice3A_253 = vector.extract_strided_slice %all_reduce_population_count3A_252 {offsets = [0], sizes = [1], strides = [1]} : vector<16xi32> to vector<1xi32>
        %squeeze3A_254 = vector.extract %slice3A_253[0] : i32 from vector<1xi32>
        %add3A_255 = arith.addi %add3A_230, %squeeze3A_254 : i32
        scf.yield %add3A_255 : i32
      }
      %scan3A_29 = arith.constant 128 : i32
      "tpu.region"() ({
        %run_scoped3A = tpu.sem_alloc : memref<!tpu.dma_semaphore, #tpu.memory_space<semaphore_mem>>
        %dma_start3A = arith.constant 0 : i32
        %dma_start3A_63 = tpu.memref_slice %arg7[%dma_start3A] : memref<16400xi32, #tpu.memory_space<vmem>> -> memref<128xi32, #tpu.memory_space<vmem>>
        %dma_start3A_64 = arith.constant 0 : i32
        %dma_start3A_65 = tpu.memref_slice %arg4[%add3A_20, %dma_start3A_64] : memref<256x128xi32, #tpu.memory_space<hbm>> -> memref<1x128xi32, #tpu.memory_space<hbm>>
        %dma_start3A_66 = tpu.memref_squeeze %dma_start3A_65 : memref<1x128xi32, #tpu.memory_space<hbm>> -> memref<128xi32, #tpu.memory_space<hbm>>
        %dma_start3A_67 = arith.constant 0 : i32
        %dma_start3A_68 = tpu.memref_slice %arg4[%add3A_20, %dma_start3A_67] : memref<256x128xi32, #tpu.memory_space<hbm>> -> memref<1x128xi32, #tpu.memory_space<hbm>>
        %dma_start3A_69 = tpu.memref_squeeze %dma_start3A_68 : memref<1x128xi32, #tpu.memory_space<hbm>> -> memref<128xi32, #tpu.memory_space<hbm>>
        %dma_start3A_70 = arith.constant 0 : i32
        %dma_start3A_71 = tpu.memref_slice %arg7[%dma_start3A_70] : memref<16400xi32, #tpu.memory_space<vmem>> -> memref<128xi32, #tpu.memory_space<vmem>>
        tpu.enqueue_dma source(%dma_start3A_71 : memref<128xi32, #tpu.memory_space<vmem>>) target(%dma_start3A_69 : memref<128xi32, #tpu.memory_space<hbm>>) target_semaphore(%run_scoped3A : memref<!tpu.dma_semaphore, #tpu.memory_space<semaphore_mem>>)
        %dma_wait3A = arith.constant 0 : i32
        %dma_wait3A_72 = tpu.memref_slice %arg7[%dma_wait3A] : memref<16400xi32, #tpu.memory_space<vmem>> -> memref<128xi32, #tpu.memory_space<vmem>>
        %dma_wait3A_73 = arith.constant 0 : i32
        %dma_wait3A_74 = tpu.memref_slice %arg4[%add3A_20, %dma_wait3A_73] : memref<256x128xi32, #tpu.memory_space<hbm>> -> memref<1x128xi32, #tpu.memory_space<hbm>>
        %dma_wait3A_75 = tpu.memref_squeeze %dma_wait3A_74 : memref<1x128xi32, #tpu.memory_space<hbm>> -> memref<128xi32, #tpu.memory_space<hbm>>
        %dma_wait3A_76 = arith.constant 0 : i32
        %dma_wait3A_77 = tpu.memref_slice %arg4[%add3A_20, %dma_wait3A_76] : memref<256x128xi32, #tpu.memory_space<hbm>> -> memref<1x128xi32, #tpu.memory_space<hbm>>
        %dma_wait3A_78 = tpu.memref_squeeze %dma_wait3A_77 : memref<1x128xi32, #tpu.memory_space<hbm>> -> memref<128xi32, #tpu.memory_space<hbm>>
        %dma_wait3A_79 = arith.constant 0 : i32
        %dma_wait3A_80 = tpu.memref_slice %arg7[%dma_wait3A_79] : memref<16400xi32, #tpu.memory_space<vmem>> -> memref<128xi32, #tpu.memory_space<vmem>>
        tpu.wait_dma2 semaphore(%run_scoped3A : memref<!tpu.dma_semaphore, #tpu.memory_space<semaphore_mem>>) src(%dma_wait3A_80 : memref<128xi32, #tpu.memory_space<vmem>>) dst(%dma_wait3A_78 : memref<128xi32, #tpu.memory_space<hbm>>)
        tpu.yield
      }) : () -> ()
      %get3A_30 = arith.constant 0 : index
      %get3A_31 = tpu.vector_load %arg7[%get3A_30] {strides = array<i32>} : memref<16400xi32, #tpu.memory_space<vmem>>, vector<16xi32>,
      tpu.vector_store_idx %arg9[%get3A_31], %broadcast_in_dim3A_5 : memref<16384xf32, #tpu.memory_space<vmem>>[vector<16xi32>], vector<16xf32>,
      %get3A_32 = arith.constant 16 : index
      %get3A_33 = tpu.vector_load %arg7[%get3A_32] {strides = array<i32>} : memref<16400xi32, #tpu.memory_space<vmem>>, vector<16xi32>,
      tpu.vector_store_idx %arg9[%get3A_33], %broadcast_in_dim3A_5 : memref<16384xf32, #tpu.memory_space<vmem>>[vector<16xi32>], vector<16xf32>,
      %get3A_34 = arith.constant 32 : index
      %get3A_35 = tpu.vector_load %arg7[%get3A_34] {strides = array<i32>} : memref<16400xi32, #tpu.memory_space<vmem>>, vector<16xi32>,
      tpu.vector_store_idx %arg9[%get3A_35], %broadcast_in_dim3A_5 : memref<16384xf32, #tpu.memory_space<vmem>>[vector<16xi32>], vector<16xf32>,
      %get3A_36 = arith.constant 48 : index
      %get3A_37 = tpu.vector_load %arg7[%get3A_36] {strides = array<i32>} : memref<16400xi32, #tpu.memory_space<vmem>>, vector<16xi32>,
      tpu.vector_store_idx %arg9[%get3A_37], %broadcast_in_dim3A_5 : memref<16384xf32, #tpu.memory_space<vmem>>[vector<16xi32>], vector<16xf32>,
      %get3A_38 = arith.constant 64 : index
      %get3A_39 = tpu.vector_load %arg7[%get3A_38] {strides = array<i32>} : memref<16400xi32, #tpu.memory_space<vmem>>, vector<16xi32>,
      tpu.vector_store_idx %arg9[%get3A_39], %broadcast_in_dim3A_5 : memref<16384xf32, #tpu.memory_space<vmem>>[vector<16xi32>], vector<16xf32>,
      %get3A_40 = arith.constant 80 : index
      %get3A_41 = tpu.vector_load %arg7[%get3A_40] {strides = array<i32>} : memref<16400xi32, #tpu.memory_space<vmem>>, vector<16xi32>,
      tpu.vector_store_idx %arg9[%get3A_41], %broadcast_in_dim3A_5 : memref<16384xf32, #tpu.memory_space<vmem>>[vector<16xi32>], vector<16xf32>,
      %get3A_42 = arith.constant 96 : index
      %get3A_43 = tpu.vector_load %arg7[%get3A_42] {strides = array<i32>} : memref<16400xi32, #tpu.memory_space<vmem>>, vector<16xi32>,
      tpu.vector_store_idx %arg9[%get3A_43], %broadcast_in_dim3A_5 : memref<16384xf32, #tpu.memory_space<vmem>>[vector<16xi32>], vector<16xf32>,
      %get3A_44 = arith.constant 112 : index
      %get3A_45 = tpu.vector_load %arg7[%get3A_44] {strides = array<i32>} : memref<16400xi32, #tpu.memory_space<vmem>>, vector<16xi32>,
      tpu.vector_store_idx %arg9[%get3A_45], %broadcast_in_dim3A_5 : memref<16384xf32, #tpu.memory_space<vmem>>[vector<16xi32>], vector<16xf32>,
      "tpu.region"() ({
        %run_scoped3A = tpu.sem_alloc : memref<!tpu.dma_semaphore, #tpu.memory_space<semaphore_mem>>
        %dma_start3A = arith.constant 0 : i32
        %dma_start3A_63 = tpu.memref_slice %arg5[%add3A_20, %dma_start3A] : memref<256x16384xf32, #tpu.memory_space<hbm>> -> memref<1x16384xf32, #tpu.memory_space<hbm>>
        %dma_start3A_64 = tpu.memref_squeeze %dma_start3A_63 : memref<1x16384xf32, #tpu.memory_space<hbm>> -> memref<16384xf32, #tpu.memory_space<hbm>>
        %dma_start3A_65 = arith.constant 0 : i32
        %dma_start3A_66 = tpu.memref_slice %arg5[%add3A_20, %dma_start3A_65] : memref<256x16384xf32, #tpu.memory_space<hbm>> -> memref<1x16384xf32, #tpu.memory_space<hbm>>
        %dma_start3A_67 = tpu.memref_squeeze %dma_start3A_66 : memref<1x16384xf32, #tpu.memory_space<hbm>> -> memref<16384xf32, #tpu.memory_space<hbm>>
        tpu.enqueue_dma source(%arg9 : memref<16384xf32, #tpu.memory_space<vmem>>) target(%dma_start3A_67 : memref<16384xf32, #tpu.memory_space<hbm>>) target_semaphore(%run_scoped3A : memref<!tpu.dma_semaphore, #tpu.memory_space<semaphore_mem>>)
        %dma_wait3A = arith.constant 0 : i32
        %dma_wait3A_68 = tpu.memref_slice %arg5[%add3A_20, %dma_wait3A] : memref<256x16384xf32, #tpu.memory_space<hbm>> -> memref<1x16384xf32, #tpu.memory_space<hbm>>
        %dma_wait3A_69 = tpu.memref_squeeze %dma_wait3A_68 : memref<1x16384xf32, #tpu.memory_space<hbm>> -> memref<16384xf32, #tpu.memory_space<hbm>>
        %dma_wait3A_70 = arith.constant 0 : i32
        %dma_wait3A_71 = tpu.memref_slice %arg5[%add3A_20, %dma_wait3A_70] : memref<256x16384xf32, #tpu.memory_space<hbm>> -> memref<1x16384xf32, #tpu.memory_space<hbm>>
        %dma_wait3A_72 = tpu.memref_squeeze %dma_wait3A_71 : memref<1x16384xf32, #tpu.memory_space<hbm>> -> memref<16384xf32, #tpu.memory_space<hbm>>
        tpu.wait_dma2 semaphore(%run_scoped3A : memref<!tpu.dma_semaphore, #tpu.memory_space<semaphore_mem>>) src(%arg9 : memref<16384xf32, #tpu.memory_space<vmem>>) dst(%dma_wait3A_72 : memref<16384xf32, #tpu.memory_space<hbm>>)
        tpu.yield
      }) : () -> ()
      %get3A_46 = arith.constant 0 : index
      %get3A_47 = tpu.vector_load %arg7[%get3A_46] {strides = array<i32>} : memref<16400xi32, #tpu.memory_space<vmem>>, vector<16xi32>,
      tpu.vector_store_idx %arg9[%get3A_47], %broadcast_in_dim3A_3 : memref<16384xf32, #tpu.memory_space<vmem>>[vector<16xi32>], vector<16xf32>,
      %get3A_48 = arith.constant 16 : index
      %get3A_49 = tpu.vector_load %arg7[%get3A_48] {strides = array<i32>} : memref<16400xi32, #tpu.memory_space<vmem>>, vector<16xi32>,
      tpu.vector_store_idx %arg9[%get3A_49], %broadcast_in_dim3A_3 : memref<16384xf32, #tpu.memory_space<vmem>>[vector<16xi32>], vector<16xf32>,
      %get3A_50 = arith.constant 32 : index
      %get3A_51 = tpu.vector_load %arg7[%get3A_50] {strides = array<i32>} : memref<16400xi32, #tpu.memory_space<vmem>>, vector<16xi32>,
      tpu.vector_store_idx %arg9[%get3A_51], %broadcast_in_dim3A_3 : memref<16384xf32, #tpu.memory_space<vmem>>[vector<16xi32>], vector<16xf32>,
      %get3A_52 = arith.constant 48 : index
      %get3A_53 = tpu.vector_load %arg7[%get3A_52] {strides = array<i32>} : memref<16400xi32, #tpu.memory_space<vmem>>, vector<16xi32>,
      tpu.vector_store_idx %arg9[%get3A_53], %broadcast_in_dim3A_3 : memref<16384xf32, #tpu.memory_space<vmem>>[vector<16xi32>], vector<16xf32>,
      %get3A_54 = arith.constant 64 : index
      %get3A_55 = tpu.vector_load %arg7[%get3A_54] {strides = array<i32>} : memref<16400xi32, #tpu.memory_space<vmem>>, vector<16xi32>,
      tpu.vector_store_idx %arg9[%get3A_55], %broadcast_in_dim3A_3 : memref<16384xf32, #tpu.memory_space<vmem>>[vector<16xi32>], vector<16xf32>,
      %get3A_56 = arith.constant 80 : index
      %get3A_57 = tpu.vector_load %arg7[%get3A_56] {strides = array<i32>} : memref<16400xi32, #tpu.memory_space<vmem>>, vector<16xi32>,
      tpu.vector_store_idx %arg9[%get3A_57], %broadcast_in_dim3A_3 : memref<16384xf32, #tpu.memory_space<vmem>>[vector<16xi32>], vector<16xf32>,
      %get3A_58 = arith.constant 96 : index
      %get3A_59 = tpu.vector_load %arg7[%get3A_58] {strides = array<i32>} : memref<16400xi32, #tpu.memory_space<vmem>>, vector<16xi32>,
      tpu.vector_store_idx %arg9[%get3A_59], %broadcast_in_dim3A_3 : memref<16384xf32, #tpu.memory_space<vmem>>[vector<16xi32>], vector<16xf32>,
      %get3A_60 = arith.constant 112 : index
      %get3A_61 = tpu.vector_load %arg7[%get3A_60] {strides = array<i32>} : memref<16400xi32, #tpu.memory_space<vmem>>, vector<16xi32>,
      tpu.vector_store_idx %arg9[%get3A_61], %broadcast_in_dim3A_3 : memref<16384xf32, #tpu.memory_space<vmem>>[vector<16xi32>], vector<16xf32>,
      %scan3A_62 = arith.constant 0 : i32
      scf.yield %scan3A_62 : i32
    }
    %scan3A_17 = arith.constant 8 : i32
    return
  }
}

module attributes {stable_mosaic.version = 14 : i64} {
  func.func @_thresh_body(%arg0: i32, %arg1: memref<128x1xf32, #tpu.memory_space<vmem>>, %arg2: memref<128x1xf32, #tpu.memory_space<vmem>>, %arg3: memref<128x1xf32, #tpu.memory_space<vmem>>, %arg4: memref<1x16384xf32, #tpu.memory_space<vmem>>, %arg5: memref<1x16384xf32, #tpu.memory_space<vmem>>, %arg6: memref<1x16384xf32, #tpu.memory_space<vmem>>, %arg7: memref<128x16384xf32, #tpu.memory_space<vmem>>, %arg8: memref<128x16xf32, #tpu.memory_space<vmem>>) attributes {dimension_semantics = [#tpu.dimension_semantics<arbitrary>], iteration_bounds = array<i64: 2>, scalar_prefetch = 0 : i64, scratch_operands = 0 : i64, tpu.core_type = #tpu.core_type<tc>, window_params = [{transform_indices = @transform_0, window_bounds = array<i64: 128, 1>}, {transform_indices = @transform_1, window_bounds = array<i64: 128, 1>}, {transform_indices = @transform_2, window_bounds = array<i64: 128, 1>}, {pipeline_mode = #tpu.pipeline_mode<synchronous>, transform_indices = @transform_3, window_bounds = array<i64: 1, 16384>}, {pipeline_mode = #tpu.pipeline_mode<synchronous>, transform_indices = @transform_4, window_bounds = array<i64: 1, 16384>}, {pipeline_mode = #tpu.pipeline_mode<synchronous>, transform_indices = @transform_5, window_bounds = array<i64: 1, 16384>}, {transform_indices = @transform_6, window_bounds = array<i64: 128, 16384>}, {transform_indices = @transform_7, window_bounds = array<i64: 128, 16>}]} {
    %get3A = arith.constant 0 : index
    %get3A_0 = arith.constant 0 : index
    %get3A_1 = vector.load %arg1[%get3A, %get3A_0] : memref<128x1xf32, #tpu.memory_space<vmem>>, vector<128x1xf32>
    %get3A_2 = arith.constant 0 : index
    %get3A_3 = arith.constant 0 : index
    %get3A_4 = vector.load %arg4[%get3A_2, %get3A_3] : memref<1x16384xf32, #tpu.memory_space<vmem>>, vector<1x16384xf32>
    %sub3A = vector.broadcast %get3A_1 : vector<128x1xf32> to vector<128x16384xf32>
    %sub3A_5 = vector.broadcast %get3A_4 : vector<1x16384xf32> to vector<128x16384xf32>
    %sub3A_6 = arith.subf %sub3A, %sub3A_5 : vector<128x16384xf32>
    %get3A_7 = arith.constant 0 : index
    %get3A_8 = arith.constant 0 : index
    %get3A_9 = vector.load %arg2[%get3A_7, %get3A_8] : memref<128x1xf32, #tpu.memory_space<vmem>>, vector<128x1xf32>
    %get3A_10 = arith.constant 0 : index
    %get3A_11 = arith.constant 0 : index
    %get3A_12 = vector.load %arg5[%get3A_10, %get3A_11] : memref<1x16384xf32, #tpu.memory_space<vmem>>, vector<1x16384xf32>
    %sub3A_13 = vector.broadcast %get3A_9 : vector<128x1xf32> to vector<128x16384xf32>
    %sub3A_14 = vector.broadcast %get3A_12 : vector<1x16384xf32> to vector<128x16384xf32>
    %sub3A_15 = arith.subf %sub3A_13, %sub3A_14 : vector<128x16384xf32>
    %get3A_16 = arith.constant 0 : index
    %get3A_17 = arith.constant 0 : index
    %get3A_18 = vector.load %arg3[%get3A_16, %get3A_17] : memref<128x1xf32, #tpu.memory_space<vmem>>, vector<128x1xf32>
    %get3A_19 = arith.constant 0 : index
    %get3A_20 = arith.constant 0 : index
    %get3A_21 = vector.load %arg6[%get3A_19, %get3A_20] : memref<1x16384xf32, #tpu.memory_space<vmem>>, vector<1x16384xf32>
    %sub3A_22 = vector.broadcast %get3A_18 : vector<128x1xf32> to vector<128x16384xf32>
    %sub3A_23 = vector.broadcast %get3A_21 : vector<1x16384xf32> to vector<128x16384xf32>
    %sub3A_24 = arith.subf %sub3A_22, %sub3A_23 : vector<128x16384xf32>
    %mul3A = arith.mulf %sub3A_6, %sub3A_6 : vector<128x16384xf32>
    %mul3A_25 = arith.mulf %sub3A_15, %sub3A_15 : vector<128x16384xf32>
    %add3A = arith.addf %mul3A, %mul3A_25 : vector<128x16384xf32>
    %mul3A_26 = arith.mulf %sub3A_24, %sub3A_24 : vector<128x16384xf32>
    %add3A_27 = arith.addf %add3A, %mul3A_26 : vector<128x16384xf32>
    %swap3A = arith.constant 0 : index
    %swap3A_28 = arith.constant 0 : index
    %swap3A_29 = vector.load %arg7[%swap3A, %swap3A_28] : memref<128x16384xf32, #tpu.memory_space<vmem>>, vector<128x16384xf32>
    tpu.vector_store %arg7[%swap3A, %swap3A_28], %add3A_27 {strides = array<i32>} : memref<128x16384xf32, #tpu.memory_space<vmem>>, vector<128x16384xf32>,
    %bitcast_convert_type3A = tpu.bitcast %add3A_27 : vector<128x16384xf32> -> vector<128x16384xi32>
    %broadcast_in_dim3A = arith.constant 0 : i32
    %broadcast_in_dim3A_30 = vector.broadcast %broadcast_in_dim3A : i32 to vector<128x1xi32>
    %broadcast_in_dim3A_31 = arith.constant 2139095040 : i32
    %broadcast_in_dim3A_32 = vector.broadcast %broadcast_in_dim3A_31 : i32 to vector<128x1xi32>
    %scan3A = arith.constant 0 : i32
    %scan3A_33 = arith.constant 31 : i32
    %scan3A_34 = arith.addi %scan3A, %scan3A_33 : i32
    %scan3A_35 = arith.constant 1 : i32
    %scan3A_36:2 = scf.for %scan3A_43 = %scan3A to %scan3A_34 step %scan3A_35 iter_args(%scan3A_44 = %broadcast_in_dim3A_30, %scan3A_45 = %broadcast_in_dim3A_32) -> (vector<128x1xi32>, vector<128x1xi32>)  : i32 {
      %sub3A_46 = arith.subi %scan3A_45, %scan3A_44 : vector<128x1xi32>
      %shift_right_arithmetic3A = arith.constant 1 : i32
      %shift_right_arithmetic3A_47 = vector.broadcast %shift_right_arithmetic3A : i32 to vector<128x1xi32>
      %shift_right_arithmetic3A_48 = arith.shrsi %sub3A_46, %shift_right_arithmetic3A_47 : vector<128x1xi32>
      %add3A_49 = arith.addi %scan3A_44, %shift_right_arithmetic3A_48 : vector<128x1xi32>
      %le3A = vector.broadcast %add3A_49 : vector<128x1xi32> to vector<128x16384xi32>
      %le3A_50 = arith.cmpi sle, %bitcast_convert_type3A, %le3A : vector<128x16384xi32>
      %convert_element_type3A = arith.extui %le3A_50 : vector<128x16384xi1> to vector<128x16384xi32>
      %reduce_sum3A = arith.constant dense<0> : vector<128xi32>
      %reduce_sum3A_51 = vector.multi_reduction <add>, %convert_element_type3A, %reduce_sum3A [1] : vector<128x16384xi32> to vector<128xi32>
      %broadcast_in_dim3A_52 = vector.shape_cast %reduce_sum3A_51 : vector<128xi32> to vector<128x1xi32>
      %ge3A = arith.constant 128 : i32
      %ge3A_53 = vector.broadcast %ge3A : i32 to vector<128x1xi32>
      %ge3A_54 = arith.cmpi sge, %broadcast_in_dim3A_52, %ge3A_53 : vector<128x1xi32>
      %add3A_55 = arith.constant 1 : i32
      %add3A_56 = vector.broadcast %add3A_55 : i32 to vector<128x1xi32>
      %add3A_57 = arith.addi %add3A_49, %add3A_56 : vector<128x1xi32>
      %select_n3A = arith.select %ge3A_54, %scan3A_44, %add3A_57 : vector<128x1xi1>, vector<128x1xi32>
      %select_n3A_58 = arith.select %ge3A_54, %add3A_49, %scan3A_45 : vector<128x1xi1>, vector<128x1xi32>
      scf.yield %select_n3A, %select_n3A_58 : vector<128x1xi32>, vector<128x1xi32>
    }
    %bitcast_convert_type3A_37 = tpu.bitcast %scan3A_36#0 : vector<128x1xi32> -> vector<128x1xf32>
    %broadcast_in_dim3A_38 = vector.shape_cast %bitcast_convert_type3A_37 : vector<128x1xf32> to vector<128x1xf32>
    %broadcast_in_dim3A_39 = vector.broadcast %broadcast_in_dim3A_38 : vector<128x1xf32> to vector<128x16xf32>
    %swap3A_40 = arith.constant 0 : index
    %swap3A_41 = arith.constant 0 : index
    %swap3A_42 = vector.load %arg8[%swap3A_40, %swap3A_41] : memref<128x16xf32, #tpu.memory_space<vmem>>, vector<128x16xf32>
    tpu.vector_store %arg8[%swap3A_40, %swap3A_41], %broadcast_in_dim3A_39 {strides = array<i32>} : memref<128x16xf32, #tpu.memory_space<vmem>>, vector<128x16xf32>,
    return
  }
  func.func @transform_0(%arg0: i32) -> (i32, i32) {
    %c0_i32 = arith.constant 0 : i32
    %c0_i32_0 = arith.constant 0 : i32
    return %arg0, %c0_i32 : i32, i32
  }
  func.func @transform_1(%arg0: i32) -> (i32, i32) {
    %c0_i32 = arith.constant 0 : i32
    %c0_i32_0 = arith.constant 0 : i32
    return %arg0, %c0_i32 : i32, i32
  }
  func.func @transform_2(%arg0: i32) -> (i32, i32) {
    %c0_i32 = arith.constant 0 : i32
    %c0_i32_0 = arith.constant 0 : i32
    return %arg0, %c0_i32 : i32, i32
  }
  func.func @transform_3(%arg0: i32) -> (i32, i32) {
    %c0_i32 = arith.constant 0 : i32
    %c0_i32_0 = arith.constant 0 : i32
    %c0_i32_1 = arith.constant 0 : i32
    return %c0_i32, %c0_i32_0 : i32, i32
  }
  func.func @transform_4(%arg0: i32) -> (i32, i32) {
    %c0_i32 = arith.constant 0 : i32
    %c0_i32_0 = arith.constant 0 : i32
    %c0_i32_1 = arith.constant 0 : i32
    return %c0_i32, %c0_i32_0 : i32, i32
  }
  func.func @transform_5(%arg0: i32) -> (i32, i32) {
    %c0_i32 = arith.constant 0 : i32
    %c0_i32_0 = arith.constant 0 : i32
    %c0_i32_1 = arith.constant 0 : i32
    return %c0_i32, %c0_i32_0 : i32, i32
  }
  func.func @transform_6(%arg0: i32) -> (i32, i32) {
    %c0_i32 = arith.constant 0 : i32
    %c0_i32_0 = arith.constant 0 : i32
    return %arg0, %c0_i32 : i32, i32
  }
  func.func @transform_7(%arg0: i32) -> (i32, i32) {
    %c0_i32 = arith.constant 0 : i32
    %c0_i32_0 = arith.constant 0 : i32
    return %arg0, %c0_i32 : i32, i32
  }
}

module attributes {stable_mosaic.version = 14 : i64} {
  func.func @_upsample_comb_body(%arg0: i32, %arg1: memref<1024x2048xf32, #tpu.memory_space<vmem>>, %arg2: memref<1024x257xf32, #tpu.memory_space<vmem>>, %arg3: memref<2048x256xf32, #tpu.memory_space<vmem>>) attributes {dimension_semantics = [#tpu.dimension_semantics<arbitrary>], iteration_bounds = array<i64: 8>, scalar_prefetch = 0 : i64, scratch_operands = 0 : i64, tpu.core_type = #tpu.core_type<tc>, window_params = [{transform_indices = @transform_0, window_bounds = array<i64: 1024, 2048>}, {pipeline_mode = #tpu.pipeline_mode<synchronous>, transform_indices = @transform_1, window_bounds = array<i64: 1024, 257>}, {transform_indices = @transform_2, window_bounds = array<i64: 2048, 256>}]} {
    %get3A = arith.constant 0 : index
    %get3A_0 = arith.constant 0 : index
    %get3A_1 = vector.load %arg1[%get3A, %get3A_0] : memref<1024x2048xf32, #tpu.memory_space<vmem>>, vector<1024x2048xf32>
    %get3A_2 = arith.constant 0 : index
    %get3A_3 = arith.constant 0 : index
    %get3A_4 = vector.load %arg2[%get3A_2, %get3A_3] : memref<1024x257xf32, #tpu.memory_space<vmem>>, vector<1024x257xf32>
    %dot_general3A = arith.constant dense<0.000000e+00> : vector<2048x257xf32>
    %dot_general3A_5 = tpu.matmul %get3A_1, %get3A_4, %dot_general3A {dimension_numbers = #tpu.dot_dimension_numbers<[0], [0], [1], [1], [0, 1, 1, 1], [], []>, precision = #tpu.contract_precision<fp32>, transpose_lhs_hint = false} : vector<1024x2048xf32>, vector<1024x257xf32>, vector<2048x257xf32> -> vector<2048x257xf32>
    %slice3A = vector.extract_strided_slice %dot_general3A_5 {offsets = [0, 256], sizes = [2048, 1], strides = [1, 1]} : vector<2048x257xf32> to vector<2048x1xf32>
    %gt3A = arith.constant 0.000000e+00 : f32
    %gt3A_6 = vector.broadcast %gt3A : f32 to vector<2048x1xf32>
    %gt3A_7 = arith.cmpf ogt, %slice3A, %gt3A_6 : vector<2048x1xf32>
    %slice3A_8 = vector.extract_strided_slice %dot_general3A_5 {offsets = [0, 0], sizes = [2048, 256], strides = [1, 1]} : vector<2048x257xf32> to vector<2048x256xf32>
    %max3A = arith.constant 1.000000e+00 : f32
    %max3A_9 = vector.broadcast %max3A : f32 to vector<2048x1xf32>
    %max3A_10 = arith.maximumf %slice3A, %max3A_9 : vector<2048x1xf32>
    %div3A = vector.broadcast %max3A_10 : vector<2048x1xf32> to vector<2048x256xf32>
    %div3A_11 = arith.divf %slice3A_8, %div3A : vector<2048x256xf32>
    %jit3A = arith.constant 0.000000e+00 : f32
    %broadcast_in_dim3A = vector.shape_cast %gt3A_7 : vector<2048x1xi1> to vector<2048x1xi1>
    %broadcast_in_dim3A_12 = vector.broadcast %broadcast_in_dim3A : vector<2048x1xi1> to vector<2048x256xi1>
    %broadcast_in_dim3A_13 = vector.broadcast %jit3A : f32 to vector<2048x256xf32>
    %select_n3A = arith.select %broadcast_in_dim3A_12, %div3A_11, %broadcast_in_dim3A_13 : vector<2048x256xi1>, vector<2048x256xf32>
    %swap3A = arith.constant 0 : index
    %swap3A_14 = arith.constant 0 : index
    %swap3A_15 = vector.load %arg3[%swap3A, %swap3A_14] : memref<2048x256xf32, #tpu.memory_space<vmem>>, vector<2048x256xf32>
    tpu.vector_store %arg3[%swap3A, %swap3A_14], %select_n3A {strides = array<i32>} : memref<2048x256xf32, #tpu.memory_space<vmem>>, vector<2048x256xf32>,
    return
  }
  func.func @transform_0(%arg0: i32) -> (i32, i32) {
    %c0_i32 = arith.constant 0 : i32
    %c0_i32_0 = arith.constant 0 : i32
    return %c0_i32, %arg0 : i32, i32
  }
  func.func @transform_1(%arg0: i32) -> (i32, i32) {
    %c0_i32 = arith.constant 0 : i32
    %c0_i32_0 = arith.constant 0 : i32
    %c0_i32_1 = arith.constant 0 : i32
    return %c0_i32, %c0_i32_0 : i32, i32
  }
  func.func @transform_2(%arg0: i32) -> (i32, i32) {
    %c0_i32 = arith.constant 0 : i32
    %c0_i32_0 = arith.constant 0 : i32
    return %arg0, %c0_i32 : i32, i32
  }
}

module attributes {stable_mosaic.version = 14 : i64} {
  func.func @_mm_stats_body(%arg0: i32, %arg1: memref<2048x256xf32, #tpu.memory_space<vmem>>, %arg2: memref<256x128xf32, #tpu.memory_space<vmem>>, %arg3: memref<1x128xf32, #tpu.memory_space<vmem>>, %arg4: memref<2048x128xf32, #tpu.memory_space<vmem>>, %arg5: memref<2x128xf32, #tpu.memory_space<vmem>>) attributes {dimension_semantics = [#tpu.dimension_semantics<arbitrary>], iteration_bounds = array<i64: 8>, scalar_prefetch = 0 : i64, scratch_operands = 0 : i64, tpu.core_type = #tpu.core_type<tc>, window_params = [{transform_indices = @transform_0, window_bounds = array<i64: 2048, 256>}, {pipeline_mode = #tpu.pipeline_mode<synchronous>, transform_indices = @transform_1, window_bounds = array<i64: 256, 128>}, {pipeline_mode = #tpu.pipeline_mode<synchronous>, transform_indices = @transform_2, window_bounds = array<i64: 1, 128>}, {transform_indices = @transform_3, window_bounds = array<i64: 2048, 128>}, {pipeline_mode = #tpu.pipeline_mode<synchronous>, transform_indices = @transform_4, window_bounds = array<i64: 2, 128>}]} {
    %get3A = arith.constant 0 : index
    %get3A_0 = arith.constant 0 : index
    %get3A_1 = vector.load %arg1[%get3A, %get3A_0] : memref<2048x256xf32, #tpu.memory_space<vmem>>, vector<2048x256xf32>
    %get3A_2 = arith.constant 0 : index
    %get3A_3 = arith.constant 0 : index
    %get3A_4 = vector.load %arg2[%get3A_2, %get3A_3] : memref<256x128xf32, #tpu.memory_space<vmem>>, vector<256x128xf32>
    %dot_general3A = arith.constant dense<0.000000e+00> : vector<2048x128xf32>
    %dot_general3A_5 = tpu.matmul %get3A_1, %get3A_4, %dot_general3A {dimension_numbers = #tpu.dot_dimension_numbers<[1], [0], [0], [1], [0, 0, 1, 1], [], []>, transpose_lhs_hint = false} : vector<2048x256xf32>, vector<256x128xf32>, vector<2048x128xf32> -> vector<2048x128xf32>
    %get3A_6 = arith.constant 0 : index
    %get3A_7 = arith.constant 0 : index
    %get3A_8 = vector.load %arg3[%get3A_6, %get3A_7] : memref<1x128xf32, #tpu.memory_space<vmem>>, vector<1x128xf32>
    %add3A = vector.broadcast %get3A_8 : vector<1x128xf32> to vector<2048x128xf32>
    %add3A_9 = arith.addf %dot_general3A_5, %add3A : vector<2048x128xf32>
    %swap3A = arith.constant 0 : index
    %swap3A_10 = arith.constant 0 : index
    %swap3A_11 = vector.load %arg4[%swap3A, %swap3A_10] : memref<2048x128xf32, #tpu.memory_space<vmem>>, vector<2048x128xf32>
    tpu.vector_store %arg4[%swap3A, %swap3A_10], %add3A_9 {strides = array<i32>} : memref<2048x128xf32, #tpu.memory_space<vmem>>, vector<2048x128xf32>,
    %eq3A = arith.constant 0 : i32
    %eq3A_12 = arith.cmpi eq, %arg0, %eq3A : i32
    %convert_element_type3A = arith.extui %eq3A_12 : i1 to i32
    %cond3A = arith.constant 0 : i32
    %cond3A_13 = arith.cmpi ne, %convert_element_type3A, %cond3A : i32
    scf.if %cond3A_13 {
      %broadcast_in_dim3A_32 = arith.constant 0.000000e+00 : f32
      %broadcast_in_dim3A_33 = vector.broadcast %broadcast_in_dim3A_32 : f32 to vector<2x128xf32>
      %swap3A_34 = arith.constant 0 : index
      %swap3A_35 = arith.constant 0 : index
      %swap3A_36 = vector.load %arg5[%swap3A_34, %swap3A_35] : memref<2x128xf32, #tpu.memory_space<vmem>>, vector<2x128xf32>
      tpu.vector_store %arg5[%swap3A_34, %swap3A_35], %broadcast_in_dim3A_33 {strides = array<i32>} : memref<2x128xf32, #tpu.memory_space<vmem>>, vector<2x128xf32>,
    } else {
    }
    %get3A_14 = arith.constant 0 : index
    %get3A_15 = arith.constant 0 : index
    %get3A_16 = vector.load %arg5[%get3A_14, %get3A_15] : memref<2x128xf32, #tpu.memory_space<vmem>>, vector<1x128xf32>
    %reduce_sum3A = arith.constant dense<0.000000e+00> : vector<128xf32>
    %reduce_sum3A_17 = vector.multi_reduction <add>, %add3A_9, %reduce_sum3A [0] : vector<2048x128xf32> to vector<128xf32>
    %broadcast_in_dim3A = vector.shape_cast %reduce_sum3A_17 : vector<128xf32> to vector<1x128xf32>
    %add3A_18 = arith.addf %get3A_16, %broadcast_in_dim3A : vector<1x128xf32>
    %swap3A_19 = arith.constant 0 : index
    %swap3A_20 = arith.constant 0 : index
    %swap3A_21 = vector.load %arg5[%swap3A_19, %swap3A_20] : memref<2x128xf32, #tpu.memory_space<vmem>>, vector<1x128xf32>
    tpu.vector_store %arg5[%swap3A_19, %swap3A_20], %add3A_18 {strides = array<i32>} : memref<2x128xf32, #tpu.memory_space<vmem>>, vector<1x128xf32>,
    %get3A_22 = arith.constant 1 : index
    %get3A_23 = arith.constant 0 : index
    %get3A_24 = vector.load %arg5[%get3A_22, %get3A_23] : memref<2x128xf32, #tpu.memory_space<vmem>>, vector<1x128xf32>
    %mul3A = arith.mulf %add3A_9, %add3A_9 : vector<2048x128xf32>
    %reduce_sum3A_25 = arith.constant dense<0.000000e+00> : vector<128xf32>
    %reduce_sum3A_26 = vector.multi_reduction <add>, %mul3A, %reduce_sum3A_25 [0] : vector<2048x128xf32> to vector<128xf32>
    %broadcast_in_dim3A_27 = vector.shape_cast %reduce_sum3A_26 : vector<128xf32> to vector<1x128xf32>
    %add3A_28 = arith.addf %get3A_24, %broadcast_in_dim3A_27 : vector<1x128xf32>
    %swap3A_29 = arith.constant 1 : index
    %swap3A_30 = arith.constant 0 : index
    %swap3A_31 = vector.load %arg5[%swap3A_29, %swap3A_30] : memref<2x128xf32, #tpu.memory_space<vmem>>, vector<1x128xf32>
    tpu.vector_store %arg5[%swap3A_29, %swap3A_30], %add3A_28 {strides = array<i32>} : memref<2x128xf32, #tpu.memory_space<vmem>>, vector<1x128xf32>,
    return
  }
  func.func @transform_0(%arg0: i32) -> (i32, i32) {
    %c0_i32 = arith.constant 0 : i32
    %c0_i32_0 = arith.constant 0 : i32
    return %arg0, %c0_i32 : i32, i32
  }
  func.func @transform_1(%arg0: i32) -> (i32, i32) {
    %c0_i32 = arith.constant 0 : i32
    %c0_i32_0 = arith.constant 0 : i32
    %c0_i32_1 = arith.constant 0 : i32
    return %c0_i32, %c0_i32_0 : i32, i32
  }
  func.func @transform_2(%arg0: i32) -> (i32, i32) {
    %c0_i32 = arith.constant 0 : i32
    %c0_i32_0 = arith.constant 0 : i32
    %c0_i32_1 = arith.constant 0 : i32
    return %c0_i32, %c0_i32_0 : i32, i32
  }
  func.func @transform_3(%arg0: i32) -> (i32, i32) {
    %c0_i32 = arith.constant 0 : i32
    %c0_i32_0 = arith.constant 0 : i32
    return %arg0, %c0_i32 : i32, i32
  }
  func.func @transform_4(%arg0: i32) -> (i32, i32) {
    %c0_i32 = arith.constant 0 : i32
    %c0_i32_0 = arith.constant 0 : i32
    %c0_i32_1 = arith.constant 0 : i32
    return %c0_i32, %c0_i32_0 : i32, i32
  }
}

module attributes {stable_mosaic.version = 14 : i64} {
  func.func @_bn_relu_mm_body(%arg0: i32, %arg1: memref<2048x128xf32, #tpu.memory_space<vmem>>, %arg2: memref<2x128xf32, #tpu.memory_space<vmem>>, %arg3: memref<1x128xf32, #tpu.memory_space<vmem>>, %arg4: memref<1x128xf32, #tpu.memory_space<vmem>>, %arg5: memref<128x256xf32, #tpu.memory_space<vmem>>, %arg6: memref<1x256xf32, #tpu.memory_space<vmem>>, %arg7: memref<2048x3xf32, #tpu.memory_space<vmem>>, %arg8: memref<3x256xf32, #tpu.memory_space<vmem>>, %arg9: memref<2048x256xf32, #tpu.memory_space<vmem>>, %arg10: memref<2x256xf32, #tpu.memory_space<vmem>>) attributes {dimension_semantics = [#tpu.dimension_semantics<arbitrary>], iteration_bounds = array<i64: 8>, scalar_prefetch = 0 : i64, scratch_operands = 0 : i64, tpu.core_type = #tpu.core_type<tc>, window_params = [{transform_indices = @transform_0, window_bounds = array<i64: 2048, 128>}, {pipeline_mode = #tpu.pipeline_mode<synchronous>, transform_indices = @transform_1, window_bounds = array<i64: 2, 128>}, {pipeline_mode = #tpu.pipeline_mode<synchronous>, transform_indices = @transform_2, window_bounds = array<i64: 1, 128>}, {pipeline_mode = #tpu.pipeline_mode<synchronous>, transform_indices = @transform_3, window_bounds = array<i64: 1, 128>}, {pipeline_mode = #tpu.pipeline_mode<synchronous>, transform_indices = @transform_4, window_bounds = array<i64: 128, 256>}, {pipeline_mode = #tpu.pipeline_mode<synchronous>, transform_indices = @transform_5, window_bounds = array<i64: 1, 256>}, {transform_indices = @transform_6, window_bounds = array<i64: 2048, 3>}, {pipeline_mode = #tpu.pipeline_mode<synchronous>, transform_indices = @transform_7, window_bounds = array<i64: 3, 256>}, {transform_indices = @transform_8, window_bounds = array<i64: 2048, 256>}, {pipeline_mode = #tpu.pipeline_mode<synchronous>, transform_indices = @transform_9, window_bounds = array<i64: 2, 256>}]} {
    %get3A = arith.constant 0 : index
    %get3A_0 = arith.constant 0 : index
    %get3A_1 = vector.load %arg2[%get3A, %get3A_0] : memref<2x128xf32, #tpu.memory_space<vmem>>, vector<1x128xf32>
    %div3A = arith.constant 1.638400e+04 : f32
    %div3A_2 = vector.broadcast %div3A : f32 to vector<1x128xf32>
    %div3A_3 = arith.divf %get3A_1, %div3A_2 : vector<1x128xf32>
    %get3A_4 = arith.constant 1 : index
    %get3A_5 = arith.constant 0 : index
    %get3A_6 = vector.load %arg2[%get3A_4, %get3A_5] : memref<2x128xf32, #tpu.memory_space<vmem>>, vector<1x128xf32>
    %div3A_7 = arith.constant 1.638400e+04 : f32
    %div3A_8 = vector.broadcast %div3A_7 : f32 to vector<1x128xf32>
    %div3A_9 = arith.divf %get3A_6, %div3A_8 : vector<1x128xf32>
    %mul3A = arith.mulf %div3A_3, %div3A_3 : vector<1x128xf32>
    %sub3A = arith.subf %div3A_9, %mul3A : vector<1x128xf32>
    %get3A_10 = arith.constant 0 : index
    %get3A_11 = arith.constant 0 : index
    %get3A_12 = vector.load %arg3[%get3A_10, %get3A_11] : memref<1x128xf32, #tpu.memory_space<vmem>>, vector<1x128xf32>
    %get3A_13 = arith.constant 0 : index
    %get3A_14 = arith.constant 0 : index
    %get3A_15 = vector.load %arg1[%get3A_13, %get3A_14] : memref<2048x128xf32, #tpu.memory_space<vmem>>, vector<2048x128xf32>
    %sub3A_16 = vector.broadcast %div3A_3 : vector<1x128xf32> to vector<2048x128xf32>
    %sub3A_17 = arith.subf %get3A_15, %sub3A_16 : vector<2048x128xf32>
    %mul3A_18 = vector.broadcast %get3A_12 : vector<1x128xf32> to vector<2048x128xf32>
    %mul3A_19 = arith.mulf %mul3A_18, %sub3A_17 : vector<2048x128xf32>
    %add3A = arith.constant 9.99999974E-6 : f32
    %add3A_20 = vector.broadcast %add3A : f32 to vector<1x128xf32>
    %add3A_21 = arith.addf %sub3A, %add3A_20 : vector<1x128xf32>
    %sqrt3A = math.sqrt %add3A_21 : vector<1x128xf32>
    %div3A_22 = vector.broadcast %sqrt3A : vector<1x128xf32> to vector<2048x128xf32>
    %div3A_23 = arith.divf %mul3A_19, %div3A_22 : vector<2048x128xf32>
    %get3A_24 = arith.constant 0 : index
    %get3A_25 = arith.constant 0 : index
    %get3A_26 = vector.load %arg4[%get3A_24, %get3A_25] : memref<1x128xf32, #tpu.memory_space<vmem>>, vector<1x128xf32>
    %add3A_27 = vector.broadcast %get3A_26 : vector<1x128xf32> to vector<2048x128xf32>
    %add3A_28 = arith.addf %div3A_23, %add3A_27 : vector<2048x128xf32>
    %max3A = arith.constant 0.000000e+00 : f32
    %max3A_29 = vector.broadcast %max3A : f32 to vector<2048x128xf32>
    %max3A_30 = arith.maximumf %add3A_28, %max3A_29 : vector<2048x128xf32>
    %get3A_31 = arith.constant 0 : index
    %get3A_32 = arith.constant 0 : index
    %get3A_33 = vector.load %arg5[%get3A_31, %get3A_32] : memref<128x256xf32, #tpu.memory_space<vmem>>, vector<128x256xf32>
    %dot_general3A = arith.constant dense<0.000000e+00> : vector<2048x256xf32>
    %dot_general3A_34 = tpu.matmul %max3A_30, %get3A_33, %dot_general3A {dimension_numbers = #tpu.dot_dimension_numbers<[1], [0], [0], [1], [0, 0, 1, 1], [], []>, transpose_lhs_hint = false} : vector<2048x128xf32>, vector<128x256xf32>, vector<2048x256xf32> -> vector<2048x256xf32>
    %get3A_35 = arith.constant 0 : index
    %get3A_36 = arith.constant 0 : index
    %get3A_37 = vector.load %arg7[%get3A_35, %get3A_36] : memref<2048x3xf32, #tpu.memory_space<vmem>>, vector<2048x3xf32>
    %get3A_38 = arith.constant 0 : index
    %get3A_39 = arith.constant 0 : index
    %get3A_40 = vector.load %arg8[%get3A_38, %get3A_39] : memref<3x256xf32, #tpu.memory_space<vmem>>, vector<3x256xf32>
    %dot_general3A_41 = arith.constant dense<0.000000e+00> : vector<2048x256xf32>
    %dot_general3A_42 = tpu.matmul %get3A_37, %get3A_40, %dot_general3A_41 {dimension_numbers = #tpu.dot_dimension_numbers<[1], [0], [0], [1], [0, 0, 1, 1], [], []>, transpose_lhs_hint = false} : vector<2048x3xf32>, vector<3x256xf32>, vector<2048x256xf32> -> vector<2048x256xf32>
    %add3A_43 = arith.addf %dot_general3A_34, %dot_general3A_42 : vector<2048x256xf32>
    %get3A_44 = arith.constant 0 : index
    %get3A_45 = arith.constant 0 : index
    %get3A_46 = vector.load %arg6[%get3A_44, %get3A_45] : memref<1x256xf32, #tpu.memory_space<vmem>>, vector<1x256xf32>
    %add3A_47 = vector.broadcast %get3A_46 : vector<1x256xf32> to vector<2048x256xf32>
    %add3A_48 = arith.addf %add3A_43, %add3A_47 : vector<2048x256xf32>
    %swap3A = arith.constant 0 : index
    %swap3A_49 = arith.constant 0 : index
    %swap3A_50 = vector.load %arg9[%swap3A, %swap3A_49] : memref<2048x256xf32, #tpu.memory_space<vmem>>, vector<2048x256xf32>
    tpu.vector_store %arg9[%swap3A, %swap3A_49], %add3A_48 {strides = array<i32>} : memref<2048x256xf32, #tpu.memory_space<vmem>>, vector<2048x256xf32>,
    %eq3A = arith.constant 0 : i32
    %eq3A_51 = arith.cmpi eq, %arg0, %eq3A : i32
    %convert_element_type3A = arith.extui %eq3A_51 : i1 to i32
    %cond3A = arith.constant 0 : i32
    %cond3A_52 = arith.cmpi ne, %convert_element_type3A, %cond3A : i32
    scf.if %cond3A_52 {
      %broadcast_in_dim3A_72 = arith.constant 0.000000e+00 : f32
      %broadcast_in_dim3A_73 = vector.broadcast %broadcast_in_dim3A_72 : f32 to vector<2x256xf32>
      %swap3A_74 = arith.constant 0 : index
      %swap3A_75 = arith.constant 0 : index
      %swap3A_76 = vector.load %arg10[%swap3A_74, %swap3A_75] : memref<2x256xf32, #tpu.memory_space<vmem>>, vector<2x256xf32>
      tpu.vector_store %arg10[%swap3A_74, %swap3A_75], %broadcast_in_dim3A_73 {strides = array<i32>} : memref<2x256xf32, #tpu.memory_space<vmem>>, vector<2x256xf32>,
    } else {
    }
    %get3A_53 = arith.constant 0 : index
    %get3A_54 = arith.constant 0 : index
    %get3A_55 = vector.load %arg10[%get3A_53, %get3A_54] : memref<2x256xf32, #tpu.memory_space<vmem>>, vector<1x256xf32>
    %reduce_sum3A = arith.constant dense<0.000000e+00> : vector<256xf32>
    %reduce_sum3A_56 = vector.multi_reduction <add>, %add3A_48, %reduce_sum3A [0] : vector<2048x256xf32> to vector<256xf32>
    %broadcast_in_dim3A = vector.shape_cast %reduce_sum3A_56 : vector<256xf32> to vector<1x256xf32>
    %add3A_57 = arith.addf %get3A_55, %broadcast_in_dim3A : vector<1x256xf32>
    %swap3A_58 = arith.constant 0 : index
    %swap3A_59 = arith.constant 0 : index
    %swap3A_60 = vector.load %arg10[%swap3A_58, %swap3A_59] : memref<2x256xf32, #tpu.memory_space<vmem>>, vector<1x256xf32>
    tpu.vector_store %arg10[%swap3A_58, %swap3A_59], %add3A_57 {strides = array<i32>} : memref<2x256xf32, #tpu.memory_space<vmem>>, vector<1x256xf32>,
    %get3A_61 = arith.constant 1 : index
    %get3A_62 = arith.constant 0 : index
    %get3A_63 = vector.load %arg10[%get3A_61, %get3A_62] : memref<2x256xf32, #tpu.memory_space<vmem>>, vector<1x256xf32>
    %mul3A_64 = arith.mulf %add3A_48, %add3A_48 : vector<2048x256xf32>
    %reduce_sum3A_65 = arith.constant dense<0.000000e+00> : vector<256xf32>
    %reduce_sum3A_66 = vector.multi_reduction <add>, %mul3A_64, %reduce_sum3A_65 [0] : vector<2048x256xf32> to vector<256xf32>
    %broadcast_in_dim3A_67 = vector.shape_cast %reduce_sum3A_66 : vector<256xf32> to vector<1x256xf32>
    %add3A_68 = arith.addf %get3A_63, %broadcast_in_dim3A_67 : vector<1x256xf32>
    %swap3A_69 = arith.constant 1 : index
    %swap3A_70 = arith.constant 0 : index
    %swap3A_71 = vector.load %arg10[%swap3A_69, %swap3A_70] : memref<2x256xf32, #tpu.memory_space<vmem>>, vector<1x256xf32>
    tpu.vector_store %arg10[%swap3A_69, %swap3A_70], %add3A_68 {strides = array<i32>} : memref<2x256xf32, #tpu.memory_space<vmem>>, vector<1x256xf32>,
    return
  }
  func.func @transform_0(%arg0: i32) -> (i32, i32) {
    %c0_i32 = arith.constant 0 : i32
    %c0_i32_0 = arith.constant 0 : i32
    return %arg0, %c0_i32 : i32, i32
  }
  func.func @transform_1(%arg0: i32) -> (i32, i32) {
    %c0_i32 = arith.constant 0 : i32
    %c0_i32_0 = arith.constant 0 : i32
    %c0_i32_1 = arith.constant 0 : i32
    return %c0_i32, %c0_i32_0 : i32, i32
  }
  func.func @transform_2(%arg0: i32) -> (i32, i32) {
    %c0_i32 = arith.constant 0 : i32
    %c0_i32_0 = arith.constant 0 : i32
    %c0_i32_1 = arith.constant 0 : i32
    return %c0_i32, %c0_i32_0 : i32, i32
  }
  func.func @transform_3(%arg0: i32) -> (i32, i32) {
    %c0_i32 = arith.constant 0 : i32
    %c0_i32_0 = arith.constant 0 : i32
    %c0_i32_1 = arith.constant 0 : i32
    return %c0_i32, %c0_i32_0 : i32, i32
  }
  func.func @transform_4(%arg0: i32) -> (i32, i32) {
    %c0_i32 = arith.constant 0 : i32
    %c0_i32_0 = arith.constant 0 : i32
    %c0_i32_1 = arith.constant 0 : i32
    return %c0_i32, %c0_i32_0 : i32, i32
  }
  func.func @transform_5(%arg0: i32) -> (i32, i32) {
    %c0_i32 = arith.constant 0 : i32
    %c0_i32_0 = arith.constant 0 : i32
    %c0_i32_1 = arith.constant 0 : i32
    return %c0_i32, %c0_i32_0 : i32, i32
  }
  func.func @transform_6(%arg0: i32) -> (i32, i32) {
    %c0_i32 = arith.constant 0 : i32
    %c0_i32_0 = arith.constant 0 : i32
    return %arg0, %c0_i32 : i32, i32
  }
  func.func @transform_7(%arg0: i32) -> (i32, i32) {
    %c0_i32 = arith.constant 0 : i32
    %c0_i32_0 = arith.constant 0 : i32
    %c0_i32_1 = arith.constant 0 : i32
    return %c0_i32, %c0_i32_0 : i32, i32
  }
  func.func @transform_8(%arg0: i32) -> (i32, i32) {
    %c0_i32 = arith.constant 0 : i32
    %c0_i32_0 = arith.constant 0 : i32
    return %arg0, %c0_i32 : i32, i32
  }
  func.func @transform_9(%arg0: i32) -> (i32, i32) {
    %c0_i32 = arith.constant 0 : i32
    %c0_i32_0 = arith.constant 0 : i32
    %c0_i32_1 = arith.constant 0 : i32
    return %c0_i32, %c0_i32_0 : i32, i32
  }
}

module attributes {stable_mosaic.version = 14 : i64} {
  func.func @_lambda_(%arg0: i32, %arg1: memref<2048x256xf32, #tpu.memory_space<vmem>>, %arg2: memref<2x256xf32, #tpu.memory_space<vmem>>, %arg3: memref<1x256xf32, #tpu.memory_space<vmem>>, %arg4: memref<1x256xf32, #tpu.memory_space<vmem>>, %arg5: memref<256x128xf32, #tpu.memory_space<vmem>>, %arg6: memref<1x128xf32, #tpu.memory_space<vmem>>, %arg7: memref<2048x128xf32, #tpu.memory_space<vmem>>, %arg8: memref<2x128xf32, #tpu.memory_space<vmem>>) attributes {dimension_semantics = [#tpu.dimension_semantics<arbitrary>], iteration_bounds = array<i64: 8>, scalar_prefetch = 0 : i64, scratch_operands = 0 : i64, tpu.core_type = #tpu.core_type<tc>, window_params = [{transform_indices = @transform_0, window_bounds = array<i64: 2048, 256>}, {pipeline_mode = #tpu.pipeline_mode<synchronous>, transform_indices = @transform_1, window_bounds = array<i64: 2, 256>}, {pipeline_mode = #tpu.pipeline_mode<synchronous>, transform_indices = @transform_2, window_bounds = array<i64: 1, 256>}, {pipeline_mode = #tpu.pipeline_mode<synchronous>, transform_indices = @transform_3, window_bounds = array<i64: 1, 256>}, {pipeline_mode = #tpu.pipeline_mode<synchronous>, transform_indices = @transform_4, window_bounds = array<i64: 256, 128>}, {pipeline_mode = #tpu.pipeline_mode<synchronous>, transform_indices = @transform_5, window_bounds = array<i64: 1, 128>}, {transform_indices = @transform_6, window_bounds = array<i64: 2048, 128>}, {pipeline_mode = #tpu.pipeline_mode<synchronous>, transform_indices = @transform_7, window_bounds = array<i64: 2, 128>}]} {
    %get3A = arith.constant 0 : index
    %get3A_0 = arith.constant 0 : index
    %get3A_1 = vector.load %arg2[%get3A, %get3A_0] : memref<2x256xf32, #tpu.memory_space<vmem>>, vector<1x256xf32>
    %div3A = arith.constant 1.638400e+04 : f32
    %div3A_2 = vector.broadcast %div3A : f32 to vector<1x256xf32>
    %div3A_3 = arith.divf %get3A_1, %div3A_2 : vector<1x256xf32>
    %get3A_4 = arith.constant 1 : index
    %get3A_5 = arith.constant 0 : index
    %get3A_6 = vector.load %arg2[%get3A_4, %get3A_5] : memref<2x256xf32, #tpu.memory_space<vmem>>, vector<1x256xf32>
    %div3A_7 = arith.constant 1.638400e+04 : f32
    %div3A_8 = vector.broadcast %div3A_7 : f32 to vector<1x256xf32>
    %div3A_9 = arith.divf %get3A_6, %div3A_8 : vector<1x256xf32>
    %mul3A = arith.mulf %div3A_3, %div3A_3 : vector<1x256xf32>
    %sub3A = arith.subf %div3A_9, %mul3A : vector<1x256xf32>
    %get3A_10 = arith.constant 0 : index
    %get3A_11 = arith.constant 0 : index
    %get3A_12 = vector.load %arg3[%get3A_10, %get3A_11] : memref<1x256xf32, #tpu.memory_space<vmem>>, vector<1x256xf32>
    %get3A_13 = arith.constant 0 : index
    %get3A_14 = arith.constant 0 : index
    %get3A_15 = vector.load %arg1[%get3A_13, %get3A_14] : memref<2048x256xf32, #tpu.memory_space<vmem>>, vector<2048x256xf32>
    %sub3A_16 = vector.broadcast %div3A_3 : vector<1x256xf32> to vector<2048x256xf32>
    %sub3A_17 = arith.subf %get3A_15, %sub3A_16 : vector<2048x256xf32>
    %mul3A_18 = vector.broadcast %get3A_12 : vector<1x256xf32> to vector<2048x256xf32>
    %mul3A_19 = arith.mulf %mul3A_18, %sub3A_17 : vector<2048x256xf32>
    %add3A = arith.constant 9.99999974E-6 : f32
    %add3A_20 = vector.broadcast %add3A : f32 to vector<1x256xf32>
    %add3A_21 = arith.addf %sub3A, %add3A_20 : vector<1x256xf32>
    %sqrt3A = math.sqrt %add3A_21 : vector<1x256xf32>
    %div3A_22 = vector.broadcast %sqrt3A : vector<1x256xf32> to vector<2048x256xf32>
    %div3A_23 = arith.divf %mul3A_19, %div3A_22 : vector<2048x256xf32>
    %get3A_24 = arith.constant 0 : index
    %get3A_25 = arith.constant 0 : index
    %get3A_26 = vector.load %arg4[%get3A_24, %get3A_25] : memref<1x256xf32, #tpu.memory_space<vmem>>, vector<1x256xf32>
    %add3A_27 = vector.broadcast %get3A_26 : vector<1x256xf32> to vector<2048x256xf32>
    %add3A_28 = arith.addf %div3A_23, %add3A_27 : vector<2048x256xf32>
    %max3A = arith.constant 0.000000e+00 : f32
    %max3A_29 = vector.broadcast %max3A : f32 to vector<2048x256xf32>
    %max3A_30 = arith.maximumf %add3A_28, %max3A_29 : vector<2048x256xf32>
    %get3A_31 = arith.constant 0 : index
    %get3A_32 = arith.constant 0 : index
    %get3A_33 = vector.load %arg5[%get3A_31, %get3A_32] : memref<256x128xf32, #tpu.memory_space<vmem>>, vector<256x128xf32>
    %dot_general3A = arith.constant dense<0.000000e+00> : vector<2048x128xf32>
    %dot_general3A_34 = tpu.matmul %max3A_30, %get3A_33, %dot_general3A {dimension_numbers = #tpu.dot_dimension_numbers<[1], [0], [0], [1], [0, 0, 1, 1], [], []>, transpose_lhs_hint = false} : vector<2048x256xf32>, vector<256x128xf32>, vector<2048x128xf32> -> vector<2048x128xf32>
    %get3A_35 = arith.constant 0 : index
    %get3A_36 = arith.constant 0 : index
    %get3A_37 = vector.load %arg6[%get3A_35, %get3A_36] : memref<1x128xf32, #tpu.memory_space<vmem>>, vector<1x128xf32>
    %add3A_38 = vector.broadcast %get3A_37 : vector<1x128xf32> to vector<2048x128xf32>
    %add3A_39 = arith.addf %dot_general3A_34, %add3A_38 : vector<2048x128xf32>
    %swap3A = arith.constant 0 : index
    %swap3A_40 = arith.constant 0 : index
    %swap3A_41 = vector.load %arg7[%swap3A, %swap3A_40] : memref<2048x128xf32, #tpu.memory_space<vmem>>, vector<2048x128xf32>
    tpu.vector_store %arg7[%swap3A, %swap3A_40], %add3A_39 {strides = array<i32>} : memref<2048x128xf32, #tpu.memory_space<vmem>>, vector<2048x128xf32>,
    %eq3A = arith.constant 0 : i32
    %eq3A_42 = arith.cmpi eq, %arg0, %eq3A : i32
    %convert_element_type3A = arith.extui %eq3A_42 : i1 to i32
    %cond3A = arith.constant 0 : i32
    %cond3A_43 = arith.cmpi ne, %convert_element_type3A, %cond3A : i32
    scf.if %cond3A_43 {
      %broadcast_in_dim3A_63 = arith.constant 0.000000e+00 : f32
      %broadcast_in_dim3A_64 = vector.broadcast %broadcast_in_dim3A_63 : f32 to vector<2x128xf32>
      %swap3A_65 = arith.constant 0 : index
      %swap3A_66 = arith.constant 0 : index
      %swap3A_67 = vector.load %arg8[%swap3A_65, %swap3A_66] : memref<2x128xf32, #tpu.memory_space<vmem>>, vector<2x128xf32>
      tpu.vector_store %arg8[%swap3A_65, %swap3A_66], %broadcast_in_dim3A_64 {strides = array<i32>} : memref<2x128xf32, #tpu.memory_space<vmem>>, vector<2x128xf32>,
    } else {
    }
    %get3A_44 = arith.constant 0 : index
    %get3A_45 = arith.constant 0 : index
    %get3A_46 = vector.load %arg8[%get3A_44, %get3A_45] : memref<2x128xf32, #tpu.memory_space<vmem>>, vector<1x128xf32>
    %reduce_sum3A = arith.constant dense<0.000000e+00> : vector<128xf32>
    %reduce_sum3A_47 = vector.multi_reduction <add>, %add3A_39, %reduce_sum3A [0] : vector<2048x128xf32> to vector<128xf32>
    %broadcast_in_dim3A = vector.shape_cast %reduce_sum3A_47 : vector<128xf32> to vector<1x128xf32>
    %add3A_48 = arith.addf %get3A_46, %broadcast_in_dim3A : vector<1x128xf32>
    %swap3A_49 = arith.constant 0 : index
    %swap3A_50 = arith.constant 0 : index
    %swap3A_51 = vector.load %arg8[%swap3A_49, %swap3A_50] : memref<2x128xf32, #tpu.memory_space<vmem>>, vector<1x128xf32>
    tpu.vector_store %arg8[%swap3A_49, %swap3A_50], %add3A_48 {strides = array<i32>} : memref<2x128xf32, #tpu.memory_space<vmem>>, vector<1x128xf32>,
    %get3A_52 = arith.constant 1 : index
    %get3A_53 = arith.constant 0 : index
    %get3A_54 = vector.load %arg8[%get3A_52, %get3A_53] : memref<2x128xf32, #tpu.memory_space<vmem>>, vector<1x128xf32>
    %mul3A_55 = arith.mulf %add3A_39, %add3A_39 : vector<2048x128xf32>
    %reduce_sum3A_56 = arith.constant dense<0.000000e+00> : vector<128xf32>
    %reduce_sum3A_57 = vector.multi_reduction <add>, %mul3A_55, %reduce_sum3A_56 [0] : vector<2048x128xf32> to vector<128xf32>
    %broadcast_in_dim3A_58 = vector.shape_cast %reduce_sum3A_57 : vector<128xf32> to vector<1x128xf32>
    %add3A_59 = arith.addf %get3A_54, %broadcast_in_dim3A_58 : vector<1x128xf32>
    %swap3A_60 = arith.constant 1 : index
    %swap3A_61 = arith.constant 0 : index
    %swap3A_62 = vector.load %arg8[%swap3A_60, %swap3A_61] : memref<2x128xf32, #tpu.memory_space<vmem>>, vector<1x128xf32>
    tpu.vector_store %arg8[%swap3A_60, %swap3A_61], %add3A_59 {strides = array<i32>} : memref<2x128xf32, #tpu.memory_space<vmem>>, vector<1x128xf32>,
    return
  }
  func.func @transform_0(%arg0: i32) -> (i32, i32) {
    %c0_i32 = arith.constant 0 : i32
    %c0_i32_0 = arith.constant 0 : i32
    return %arg0, %c0_i32 : i32, i32
  }
  func.func @transform_1(%arg0: i32) -> (i32, i32) {
    %c0_i32 = arith.constant 0 : i32
    %c0_i32_0 = arith.constant 0 : i32
    %c0_i32_1 = arith.constant 0 : i32
    return %c0_i32, %c0_i32_0 : i32, i32
  }
  func.func @transform_2(%arg0: i32) -> (i32, i32) {
    %c0_i32 = arith.constant 0 : i32
    %c0_i32_0 = arith.constant 0 : i32
    %c0_i32_1 = arith.constant 0 : i32
    return %c0_i32, %c0_i32_0 : i32, i32
  }
  func.func @transform_3(%arg0: i32) -> (i32, i32) {
    %c0_i32 = arith.constant 0 : i32
    %c0_i32_0 = arith.constant 0 : i32
    %c0_i32_1 = arith.constant 0 : i32
    return %c0_i32, %c0_i32_0 : i32, i32
  }
  func.func @transform_4(%arg0: i32) -> (i32, i32) {
    %c0_i32 = arith.constant 0 : i32
    %c0_i32_0 = arith.constant 0 : i32
    %c0_i32_1 = arith.constant 0 : i32
    return %c0_i32, %c0_i32_0 : i32, i32
  }
  func.func @transform_5(%arg0: i32) -> (i32, i32) {
    %c0_i32 = arith.constant 0 : i32
    %c0_i32_0 = arith.constant 0 : i32
    %c0_i32_1 = arith.constant 0 : i32
    return %c0_i32, %c0_i32_0 : i32, i32
  }
  func.func @transform_6(%arg0: i32) -> (i32, i32) {
    %c0_i32 = arith.constant 0 : i32
    %c0_i32_0 = arith.constant 0 : i32
    return %arg0, %c0_i32 : i32, i32
  }
  func.func @transform_7(%arg0: i32) -> (i32, i32) {
    %c0_i32 = arith.constant 0 : i32
    %c0_i32_0 = arith.constant 0 : i32
    %c0_i32_1 = arith.constant 0 : i32
    return %c0_i32, %c0_i32_0 : i32, i32
  }
}

module attributes {stable_mosaic.version = 14 : i64} {
  func.func @_bn_relu_mm_final_body(%arg0: i32, %arg1: memref<2048x128xf32, #tpu.memory_space<vmem>>, %arg2: memref<2x128xf32, #tpu.memory_space<vmem>>, %arg3: memref<1x128xf32, #tpu.memory_space<vmem>>, %arg4: memref<1x128xf32, #tpu.memory_space<vmem>>, %arg5: memref<128x1xf32, #tpu.memory_space<vmem>>, %arg6: memref<1x1xf32, #tpu.memory_space<vmem>>, %arg7: memref<2048x1xf32, #tpu.memory_space<vmem>>) attributes {dimension_semantics = [#tpu.dimension_semantics<arbitrary>], iteration_bounds = array<i64: 8>, scalar_prefetch = 0 : i64, scratch_operands = 0 : i64, tpu.core_type = #tpu.core_type<tc>, window_params = [{transform_indices = @transform_0, window_bounds = array<i64: 2048, 128>}, {pipeline_mode = #tpu.pipeline_mode<synchronous>, transform_indices = @transform_1, window_bounds = array<i64: 2, 128>}, {pipeline_mode = #tpu.pipeline_mode<synchronous>, transform_indices = @transform_2, window_bounds = array<i64: 1, 128>}, {pipeline_mode = #tpu.pipeline_mode<synchronous>, transform_indices = @transform_3, window_bounds = array<i64: 1, 128>}, {pipeline_mode = #tpu.pipeline_mode<synchronous>, transform_indices = @transform_4, window_bounds = array<i64: 128, 1>}, {pipeline_mode = #tpu.pipeline_mode<synchronous>, transform_indices = @transform_5, window_bounds = array<i64: 1, 1>}, {transform_indices = @transform_6, window_bounds = array<i64: 2048, 1>}]} {
    %get3A = arith.constant 0 : index
    %get3A_0 = arith.constant 0 : index
    %get3A_1 = vector.load %arg2[%get3A, %get3A_0] : memref<2x128xf32, #tpu.memory_space<vmem>>, vector<1x128xf32>
    %div3A = arith.constant 1.638400e+04 : f32
    %div3A_2 = vector.broadcast %div3A : f32 to vector<1x128xf32>
    %div3A_3 = arith.divf %get3A_1, %div3A_2 : vector<1x128xf32>
    %get3A_4 = arith.constant 1 : index
    %get3A_5 = arith.constant 0 : index
    %get3A_6 = vector.load %arg2[%get3A_4, %get3A_5] : memref<2x128xf32, #tpu.memory_space<vmem>>, vector<1x128xf32>
    %div3A_7 = arith.constant 1.638400e+04 : f32
    %div3A_8 = vector.broadcast %div3A_7 : f32 to vector<1x128xf32>
    %div3A_9 = arith.divf %get3A_6, %div3A_8 : vector<1x128xf32>
    %mul3A = arith.mulf %div3A_3, %div3A_3 : vector<1x128xf32>
    %sub3A = arith.subf %div3A_9, %mul3A : vector<1x128xf32>
    %get3A_10 = arith.constant 0 : index
    %get3A_11 = arith.constant 0 : index
    %get3A_12 = vector.load %arg3[%get3A_10, %get3A_11] : memref<1x128xf32, #tpu.memory_space<vmem>>, vector<1x128xf32>
    %get3A_13 = arith.constant 0 : index
    %get3A_14 = arith.constant 0 : index
    %get3A_15 = vector.load %arg1[%get3A_13, %get3A_14] : memref<2048x128xf32, #tpu.memory_space<vmem>>, vector<2048x128xf32>
    %sub3A_16 = vector.broadcast %div3A_3 : vector<1x128xf32> to vector<2048x128xf32>
    %sub3A_17 = arith.subf %get3A_15, %sub3A_16 : vector<2048x128xf32>
    %mul3A_18 = vector.broadcast %get3A_12 : vector<1x128xf32> to vector<2048x128xf32>
    %mul3A_19 = arith.mulf %mul3A_18, %sub3A_17 : vector<2048x128xf32>
    %add3A = arith.constant 9.99999974E-6 : f32
    %add3A_20 = vector.broadcast %add3A : f32 to vector<1x128xf32>
    %add3A_21 = arith.addf %sub3A, %add3A_20 : vector<1x128xf32>
    %sqrt3A = math.sqrt %add3A_21 : vector<1x128xf32>
    %div3A_22 = vector.broadcast %sqrt3A : vector<1x128xf32> to vector<2048x128xf32>
    %div3A_23 = arith.divf %mul3A_19, %div3A_22 : vector<2048x128xf32>
    %get3A_24 = arith.constant 0 : index
    %get3A_25 = arith.constant 0 : index
    %get3A_26 = vector.load %arg4[%get3A_24, %get3A_25] : memref<1x128xf32, #tpu.memory_space<vmem>>, vector<1x128xf32>
    %add3A_27 = vector.broadcast %get3A_26 : vector<1x128xf32> to vector<2048x128xf32>
    %add3A_28 = arith.addf %div3A_23, %add3A_27 : vector<2048x128xf32>
    %max3A = arith.constant 0.000000e+00 : f32
    %max3A_29 = vector.broadcast %max3A : f32 to vector<2048x128xf32>
    %max3A_30 = arith.maximumf %add3A_28, %max3A_29 : vector<2048x128xf32>
    %get3A_31 = arith.constant 0 : index
    %get3A_32 = arith.constant 0 : index
    %get3A_33 = vector.load %arg5[%get3A_31, %get3A_32] : memref<128x1xf32, #tpu.memory_space<vmem>>, vector<128x1xf32>
    %dot_general3A = arith.constant dense<0.000000e+00> : vector<2048x1xf32>
    %dot_general3A_34 = tpu.matmul %max3A_30, %get3A_33, %dot_general3A {dimension_numbers = #tpu.dot_dimension_numbers<[1], [0], [0], [1], [0, 0, 1, 1], [], []>, transpose_lhs_hint = false} : vector<2048x128xf32>, vector<128x1xf32>, vector<2048x1xf32> -> vector<2048x1xf32>
    %get3A_35 = arith.constant 0 : index
    %get3A_36 = arith.constant 0 : index
    %get3A_37 = vector.load %arg6[%get3A_35, %get3A_36] : memref<1x1xf32, #tpu.memory_space<vmem>>, vector<1x1xf32>
    %add3A_38 = vector.broadcast %get3A_37 : vector<1x1xf32> to vector<2048x1xf32>
    %add3A_39 = arith.addf %dot_general3A_34, %add3A_38 : vector<2048x1xf32>
    %swap3A = arith.constant 0 : index
    %swap3A_40 = arith.constant 0 : index
    %swap3A_41 = vector.load %arg7[%swap3A, %swap3A_40] : memref<2048x1xf32, #tpu.memory_space<vmem>>, vector<2048x1xf32>
    tpu.vector_store %arg7[%swap3A, %swap3A_40], %add3A_39 {strides = array<i32>} : memref<2048x1xf32, #tpu.memory_space<vmem>>, vector<2048x1xf32>,
    return
  }
  func.func @transform_0(%arg0: i32) -> (i32, i32) {
    %c0_i32 = arith.constant 0 : i32
    %c0_i32_0 = arith.constant 0 : i32
    return %arg0, %c0_i32 : i32, i32
  }
  func.func @transform_1(%arg0: i32) -> (i32, i32) {
    %c0_i32 = arith.constant 0 : i32
    %c0_i32_0 = arith.constant 0 : i32
    %c0_i32_1 = arith.constant 0 : i32
    return %c0_i32, %c0_i32_0 : i32, i32
  }
  func.func @transform_2(%arg0: i32) -> (i32, i32) {
    %c0_i32 = arith.constant 0 : i32
    %c0_i32_0 = arith.constant 0 : i32
    %c0_i32_1 = arith.constant 0 : i32
    return %c0_i32, %c0_i32_0 : i32, i32
  }
  func.func @transform_3(%arg0: i32) -> (i32, i32) {
    %c0_i32 = arith.constant 0 : i32
    %c0_i32_0 = arith.constant 0 : i32
    %c0_i32_1 = arith.constant 0 : i32
    return %c0_i32, %c0_i32_0 : i32, i32
  }
  func.func @transform_4(%arg0: i32) -> (i32, i32) {
    %c0_i32 = arith.constant 0 : i32
    %c0_i32_0 = arith.constant 0 : i32
    %c0_i32_1 = arith.constant 0 : i32
    return %c0_i32, %c0_i32_0 : i32, i32
  }
  func.func @transform_5(%arg0: i32) -> (i32, i32) {
    %c0_i32 = arith.constant 0 : i32
    %c0_i32_0 = arith.constant 0 : i32
    %c0_i32_1 = arith.constant 0 : i32
    return %c0_i32, %c0_i32_0 : i32, i32
  }
  func.func @transform_6(%arg0: i32) -> (i32, i32) {
    %c0_i32 = arith.constant 0 : i32
    %c0_i32_0 = arith.constant 0 : i32
    return %arg0, %c0_i32 : i32, i32
  }
}

</mosaic_0001>

<sc_bundles>
// kernel: kernel.15.cloned.1.call-start
scs
__scs_entry_jumppad:
0x0: {  	(pc) =	sbr.rel $0x88, $3  }
0x1: {  	(tag) =	ssettag $0x0;
	lr =	simm.s32 $0x1  }
0x2: {  	[smem:$0x3F88] =	sst lr;
	_ =	strace $0xD0000000  }
0x3: {  	_ = 	snop  }
0x4: {  	_ = 	snop  }
0x5: {  	_ = 	snop  }
0x6: {  	_ = 	snop  }
0x7: {  	_ = 	snop  }
__scs_overlays_trampoline_lowered:
0x8: {  	[smem:$0x3F97] =	sst s0  }
0x9: {  	[smem:$0x3F98] =	sst s1  }
0xa: {  	[smem:$0x3F99] =	sst s2  }
0xb: {  	[smem:$0x3F9A] =	sst s3  }
0xc: {  	[smem:$0x3F9B] =	sst s4  }
0xd: {  	[smem:$0x3F9C] =	sst s5  }
0xe: {  	[smem:$0x3F9D] =	sst s6  }
0xf: {  	[smem:$0x3F9E] =	sst s7  }
0x10: {  	[smem:$0x3F9F] =	sst s8  }
0x11: {  	[smem:$0x3FA0] =	sst s9;
	s0 =	simm.s32 @!p0 $0x0  }
0x12: {  	s1 =	sld [smem:$0x3F86];
	s0 =	simm.s32 @p0 $0x1  }
0x13: {  	[smem:$0x3FA1] =	sst s0;
	s0 =	simm.s32 @!p1 $0x0  }
0x14: {  	s2 =	sld [smem:$0x3F85];
	s0 =	simm.s32 @p1 $0x1  }
0x15: {  	[smem:$0x3FA2] =	sst s0;
	s0 =	simm.s32 @!p2 $0x0  }
0x16: {  	s3 =	sld [smem:$0x3FDB];
	s0 =	simm.s32 @p2 $0x1  }
0x17: {  	s4 =	simm.s32 $0x1BF5;
	[smem:$0x3FA4] =	sst s0  }
0x18: {  	s0 =	sld [smem:$0x3F87];
	_ =	swait.ge [sflag:s4], $0x0  }
0x19: {  	s7 =	sld [smem:$0x3F88]  }
0x1a: {  	s8 =	sadd.s32 $0xFFFFE003, lr  }
0x1b: {  	s9 =	sadd.s32 $0xFFFFFEF7, lr;
	s5 =	simm.s32 $0xFFFFFFFF;
	p2 =	slt.u32 s8, $0xFFFFF086  }
0x1c: {  	p1 =	slt.u32 s9, $0xF7A;
	s5 =	simm.s32 @!p2 $0x0  }
0x1d: {  	s5 =	simm.s32 @p1 $0x1;
	p0 =	seq.s32 s7, s2  }
0x1e: {  	s7 =	smul.u32 @!p0 $0xF7A, s2;
	p2 =	seq.s32 @!p0 s5, $0x0  }
0x1f: {  	s9 =	smul.u32 $0xF7A, s1;
	s8 =	simm.s32 @!p0 $0x1BF5;
	p2 =	por !p2, p0  }
0x20: {  	[sflag:s8] =	ssyncset.s32 @!p0 $0xFFFFF086;
	s6 =	sadd.s32 @!p0 s3, s7;
	s7 =	simm.s32 @!p0 $0x108  }
0x21: {  	s3 =	sadd.s32 s3, s9;
	s6 =	sadd.s32 @!p0 $0x88, s6;
	s7 =	simm.s32 @p2 $0x1082  }
0x22: {  	[simem:s7], [sflag:s8] =	dma.local @!p0 [hbm:s6], $0xF7A  }
0x23: {  	s9 =	sor.u32 $0xD0000000, s2;
	s6 =	simm.s32 $0x108;
	_ =	swait.ge @!p0 [sflag:s8], $0x0  }
0x24: {  	s3 =	sadd.s32 $0x88, s3;
	s6 =	simm.s32 @!p1 $0x1082;
	[sflag:s4] =	ssyncset.s32 $0xFFFFF086  }
0x25: {  	[simem:s6], [sflag:s4] =	dma.local [hbm:s3], $0xF7A  }
0x26: {  	[smem:$0x3F88] =	sst s1;
	(tag) =	ssettag s2;
	_ =	strace s9  }
0x27: {  	s1 =	sld [smem:$0x3F98]  }
0x28: {  	s2 =	sld [smem:$0x3F99]  }
0x29: {  	s4 =	sld [smem:$0x3F9B]  }
0x2a: {  	p0 =	seq.s32 s5, $0x0;
	s5 =	sld [smem:$0x3F9C]  }
0x2b: {  	s6 =	sld [smem:$0x3F9D]  }
0x2c: {  	s7 =	sld [smem:$0x3F9E]  }
0x2d: {  	s3 =	simm.s32 $0x108;
	s8 =	sld [smem:$0x3F9F]  }
0x2e: {  	s3 =	simm.s32 @!p0 $0x1082;
	s9 =	sld [smem:$0x3FA0]  }
0x2f: {  	lr =	sadd.s32 s0, s3;
	s0 =	sld [smem:$0x3F97]  }
0x30: {  	s3 =	sld [smem:$0x3F9A]  }
0x31: {  	[smem:$0x3FA3] =	sst s10  }
0x32: {  	s10 =	sld [smem:$0x3FA1];
	_ =	sdelay $0x3  }
0x33: {  	p0 =	seq.s32 s10, $0x1;
	s10 =	sld [smem:$0x3FA3];
	_ =	sdelay $0x3  }
0x34: {  	[smem:$0x3FA3] =	sst s10  }
0x35: {  	s10 =	sld [smem:$0x3FA2];
	_ =	sdelay $0x3  }
0x36: {  	p1 =	seq.s32 s10, $0x1;
	s10 =	sld [smem:$0x3FA3];
	_ =	sdelay $0x3  }
0x37: {  	[smem:$0x3FA3] =	sst s10  }
0x38: {  	s10 =	sld [smem:$0x3FA4]  }
0x39: {  	_ = 	snop;
	(pc) =	sbr.ind lr, $3  }
0x3a: {  	_ = 	snop  }
0x3b: {  	_ = 	snop  }
0x3c: {  	p2 =	seq.s32 s10, $0x1;
	s10 =	sld [smem:$0x3FA3]  }
0x3d: {  	_ =	shalt  }
0x3e: {  	_ =	shalt  }
0x3f: {  	_ =	shalt  }
0x40: {  	_ =	shalt  }
0x41: {  	_ =	shalt  }
0x42: {  	_ =	shalt  }
0x43: {  	_ =	shalt  }
0x44: {  	_ =	shalt  }
0x45: {  	_ =	shalt  }
0x46: {  	_ =	shalt  }
0x47: {  	_ =	shalt  }
0x48: {  	_ =	shalt  }
0x49: {  	_ =	shalt  }
0x4a: {  	_ =	shalt  }
0x4b: {  	_ =	shalt  }
0x4c: {  	_ =	shalt  }
0x4d: {  	_ =	shalt  }
0x4e: {  	_ =	shalt  }
0x4f: {  	_ =	shalt  }
0x50: {  	_ =	shalt  }
0x51: {  	_ =	shalt  }
0x52: {  	_ =	shalt  }
0x53: {  	_ =	shalt  }
0x54: {  	_ =	shalt  }
0x55: {  	_ =	shalt  }
0x56: {  	_ =	shalt  }
0x57: {  	_ =	shalt  }
0x58: {  	_ =	shalt  }
0x59: {  	_ =	shalt  }
0x5a: {  	_ =	shalt  }
0x5b: {  	_ =	shalt  }
0x5c: {  	_ =	shalt  }
0x5d: {  	_ =	shalt  }
0x5e: {  	_ =	shalt  }
0x5f: {  	_ =	shalt  }
0x60: {  	_ =	shalt  }
0x61: {  	_ =	shalt  }
0x62: {  	_ =	shalt  }
0x63: {  	_ =	shalt  }
0x64: {  	_ =	shalt  }
0x65: {  	_ =	shalt  }
0x66: {  	_ =	shalt  }
0x67: {  	_ =	shalt  }
0x68: {  	_ =	shalt  }
0x69: {  	_ =	shalt  }
0x6a: {  	_ =	shalt  }
0x6b: {  	_ =	shalt  }
0x6c: {  	_ =	shalt  }
0x6d: {  	_ =	shalt  }
0x6e: {  	_ =	shalt  }
0x6f: {  	_ =	shalt  }
0x70: {  	_ =	shalt  }
0x71: {  	_ =	shalt  }
0x72: {  	_ =	shalt  }
0x73: {  	_ =	shalt  }
0x74: {  	_ =	shalt  }
0x75: {  	_ =	shalt  }
0x76: {  	_ =	shalt  }
0x77: {  	_ =	shalt  }
0x78: {  	_ =	shalt  }
0x79: {  	_ =	shalt  }
0x7a: {  	_ =	shalt  }
0x7b: {  	_ =	shalt  }
0x7c: {  	_ =	shalt  }
0x7d: {  	_ =	shalt  }
0x7e: {  	_ =	shalt  }
0x7f: {  	_ =	shalt  }
0x80: {  	_ =	shalt  }
0x81: {  	_ =	shalt  }
0x82: {  	_ =	shalt  }
0x83: {  	_ =	shalt  }
0x84: {  	_ =	shalt  }
0x85: {  	_ =	shalt  }
0x86: {  	_ =	shalt  }
0x87: {  	_ =	shalt  }
.Lfunc_end0:
.L_simem_size_0:
called_computation_lowered:
.L_overlay_start_0:
0x88: {  	s2 =	sld [smem:$0x3FD9]  }
0x89: {  	s3 =	sld [smem:$0x3FFE];
	_ =	sdelay $0x1  }
0x8a: {  	s1 =	srdreg.scid  }
0x8b: {  	s0 =	sand.u32 $0x1, s1  }
0x8c: {  	s17 =	sshll.u32 s0, $0xA;
	s2 =	sadd.s32 s3, s2  }
0x8d: {  	s2 =	sadd.s32 s2, s17  }
0x8e: {  	[smem:$0x3FAF] =	sst s2  }
0x8f: {  	_ = 	snop  }
0x90: {  	(tm) =	ssettm $0x1  }
0x91: {  	s18 =	sld [smem:$0x3FFB];
	_ =	sdelay $0x3  }
0x92: {  	_ =	strace s18  }
0x93: {  	s2 =	sld [smem:$0x3FFC];
	_ =	sdelay $0x3  }
0x94: {  	_ =	strace s2  }
0x95: {  	s2 =	sld [smem:$0x3FFD];
	_ =	sdelay $0x3  }
0x96: {  	_ =	strace s2  }
0x97: {  	_ =	strace $0x8FFFFFFF  }
0x98: {  	s19 =	sld [smem:$0x3FDB];
	_ =	sdelay $0x1  }
0x99: {  	s20 =	simm.s32 $_scs_section_size  }
0x9a: {  	s4 =	simm.s32 $_size__tile_overlayer_lowered;
	s5 =	simm.s32 $_tile_overlayer_lowered  }
0x9b: {  	s6 =	simm.s32 $0x1BFF;
	s21 =	sshll.u32 s5, $0x1;
	s3 =	sadd.s32 s20, s19  }
0x9c: {  	s22 =	simm.s32 $0x0;
	s4 =	sshll.u32 s4, $0x1;
	s5 =	sadd.s32 s21, s3  }
0x9d: {  	[timem:s22], [sflag:s6] =	dma.local [hbm:s5], s4  }
0x9e: {  	_ =	swait.ge [sflag:s6], s4  }
0x9f: {  	s4 =	ssub.s32 $0x0, s4;
	[sflag:s6] =	ssyncset.done $0x0  }
0xa0: {  	[sflag:s6] =	ssyncadd.s32 s4;
	_ =	sdelay $0x1  }
0xa1: {  	s23 =	simm.s32 $0x1B8B  }
0xa2: {  	_ =	swait.ge [sflag:s23], $0x1  }
0xa3: {  	[sflag:s23] =	ssyncset.done $0x0  }
0xa4: {  	[sflag:s23] =	ssyncadd.s32 $0xFFFFFFFF  }
0xa5: {  	s4 =	sld [smem:$0x0]  }
0xa6: {  	s5 =	sand.u32 $0xFFFFFFFE, s1  }
0xa7: {  	p0 =	sne.s32 s1, s5  }
0xa8: {  	s5 =	sshll.u32 @p0 s5, $0xE  }
0xa9: {  	s5 =	sadd.s32 @p0 $0x11B8D, s5;
	s6 =	sshll.u32 @p0 s4, $0x11  }
0xaa: {  	s5 =	sor.u32 @p0 s6, s5  }
0xab: {  	[sflag:s5] =	ssyncadd.remote.s32 @p0 $0x1;
	_ =	sdelay $0x1  }
0xac: {  	s5 =	simm.s32 @p0 $0x1B8D  }
0xad: {  	_ =	swait.eq @p0 [sflag:s5], $0x1  }
0xae: {  	[sflag:s5] =	ssyncadd.s32 @p0 $0xFFFFFFFF  }
0xaf: {  	s6 =	sshll.u32 @!p0 s1, $0xE  }
0xb0: {  	s6 =	sor.u32 @!p0 $0x4000, s6;
	s5 =	simm.s32 @!p0 $0x1B8D  }
0xb1: {  	s4 =	sshll.u32 @!p0 s4, $0x11;
	s6 =	sadd.s32 @!p0 $0x11B8D, s6;
	_ =	swait.eq @!p0 [sflag:s5], $0x1  }
0xb2: {  	s4 =	sor.u32 @!p0 s4, s6;
	[sflag:s5] =	ssyncadd.s32 @!p0 $0xFFFFFFFF  }
0xb3: {  	s25 =	simm.s32 $0x1B8E;
	s24 =	sld [smem:$0x3FFE];
	[sflag:s4] =	ssyncadd.remote.s32 @!p0 $0x1  }
0xb4: {  	s26 =	simm.s32 $execute0_lowered;
	[smem:$0x3FD2] =	sst s25  }
0xb5: {  	s5 =	sshll.u32 s26, $0x1;
	_ =	strace $0x8000004F;
	[dreg:$0x1] =	wrdreg $0xFFFFFFFF  }
0xb6: {  	s28 =	simm.s32 $_size_execute0_lowered;
	s3 =	sadd.s32 s3, s5;
	[dreg:$0x0] =	wrdreg $0x0  }
0xb7: {  	s5 =	sshll.u32 s28, $0x1;
	[dreg:$0x2] =	wrdreg s3  }
0xb8: {  	[dreg:$0x3] =	wrdreg s5  }
0xb9: {  	[dreg:$0x4] =	wrdreg $0xC0  }
0xba: {  	_ =	task [dreg:s22], $0x5FFFF  }
0xbb: {  	[dreg:$0x1] =	wrdreg $0xFFFFFFFF  }
0xbc: {  	[dreg:$0x0] =	wrdreg $0x60  }
0xbd: {  	[dreg:$0x2] =	wrdreg s24  }
0xbe: {  	[dreg:$0x3] =	wrdreg $0x9  }
0xbf: {  	_ =	task.clear_ibuf [dreg:s22], $0x4FFFF;
	_ =	strace $0x9000004F  }
0xc0: {  	s29 =	simm.s32 $0x9;
	_ =	strace $0x80000051  }
0xc1: {  	_ =	swait.ge [sflag:s29], $0x1  }
0xc2: {  	[sflag:s29] =	ssyncadd.s32 $0xFFFFFFFF  }
0xc3: {  	_ =	strace $0x90000051  }
0xc4: {  	_ =	sfence  }
0xc5: {  	s30 =	sld [smem:$0x0];
	_ =	sdelay $0x2  }
0xc6: {  	s31 =	sshll.u32 s1, $0xD;
	s1 =	sshrl.u32 s1, $0x2  }
0xc7: {  	s4 =	sand.u32 $0x4000, s31;
	s1 =	sadd.s32 s1, s30  }
0xc8: {  	s0 =	sor.u32 s4, s0;
	s1 =	sshll.u32 s1, $0x11  }
0xc9: {  	s0 =	sor.u32 s1, s0  }
0xca: {  	s0 =	sadd.s32 $0x8F2B, s0  }
0xcb: {  	[sflag:s0] =	ssyncadd.remote.s32 $0x1  }
0xcc: {  	_ =	sfence.sel $0xFFFF  }
0xcd: {  	[dreg:$0x0] =	wrdreg $0xFFFFFFFF;
	(pc) =	sbr.abs _section_cstart, $3  }
0xce: {  	[dreg:$0x1] =	wrdreg $0xFFFFFFFF  }
0xcf: {  	_ =	task.clear_ibuf [dreg:s22], $0x2FFFF;
	_ =	strace $0x9FFFFFFF  }
0xd0: {  	(tm) =	ssettm $0x7FFFFFFF  }
0xd1: {  	_ =	shalt  }
tec
execute0_lowered:
.L_overlay_start_1:
0x0: {  	(tag) =	ssettag $0x1  }
0x1: {  	s6 =	rddreg [dreg:$0x0]  }
0x2: {  	s0 =	rddreg [dreg:$0x1]  }
0x3: {  	s3 =	srdreg.scid;
	s2 =	simm.s32 $0x0;
	s1 =	stileid.u32  }
0x4: {  	s10 =	simm.s32 $0x8080;
	s11 =	simm.s32 $0x1;
	s12 =	simm.s32 $0x80  }
0x5: {  	s13 =	simm.s32 $0x400;
	s14 =	simm.s32 $0x4000;
	s15 =	simm.s32 $0x8480  }
0x6: {  	s16 =	simm.s32 $0x0;
	s5 =	sand.u32 $0x1, s3;
	[smem:$0x7FF] =	sst s2  }
0x7: {  	s31 =	sshll.u32 s1, $0x4;
	s4 =	sshll.u32 s5, $0x3;
	_ =	strace $0x80000050  }
0x8: {  	s8 =	ssub.s32 $0x2, s5;
	s5 =	sadd.s32 $0x3D2C00, s6;
	s3 =	sor.u32 s4, s31  }
0x9: {  	s4 =	sadd.s32 $0x351C00, s6;
	s9 =	sshrl.u32 s8, $0x1;
	s7 =	sshll.u32 s3, $0x4  }
0xa: {  	v0 =	vimm.f32 $0.0e+00;
	s9 =	ssub.s32 s8, s9;
	s8 =	sshll.u32 s3, $0xB;
	s7 =	sadd.s32 s7, s6  }
0xb: {  	v1 =	vimm.s32 $0x0;
	v2 =	vlaneseq.u32;
	v3 =	vimm.f32 $1.000000000e+00;
	s6 =	sadd.s32 $0x3D3C00, s6;
	s9 =	smax.u32 s9, $0x1;
	s7 =	sadd.s32 $0x3D1C00, s7  }
.LBB2_1:
0xc: {  	[tilespmem:s10], [sflag:$0x1] =	stream.linear.gather [hbm4b:s7+s2], $0x400, $0x38;
	[tilespmem:$0xC480] =	vst v63  }
0xd: {  	_ =	swait.ge [sflag:s11], $0x400  }
0xe: {  	[sflag:s11] =	ssyncset.done $0x0  }
0xf: {  	s18 =	simm.s32 $0x0;
	s17 =	simm.s32 $0x200;
	[sflag:s11] =	ssyncadd.s32 $0xFFFFFC00  }
.LBB2_2:
0x10: {  	p0 =	sne.s32 s17, $0xFE00;
	[tilespmem:s18+$0x84F0] =	vst v0  }
0x11: {  	[tilespmem:s18+$0x8480] =	vst v0  }
0x12: {  	[tilespmem:s18+$0x8490] =	vst v0  }
.Ltmp0:
0x13: {  	[tilespmem:s18+$0x84A0] =	vst v0;
	(pc) =	sbr.rel @p0 .LBB2_2-.Ltmp0, $4  }
0x14: {  	[tilespmem:s18+$0x84B0] =	vst v0  }
0x15: {  	[tilespmem:s18+$0x84C0] =	vst v0  }
0x16: {  	[tilespmem:s18+$0x84D0] =	vst v0  }
0x17: {  	[tilespmem:s18+$0x84E0] =	vst v0;
	s18 =	sshra.s32 s17, $0x2;
	s17 =	sadd.s32 $0x200, s17  }
0x18: {  	[tilespmem:s18+$0x84F0] =	vst v0  }
0x19: {  	[tilespmem:s18+$0x8480] =	vst v0  }
0x1a: {  	[tilespmem:s18+$0x8490] =	vst v0  }
0x1b: {  	[tilespmem:s18+$0x84A0] =	vst v0  }
0x1c: {  	[tilespmem:s18+$0x84B0] =	vst v0  }
0x1d: {  	[tilespmem:s18+$0x84C0] =	vst v0  }
0x1e: {  	[tilespmem:s18+$0x84D0] =	vst v0  }
0x1f: {  	s17 =	simm.s32 $0x0;
	[tilespmem:s18+$0x84E0] =	vst v0;
	s18 =	simm.s32 $0x0  }
.LBB2_4:
0x20: {  	s19 =	sshll.u32 s18, $0x4  }
0x21: {  	s19 =	sadd.s32 s8, s19  }
0x22: {  	s20 =	sadd.s32 s4, s19  }
0x23: {  	[tilespmem:s17], [sflag:$0x1] =	stream.strided.gather [hbm4b:s20+s12], $0x4000, s13, s12, $0x38;
	[tilespmem:$0xC480] =	vst v63  }
0x24: {  	_ =	swait.ge [sflag:s11], $0x4000  }
0x25: {  	s31 =	sshll.u32 s18, $0x7;
	[sflag:s11] =	ssyncset.done $0x0  }
0x26: {  	s20 =	sand.u32 $0x3FFFFF80, s31;
	[sflag:s11] =	ssyncadd.s32 $0xFFFFC000  }
0x27: {  	s21 =	simm.s32 $0x40;
	s22 =	simm.s32 $0x0;
	v4 =	vld [tilespmem:s20+$0x8080];
	s20 =	simm.s32 $0x70  }
.LBB2_5:
0x28: {  	v5 =	vld [tilespmem:s21+$0xFFFFFFC0];
	_ =	sdelay $0x4  }
0x29: {  	vm0 =	vle.f32 v5, v4  }
0x2a: {  	v5 =	vsel vm0, $0x1, v1  }
0x2b: {  	(xrf0) =	vadd.scan.msk.s32 $0xffff, v5;
	_ =	sdelay $0x2  }
0x2c: {  	v5 =	vmov s22  }
0x2d: {  	v5 =	vadd.s32 $0xFFFFFFFF, v5  }
0x2e: {  	v6 =	vmpcnt.ones.xlane vm0;
	v5 =	vbroadcast v5, $0x0  }
0x2f: {  	v7, _, _ =	vpop (xrf0)  }
0x30: {  	(v2sf) =	vpush v6, $0x0;
	v5 =	vadd.s32 v7, v5  }
0x31: {  	v5 =	vnsel vm0, $0x4000, v5;
	_ =	sdelay $0x2  }
0x32: {  	s23 =	sadd.s32 $0xFFFFFF90, s20  }
0x33: {  	v6 =	vor.u32 s23, v2  }
0x34: {  	[tilespmem:v5+s14+$0x0] =	vst.idx.msk $0xffff, v6  }
0x35: {  	v5 =	vld [tilespmem:s21+$0xFFFFFFD0];
	_ =	sdelay $0x4  }
0x36: {  	vm9 =	vle.f32 v5, v4  }
0x37: {  	v5 =	vsel vm9, $0x1, v1  }
0x38: {  	(xrf0) =	vadd.scan.msk.s32 $0xffff, v5  }
0x39: {  	s31 =	spop (v2sf)  }
0x3a: {  	s24 =	sadd.s32 s22, s31  }
0x3b: {  	v5 =	vmov s24  }
0x3c: {  	v5 =	vadd.s32 $0xFFFFFFFF, v5  }
0x3d: {  	v6 =	vmpcnt.ones.xlane vm9;
	v5 =	vbroadcast v5, $0x0  }
0x3e: {  	v7, _, _ =	vpop (xrf0)  }
0x3f: {  	(v2sf) =	vpush v6, $0x0;
	v5 =	vadd.s32 v7, v5  }
0x40: {  	v5 =	vnsel vm9, $0x4000, v5;
	_ =	sdelay $0x2  }
0x41: {  	s25 =	sadd.s32 $0xFFFFFFA0, s20  }
0x42: {  	v6 =	vor.u32 s25, v2  }
0x43: {  	[tilespmem:v5+s14+$0x0] =	vst.idx.msk $0xffff, v6  }
0x44: {  	v5 =	vld [tilespmem:s21+$0xFFFFFFE0];
	_ =	sdelay $0x4  }
0x45: {  	vm10 =	vle.f32 v5, v4  }
0x46: {  	v5 =	vsel vm10, $0x1, v1  }
0x47: {  	(xrf0) =	vadd.scan.msk.s32 $0xffff, v5  }
0x48: {  	s26 =	spop (v2sf)  }
0x49: {  	s22 =	sadd.s32 s24, s26  }
0x4a: {  	v5 =	vmov s22  }
0x4b: {  	v5 =	vadd.s32 $0xFFFFFFFF, v5  }
0x4c: {  	v6 =	vmpcnt.ones.xlane vm10;
	v5 =	vbroadcast v5, $0x0  }
0x4d: {  	v7, _, _ =	vpop (xrf0)  }
0x4e: {  	(v2sf) =	vpush v6, $0x0;
	v5 =	vadd.s32 v7, v5  }
0x4f: {  	v5 =	vnsel vm10, $0x4000, v5;
	_ =	sdelay $0x2  }
0x50: {  	s28 =	sadd.s32 $0xFFFFFFB0, s20  }
0x51: {  	v6 =	vor.u32 s28, v2  }
0x52: {  	[tilespmem:v5+s14+$0x0] =	vst.idx.msk $0xffff, v6  }
0x53: {  	v5 =	vld [tilespmem:s21+$0xFFFFFFF0];
	_ =	sdelay $0x4  }
0x54: {  	vm11 =	vle.f32 v5, v4  }
0x55: {  	v5 =	vsel vm11, $0x1, v1  }
0x56: {  	(xrf0) =	vadd.scan.msk.s32 $0xffff, v5  }
0x57: {  	s29 =	spop (v2sf)  }
0x58: {  	s22 =	sadd.s32 s22, s29  }
0x59: {  	v5 =	vmov s22  }
0x5a: {  	v5 =	vadd.s32 $0xFFFFFFFF, v5  }
0x5b: {  	v6 =	vmpcnt.ones.xlane vm11;
	v5 =	vbroadcast v5, $0x0  }
0x5c: {  	v7, _, _ =	vpop (xrf0)  }
0x5d: {  	(v2sf) =	vpush v6, $0x0;
	v5 =	vadd.s32 v7, v5  }
0x5e: {  	v5 =	vnsel vm11, $0x4000, v5;
	_ =	sdelay $0x2  }
0x5f: {  	s30 =	sadd.s32 $0xFFFFFFC0, s20  }
0x60: {  	v6 =	vor.u32 s30, v2  }
0x61: {  	[tilespmem:v5+s14+$0x0] =	vst.idx.msk $0xffff, v6  }
0x62: {  	v5 =	vld [tilespmem:s21+$0x0];
	_ =	sdelay $0x4  }
0x63: {  	vm12 =	vle.f32 v5, v4  }
0x64: {  	v5 =	vsel vm12, $0x1, v1  }
0x65: {  	(xrf0) =	vadd.scan.msk.s32 $0xffff, v5  }
0x66: {  	s31 =	spop (v2sf)  }
0x67: {  	s22 =	sadd.s32 s22, s31  }
0x68: {  	v5 =	vmov s22  }
0x69: {  	v5 =	vadd.s32 $0xFFFFFFFF, v5  }
0x6a: {  	v6 =	vmpcnt.ones.xlane vm12;
	v5 =	vbroadcast v5, $0x0  }
0x6b: {  	v7, _, _ =	vpop (xrf0)  }
0x6c: {  	(v2sf) =	vpush v6, $0x0;
	v5 =	vadd.s32 v7, v5  }
0x6d: {  	v5 =	vnsel vm12, $0x4000, v5;
	_ =	sdelay $0x2  }
0x6e: {  	s24 =	sadd.s32 $0xFFFFFFD0, s20  }
0x6f: {  	v6 =	vor.u32 s24, v2  }
0x70: {  	[tilespmem:v5+s14+$0x0] =	vst.idx.msk $0xffff, v6  }
0x71: {  	v5 =	vld [tilespmem:s21+$0x10];
	_ =	sdelay $0x4  }
0x72: {  	vm13 =	vle.f32 v5, v4  }
0x73: {  	v5 =	vsel vm13, $0x1, v1  }
0x74: {  	(xrf0) =	vadd.scan.msk.s32 $0xffff, v5  }
0x75: {  	s25 =	spop (v2sf)  }
0x76: {  	s22 =	sadd.s32 s22, s25  }
0x77: {  	v5 =	vmov s22  }
0x78: {  	v5 =	vadd.s32 $0xFFFFFFFF, v5  }
0x79: {  	v6 =	vmpcnt.ones.xlane vm13;
	v5 =	vbroadcast v5, $0x0  }
0x7a: {  	v7, _, _ =	vpop (xrf0)  }
0x7b: {  	(v2sf) =	vpush v6, $0x0;
	v5 =	vadd.s32 v7, v5  }
0x7c: {  	v5 =	vnsel vm13, $0x4000, v5;
	_ =	sdelay $0x2  }
0x7d: {  	s26 =	sadd.s32 $0xFFFFFFE0, s20  }
0x7e: {  	v6 =	vor.u32 s26, v2  }
0x7f: {  	[tilespmem:v5+s14+$0x0] =	vst.idx.msk $0xffff, v6  }
0x80: {  	v5 =	vld [tilespmem:s21+$0x20];
	_ =	sdelay $0x4  }
0x81: {  	vm14 =	vle.f32 v5, v4  }
0x82: {  	v5 =	vsel vm14, $0x1, v1  }
0x83: {  	(xrf0) =	vadd.scan.msk.s32 $0xffff, v5  }
0x84: {  	s28 =	spop (v2sf)  }
0x85: {  	s22 =	sadd.s32 s22, s28  }
0x86: {  	v5 =	vmov s22  }
0x87: {  	v5 =	vadd.s32 $0xFFFFFFFF, v5  }
0x88: {  	v5 =	vbroadcast v5, $0x0  }
0x89: {  	v6, _, _ =	vpop (xrf0)  }
0x8a: {  	v5 =	vadd.s32 v6, v5  }
0x8b: {  	v5 =	vnsel vm14, $0x4000, v5  }
0x8c: {  	v6 =	vmpcnt.ones.xlane vm14;
	_ =	sdelay $0x1  }
0x8d: {  	s29 =	sadd.s32 $0xFFFFFFF0, s20;
	(v2sf) =	vpush v6, $0x0  }
0x8e: {  	v6 =	vor.u32 s29, v2  }
0x8f: {  	[tilespmem:v5+s14+$0x0] =	vst.idx.msk $0xffff, v6  }
0x90: {  	v5 =	vld [tilespmem:s21+$0x30];
	_ =	sdelay $0x4  }
0x91: {  	vm15 =	vle.f32 v5, v4  }
0x92: {  	v5 =	vmpcnt.ones.xlane vm15;
	_ =	sdelay $0x1  }
0x93: {  	(v2sf) =	vpush v5, $0x0;
	_ =	sdelay $0x1  }
0x94: {  	v5 =	vsel vm15, $0x1, v1  }
0x95: {  	(xrf0) =	vadd.scan.msk.s32 $0xffff, v5  }
0x96: {  	s30 =	spop (v2sf)  }
0x97: {  	s22 =	sadd.s32 s22, s30  }
0x98: {  	v5 =	vmov s22  }
0x99: {  	v5 =	vadd.s32 $0xFFFFFFFF, v5  }
0x9a: {  	v5 =	vbroadcast v5, $0x0  }
0x9b: {  	v6, _, _ =	vpop (xrf0)  }
0x9c: {  	v5 =	vadd.s32 v6, v5  }
0x9d: {  	p0 =	sne.s32 s20, $0x3FF0;
	v5 =	vnsel vm15, $0x4000, v5  }
.Ltmp1:
0x9e: {  	_ = 	snop;
	(pc) =	sbr.rel @p0 .LBB2_5-.Ltmp1, $3  }
0x9f: {  	_ =	sdelay $0x1  }
0xa0: {  	v6 =	vor.u32 s20, v2;
	s31 =	spop (v2sf)  }
0xa1: {  	s21 =	sadd.s32 $0x80, s21;
	s20 =	sadd.s32 $0x80, s20;
	[tilespmem:v5+s14+$0x0] =	vst.idx.msk $0xffff, v6;
	s22 =	sadd.s32 s22, s31  }
0xa2: {  	s20 =	sadd.s32 s3, s18  }
0xa3: {  	s20 =	sshll.u32 s20, $0x4  }
0xa4: {  	s20 =	sadd.s32 s5, s20  }
0xa5: {  	[hbm4b:s20+s2] =	stream.linear.scatter [tilespmem:s14], [sflag:$0x1], $0x80, $0x38;
	[tilespmem:$0xC480] =	vst v63  }
0xa6: {  	_ =	swait.ge [sflag:s11], $0x80  }
0xa7: {  	[sflag:s11] =	ssyncset.done $0x0  }
0xa8: {  	[sflag:s11] =	ssyncadd.s32 $0xFFFFFF80  }
0xa9: {  	v4 =	vld [tilespmem:$0x4000];
	_ =	sdelay $0x7  }
0xaa: {  	[tilespmem:v4+s15+$0x0] =	vst.idx.msk $0xffff, v3  }
0xab: {  	v4 =	vld [tilespmem:$0x4010];
	_ =	sdelay $0x7  }
0xac: {  	[tilespmem:v4+s15+$0x0] =	vst.idx.msk $0xffff, v3  }
0xad: {  	v4 =	vld [tilespmem:$0x4020];
	_ =	sdelay $0x7  }
0xae: {  	[tilespmem:v4+s15+$0x0] =	vst.idx.msk $0xffff, v3  }
0xaf: {  	v4 =	vld [tilespmem:$0x4030];
	_ =	sdelay $0x7  }
0xb0: {  	[tilespmem:v4+s15+$0x0] =	vst.idx.msk $0xffff, v3  }
0xb1: {  	v4 =	vld [tilespmem:$0x4040];
	_ =	sdelay $0x7  }
0xb2: {  	[tilespmem:v4+s15+$0x0] =	vst.idx.msk $0xffff, v3  }
0xb3: {  	v4 =	vld [tilespmem:$0x4050];
	_ =	sdelay $0x7  }
0xb4: {  	[tilespmem:v4+s15+$0x0] =	vst.idx.msk $0xffff, v3  }
0xb5: {  	v4 =	vld [tilespmem:$0x4060];
	_ =	sdelay $0x7  }
0xb6: {  	[tilespmem:v4+s15+$0x0] =	vst.idx.msk $0xffff, v3  }
0xb7: {  	v4 =	vld [tilespmem:$0x4070];
	_ =	sdelay $0x7  }
0xb8: {  	s19 =	sadd.s32 s6, s19;
	[tilespmem:v4+s15+$0x0] =	vst.idx.msk $0xffff, v3  }
0xb9: {  	[hbm4b:s19+s12] =	stream.strided.scatter [tilespmem:s15], [sflag:$0x1], $0x4000, s13, s12, $0x38;
	[tilespmem:$0xC480] =	vst v63  }
0xba: {  	_ =	swait.ge [sflag:s11], $0x4000  }
0xbb: {  	[sflag:s11] =	ssyncset.done $0x0  }
0xbc: {  	[sflag:s11] =	ssyncadd.s32 $0xFFFFC000  }
0xbd: {  	v4 =	vld [tilespmem:$0x4000];
	_ =	sdelay $0x7  }
0xbe: {  	[tilespmem:v4+s15+$0x0] =	vst.idx.msk $0xffff, v0  }
0xbf: {  	v4 =	vld [tilespmem:$0x4010];
	_ =	sdelay $0x7  }
0xc0: {  	[tilespmem:v4+s15+$0x0] =	vst.idx.msk $0xffff, v0  }
0xc1: {  	v4 =	vld [tilespmem:$0x4020];
	_ =	sdelay $0x7  }
0xc2: {  	[tilespmem:v4+s15+$0x0] =	vst.idx.msk $0xffff, v0  }
0xc3: {  	v4 =	vld [tilespmem:$0x4030];
	_ =	sdelay $0x7  }
0xc4: {  	[tilespmem:v4+s15+$0x0] =	vst.idx.msk $0xffff, v0  }
0xc5: {  	v4 =	vld [tilespmem:$0x4040];
	_ =	sdelay $0x7  }
0xc6: {  	[tilespmem:v4+s15+$0x0] =	vst.idx.msk $0xffff, v0  }
0xc7: {  	v4 =	vld [tilespmem:$0x4050];
	_ =	sdelay $0x7  }
0xc8: {  	[tilespmem:v4+s15+$0x0] =	vst.idx.msk $0xffff, v0  }
0xc9: {  	v4 =	vld [tilespmem:$0x4060];
	_ =	sdelay $0x7  }
0xca: {  	[tilespmem:v4+s15+$0x0] =	vst.idx.msk $0xffff, v0  }
0xcb: {  	v4 =	vld [tilespmem:$0x4070];
	_ =	sdelay $0x1  }
0xcc: {  	s18 =	sadd.s32 $0x1, s18  }
0xcd: {  	p0 =	sne.s32 s18, $0x8  }
.Ltmp2:
0xce: {  	_ = 	snop;
	(pc) =	sbr.rel @p0 .LBB2_4-.Ltmp2, $2  }
0xcf: {  	_ =	sdelay $0x2  }
0xd0: {  	[tilespmem:v4+s15+$0x0] =	vst.idx.msk $0xffff, v0  }
0xd1: {  	s16 =	sadd.s32 $0x1, s16  }
0xd2: {  	p0 =	sne.s32 s16, s9  }
.Ltmp3:
0xd3: {  	_ = 	snop;
	(pc) =	sbr.rel @p0 .LBB2_1-.Ltmp3, $1  }
0xd4: {  	_ =	sdelay $0x3  }
0xd5: {  	_ =	sfence.sel $0x180000  }
0xd6: {  	[bflag:$0x0] =	sbarrier.arrive $0xFFFF  }
0xd7: {  	p0 =	sne.s32 s1, $0x0;
	_ =	strace $0x90000050  }
0xd8: {  	s0 =	sadd.s32 @!p0 $0x100000, s0;
	[bflag:$0x2] =	sbarrier.arrive $0xFFFF  }
0xd9: {  	[sflag:s0] =	ssyncadd.tile.s32 @!p0 $0x1;
	_ =	shalt  }
.Lfunc_end2:
_tile_overlayer_lowered:
.L_overlay_start_2:
0xda: {  	(tag) =	ssettag $0x2  }
0xdb: {  	s0 =	rddreg [dreg:$0x0];
	s2 =	stileid.u32  }
0xdc: {  	s1 =	rddreg [dreg:$0x1];
	p0 =	sne.s32 s2, $0x0  }
0xdd: {  	s3 =	rddreg [dreg:$0x2];
	[bflag:$0x3] =	sbarrier.arrive $0xFFFF;
	s2 =	simm.s32 @!p0 $0x1C01  }
0xde: {  	[timem:s3], [sflag:s2] =	dma.local @!p0 [hbm:s0], s1  }
0xdf: {  	s0 =	simm.s32 @!p0 $0x1  }
0xe0: {  	_ =	swait.ge @!p0 [sflag:s0], s1  }
0xe1: {  	s1 =	ssub.s32 @!p0 $0x0, s1;
	[sflag:s0] =	ssyncset.done @!p0 $0x0  }
0xe2: {  	[sflag:s0] =	ssyncadd.s32 @!p0 s1  }
0xe3: {  	[bflag:$0x3] =	sbarrier.arrive $0xFFFF  }
0xe4: {  	_ =	shalt  }

// kernel: kernel.18.cloned.1.call-start
scs
__scs_entry_jumppad:
0x0: {  	(pc) =	sbr.rel $0x88, $3  }
0x1: {  	(tag) =	ssettag $0x0;
	lr =	simm.s32 $0x1  }
0x2: {  	[smem:$0x3F88] =	sst lr;
	_ =	strace $0xD0000000  }
0x3: {  	_ = 	snop  }
0x4: {  	_ = 	snop  }
0x5: {  	_ = 	snop  }
0x6: {  	_ = 	snop  }
0x7: {  	_ = 	snop  }
__scs_overlays_trampoline_lowered:
0x8: {  	[smem:$0x3F97] =	sst s0  }
0x9: {  	[smem:$0x3F98] =	sst s1  }
0xa: {  	[smem:$0x3F99] =	sst s2  }
0xb: {  	[smem:$0x3F9A] =	sst s3  }
0xc: {  	[smem:$0x3F9B] =	sst s4  }
0xd: {  	[smem:$0x3F9C] =	sst s5  }
0xe: {  	[smem:$0x3F9D] =	sst s6  }
0xf: {  	[smem:$0x3F9E] =	sst s7  }
0x10: {  	[smem:$0x3F9F] =	sst s8  }
0x11: {  	[smem:$0x3FA0] =	sst s9;
	s0 =	simm.s32 @!p0 $0x0  }
0x12: {  	s1 =	sld [smem:$0x3F86];
	s0 =	simm.s32 @p0 $0x1  }
0x13: {  	[smem:$0x3FA1] =	sst s0;
	s0 =	simm.s32 @!p1 $0x0  }
0x14: {  	s2 =	sld [smem:$0x3F85];
	s0 =	simm.s32 @p1 $0x1  }
0x15: {  	[smem:$0x3FA2] =	sst s0;
	s0 =	simm.s32 @!p2 $0x0  }
0x16: {  	s3 =	sld [smem:$0x3FDB];
	s0 =	simm.s32 @p2 $0x1  }
0x17: {  	s4 =	simm.s32 $0x1BF5;
	[smem:$0x3FA4] =	sst s0  }
0x18: {  	s0 =	sld [smem:$0x3F87];
	_ =	swait.ge [sflag:s4], $0x0  }
0x19: {  	s7 =	sld [smem:$0x3F88]  }
0x1a: {  	s8 =	sadd.s32 $0xFFFFE003, lr  }
0x1b: {  	s9 =	sadd.s32 $0xFFFFFEF7, lr;
	s5 =	simm.s32 $0xFFFFFFFF;
	p2 =	slt.u32 s8, $0xFFFFF086  }
0x1c: {  	p1 =	slt.u32 s9, $0xF7A;
	s5 =	simm.s32 @!p2 $0x0  }
0x1d: {  	s5 =	simm.s32 @p1 $0x1;
	p0 =	seq.s32 s7, s2  }
0x1e: {  	s7 =	smul.u32 @!p0 $0xF7A, s2;
	p2 =	seq.s32 @!p0 s5, $0x0  }
0x1f: {  	s9 =	smul.u32 $0xF7A, s1;
	s8 =	simm.s32 @!p0 $0x1BF5;
	p2 =	por !p2, p0  }
0x20: {  	[sflag:s8] =	ssyncset.s32 @!p0 $0xFFFFF086;
	s6 =	sadd.s32 @!p0 s3, s7;
	s7 =	simm.s32 @!p0 $0x108  }
0x21: {  	s3 =	sadd.s32 s3, s9;
	s6 =	sadd.s32 @!p0 $0x88, s6;
	s7 =	simm.s32 @p2 $0x1082  }
0x22: {  	[simem:s7], [sflag:s8] =	dma.local @!p0 [hbm:s6], $0xF7A  }
0x23: {  	s9 =	sor.u32 $0xD0000000, s2;
	s6 =	simm.s32 $0x108;
	_ =	swait.ge @!p0 [sflag:s8], $0x0  }
0x24: {  	s3 =	sadd.s32 $0x88, s3;
	s6 =	simm.s32 @!p1 $0x1082;
	[sflag:s4] =	ssyncset.s32 $0xFFFFF086  }
0x25: {  	[simem:s6], [sflag:s4] =	dma.local [hbm:s3], $0xF7A  }
0x26: {  	[smem:$0x3F88] =	sst s1;
	(tag) =	ssettag s2;
	_ =	strace s9  }
0x27: {  	s1 =	sld [smem:$0x3F98]  }
0x28: {  	s2 =	sld [smem:$0x3F99]  }
0x29: {  	s4 =	sld [smem:$0x3F9B]  }
0x2a: {  	p0 =	seq.s32 s5, $0x0;
	s5 =	sld [smem:$0x3F9C]  }
0x2b: {  	s6 =	sld [smem:$0x3F9D]  }
0x2c: {  	s7 =	sld [smem:$0x3F9E]  }
0x2d: {  	s3 =	simm.s32 $0x108;
	s8 =	sld [smem:$0x3F9F]  }
0x2e: {  	s3 =	simm.s32 @!p0 $0x1082;
	s9 =	sld [smem:$0x3FA0]  }
0x2f: {  	lr =	sadd.s32 s0, s3;
	s0 =	sld [smem:$0x3F97]  }
0x30: {  	s3 =	sld [smem:$0x3F9A]  }
0x31: {  	[smem:$0x3FA3] =	sst s10  }
0x32: {  	s10 =	sld [smem:$0x3FA1];
	_ =	sdelay $0x3  }
0x33: {  	p0 =	seq.s32 s10, $0x1;
	s10 =	sld [smem:$0x3FA3];
	_ =	sdelay $0x3  }
0x34: {  	[smem:$0x3FA3] =	sst s10  }
0x35: {  	s10 =	sld [smem:$0x3FA2];
	_ =	sdelay $0x3  }
0x36: {  	p1 =	seq.s32 s10, $0x1;
	s10 =	sld [smem:$0x3FA3];
	_ =	sdelay $0x3  }
0x37: {  	[smem:$0x3FA3] =	sst s10  }
0x38: {  	s10 =	sld [smem:$0x3FA4]  }
0x39: {  	_ = 	snop;
	(pc) =	sbr.ind lr, $3  }
0x3a: {  	_ = 	snop  }
0x3b: {  	_ = 	snop  }
0x3c: {  	p2 =	seq.s32 s10, $0x1;
	s10 =	sld [smem:$0x3FA3]  }
0x3d: {  	_ =	shalt  }
0x3e: {  	_ =	shalt  }
0x3f: {  	_ =	shalt  }
0x40: {  	_ =	shalt  }
0x41: {  	_ =	shalt  }
0x42: {  	_ =	shalt  }
0x43: {  	_ =	shalt  }
0x44: {  	_ =	shalt  }
0x45: {  	_ =	shalt  }
0x46: {  	_ =	shalt  }
0x47: {  	_ =	shalt  }
0x48: {  	_ =	shalt  }
0x49: {  	_ =	shalt  }
0x4a: {  	_ =	shalt  }
0x4b: {  	_ =	shalt  }
0x4c: {  	_ =	shalt  }
0x4d: {  	_ =	shalt  }
0x4e: {  	_ =	shalt  }
0x4f: {  	_ =	shalt  }
0x50: {  	_ =	shalt  }
0x51: {  	_ =	shalt  }
0x52: {  	_ =	shalt  }
0x53: {  	_ =	shalt  }
0x54: {  	_ =	shalt  }
0x55: {  	_ =	shalt  }
0x56: {  	_ =	shalt  }
0x57: {  	_ =	shalt  }
0x58: {  	_ =	shalt  }
0x59: {  	_ =	shalt  }
0x5a: {  	_ =	shalt  }
0x5b: {  	_ =	shalt  }
0x5c: {  	_ =	shalt  }
0x5d: {  	_ =	shalt  }
0x5e: {  	_ =	shalt  }
0x5f: {  	_ =	shalt  }
0x60: {  	_ =	shalt  }
0x61: {  	_ =	shalt  }
0x62: {  	_ =	shalt  }
0x63: {  	_ =	shalt  }
0x64: {  	_ =	shalt  }
0x65: {  	_ =	shalt  }
0x66: {  	_ =	shalt  }
0x67: {  	_ =	shalt  }
0x68: {  	_ =	shalt  }
0x69: {  	_ =	shalt  }
0x6a: {  	_ =	shalt  }
0x6b: {  	_ =	shalt  }
0x6c: {  	_ =	shalt  }
0x6d: {  	_ =	shalt  }
0x6e: {  	_ =	shalt  }
0x6f: {  	_ =	shalt  }
0x70: {  	_ =	shalt  }
0x71: {  	_ =	shalt  }
0x72: {  	_ =	shalt  }
0x73: {  	_ =	shalt  }
0x74: {  	_ =	shalt  }
0x75: {  	_ =	shalt  }
0x76: {  	_ =	shalt  }
0x77: {  	_ =	shalt  }
0x78: {  	_ =	shalt  }
0x79: {  	_ =	shalt  }
0x7a: {  	_ =	shalt  }
0x7b: {  	_ =	shalt  }
0x7c: {  	_ =	shalt  }
0x7d: {  	_ =	shalt  }
0x7e: {  	_ =	shalt  }
0x7f: {  	_ =	shalt  }
0x80: {  	_ =	shalt  }
0x81: {  	_ =	shalt  }
0x82: {  	_ =	shalt  }
0x83: {  	_ =	shalt  }
0x84: {  	_ =	shalt  }
0x85: {  	_ =	shalt  }
0x86: {  	_ =	shalt  }
0x87: {  	_ =	shalt  }
.Lfunc_end0:
.L_simem_size_0:
called_computation.1_lowered:
.L_overlay_start_0:
0x88: {  	s2 =	sld [smem:$0x3FD9]  }
0x89: {  	s3 =	sld [smem:$0x3FFE];
	_ =	sdelay $0x1  }
0x8a: {  	s1 =	srdreg.scid  }
0x8b: {  	s0 =	sand.u32 $0x1, s1  }
0x8c: {  	s17 =	sshll.u32 s0, $0xA;
	s2 =	sadd.s32 s3, s2  }
0x8d: {  	s2 =	sadd.s32 s2, s17  }
0x8e: {  	[smem:$0x3FAF] =	sst s2  }
0x8f: {  	_ = 	snop  }
0x90: {  	(tm) =	ssettm $0x1  }
0x91: {  	s18 =	sld [smem:$0x3FFB];
	_ =	sdelay $0x3  }
0x92: {  	_ =	strace s18  }
0x93: {  	s2 =	sld [smem:$0x3FFC];
	_ =	sdelay $0x3  }
0x94: {  	_ =	strace s2  }
0x95: {  	s2 =	sld [smem:$0x3FFD];
	_ =	sdelay $0x3  }
0x96: {  	_ =	strace s2  }
0x97: {  	_ =	strace $0x8FFFFFFF  }
0x98: {  	s19 =	sld [smem:$0x3FDB];
	_ =	sdelay $0x1  }
0x99: {  	s20 =	simm.s32 $_scs_section_size  }
0x9a: {  	s4 =	simm.s32 $_size__tile_overlayer_lowered;
	s5 =	simm.s32 $_tile_overlayer_lowered  }
0x9b: {  	s6 =	simm.s32 $0x1BFF;
	s21 =	sshll.u32 s5, $0x1;
	s3 =	sadd.s32 s20, s19  }
0x9c: {  	s22 =	simm.s32 $0x0;
	s4 =	sshll.u32 s4, $0x1;
	s5 =	sadd.s32 s21, s3  }
0x9d: {  	[timem:s22], [sflag:s6] =	dma.local [hbm:s5], s4  }
0x9e: {  	_ =	swait.ge [sflag:s6], s4  }
0x9f: {  	s4 =	ssub.s32 $0x0, s4;
	[sflag:s6] =	ssyncset.done $0x0  }
0xa0: {  	[sflag:s6] =	ssyncadd.s32 s4;
	_ =	sdelay $0x1  }
0xa1: {  	s23 =	simm.s32 $0x1B8B  }
0xa2: {  	_ =	swait.ge [sflag:s23], $0x1  }
0xa3: {  	[sflag:s23] =	ssyncset.done $0x0  }
0xa4: {  	[sflag:s23] =	ssyncadd.s32 $0xFFFFFFFF  }
0xa5: {  	s4 =	sld [smem:$0x0]  }
0xa6: {  	s5 =	sand.u32 $0xFFFFFFFE, s1  }
0xa7: {  	p0 =	sne.s32 s1, s5  }
0xa8: {  	s5 =	sshll.u32 @p0 s5, $0xE  }
0xa9: {  	s5 =	sadd.s32 @p0 $0x11B8D, s5;
	s6 =	sshll.u32 @p0 s4, $0x11  }
0xaa: {  	s5 =	sor.u32 @p0 s6, s5  }
0xab: {  	[sflag:s5] =	ssyncadd.remote.s32 @p0 $0x1;
	_ =	sdelay $0x1  }
0xac: {  	s5 =	simm.s32 @p0 $0x1B8D  }
0xad: {  	_ =	swait.eq @p0 [sflag:s5], $0x1  }
0xae: {  	[sflag:s5] =	ssyncadd.s32 @p0 $0xFFFFFFFF  }
0xaf: {  	s6 =	sshll.u32 @!p0 s1, $0xE  }
0xb0: {  	s6 =	sor.u32 @!p0 $0x4000, s6;
	s5 =	simm.s32 @!p0 $0x1B8D  }
0xb1: {  	s4 =	sshll.u32 @!p0 s4, $0x11;
	s6 =	sadd.s32 @!p0 $0x11B8D, s6;
	_ =	swait.eq @!p0 [sflag:s5], $0x1  }
0xb2: {  	s4 =	sor.u32 @!p0 s4, s6;
	[sflag:s5] =	ssyncadd.s32 @!p0 $0xFFFFFFFF  }
0xb3: {  	s25 =	simm.s32 $0x1B8E;
	s24 =	sld [smem:$0x3FFE];
	[sflag:s4] =	ssyncadd.remote.s32 @!p0 $0x1  }
0xb4: {  	s26 =	simm.s32 $execute0_lowered;
	[smem:$0x3FD2] =	sst s25  }
0xb5: {  	s5 =	sshll.u32 s26, $0x1;
	_ =	strace $0x8000004C;
	[dreg:$0x1] =	wrdreg $0xFFFFFFFF  }
0xb6: {  	s28 =	simm.s32 $_size_execute0_lowered;
	s3 =	sadd.s32 s3, s5;
	[dreg:$0x0] =	wrdreg $0x0  }
0xb7: {  	s5 =	sshll.u32 s28, $0x1;
	[dreg:$0x2] =	wrdreg s3  }
0xb8: {  	[dreg:$0x3] =	wrdreg s5  }
0xb9: {  	[dreg:$0x4] =	wrdreg $0xC0  }
0xba: {  	_ =	task [dreg:s22], $0x5FFFF  }
0xbb: {  	[dreg:$0x1] =	wrdreg $0xFFFFFFFF  }
0xbc: {  	[dreg:$0x0] =	wrdreg $0x60  }
0xbd: {  	[dreg:$0x2] =	wrdreg s24  }
0xbe: {  	[dreg:$0x3] =	wrdreg $0xA  }
0xbf: {  	_ =	task.clear_ibuf [dreg:s22], $0x4FFFF;
	_ =	strace $0x9000004C  }
0xc0: {  	s29 =	simm.s32 $0xA;
	_ =	strace $0x8000004E  }
0xc1: {  	_ =	swait.ge [sflag:s29], $0x1  }
0xc2: {  	[sflag:s29] =	ssyncadd.s32 $0xFFFFFFFF  }
0xc3: {  	_ =	strace $0x9000004E  }
0xc4: {  	_ =	sfence  }
0xc5: {  	s30 =	sld [smem:$0x0];
	_ =	sdelay $0x2  }
0xc6: {  	s31 =	sshll.u32 s1, $0xD;
	s1 =	sshrl.u32 s1, $0x2  }
0xc7: {  	s4 =	sand.u32 $0x4000, s31;
	s1 =	sadd.s32 s1, s30  }
0xc8: {  	s0 =	sor.u32 s4, s0;
	s1 =	sshll.u32 s1, $0x11  }
0xc9: {  	s0 =	sor.u32 s1, s0  }
0xca: {  	s0 =	sadd.s32 $0x8F2B, s0  }
0xcb: {  	[sflag:s0] =	ssyncadd.remote.s32 $0x1  }
0xcc: {  	_ =	sfence.sel $0xFFFF  }
0xcd: {  	[dreg:$0x0] =	wrdreg $0xFFFFFFFF;
	(pc) =	sbr.abs _section_cstart, $3  }
0xce: {  	[dreg:$0x1] =	wrdreg $0xFFFFFFFF  }
0xcf: {  	_ =	task.clear_ibuf [dreg:s22], $0x2FFFF;
	_ =	strace $0x9FFFFFFF  }
0xd0: {  	(tm) =	ssettm $0x7FFFFFFF  }
0xd1: {  	_ =	shalt  }
tec
execute0_lowered:
.L_overlay_start_1:
0x0: {  	(tag) =	ssettag $0x1  }
0x1: {  	s6 =	rddreg [dreg:$0x0]  }
0x2: {  	s0 =	rddreg [dreg:$0x1]  }
0x3: {  	s3 =	srdreg.scid;
	s2 =	simm.s32 $0x0;
	s1 =	stileid.u32  }
0x4: {  	s10 =	simm.s32 $0x8080;
	s11 =	simm.s32 $0x1;
	s12 =	simm.s32 $0x80  }
0x5: {  	s13 =	simm.s32 $0x400;
	s14 =	simm.s32 $0x4000;
	s15 =	simm.s32 $0x8480  }
0x6: {  	s16 =	simm.s32 $0x0;
	s5 =	sand.u32 $0x1, s3;
	[smem:$0x7FF] =	sst s2  }
0x7: {  	s31 =	sshll.u32 s1, $0x4;
	s4 =	sshll.u32 s5, $0x3;
	_ =	strace $0x8000004D  }
0x8: {  	s8 =	ssub.s32 $0x2, s5;
	s5 =	sadd.s32 $0x2D0C00, s6;
	s3 =	sor.u32 s4, s31  }
0x9: {  	s4 =	sadd.s32 $0x24FC00, s6;
	s9 =	sshrl.u32 s8, $0x1;
	s7 =	sshll.u32 s3, $0x4  }
0xa: {  	v0 =	vimm.f32 $0.0e+00;
	s9 =	ssub.s32 s8, s9;
	s8 =	sshll.u32 s3, $0xB;
	s7 =	sadd.s32 s7, s6  }
0xb: {  	v1 =	vimm.s32 $0x0;
	v2 =	vlaneseq.u32;
	v3 =	vimm.f32 $1.000000000e+00;
	s6 =	sadd.s32 $0x2D1C00, s6;
	s9 =	smax.u32 s9, $0x1;
	s7 =	sadd.s32 $0x2CFC00, s7  }
.LBB2_1:
0xc: {  	[tilespmem:s10], [sflag:$0x1] =	stream.linear.gather [hbm4b:s7+s2], $0x400, $0x38;
	[tilespmem:$0xC480] =	vst v63  }
0xd: {  	_ =	swait.ge [sflag:s11], $0x400  }
0xe: {  	[sflag:s11] =	ssyncset.done $0x0  }
0xf: {  	s18 =	simm.s32 $0x0;
	s17 =	simm.s32 $0x200;
	[sflag:s11] =	ssyncadd.s32 $0xFFFFFC00  }
.LBB2_2:
0x10: {  	p0 =	sne.s32 s17, $0xFE00;
	[tilespmem:s18+$0x84F0] =	vst v0  }
0x11: {  	[tilespmem:s18+$0x8480] =	vst v0  }
0x12: {  	[tilespmem:s18+$0x8490] =	vst v0  }
.Ltmp0:
0x13: {  	[tilespmem:s18+$0x84A0] =	vst v0;
	(pc) =	sbr.rel @p0 .LBB2_2-.Ltmp0, $4  }
0x14: {  	[tilespmem:s18+$0x84B0] =	vst v0  }
0x15: {  	[tilespmem:s18+$0x84C0] =	vst v0  }
0x16: {  	[tilespmem:s18+$0x84D0] =	vst v0  }
0x17: {  	[tilespmem:s18+$0x84E0] =	vst v0;
	s18 =	sshra.s32 s17, $0x2;
	s17 =	sadd.s32 $0x200, s17  }
0x18: {  	[tilespmem:s18+$0x84F0] =	vst v0  }
0x19: {  	[tilespmem:s18+$0x8480] =	vst v0  }
0x1a: {  	[tilespmem:s18+$0x8490] =	vst v0  }
0x1b: {  	[tilespmem:s18+$0x84A0] =	vst v0  }
0x1c: {  	[tilespmem:s18+$0x84B0] =	vst v0  }
0x1d: {  	[tilespmem:s18+$0x84C0] =	vst v0  }
0x1e: {  	[tilespmem:s18+$0x84D0] =	vst v0  }
0x1f: {  	s17 =	simm.s32 $0x0;
	[tilespmem:s18+$0x84E0] =	vst v0;
	s18 =	simm.s32 $0x0  }
.LBB2_4:
0x20: {  	s19 =	sshll.u32 s18, $0x4  }
0x21: {  	s19 =	sadd.s32 s8, s19  }
0x22: {  	s20 =	sadd.s32 s4, s19  }
0x23: {  	[tilespmem:s17], [sflag:$0x1] =	stream.strided.gather [hbm4b:s20+s12], $0x4000, s13, s12, $0x38;
	[tilespmem:$0xC480] =	vst v63  }
0x24: {  	_ =	swait.ge [sflag:s11], $0x4000  }
0x25: {  	s31 =	sshll.u32 s18, $0x7;
	[sflag:s11] =	ssyncset.done $0x0  }
0x26: {  	s20 =	sand.u32 $0x3FFFFF80, s31;
	[sflag:s11] =	ssyncadd.s32 $0xFFFFC000  }
0x27: {  	s21 =	simm.s32 $0x40;
	s22 =	simm.s32 $0x0;
	v4 =	vld [tilespmem:s20+$0x8080];
	s20 =	simm.s32 $0x70  }
.LBB2_5:
0x28: {  	v5 =	vld [tilespmem:s21+$0xFFFFFFC0];
	_ =	sdelay $0x4  }
0x29: {  	vm0 =	vle.f32 v5, v4  }
0x2a: {  	v5 =	vsel vm0, $0x1, v1  }
0x2b: {  	(xrf0) =	vadd.scan.msk.s32 $0xffff, v5;
	_ =	sdelay $0x2  }
0x2c: {  	v5 =	vmov s22  }
0x2d: {  	v5 =	vadd.s32 $0xFFFFFFFF, v5  }
0x2e: {  	v6 =	vmpcnt.ones.xlane vm0;
	v5 =	vbroadcast v5, $0x0  }
0x2f: {  	v7, _, _ =	vpop (xrf0)  }
0x30: {  	(v2sf) =	vpush v6, $0x0;
	v5 =	vadd.s32 v7, v5  }
0x31: {  	v5 =	vnsel vm0, $0x4000, v5;
	_ =	sdelay $0x2  }
0x32: {  	s23 =	sadd.s32 $0xFFFFFF90, s20  }
0x33: {  	v6 =	vor.u32 s23, v2  }
0x34: {  	[tilespmem:v5+s14+$0x0] =	vst.idx.msk $0xffff, v6  }
0x35: {  	v5 =	vld [tilespmem:s21+$0xFFFFFFD0];
	_ =	sdelay $0x4  }
0x36: {  	vm9 =	vle.f32 v5, v4  }
0x37: {  	v5 =	vsel vm9, $0x1, v1  }
0x38: {  	(xrf0) =	vadd.scan.msk.s32 $0xffff, v5  }
0x39: {  	s31 =	spop (v2sf)  }
0x3a: {  	s24 =	sadd.s32 s22, s31  }
0x3b: {  	v5 =	vmov s24  }
0x3c: {  	v5 =	vadd.s32 $0xFFFFFFFF, v5  }
0x3d: {  	v6 =	vmpcnt.ones.xlane vm9;
	v5 =	vbroadcast v5, $0x0  }
0x3e: {  	v7, _, _ =	vpop (xrf0)  }
0x3f: {  	(v2sf) =	vpush v6, $0x0;
	v5 =	vadd.s32 v7, v5  }
0x40: {  	v5 =	vnsel vm9, $0x4000, v5;
	_ =	sdelay $0x2  }
0x41: {  	s25 =	sadd.s32 $0xFFFFFFA0, s20  }
0x42: {  	v6 =	vor.u32 s25, v2  }
0x43: {  	[tilespmem:v5+s14+$0x0] =	vst.idx.msk $0xffff, v6  }
0x44: {  	v5 =	vld [tilespmem:s21+$0xFFFFFFE0];
	_ =	sdelay $0x4  }
0x45: {  	vm10 =	vle.f32 v5, v4  }
0x46: {  	v5 =	vsel vm10, $0x1, v1  }
0x47: {  	(xrf0) =	vadd.scan.msk.s32 $0xffff, v5  }
0x48: {  	s26 =	spop (v2sf)  }
0x49: {  	s22 =	sadd.s32 s24, s26  }
0x4a: {  	v5 =	vmov s22  }
0x4b: {  	v5 =	vadd.s32 $0xFFFFFFFF, v5  }
0x4c: {  	v6 =	vmpcnt.ones.xlane vm10;
	v5 =	vbroadcast v5, $0x0  }
0x4d: {  	v7, _, _ =	vpop (xrf0)  }
0x4e: {  	(v2sf) =	vpush v6, $0x0;
	v5 =	vadd.s32 v7, v5  }
0x4f: {  	v5 =	vnsel vm10, $0x4000, v5;
	_ =	sdelay $0x2  }
0x50: {  	s28 =	sadd.s32 $0xFFFFFFB0, s20  }
0x51: {  	v6 =	vor.u32 s28, v2  }
0x52: {  	[tilespmem:v5+s14+$0x0] =	vst.idx.msk $0xffff, v6  }
0x53: {  	v5 =	vld [tilespmem:s21+$0xFFFFFFF0];
	_ =	sdelay $0x4  }
0x54: {  	vm11 =	vle.f32 v5, v4  }
0x55: {  	v5 =	vsel vm11, $0x1, v1  }
0x56: {  	(xrf0) =	vadd.scan.msk.s32 $0xffff, v5  }
0x57: {  	s29 =	spop (v2sf)  }
0x58: {  	s22 =	sadd.s32 s22, s29  }
0x59: {  	v5 =	vmov s22  }
0x5a: {  	v5 =	vadd.s32 $0xFFFFFFFF, v5  }
0x5b: {  	v6 =	vmpcnt.ones.xlane vm11;
	v5 =	vbroadcast v5, $0x0  }
0x5c: {  	v7, _, _ =	vpop (xrf0)  }
0x5d: {  	(v2sf) =	vpush v6, $0x0;
	v5 =	vadd.s32 v7, v5  }
0x5e: {  	v5 =	vnsel vm11, $0x4000, v5;
	_ =	sdelay $0x2  }
0x5f: {  	s30 =	sadd.s32 $0xFFFFFFC0, s20  }
0x60: {  	v6 =	vor.u32 s30, v2  }
0x61: {  	[tilespmem:v5+s14+$0x0] =	vst.idx.msk $0xffff, v6  }
0x62: {  	v5 =	vld [tilespmem:s21+$0x0];
	_ =	sdelay $0x4  }
0x63: {  	vm12 =	vle.f32 v5, v4  }
0x64: {  	v5 =	vsel vm12, $0x1, v1  }
0x65: {  	(xrf0) =	vadd.scan.msk.s32 $0xffff, v5  }
0x66: {  	s31 =	spop (v2sf)  }
0x67: {  	s22 =	sadd.s32 s22, s31  }
0x68: {  	v5 =	vmov s22  }
0x69: {  	v5 =	vadd.s32 $0xFFFFFFFF, v5  }
0x6a: {  	v6 =	vmpcnt.ones.xlane vm12;
	v5 =	vbroadcast v5, $0x0  }
0x6b: {  	v7, _, _ =	vpop (xrf0)  }
0x6c: {  	(v2sf) =	vpush v6, $0x0;
	v5 =	vadd.s32 v7, v5  }
0x6d: {  	v5 =	vnsel vm12, $0x4000, v5;
	_ =	sdelay $0x2  }
0x6e: {  	s24 =	sadd.s32 $0xFFFFFFD0, s20  }
0x6f: {  	v6 =	vor.u32 s24, v2  }
0x70: {  	[tilespmem:v5+s14+$0x0] =	vst.idx.msk $0xffff, v6  }
0x71: {  	v5 =	vld [tilespmem:s21+$0x10];
	_ =	sdelay $0x4  }
0x72: {  	vm13 =	vle.f32 v5, v4  }
0x73: {  	v5 =	vsel vm13, $0x1, v1  }
0x74: {  	(xrf0) =	vadd.scan.msk.s32 $0xffff, v5  }
0x75: {  	s25 =	spop (v2sf)  }
0x76: {  	s22 =	sadd.s32 s22, s25  }
0x77: {  	v5 =	vmov s22  }
0x78: {  	v5 =	vadd.s32 $0xFFFFFFFF, v5  }
0x79: {  	v6 =	vmpcnt.ones.xlane vm13;
	v5 =	vbroadcast v5, $0x0  }
0x7a: {  	v7, _, _ =	vpop (xrf0)  }
0x7b: {  	(v2sf) =	vpush v6, $0x0;
	v5 =	vadd.s32 v7, v5  }
0x7c: {  	v5 =	vnsel vm13, $0x4000, v5;
	_ =	sdelay $0x2  }
0x7d: {  	s26 =	sadd.s32 $0xFFFFFFE0, s20  }
0x7e: {  	v6 =	vor.u32 s26, v2  }
0x7f: {  	[tilespmem:v5+s14+$0x0] =	vst.idx.msk $0xffff, v6  }
0x80: {  	v5 =	vld [tilespmem:s21+$0x20];
	_ =	sdelay $0x4  }
0x81: {  	vm14 =	vle.f32 v5, v4  }
0x82: {  	v5 =	vsel vm14, $0x1, v1  }
0x83: {  	(xrf0) =	vadd.scan.msk.s32 $0xffff, v5  }
0x84: {  	s28 =	spop (v2sf)  }
0x85: {  	s22 =	sadd.s32 s22, s28  }
0x86: {  	v5 =	vmov s22  }
0x87: {  	v5 =	vadd.s32 $0xFFFFFFFF, v5  }
0x88: {  	v5 =	vbroadcast v5, $0x0  }
0x89: {  	v6, _, _ =	vpop (xrf0)  }
0x8a: {  	v5 =	vadd.s32 v6, v5  }
0x8b: {  	v5 =	vnsel vm14, $0x4000, v5  }
0x8c: {  	v6 =	vmpcnt.ones.xlane vm14;
	_ =	sdelay $0x1  }
0x8d: {  	s29 =	sadd.s32 $0xFFFFFFF0, s20;
	(v2sf) =	vpush v6, $0x0  }
0x8e: {  	v6 =	vor.u32 s29, v2  }
0x8f: {  	[tilespmem:v5+s14+$0x0] =	vst.idx.msk $0xffff, v6  }
0x90: {  	v5 =	vld [tilespmem:s21+$0x30];
	_ =	sdelay $0x4  }
0x91: {  	vm15 =	vle.f32 v5, v4  }
0x92: {  	v5 =	vmpcnt.ones.xlane vm15;
	_ =	sdelay $0x1  }
0x93: {  	(v2sf) =	vpush v5, $0x0;
	_ =	sdelay $0x1  }
0x94: {  	v5 =	vsel vm15, $0x1, v1  }
0x95: {  	(xrf0) =	vadd.scan.msk.s32 $0xffff, v5  }
0x96: {  	s30 =	spop (v2sf)  }
0x97: {  	s22 =	sadd.s32 s22, s30  }
0x98: {  	v5 =	vmov s22  }
0x99: {  	v5 =	vadd.s32 $0xFFFFFFFF, v5  }
0x9a: {  	v5 =	vbroadcast v5, $0x0  }
0x9b: {  	v6, _, _ =	vpop (xrf0)  }
0x9c: {  	v5 =	vadd.s32 v6, v5  }
0x9d: {  	p0 =	sne.s32 s20, $0x3FF0;
	v5 =	vnsel vm15, $0x4000, v5  }
.Ltmp1:
0x9e: {  	_ = 	snop;
	(pc) =	sbr.rel @p0 .LBB2_5-.Ltmp1, $3  }
0x9f: {  	_ =	sdelay $0x1  }
0xa0: {  	v6 =	vor.u32 s20, v2;
	s31 =	spop (v2sf)  }
0xa1: {  	s21 =	sadd.s32 $0x80, s21;
	s20 =	sadd.s32 $0x80, s20;
	[tilespmem:v5+s14+$0x0] =	vst.idx.msk $0xffff, v6;
	s22 =	sadd.s32 s22, s31  }
0xa2: {  	s20 =	sadd.s32 s3, s18  }
0xa3: {  	s20 =	sshll.u32 s20, $0x4  }
0xa4: {  	s20 =	sadd.s32 s5, s20  }
0xa5: {  	[hbm4b:s20+s2] =	stream.linear.scatter [tilespmem:s14], [sflag:$0x1], $0x80, $0x38;
	[tilespmem:$0xC480] =	vst v63  }
0xa6: {  	_ =	swait.ge [sflag:s11], $0x80  }
0xa7: {  	[sflag:s11] =	ssyncset.done $0x0  }
0xa8: {  	[sflag:s11] =	ssyncadd.s32 $0xFFFFFF80  }
0xa9: {  	v4 =	vld [tilespmem:$0x4000];
	_ =	sdelay $0x7  }
0xaa: {  	[tilespmem:v4+s15+$0x0] =	vst.idx.msk $0xffff, v3  }
0xab: {  	v4 =	vld [tilespmem:$0x4010];
	_ =	sdelay $0x7  }
0xac: {  	[tilespmem:v4+s15+$0x0] =	vst.idx.msk $0xffff, v3  }
0xad: {  	v4 =	vld [tilespmem:$0x4020];
	_ =	sdelay $0x7  }
0xae: {  	[tilespmem:v4+s15+$0x0] =	vst.idx.msk $0xffff, v3  }
0xaf: {  	v4 =	vld [tilespmem:$0x4030];
	_ =	sdelay $0x7  }
0xb0: {  	[tilespmem:v4+s15+$0x0] =	vst.idx.msk $0xffff, v3  }
0xb1: {  	v4 =	vld [tilespmem:$0x4040];
	_ =	sdelay $0x7  }
0xb2: {  	[tilespmem:v4+s15+$0x0] =	vst.idx.msk $0xffff, v3  }
0xb3: {  	v4 =	vld [tilespmem:$0x4050];
	_ =	sdelay $0x7  }
0xb4: {  	[tilespmem:v4+s15+$0x0] =	vst.idx.msk $0xffff, v3  }
0xb5: {  	v4 =	vld [tilespmem:$0x4060];
	_ =	sdelay $0x7  }
0xb6: {  	[tilespmem:v4+s15+$0x0] =	vst.idx.msk $0xffff, v3  }
0xb7: {  	v4 =	vld [tilespmem:$0x4070];
	_ =	sdelay $0x7  }
0xb8: {  	s19 =	sadd.s32 s6, s19;
	[tilespmem:v4+s15+$0x0] =	vst.idx.msk $0xffff, v3  }
0xb9: {  	[hbm4b:s19+s12] =	stream.strided.scatter [tilespmem:s15], [sflag:$0x1], $0x4000, s13, s12, $0x38;
	[tilespmem:$0xC480] =	vst v63  }
0xba: {  	_ =	swait.ge [sflag:s11], $0x4000  }
0xbb: {  	[sflag:s11] =	ssyncset.done $0x0  }
0xbc: {  	[sflag:s11] =	ssyncadd.s32 $0xFFFFC000  }
0xbd: {  	v4 =	vld [tilespmem:$0x4000];
	_ =	sdelay $0x7  }
0xbe: {  	[tilespmem:v4+s15+$0x0] =	vst.idx.msk $0xffff, v0  }
0xbf: {  	v4 =	vld [tilespmem:$0x4010];
	_ =	sdelay $0x7  }
0xc0: {  	[tilespmem:v4+s15+$0x0] =	vst.idx.msk $0xffff, v0  }
0xc1: {  	v4 =	vld [tilespmem:$0x4020];
	_ =	sdelay $0x7  }
0xc2: {  	[tilespmem:v4+s15+$0x0] =	vst.idx.msk $0xffff, v0  }
0xc3: {  	v4 =	vld [tilespmem:$0x4030];
	_ =	sdelay $0x7  }
0xc4: {  	[tilespmem:v4+s15+$0x0] =	vst.idx.msk $0xffff, v0  }
0xc5: {  	v4 =	vld [tilespmem:$0x4040];
	_ =	sdelay $0x7  }
0xc6: {  	[tilespmem:v4+s15+$0x0] =	vst.idx.msk $0xffff, v0  }
0xc7: {  	v4 =	vld [tilespmem:$0x4050];
	_ =	sdelay $0x7  }
0xc8: {  	[tilespmem:v4+s15+$0x0] =	vst.idx.msk $0xffff, v0  }
0xc9: {  	v4 =	vld [tilespmem:$0x4060];
	_ =	sdelay $0x7  }
0xca: {  	[tilespmem:v4+s15+$0x0] =	vst.idx.msk $0xffff, v0  }
0xcb: {  	v4 =	vld [tilespmem:$0x4070];
	_ =	sdelay $0x1  }
0xcc: {  	s18 =	sadd.s32 $0x1, s18  }
0xcd: {  	p0 =	sne.s32 s18, $0x8  }
.Ltmp2:
0xce: {  	_ = 	snop;
	(pc) =	sbr.rel @p0 .LBB2_4-.Ltmp2, $2  }
0xcf: {  	_ =	sdelay $0x2  }
0xd0: {  	[tilespmem:v4+s15+$0x0] =	vst.idx.msk $0xffff, v0  }
0xd1: {  	s16 =	sadd.s32 $0x1, s16  }
0xd2: {  	p0 =	sne.s32 s16, s9  }
.Ltmp3:
0xd3: {  	_ = 	snop;
	(pc) =	sbr.rel @p0 .LBB2_1-.Ltmp3, $1  }
0xd4: {  	_ =	sdelay $0x3  }
0xd5: {  	_ =	sfence.sel $0x180000  }
0xd6: {  	[bflag:$0x0] =	sbarrier.arrive $0xFFFF  }
0xd7: {  	p0 =	sne.s32 s1, $0x0;
	_ =	strace $0x9000004D  }
0xd8: {  	s0 =	sadd.s32 @!p0 $0x100000, s0;
	[bflag:$0x2] =	sbarrier.arrive $0xFFFF  }
0xd9: {  	[sflag:s0] =	ssyncadd.tile.s32 @!p0 $0x1;
	_ =	shalt  }
.Lfunc_end2:
_tile_overlayer_lowered:
.L_overlay_start_2:
0xda: {  	(tag) =	ssettag $0x2  }
0xdb: {  	s0 =	rddreg [dreg:$0x0];
	s2 =	stileid.u32  }
0xdc: {  	s1 =	rddreg [dreg:$0x1];
	p0 =	sne.s32 s2, $0x0  }
0xdd: {  	s3 =	rddreg [dreg:$0x2];
	[bflag:$0x3] =	sbarrier.arrive $0xFFFF;
	s2 =	simm.s32 @!p0 $0x1C01  }
0xde: {  	[timem:s3], [sflag:s2] =	dma.local @!p0 [hbm:s0], s1  }
0xdf: {  	s0 =	simm.s32 @!p0 $0x1  }
0xe0: {  	_ =	swait.ge @!p0 [sflag:s0], s1  }
0xe1: {  	s1 =	ssub.s32 @!p0 $0x0, s1;
	[sflag:s0] =	ssyncset.done @!p0 $0x0  }
0xe2: {  	[sflag:s0] =	ssyncadd.s32 @!p0 s1  }
0xe3: {  	[bflag:$0x3] =	sbarrier.arrive $0xFFFF  }
0xe4: {  	_ =	shalt  }

// kernel: kernel.21.cloned.1.call-start
scs
__scs_entry_jumppad:
0x0: {  	(pc) =	sbr.rel $0x88, $3  }
0x1: {  	(tag) =	ssettag $0x0;
	lr =	simm.s32 $0x1  }
0x2: {  	[smem:$0x3F88] =	sst lr;
	_ =	strace $0xD0000000  }
0x3: {  	_ = 	snop  }
0x4: {  	_ = 	snop  }
0x5: {  	_ = 	snop  }
0x6: {  	_ = 	snop  }
0x7: {  	_ = 	snop  }
__scs_overlays_trampoline_lowered:
0x8: {  	[smem:$0x3F97] =	sst s0  }
0x9: {  	[smem:$0x3F98] =	sst s1  }
0xa: {  	[smem:$0x3F99] =	sst s2  }
0xb: {  	[smem:$0x3F9A] =	sst s3  }
0xc: {  	[smem:$0x3F9B] =	sst s4  }
0xd: {  	[smem:$0x3F9C] =	sst s5  }
0xe: {  	[smem:$0x3F9D] =	sst s6  }
0xf: {  	[smem:$0x3F9E] =	sst s7  }
0x10: {  	[smem:$0x3F9F] =	sst s8  }
0x11: {  	[smem:$0x3FA0] =	sst s9;
	s0 =	simm.s32 @!p0 $0x0  }
0x12: {  	s1 =	sld [smem:$0x3F86];
	s0 =	simm.s32 @p0 $0x1  }
0x13: {  	[smem:$0x3FA1] =	sst s0;
	s0 =	simm.s32 @!p1 $0x0  }
0x14: {  	s2 =	sld [smem:$0x3F85];
	s0 =	simm.s32 @p1 $0x1  }
0x15: {  	[smem:$0x3FA2] =	sst s0;
	s0 =	simm.s32 @!p2 $0x0  }
0x16: {  	s3 =	sld [smem:$0x3FDB];
	s0 =	simm.s32 @p2 $0x1  }
0x17: {  	s4 =	simm.s32 $0x1BF5;
	[smem:$0x3FA4] =	sst s0  }
0x18: {  	s0 =	sld [smem:$0x3F87];
	_ =	swait.ge [sflag:s4], $0x0  }
0x19: {  	s7 =	sld [smem:$0x3F88]  }
0x1a: {  	s8 =	sadd.s32 $0xFFFFE003, lr  }
0x1b: {  	s9 =	sadd.s32 $0xFFFFFEF7, lr;
	s5 =	simm.s32 $0xFFFFFFFF;
	p2 =	slt.u32 s8, $0xFFFFF086  }
0x1c: {  	p1 =	slt.u32 s9, $0xF7A;
	s5 =	simm.s32 @!p2 $0x0  }
0x1d: {  	s5 =	simm.s32 @p1 $0x1;
	p0 =	seq.s32 s7, s2  }
0x1e: {  	s7 =	smul.u32 @!p0 $0xF7A, s2;
	p2 =	seq.s32 @!p0 s5, $0x0  }
0x1f: {  	s9 =	smul.u32 $0xF7A, s1;
	s8 =	simm.s32 @!p0 $0x1BF5;
	p2 =	por !p2, p0  }
0x20: {  	[sflag:s8] =	ssyncset.s32 @!p0 $0xFFFFF086;
	s6 =	sadd.s32 @!p0 s3, s7;
	s7 =	simm.s32 @!p0 $0x108  }
0x21: {  	s3 =	sadd.s32 s3, s9;
	s6 =	sadd.s32 @!p0 $0x88, s6;
	s7 =	simm.s32 @p2 $0x1082  }
0x22: {  	[simem:s7], [sflag:s8] =	dma.local @!p0 [hbm:s6], $0xF7A  }
0x23: {  	s9 =	sor.u32 $0xD0000000, s2;
	s6 =	simm.s32 $0x108;
	_ =	swait.ge @!p0 [sflag:s8], $0x0  }
0x24: {  	s3 =	sadd.s32 $0x88, s3;
	s6 =	simm.s32 @!p1 $0x1082;
	[sflag:s4] =	ssyncset.s32 $0xFFFFF086  }
0x25: {  	[simem:s6], [sflag:s4] =	dma.local [hbm:s3], $0xF7A  }
0x26: {  	[smem:$0x3F88] =	sst s1;
	(tag) =	ssettag s2;
	_ =	strace s9  }
0x27: {  	s1 =	sld [smem:$0x3F98]  }
0x28: {  	s2 =	sld [smem:$0x3F99]  }
0x29: {  	s4 =	sld [smem:$0x3F9B]  }
0x2a: {  	p0 =	seq.s32 s5, $0x0;
	s5 =	sld [smem:$0x3F9C]  }
0x2b: {  	s6 =	sld [smem:$0x3F9D]  }
0x2c: {  	s7 =	sld [smem:$0x3F9E]  }
0x2d: {  	s3 =	simm.s32 $0x108;
	s8 =	sld [smem:$0x3F9F]  }
0x2e: {  	s3 =	simm.s32 @!p0 $0x1082;
	s9 =	sld [smem:$0x3FA0]  }
0x2f: {  	lr =	sadd.s32 s0, s3;
	s0 =	sld [smem:$0x3F97]  }
0x30: {  	s3 =	sld [smem:$0x3F9A]  }
0x31: {  	[smem:$0x3FA3] =	sst s10  }
0x32: {  	s10 =	sld [smem:$0x3FA1];
	_ =	sdelay $0x3  }
0x33: {  	p0 =	seq.s32 s10, $0x1;
	s10 =	sld [smem:$0x3FA3];
	_ =	sdelay $0x3  }
0x34: {  	[smem:$0x3FA3] =	sst s10  }
0x35: {  	s10 =	sld [smem:$0x3FA2];
	_ =	sdelay $0x3  }
0x36: {  	p1 =	seq.s32 s10, $0x1;
	s10 =	sld [smem:$0x3FA3];
	_ =	sdelay $0x3  }
0x37: {  	[smem:$0x3FA3] =	sst s10  }
0x38: {  	s10 =	sld [smem:$0x3FA4]  }
0x39: {  	_ = 	snop;
	(pc) =	sbr.ind lr, $3  }
0x3a: {  	_ = 	snop  }
0x3b: {  	_ = 	snop  }
0x3c: {  	p2 =	seq.s32 s10, $0x1;
	s10 =	sld [smem:$0x3FA3]  }
0x3d: {  	_ =	shalt  }
0x3e: {  	_ =	shalt  }
0x3f: {  	_ =	shalt  }
0x40: {  	_ =	shalt  }
0x41: {  	_ =	shalt  }
0x42: {  	_ =	shalt  }
0x43: {  	_ =	shalt  }
0x44: {  	_ =	shalt  }
0x45: {  	_ =	shalt  }
0x46: {  	_ =	shalt  }
0x47: {  	_ =	shalt  }
0x48: {  	_ =	shalt  }
0x49: {  	_ =	shalt  }
0x4a: {  	_ =	shalt  }
0x4b: {  	_ =	shalt  }
0x4c: {  	_ =	shalt  }
0x4d: {  	_ =	shalt  }
0x4e: {  	_ =	shalt  }
0x4f: {  	_ =	shalt  }
0x50: {  	_ =	shalt  }
0x51: {  	_ =	shalt  }
0x52: {  	_ =	shalt  }
0x53: {  	_ =	shalt  }
0x54: {  	_ =	shalt  }
0x55: {  	_ =	shalt  }
0x56: {  	_ =	shalt  }
0x57: {  	_ =	shalt  }
0x58: {  	_ =	shalt  }
0x59: {  	_ =	shalt  }
0x5a: {  	_ =	shalt  }
0x5b: {  	_ =	shalt  }
0x5c: {  	_ =	shalt  }
0x5d: {  	_ =	shalt  }
0x5e: {  	_ =	shalt  }
0x5f: {  	_ =	shalt  }
0x60: {  	_ =	shalt  }
0x61: {  	_ =	shalt  }
0x62: {  	_ =	shalt  }
0x63: {  	_ =	shalt  }
0x64: {  	_ =	shalt  }
0x65: {  	_ =	shalt  }
0x66: {  	_ =	shalt  }
0x67: {  	_ =	shalt  }
0x68: {  	_ =	shalt  }
0x69: {  	_ =	shalt  }
0x6a: {  	_ =	shalt  }
0x6b: {  	_ =	shalt  }
0x6c: {  	_ =	shalt  }
0x6d: {  	_ =	shalt  }
0x6e: {  	_ =	shalt  }
0x6f: {  	_ =	shalt  }
0x70: {  	_ =	shalt  }
0x71: {  	_ =	shalt  }
0x72: {  	_ =	shalt  }
0x73: {  	_ =	shalt  }
0x74: {  	_ =	shalt  }
0x75: {  	_ =	shalt  }
0x76: {  	_ =	shalt  }
0x77: {  	_ =	shalt  }
0x78: {  	_ =	shalt  }
0x79: {  	_ =	shalt  }
0x7a: {  	_ =	shalt  }
0x7b: {  	_ =	shalt  }
0x7c: {  	_ =	shalt  }
0x7d: {  	_ =	shalt  }
0x7e: {  	_ =	shalt  }
0x7f: {  	_ =	shalt  }
0x80: {  	_ =	shalt  }
0x81: {  	_ =	shalt  }
0x82: {  	_ =	shalt  }
0x83: {  	_ =	shalt  }
0x84: {  	_ =	shalt  }
0x85: {  	_ =	shalt  }
0x86: {  	_ =	shalt  }
0x87: {  	_ =	shalt  }
.Lfunc_end0:
.L_simem_size_0:
called_computation.2_lowered:
.L_overlay_start_0:
0x88: {  	s2 =	sld [smem:$0x3FD9]  }
0x89: {  	s3 =	sld [smem:$0x3FFE];
	_ =	sdelay $0x1  }
0x8a: {  	s1 =	srdreg.scid  }
0x8b: {  	s0 =	sand.u32 $0x1, s1  }
0x8c: {  	s17 =	sshll.u32 s0, $0xA;
	s2 =	sadd.s32 s3, s2  }
0x8d: {  	s2 =	sadd.s32 s2, s17  }
0x8e: {  	[smem:$0x3FAF] =	sst s2  }
0x8f: {  	_ = 	snop  }
0x90: {  	(tm) =	ssettm $0x1  }
0x91: {  	s18 =	sld [smem:$0x3FFB];
	_ =	sdelay $0x3  }
0x92: {  	_ =	strace s18  }
0x93: {  	s2 =	sld [smem:$0x3FFC];
	_ =	sdelay $0x3  }
0x94: {  	_ =	strace s2  }
0x95: {  	s2 =	sld [smem:$0x3FFD];
	_ =	sdelay $0x3  }
0x96: {  	_ =	strace s2  }
0x97: {  	_ =	strace $0x8FFFFFFF  }
0x98: {  	s19 =	sld [smem:$0x3FDB];
	_ =	sdelay $0x1  }
0x99: {  	s20 =	simm.s32 $_scs_section_size  }
0x9a: {  	s4 =	simm.s32 $_size__tile_overlayer_lowered;
	s5 =	simm.s32 $_tile_overlayer_lowered  }
0x9b: {  	s6 =	simm.s32 $0x1BFF;
	s21 =	sshll.u32 s5, $0x1;
	s3 =	sadd.s32 s20, s19  }
0x9c: {  	s22 =	simm.s32 $0x0;
	s4 =	sshll.u32 s4, $0x1;
	s5 =	sadd.s32 s21, s3  }
0x9d: {  	[timem:s22], [sflag:s6] =	dma.local [hbm:s5], s4  }
0x9e: {  	_ =	swait.ge [sflag:s6], s4  }
0x9f: {  	s4 =	ssub.s32 $0x0, s4;
	[sflag:s6] =	ssyncset.done $0x0  }
0xa0: {  	[sflag:s6] =	ssyncadd.s32 s4;
	_ =	sdelay $0x1  }
0xa1: {  	s23 =	simm.s32 $0x1B8B  }
0xa2: {  	_ =	swait.ge [sflag:s23], $0x1  }
0xa3: {  	[sflag:s23] =	ssyncset.done $0x0  }
0xa4: {  	[sflag:s23] =	ssyncadd.s32 $0xFFFFFFFF  }
0xa5: {  	s4 =	sld [smem:$0x0]  }
0xa6: {  	s5 =	sand.u32 $0xFFFFFFFE, s1  }
0xa7: {  	p0 =	sne.s32 s1, s5  }
0xa8: {  	s5 =	sshll.u32 @p0 s5, $0xE  }
0xa9: {  	s5 =	sadd.s32 @p0 $0x11B8D, s5;
	s6 =	sshll.u32 @p0 s4, $0x11  }
0xaa: {  	s5 =	sor.u32 @p0 s6, s5  }
0xab: {  	[sflag:s5] =	ssyncadd.remote.s32 @p0 $0x1;
	_ =	sdelay $0x1  }
0xac: {  	s5 =	simm.s32 @p0 $0x1B8D  }
0xad: {  	_ =	swait.eq @p0 [sflag:s5], $0x1  }
0xae: {  	[sflag:s5] =	ssyncadd.s32 @p0 $0xFFFFFFFF  }
0xaf: {  	s6 =	sshll.u32 @!p0 s1, $0xE  }
0xb0: {  	s6 =	sor.u32 @!p0 $0x4000, s6;
	s5 =	simm.s32 @!p0 $0x1B8D  }
0xb1: {  	s4 =	sshll.u32 @!p0 s4, $0x11;
	s6 =	sadd.s32 @!p0 $0x11B8D, s6;
	_ =	swait.eq @!p0 [sflag:s5], $0x1  }
0xb2: {  	s4 =	sor.u32 @!p0 s4, s6;
	[sflag:s5] =	ssyncadd.s32 @!p0 $0xFFFFFFFF  }
0xb3: {  	s25 =	simm.s32 $0x1B8E;
	s24 =	sld [smem:$0x3FFE];
	[sflag:s4] =	ssyncadd.remote.s32 @!p0 $0x1  }
0xb4: {  	s26 =	simm.s32 $execute0_lowered;
	[smem:$0x3FD2] =	sst s25  }
0xb5: {  	s5 =	sshll.u32 s26, $0x1;
	_ =	strace $0x80000049;
	[dreg:$0x1] =	wrdreg $0xFFFFFFFF  }
0xb6: {  	s28 =	simm.s32 $_size_execute0_lowered;
	s3 =	sadd.s32 s3, s5;
	[dreg:$0x0] =	wrdreg $0x0  }
0xb7: {  	s5 =	sshll.u32 s28, $0x1;
	[dreg:$0x2] =	wrdreg s3  }
0xb8: {  	[dreg:$0x3] =	wrdreg s5  }
0xb9: {  	[dreg:$0x4] =	wrdreg $0xC0  }
0xba: {  	_ =	task [dreg:s22], $0x5FFFF  }
0xbb: {  	[dreg:$0x1] =	wrdreg $0xFFFFFFFF  }
0xbc: {  	[dreg:$0x0] =	wrdreg $0x60  }
0xbd: {  	[dreg:$0x2] =	wrdreg s24  }
0xbe: {  	[dreg:$0x3] =	wrdreg $0xB  }
0xbf: {  	_ =	task.clear_ibuf [dreg:s22], $0x4FFFF;
	_ =	strace $0x90000049  }
0xc0: {  	s29 =	simm.s32 $0xB;
	_ =	strace $0x8000004B  }
0xc1: {  	_ =	swait.ge [sflag:s29], $0x1  }
0xc2: {  	[sflag:s29] =	ssyncadd.s32 $0xFFFFFFFF  }
0xc3: {  	_ =	strace $0x9000004B  }
0xc4: {  	_ =	sfence  }
0xc5: {  	s30 =	sld [smem:$0x0];
	_ =	sdelay $0x2  }
0xc6: {  	s31 =	sshll.u32 s1, $0xD;
	s1 =	sshrl.u32 s1, $0x2  }
0xc7: {  	s4 =	sand.u32 $0x4000, s31;
	s1 =	sadd.s32 s1, s30  }
0xc8: {  	s0 =	sor.u32 s4, s0;
	s1 =	sshll.u32 s1, $0x11  }
0xc9: {  	s0 =	sor.u32 s1, s0  }
0xca: {  	s0 =	sadd.s32 $0x8F2B, s0  }
0xcb: {  	[sflag:s0] =	ssyncadd.remote.s32 $0x1  }
0xcc: {  	_ =	sfence.sel $0xFFFF  }
0xcd: {  	[dreg:$0x0] =	wrdreg $0xFFFFFFFF;
	(pc) =	sbr.abs _section_cstart, $3  }
0xce: {  	[dreg:$0x1] =	wrdreg $0xFFFFFFFF  }
0xcf: {  	_ =	task.clear_ibuf [dreg:s22], $0x2FFFF;
	_ =	strace $0x9FFFFFFF  }
0xd0: {  	(tm) =	ssettm $0x7FFFFFFF  }
0xd1: {  	_ =	shalt  }
tec
execute0_lowered:
.L_overlay_start_1:
0x0: {  	(tag) =	ssettag $0x1  }
0x1: {  	s6 =	rddreg [dreg:$0x0]  }
0x2: {  	s0 =	rddreg [dreg:$0x1]  }
0x3: {  	s3 =	srdreg.scid;
	s2 =	simm.s32 $0x0;
	s1 =	stileid.u32  }
0x4: {  	s10 =	simm.s32 $0x8080;
	s11 =	simm.s32 $0x1;
	s12 =	simm.s32 $0x80  }
0x5: {  	s13 =	simm.s32 $0x400;
	s14 =	simm.s32 $0x4000;
	s15 =	simm.s32 $0x8480  }
0x6: {  	s16 =	simm.s32 $0x0;
	s5 =	sand.u32 $0x1, s3;
	[smem:$0x7FF] =	sst s2  }
0x7: {  	s31 =	sshll.u32 s1, $0x4;
	s4 =	sshll.u32 s5, $0x3;
	_ =	strace $0x8000004A  }
0x8: {  	s8 =	ssub.s32 $0x2, s5;
	s5 =	sadd.s32 $0x1CEC00, s6;
	s3 =	sor.u32 s4, s31  }
0x9: {  	s4 =	sadd.s32 $0x14DC00, s6;
	s9 =	sshrl.u32 s8, $0x1;
	s7 =	sshll.u32 s3, $0x4  }
0xa: {  	v0 =	vimm.f32 $0.0e+00;
	s9 =	ssub.s32 s8, s9;
	s8 =	sshll.u32 s3, $0xB;
	s7 =	sadd.s32 s7, s6  }
0xb: {  	v1 =	vimm.s32 $0x0;
	v2 =	vlaneseq.u32;
	v3 =	vimm.f32 $1.000000000e+00;
	s6 =	sadd.s32 $0x1CFC00, s6;
	s9 =	smax.u32 s9, $0x1;
	s7 =	sadd.s32 $0x1CDC00, s7  }
.LBB2_1:
0xc: {  	[tilespmem:s10], [sflag:$0x1] =	stream.linear.gather [hbm4b:s7+s2], $0x400, $0x38;
	[tilespmem:$0xC480] =	vst v63  }
0xd: {  	_ =	swait.ge [sflag:s11], $0x400  }
0xe: {  	[sflag:s11] =	ssyncset.done $0x0  }
0xf: {  	s18 =	simm.s32 $0x0;
	s17 =	simm.s32 $0x200;
	[sflag:s11] =	ssyncadd.s32 $0xFFFFFC00  }
.LBB2_2:
0x10: {  	p0 =	sne.s32 s17, $0xFE00;
	[tilespmem:s18+$0x84F0] =	vst v0  }
0x11: {  	[tilespmem:s18+$0x8480] =	vst v0  }
0x12: {  	[tilespmem:s18+$0x8490] =	vst v0  }
.Ltmp0:
0x13: {  	[tilespmem:s18+$0x84A0] =	vst v0;
	(pc) =	sbr.rel @p0 .LBB2_2-.Ltmp0, $4  }
0x14: {  	[tilespmem:s18+$0x84B0] =	vst v0  }
0x15: {  	[tilespmem:s18+$0x84C0] =	vst v0  }
0x16: {  	[tilespmem:s18+$0x84D0] =	vst v0  }
0x17: {  	[tilespmem:s18+$0x84E0] =	vst v0;
	s18 =	sshra.s32 s17, $0x2;
	s17 =	sadd.s32 $0x200, s17  }
0x18: {  	[tilespmem:s18+$0x84F0] =	vst v0  }
0x19: {  	[tilespmem:s18+$0x8480] =	vst v0  }
0x1a: {  	[tilespmem:s18+$0x8490] =	vst v0  }
0x1b: {  	[tilespmem:s18+$0x84A0] =	vst v0  }
0x1c: {  	[tilespmem:s18+$0x84B0] =	vst v0  }
0x1d: {  	[tilespmem:s18+$0x84C0] =	vst v0  }
0x1e: {  	[tilespmem:s18+$0x84D0] =	vst v0  }
0x1f: {  	s17 =	simm.s32 $0x0;
	[tilespmem:s18+$0x84E0] =	vst v0;
	s18 =	simm.s32 $0x0  }
.LBB2_4:
0x20: {  	s19 =	sshll.u32 s18, $0x4  }
0x21: {  	s19 =	sadd.s32 s8, s19  }
0x22: {  	s20 =	sadd.s32 s4, s19  }
0x23: {  	[tilespmem:s17], [sflag:$0x1] =	stream.strided.gather [hbm4b:s20+s12], $0x4000, s13, s12, $0x38;
	[tilespmem:$0xC480] =	vst v63  }
0x24: {  	_ =	swait.ge [sflag:s11], $0x4000  }
0x25: {  	s31 =	sshll.u32 s18, $0x7;
	[sflag:s11] =	ssyncset.done $0x0  }
0x26: {  	s20 =	sand.u32 $0x3FFFFF80, s31;
	[sflag:s11] =	ssyncadd.s32 $0xFFFFC000  }
0x27: {  	s21 =	simm.s32 $0x40;
	s22 =	simm.s32 $0x0;
	v4 =	vld [tilespmem:s20+$0x8080];
	s20 =	simm.s32 $0x70  }
.LBB2_5:
0x28: {  	v5 =	vld [tilespmem:s21+$0xFFFFFFC0];
	_ =	sdelay $0x4  }
0x29: {  	vm0 =	vle.f32 v5, v4  }
0x2a: {  	v5 =	vsel vm0, $0x1, v1  }
0x2b: {  	(xrf0) =	vadd.scan.msk.s32 $0xffff, v5;
	_ =	sdelay $0x2  }
0x2c: {  	v5 =	vmov s22  }
0x2d: {  	v5 =	vadd.s32 $0xFFFFFFFF, v5  }
0x2e: {  	v6 =	vmpcnt.ones.xlane vm0;
	v5 =	vbroadcast v5, $0x0  }
0x2f: {  	v7, _, _ =	vpop (xrf0)  }
0x30: {  	(v2sf) =	vpush v6, $0x0;
	v5 =	vadd.s32 v7, v5  }
0x31: {  	v5 =	vnsel vm0, $0x4000, v5;
	_ =	sdelay $0x2  }
0x32: {  	s23 =	sadd.s32 $0xFFFFFF90, s20  }
0x33: {  	v6 =	vor.u32 s23, v2  }
0x34: {  	[tilespmem:v5+s14+$0x0] =	vst.idx.msk $0xffff, v6  }
0x35: {  	v5 =	vld [tilespmem:s21+$0xFFFFFFD0];
	_ =	sdelay $0x4  }
0x36: {  	vm9 =	vle.f32 v5, v4  }
0x37: {  	v5 =	vsel vm9, $0x1, v1  }
0x38: {  	(xrf0) =	vadd.scan.msk.s32 $0xffff, v5  }
0x39: {  	s31 =	spop (v2sf)  }
0x3a: {  	s24 =	sadd.s32 s22, s31  }
0x3b: {  	v5 =	vmov s24  }
0x3c: {  	v5 =	vadd.s32 $0xFFFFFFFF, v5  }
0x3d: {  	v6 =	vmpcnt.ones.xlane vm9;
	v5 =	vbroadcast v5, $0x0  }
0x3e: {  	v7, _, _ =	vpop (xrf0)  }
0x3f: {  	(v2sf) =	vpush v6, $0x0;
	v5 =	vadd.s32 v7, v5  }
0x40: {  	v5 =	vnsel vm9, $0x4000, v5;
	_ =	sdelay $0x2  }
0x41: {  	s25 =	sadd.s32 $0xFFFFFFA0, s20  }
0x42: {  	v6 =	vor.u32 s25, v2  }
0x43: {  	[tilespmem:v5+s14+$0x0] =	vst.idx.msk $0xffff, v6  }
0x44: {  	v5 =	vld [tilespmem:s21+$0xFFFFFFE0];
	_ =	sdelay $0x4  }
0x45: {  	vm10 =	vle.f32 v5, v4  }
0x46: {  	v5 =	vsel vm10, $0x1, v1  }
0x47: {  	(xrf0) =	vadd.scan.msk.s32 $0xffff, v5  }
0x48: {  	s26 =	spop (v2sf)  }
0x49: {  	s22 =	sadd.s32 s24, s26  }
0x4a: {  	v5 =	vmov s22  }
0x4b: {  	v5 =	vadd.s32 $0xFFFFFFFF, v5  }
0x4c: {  	v6 =	vmpcnt.ones.xlane vm10;
	v5 =	vbroadcast v5, $0x0  }
0x4d: {  	v7, _, _ =	vpop (xrf0)  }
0x4e: {  	(v2sf) =	vpush v6, $0x0;
	v5 =	vadd.s32 v7, v5  }
0x4f: {  	v5 =	vnsel vm10, $0x4000, v5;
	_ =	sdelay $0x2  }
0x50: {  	s28 =	sadd.s32 $0xFFFFFFB0, s20  }
0x51: {  	v6 =	vor.u32 s28, v2  }
0x52: {  	[tilespmem:v5+s14+$0x0] =	vst.idx.msk $0xffff, v6  }
0x53: {  	v5 =	vld [tilespmem:s21+$0xFFFFFFF0];
	_ =	sdelay $0x4  }
0x54: {  	vm11 =	vle.f32 v5, v4  }
0x55: {  	v5 =	vsel vm11, $0x1, v1  }
0x56: {  	(xrf0) =	vadd.scan.msk.s32 $0xffff, v5  }
0x57: {  	s29 =	spop (v2sf)  }
0x58: {  	s22 =	sadd.s32 s22, s29  }
0x59: {  	v5 =	vmov s22  }
0x5a: {  	v5 =	vadd.s32 $0xFFFFFFFF, v5  }
0x5b: {  	v6 =	vmpcnt.ones.xlane vm11;
	v5 =	vbroadcast v5, $0x0  }
0x5c: {  	v7, _, _ =	vpop (xrf0)  }
0x5d: {  	(v2sf) =	vpush v6, $0x0;
	v5 =	vadd.s32 v7, v5  }
0x5e: {  	v5 =	vnsel vm11, $0x4000, v5;
	_ =	sdelay $0x2  }
0x5f: {  	s30 =	sadd.s32 $0xFFFFFFC0, s20  }
0x60: {  	v6 =	vor.u32 s30, v2  }
0x61: {  	[tilespmem:v5+s14+$0x0] =	vst.idx.msk $0xffff, v6  }
0x62: {  	v5 =	vld [tilespmem:s21+$0x0];
	_ =	sdelay $0x4  }
0x63: {  	vm12 =	vle.f32 v5, v4  }
0x64: {  	v5 =	vsel vm12, $0x1, v1  }
0x65: {  	(xrf0) =	vadd.scan.msk.s32 $0xffff, v5  }
0x66: {  	s31 =	spop (v2sf)  }
0x67: {  	s22 =	sadd.s32 s22, s31  }
0x68: {  	v5 =	vmov s22  }
0x69: {  	v5 =	vadd.s32 $0xFFFFFFFF, v5  }
0x6a: {  	v6 =	vmpcnt.ones.xlane vm12;
	v5 =	vbroadcast v5, $0x0  }
0x6b: {  	v7, _, _ =	vpop (xrf0)  }
0x6c: {  	(v2sf) =	vpush v6, $0x0;
	v5 =	vadd.s32 v7, v5  }
0x6d: {  	v5 =	vnsel vm12, $0x4000, v5;
	_ =	sdelay $0x2  }
0x6e: {  	s24 =	sadd.s32 $0xFFFFFFD0, s20  }
0x6f: {  	v6 =	vor.u32 s24, v2  }
0x70: {  	[tilespmem:v5+s14+$0x0] =	vst.idx.msk $0xffff, v6  }
0x71: {  	v5 =	vld [tilespmem:s21+$0x10];
	_ =	sdelay $0x4  }
0x72: {  	vm13 =	vle.f32 v5, v4  }
0x73: {  	v5 =	vsel vm13, $0x1, v1  }
0x74: {  	(xrf0) =	vadd.scan.msk.s32 $0xffff, v5  }
0x75: {  	s25 =	spop (v2sf)  }
0x76: {  	s22 =	sadd.s32 s22, s25  }
0x77: {  	v5 =	vmov s22  }
0x78: {  	v5 =	vadd.s32 $0xFFFFFFFF, v5  }
0x79: {  	v6 =	vmpcnt.ones.xlane vm13;
	v5 =	vbroadcast v5, $0x0  }
0x7a: {  	v7, _, _ =	vpop (xrf0)  }
0x7b: {  	(v2sf) =	vpush v6, $0x0;
	v5 =	vadd.s32 v7, v5  }
0x7c: {  	v5 =	vnsel vm13, $0x4000, v5;
	_ =	sdelay $0x2  }
0x7d: {  	s26 =	sadd.s32 $0xFFFFFFE0, s20  }
0x7e: {  	v6 =	vor.u32 s26, v2  }
0x7f: {  	[tilespmem:v5+s14+$0x0] =	vst.idx.msk $0xffff, v6  }
0x80: {  	v5 =	vld [tilespmem:s21+$0x20];
	_ =	sdelay $0x4  }
0x81: {  	vm14 =	vle.f32 v5, v4  }
0x82: {  	v5 =	vsel vm14, $0x1, v1  }
0x83: {  	(xrf0) =	vadd.scan.msk.s32 $0xffff, v5  }
0x84: {  	s28 =	spop (v2sf)  }
0x85: {  	s22 =	sadd.s32 s22, s28  }
0x86: {  	v5 =	vmov s22  }
0x87: {  	v5 =	vadd.s32 $0xFFFFFFFF, v5  }
0x88: {  	v5 =	vbroadcast v5, $0x0  }
0x89: {  	v6, _, _ =	vpop (xrf0)  }
0x8a: {  	v5 =	vadd.s32 v6, v5  }
0x8b: {  	v5 =	vnsel vm14, $0x4000, v5  }
0x8c: {  	v6 =	vmpcnt.ones.xlane vm14;
	_ =	sdelay $0x1  }
0x8d: {  	s29 =	sadd.s32 $0xFFFFFFF0, s20;
	(v2sf) =	vpush v6, $0x0  }
0x8e: {  	v6 =	vor.u32 s29, v2  }
0x8f: {  	[tilespmem:v5+s14+$0x0] =	vst.idx.msk $0xffff, v6  }
0x90: {  	v5 =	vld [tilespmem:s21+$0x30];
	_ =	sdelay $0x4  }
0x91: {  	vm15 =	vle.f32 v5, v4  }
0x92: {  	v5 =	vmpcnt.ones.xlane vm15;
	_ =	sdelay $0x1  }
0x93: {  	(v2sf) =	vpush v5, $0x0;
	_ =	sdelay $0x1  }
0x94: {  	v5 =	vsel vm15, $0x1, v1  }
0x95: {  	(xrf0) =	vadd.scan.msk.s32 $0xffff, v5  }
0x96: {  	s30 =	spop (v2sf)  }
0x97: {  	s22 =	sadd.s32 s22, s30  }
0x98: {  	v5 =	vmov s22  }
0x99: {  	v5 =	vadd.s32 $0xFFFFFFFF, v5  }
0x9a: {  	v5 =	vbroadcast v5, $0x0  }
0x9b: {  	v6, _, _ =	vpop (xrf0)  }
0x9c: {  	v5 =	vadd.s32 v6, v5  }
0x9d: {  	p0 =	sne.s32 s20, $0x3FF0;
	v5 =	vnsel vm15, $0x4000, v5  }
.Ltmp1:
0x9e: {  	_ = 	snop;
	(pc) =	sbr.rel @p0 .LBB2_5-.Ltmp1, $3  }
0x9f: {  	_ =	sdelay $0x1  }
0xa0: {  	v6 =	vor.u32 s20, v2;
	s31 =	spop (v2sf)  }
0xa1: {  	s21 =	sadd.s32 $0x80, s21;
	s20 =	sadd.s32 $0x80, s20;
	[tilespmem:v5+s14+$0x0] =	vst.idx.msk $0xffff, v6;
	s22 =	sadd.s32 s22, s31  }
0xa2: {  	s20 =	sadd.s32 s3, s18  }
0xa3: {  	s20 =	sshll.u32 s20, $0x4  }
0xa4: {  	s20 =	sadd.s32 s5, s20  }
0xa5: {  	[hbm4b:s20+s2] =	stream.linear.scatter [tilespmem:s14], [sflag:$0x1], $0x80, $0x38;
	[tilespmem:$0xC480] =	vst v63  }
0xa6: {  	_ =	swait.ge [sflag:s11], $0x80  }
0xa7: {  	[sflag:s11] =	ssyncset.done $0x0  }
0xa8: {  	[sflag:s11] =	ssyncadd.s32 $0xFFFFFF80  }
0xa9: {  	v4 =	vld [tilespmem:$0x4000];
	_ =	sdelay $0x7  }
0xaa: {  	[tilespmem:v4+s15+$0x0] =	vst.idx.msk $0xffff, v3  }
0xab: {  	v4 =	vld [tilespmem:$0x4010];
	_ =	sdelay $0x7  }
0xac: {  	[tilespmem:v4+s15+$0x0] =	vst.idx.msk $0xffff, v3  }
0xad: {  	v4 =	vld [tilespmem:$0x4020];
	_ =	sdelay $0x7  }
0xae: {  	[tilespmem:v4+s15+$0x0] =	vst.idx.msk $0xffff, v3  }
0xaf: {  	v4 =	vld [tilespmem:$0x4030];
	_ =	sdelay $0x7  }
0xb0: {  	[tilespmem:v4+s15+$0x0] =	vst.idx.msk $0xffff, v3  }
0xb1: {  	v4 =	vld [tilespmem:$0x4040];
	_ =	sdelay $0x7  }
0xb2: {  	[tilespmem:v4+s15+$0x0] =	vst.idx.msk $0xffff, v3  }
0xb3: {  	v4 =	vld [tilespmem:$0x4050];
	_ =	sdelay $0x7  }
0xb4: {  	[tilespmem:v4+s15+$0x0] =	vst.idx.msk $0xffff, v3  }
0xb5: {  	v4 =	vld [tilespmem:$0x4060];
	_ =	sdelay $0x7  }
0xb6: {  	[tilespmem:v4+s15+$0x0] =	vst.idx.msk $0xffff, v3  }
0xb7: {  	v4 =	vld [tilespmem:$0x4070];
	_ =	sdelay $0x7  }
0xb8: {  	s19 =	sadd.s32 s6, s19;
	[tilespmem:v4+s15+$0x0] =	vst.idx.msk $0xffff, v3  }
0xb9: {  	[hbm4b:s19+s12] =	stream.strided.scatter [tilespmem:s15], [sflag:$0x1], $0x4000, s13, s12, $0x38;
	[tilespmem:$0xC480] =	vst v63  }
0xba: {  	_ =	swait.ge [sflag:s11], $0x4000  }
0xbb: {  	[sflag:s11] =	ssyncset.done $0x0  }
0xbc: {  	[sflag:s11] =	ssyncadd.s32 $0xFFFFC000  }
0xbd: {  	v4 =	vld [tilespmem:$0x4000];
	_ =	sdelay $0x7  }
0xbe: {  	[tilespmem:v4+s15+$0x0] =	vst.idx.msk $0xffff, v0  }
0xbf: {  	v4 =	vld [tilespmem:$0x4010];
	_ =	sdelay $0x7  }
0xc0: {  	[tilespmem:v4+s15+$0x0] =	vst.idx.msk $0xffff, v0  }
0xc1: {  	v4 =	vld [tilespmem:$0x4020];
	_ =	sdelay $0x7  }
0xc2: {  	[tilespmem:v4+s15+$0x0] =	vst.idx.msk $0xffff, v0  }
0xc3: {  	v4 =	vld [tilespmem:$0x4030];
	_ =	sdelay $0x7  }
0xc4: {  	[tilespmem:v4+s15+$0x0] =	vst.idx.msk $0xffff, v0  }
0xc5: {  	v4 =	vld [tilespmem:$0x4040];
	_ =	sdelay $0x7  }
0xc6: {  	[tilespmem:v4+s15+$0x0] =	vst.idx.msk $0xffff, v0  }
0xc7: {  	v4 =	vld [tilespmem:$0x4050];
	_ =	sdelay $0x7  }
0xc8: {  	[tilespmem:v4+s15+$0x0] =	vst.idx.msk $0xffff, v0  }
0xc9: {  	v4 =	vld [tilespmem:$0x4060];
	_ =	sdelay $0x7  }
0xca: {  	[tilespmem:v4+s15+$0x0] =	vst.idx.msk $0xffff, v0  }
0xcb: {  	v4 =	vld [tilespmem:$0x4070];
	_ =	sdelay $0x1  }
0xcc: {  	s18 =	sadd.s32 $0x1, s18  }
0xcd: {  	p0 =	sne.s32 s18, $0x8  }
.Ltmp2:
0xce: {  	_ = 	snop;
	(pc) =	sbr.rel @p0 .LBB2_4-.Ltmp2, $2  }
0xcf: {  	_ =	sdelay $0x2  }
0xd0: {  	[tilespmem:v4+s15+$0x0] =	vst.idx.msk $0xffff, v0  }
0xd1: {  	s16 =	sadd.s32 $0x1, s16  }
0xd2: {  	p0 =	sne.s32 s16, s9  }
.Ltmp3:
0xd3: {  	_ = 	snop;
	(pc) =	sbr.rel @p0 .LBB2_1-.Ltmp3, $1  }
0xd4: {  	_ =	sdelay $0x3  }
0xd5: {  	_ =	sfence.sel $0x180000  }
0xd6: {  	[bflag:$0x0] =	sbarrier.arrive $0xFFFF  }
0xd7: {  	p0 =	sne.s32 s1, $0x0;
	_ =	strace $0x9000004A  }
0xd8: {  	s0 =	sadd.s32 @!p0 $0x100000, s0;
	[bflag:$0x2] =	sbarrier.arrive $0xFFFF  }
0xd9: {  	[sflag:s0] =	ssyncadd.tile.s32 @!p0 $0x1;
	_ =	shalt  }
.Lfunc_end2:
_tile_overlayer_lowered:
.L_overlay_start_2:
0xda: {  	(tag) =	ssettag $0x2  }
0xdb: {  	s0 =	rddreg [dreg:$0x0];
	s2 =	stileid.u32  }
0xdc: {  	s1 =	rddreg [dreg:$0x1];
	p0 =	sne.s32 s2, $0x0  }
0xdd: {  	s3 =	rddreg [dreg:$0x2];
	[bflag:$0x3] =	sbarrier.arrive $0xFFFF;
	s2 =	simm.s32 @!p0 $0x1C01  }
0xde: {  	[timem:s3], [sflag:s2] =	dma.local @!p0 [hbm:s0], s1  }
0xdf: {  	s0 =	simm.s32 @!p0 $0x1  }
0xe0: {  	_ =	swait.ge @!p0 [sflag:s0], s1  }
0xe1: {  	s1 =	ssub.s32 @!p0 $0x0, s1;
	[sflag:s0] =	ssyncset.done @!p0 $0x0  }
0xe2: {  	[sflag:s0] =	ssyncadd.s32 @!p0 s1  }
0xe3: {  	[bflag:$0x3] =	sbarrier.arrive $0xFFFF  }
0xe4: {  	_ =	shalt  }

// kernel: kernel.24.cloned.1.call-start
scs
__scs_entry_jumppad:
0x0: {  	(pc) =	sbr.rel $0x88, $3  }
0x1: {  	(tag) =	ssettag $0x0;
	lr =	simm.s32 $0x1  }
0x2: {  	[smem:$0x3F88] =	sst lr;
	_ =	strace $0xD0000000  }
0x3: {  	_ = 	snop  }
0x4: {  	_ = 	snop  }
0x5: {  	_ = 	snop  }
0x6: {  	_ = 	snop  }
0x7: {  	_ = 	snop  }
__scs_overlays_trampoline_lowered:
0x8: {  	[smem:$0x3F97] =	sst s0  }
0x9: {  	[smem:$0x3F98] =	sst s1  }
0xa: {  	[smem:$0x3F99] =	sst s2  }
0xb: {  	[smem:$0x3F9A] =	sst s3  }
0xc: {  	[smem:$0x3F9B] =	sst s4  }
0xd: {  	[smem:$0x3F9C] =	sst s5  }
0xe: {  	[smem:$0x3F9D] =	sst s6  }
0xf: {  	[smem:$0x3F9E] =	sst s7  }
0x10: {  	[smem:$0x3F9F] =	sst s8  }
0x11: {  	[smem:$0x3FA0] =	sst s9;
	s0 =	simm.s32 @!p0 $0x0  }
0x12: {  	s1 =	sld [smem:$0x3F86];
	s0 =	simm.s32 @p0 $0x1  }
0x13: {  	[smem:$0x3FA1] =	sst s0;
	s0 =	simm.s32 @!p1 $0x0  }
0x14: {  	s2 =	sld [smem:$0x3F85];
	s0 =	simm.s32 @p1 $0x1  }
0x15: {  	[smem:$0x3FA2] =	sst s0;
	s0 =	simm.s32 @!p2 $0x0  }
0x16: {  	s3 =	sld [smem:$0x3FDB];
	s0 =	simm.s32 @p2 $0x1  }
0x17: {  	s4 =	simm.s32 $0x1BF5;
	[smem:$0x3FA4] =	sst s0  }
0x18: {  	s0 =	sld [smem:$0x3F87];
	_ =	swait.ge [sflag:s4], $0x0  }
0x19: {  	s7 =	sld [smem:$0x3F88]  }
0x1a: {  	s8 =	sadd.s32 $0xFFFFE003, lr  }
0x1b: {  	s9 =	sadd.s32 $0xFFFFFEF7, lr;
	s5 =	simm.s32 $0xFFFFFFFF;
	p2 =	slt.u32 s8, $0xFFFFF086  }
0x1c: {  	p1 =	slt.u32 s9, $0xF7A;
	s5 =	simm.s32 @!p2 $0x0  }
0x1d: {  	s5 =	simm.s32 @p1 $0x1;
	p0 =	seq.s32 s7, s2  }
0x1e: {  	s7 =	smul.u32 @!p0 $0xF7A, s2;
	p2 =	seq.s32 @!p0 s5, $0x0  }
0x1f: {  	s9 =	smul.u32 $0xF7A, s1;
	s8 =	simm.s32 @!p0 $0x1BF5;
	p2 =	por !p2, p0  }
0x20: {  	[sflag:s8] =	ssyncset.s32 @!p0 $0xFFFFF086;
	s6 =	sadd.s32 @!p0 s3, s7;
	s7 =	simm.s32 @!p0 $0x108  }
0x21: {  	s3 =	sadd.s32 s3, s9;
	s6 =	sadd.s32 @!p0 $0x88, s6;
	s7 =	simm.s32 @p2 $0x1082  }
0x22: {  	[simem:s7], [sflag:s8] =	dma.local @!p0 [hbm:s6], $0xF7A  }
0x23: {  	s9 =	sor.u32 $0xD0000000, s2;
	s6 =	simm.s32 $0x108;
	_ =	swait.ge @!p0 [sflag:s8], $0x0  }
0x24: {  	s3 =	sadd.s32 $0x88, s3;
	s6 =	simm.s32 @!p1 $0x1082;
	[sflag:s4] =	ssyncset.s32 $0xFFFFF086  }
0x25: {  	[simem:s6], [sflag:s4] =	dma.local [hbm:s3], $0xF7A  }
0x26: {  	[smem:$0x3F88] =	sst s1;
	(tag) =	ssettag s2;
	_ =	strace s9  }
0x27: {  	s1 =	sld [smem:$0x3F98]  }
0x28: {  	s2 =	sld [smem:$0x3F99]  }
0x29: {  	s4 =	sld [smem:$0x3F9B]  }
0x2a: {  	p0 =	seq.s32 s5, $0x0;
	s5 =	sld [smem:$0x3F9C]  }
0x2b: {  	s6 =	sld [smem:$0x3F9D]  }
0x2c: {  	s7 =	sld [smem:$0x3F9E]  }
0x2d: {  	s3 =	simm.s32 $0x108;
	s8 =	sld [smem:$0x3F9F]  }
0x2e: {  	s3 =	simm.s32 @!p0 $0x1082;
	s9 =	sld [smem:$0x3FA0]  }
0x2f: {  	lr =	sadd.s32 s0, s3;
	s0 =	sld [smem:$0x3F97]  }
0x30: {  	s3 =	sld [smem:$0x3F9A]  }
0x31: {  	[smem:$0x3FA3] =	sst s10  }
0x32: {  	s10 =	sld [smem:$0x3FA1];
	_ =	sdelay $0x3  }
0x33: {  	p0 =	seq.s32 s10, $0x1;
	s10 =	sld [smem:$0x3FA3];
	_ =	sdelay $0x3  }
0x34: {  	[smem:$0x3FA3] =	sst s10  }
0x35: {  	s10 =	sld [smem:$0x3FA2];
	_ =	sdelay $0x3  }
0x36: {  	p1 =	seq.s32 s10, $0x1;
	s10 =	sld [smem:$0x3FA3];
	_ =	sdelay $0x3  }
0x37: {  	[smem:$0x3FA3] =	sst s10  }
0x38: {  	s10 =	sld [smem:$0x3FA4]  }
0x39: {  	_ = 	snop;
	(pc) =	sbr.ind lr, $3  }
0x3a: {  	_ = 	snop  }
0x3b: {  	_ = 	snop  }
0x3c: {  	p2 =	seq.s32 s10, $0x1;
	s10 =	sld [smem:$0x3FA3]  }
0x3d: {  	_ =	shalt  }
0x3e: {  	_ =	shalt  }
0x3f: {  	_ =	shalt  }
0x40: {  	_ =	shalt  }
0x41: {  	_ =	shalt  }
0x42: {  	_ =	shalt  }
0x43: {  	_ =	shalt  }
0x44: {  	_ =	shalt  }
0x45: {  	_ =	shalt  }
0x46: {  	_ =	shalt  }
0x47: {  	_ =	shalt  }
0x48: {  	_ =	shalt  }
0x49: {  	_ =	shalt  }
0x4a: {  	_ =	shalt  }
0x4b: {  	_ =	shalt  }
0x4c: {  	_ =	shalt  }
0x4d: {  	_ =	shalt  }
0x4e: {  	_ =	shalt  }
0x4f: {  	_ =	shalt  }
0x50: {  	_ =	shalt  }
0x51: {  	_ =	shalt  }
0x52: {  	_ =	shalt  }
0x53: {  	_ =	shalt  }
0x54: {  	_ =	shalt  }
0x55: {  	_ =	shalt  }
0x56: {  	_ =	shalt  }
0x57: {  	_ =	shalt  }
0x58: {  	_ =	shalt  }
0x59: {  	_ =	shalt  }
0x5a: {  	_ =	shalt  }
0x5b: {  	_ =	shalt  }
0x5c: {  	_ =	shalt  }
0x5d: {  	_ =	shalt  }
0x5e: {  	_ =	shalt  }
0x5f: {  	_ =	shalt  }
0x60: {  	_ =	shalt  }
0x61: {  	_ =	shalt  }
0x62: {  	_ =	shalt  }
0x63: {  	_ =	shalt  }
0x64: {  	_ =	shalt  }
0x65: {  	_ =	shalt  }
0x66: {  	_ =	shalt  }
0x67: {  	_ =	shalt  }
0x68: {  	_ =	shalt  }
0x69: {  	_ =	shalt  }
0x6a: {  	_ =	shalt  }
0x6b: {  	_ =	shalt  }
0x6c: {  	_ =	shalt  }
0x6d: {  	_ =	shalt  }
0x6e: {  	_ =	shalt  }
0x6f: {  	_ =	shalt  }
0x70: {  	_ =	shalt  }
0x71: {  	_ =	shalt  }
0x72: {  	_ =	shalt  }
0x73: {  	_ =	shalt  }
0x74: {  	_ =	shalt  }
0x75: {  	_ =	shalt  }
0x76: {  	_ =	shalt  }
0x77: {  	_ =	shalt  }
0x78: {  	_ =	shalt  }
0x79: {  	_ =	shalt  }
0x7a: {  	_ =	shalt  }
0x7b: {  	_ =	shalt  }
0x7c: {  	_ =	shalt  }
0x7d: {  	_ =	shalt  }
0x7e: {  	_ =	shalt  }
0x7f: {  	_ =	shalt  }
0x80: {  	_ =	shalt  }
0x81: {  	_ =	shalt  }
0x82: {  	_ =	shalt  }
0x83: {  	_ =	shalt  }
0x84: {  	_ =	shalt  }
0x85: {  	_ =	shalt  }
0x86: {  	_ =	shalt  }
0x87: {  	_ =	shalt  }
.Lfunc_end0:
.L_simem_size_0:
called_computation.3_lowered:
.L_overlay_start_0:
0x88: {  	s2 =	sld [smem:$0x3FD9]  }
0x89: {  	s3 =	sld [smem:$0x3FFE];
	_ =	sdelay $0x1  }
0x8a: {  	s1 =	srdreg.scid  }
0x8b: {  	s0 =	sand.u32 $0x1, s1  }
0x8c: {  	s16 =	sshll.u32 s0, $0xA;
	s2 =	sadd.s32 s3, s2  }
0x8d: {  	s2 =	sadd.s32 s2, s16  }
0x8e: {  	[smem:$0x3FAF] =	sst s2  }
0x8f: {  	_ = 	snop  }
0x90: {  	(tm) =	ssettm $0x1  }
0x91: {  	s17 =	sld [smem:$0x3FFB];
	_ =	sdelay $0x3  }
0x92: {  	_ =	strace s17  }
0x93: {  	s2 =	sld [smem:$0x3FFC];
	_ =	sdelay $0x3  }
0x94: {  	_ =	strace s2  }
0x95: {  	s2 =	sld [smem:$0x3FFD];
	_ =	sdelay $0x3  }
0x96: {  	_ =	strace s2  }
0x97: {  	_ =	strace $0x8FFFFFFF  }
0x98: {  	s18 =	sld [smem:$0x3FDB];
	_ =	sdelay $0x1  }
0x99: {  	s19 =	simm.s32 $_scs_section_size  }
0x9a: {  	s4 =	simm.s32 $_size__tile_overlayer_lowered;
	s5 =	simm.s32 $_tile_overlayer_lowered  }
0x9b: {  	s22 =	simm.s32 $0x1BFF;
	s21 =	sshll.u32 s5, $0x1;
	s2 =	sadd.s32 s19, s18  }
0x9c: {  	s6 =	simm.s32 $0x0;
	s20 =	sshll.u32 s4, $0x1;
	s4 =	sadd.s32 s21, s2  }
0x9d: {  	[timem:s6], [sflag:s22] =	dma.local [hbm:s4], s20  }
0x9e: {  	_ =	swait.ge [sflag:s22], s20  }
0x9f: {  	s3 =	ssub.s32 $0x0, s20;
	[sflag:s22] =	ssyncset.done $0x0  }
0xa0: {  	[sflag:s22] =	ssyncadd.s32 s3;
	_ =	sdelay $0x1  }
0xa1: {  	s23 =	simm.s32 $0x1B8B  }
0xa2: {  	_ =	swait.ge [sflag:s23], $0x1  }
0xa3: {  	[sflag:s23] =	ssyncset.done $0x0  }
0xa4: {  	s25 =	simm.s32 $0x1B8E;
	s24 =	sld [smem:$0x3FFE];
	[sflag:s23] =	ssyncadd.s32 $0xFFFFFFFF  }
0xa5: {  	s26 =	simm.s32 $execute0_lowered;
	[smem:$0x3FD2] =	sst s25  }
0xa6: {  	s4 =	sshll.u32 s26, $0x1;
	_ =	strace $0x80000046;
	[dreg:$0x1] =	wrdreg $0xFFFFFFFF  }
0xa7: {  	s28 =	simm.s32 $_size_execute0_lowered;
	s2 =	sadd.s32 s2, s4;
	[dreg:$0x0] =	wrdreg $0x0  }
0xa8: {  	s4 =	sshll.u32 s28, $0x1;
	[dreg:$0x2] =	wrdreg s2  }
0xa9: {  	[dreg:$0x3] =	wrdreg s4  }
0xaa: {  	[dreg:$0x4] =	wrdreg $0xC0  }
0xab: {  	_ =	task [dreg:s6], $0x5FFFF  }
0xac: {  	[dreg:$0x1] =	wrdreg $0xFFFFFFFF  }
0xad: {  	[dreg:$0x0] =	wrdreg $0x60  }
0xae: {  	[dreg:$0x2] =	wrdreg s24  }
0xaf: {  	[dreg:$0x3] =	wrdreg $0xC  }
0xb0: {  	_ =	task.clear_ibuf [dreg:s6], $0x4FFFF;
	_ =	strace $0x90000046  }
0xb1: {  	s29 =	simm.s32 $0xC;
	_ =	strace $0x80000048  }
0xb2: {  	_ =	swait.ge [sflag:s29], $0x1  }
0xb3: {  	[sflag:s29] =	ssyncadd.s32 $0xFFFFFFFF  }
0xb4: {  	_ =	strace $0x90000048  }
0xb5: {  	_ =	sfence  }
0xb6: {  	s30 =	sld [smem:$0x0];
	_ =	sdelay $0x2  }
0xb7: {  	s31 =	sshll.u32 s1, $0xD;
	s1 =	sshrl.u32 s1, $0x2  }
0xb8: {  	s3 =	sand.u32 $0x4000, s31;
	s1 =	sadd.s32 s1, s30  }
0xb9: {  	s0 =	sor.u32 s3, s0;
	s1 =	sshll.u32 s1, $0x11  }
0xba: {  	s0 =	sor.u32 s1, s0  }
0xbb: {  	s0 =	sadd.s32 $0x8F2B, s0  }
0xbc: {  	[sflag:s0] =	ssyncadd.remote.s32 $0x1  }
0xbd: {  	_ =	sfence.sel $0xFFFF  }
0xbe: {  	[dreg:$0x0] =	wrdreg $0xFFFFFFFF;
	(pc) =	sbr.abs _section_cstart, $3  }
0xbf: {  	[dreg:$0x1] =	wrdreg $0xFFFFFFFF  }
0xc0: {  	_ =	task.clear_ibuf [dreg:s6], $0x2FFFF;
	_ =	strace $0x9FFFFFFF  }
0xc1: {  	(tm) =	ssettm $0x7FFFFFFF  }
tec
execute0_lowered:
.L_overlay_start_1:
0x0: {  	(tag) =	ssettag $0x1  }
0x1: {  	s6 =	rddreg [dreg:$0x0]  }
0x2: {  	s0 =	rddreg [dreg:$0x1]  }
0x3: {  	s3 =	srdreg.scid;
	s2 =	simm.s32 $0x0;
	s1 =	stileid.u32  }
0x4: {  	s10 =	simm.s32 $0x8080;
	s11 =	simm.s32 $0x1;
	s12 =	simm.s32 $0x80  }
0x5: {  	s13 =	simm.s32 $0x400;
	s14 =	simm.s32 $0x4000;
	s15 =	simm.s32 $0x8480  }
0x6: {  	s16 =	simm.s32 $0x0;
	s5 =	sand.u32 $0x1, s3;
	[smem:$0x7FF] =	sst s2  }
0x7: {  	s31 =	sshll.u32 s1, $0x4;
	s4 =	sshll.u32 s5, $0x3;
	_ =	strace $0x80000047  }
0x8: {  	s8 =	ssub.s32 $0x2, s5;
	s5 =	sadd.s32 $0xCCC00, s6;
	s3 =	sor.u32 s4, s31  }
0x9: {  	s4 =	sadd.s32 $0x4BC00, s6;
	s9 =	sshrl.u32 s8, $0x1;
	s7 =	sshll.u32 s3, $0x4  }
0xa: {  	v0 =	vimm.f32 $0.0e+00;
	s9 =	ssub.s32 s8, s9;
	s8 =	sshll.u32 s3, $0xB;
	s7 =	sadd.s32 s7, s6  }
0xb: {  	v1 =	vimm.s32 $0x0;
	v2 =	vlaneseq.u32;
	v3 =	vimm.f32 $1.000000000e+00;
	s6 =	sadd.s32 $0xCDC00, s6;
	s9 =	smax.u32 s9, $0x1;
	s7 =	sadd.s32 $0xCBC00, s7  }
.LBB2_1:
0xc: {  	[tilespmem:s10], [sflag:$0x1] =	stream.linear.gather [hbm4b:s7+s2], $0x400, $0x38;
	[tilespmem:$0xC480] =	vst v63  }
0xd: {  	_ =	swait.ge [sflag:s11], $0x400  }
0xe: {  	[sflag:s11] =	ssyncset.done $0x0  }
0xf: {  	s18 =	simm.s32 $0x0;
	s17 =	simm.s32 $0x200;
	[sflag:s11] =	ssyncadd.s32 $0xFFFFFC00  }
.LBB2_2:
0x10: {  	p0 =	sne.s32 s17, $0xFE00;
	[tilespmem:s18+$0x84F0] =	vst v0  }
0x11: {  	[tilespmem:s18+$0x8480] =	vst v0  }
0x12: {  	[tilespmem:s18+$0x8490] =	vst v0  }
.Ltmp0:
0x13: {  	[tilespmem:s18+$0x84A0] =	vst v0;
	(pc) =	sbr.rel @p0 .LBB2_2-.Ltmp0, $4  }
0x14: {  	[tilespmem:s18+$0x84B0] =	vst v0  }
0x15: {  	[tilespmem:s18+$0x84C0] =	vst v0  }
0x16: {  	[tilespmem:s18+$0x84D0] =	vst v0  }
0x17: {  	[tilespmem:s18+$0x84E0] =	vst v0;
	s18 =	sshra.s32 s17, $0x2;
	s17 =	sadd.s32 $0x200, s17  }
0x18: {  	[tilespmem:s18+$0x84F0] =	vst v0  }
0x19: {  	[tilespmem:s18+$0x8480] =	vst v0  }
0x1a: {  	[tilespmem:s18+$0x8490] =	vst v0  }
0x1b: {  	[tilespmem:s18+$0x84A0] =	vst v0  }
0x1c: {  	[tilespmem:s18+$0x84B0] =	vst v0  }
0x1d: {  	[tilespmem:s18+$0x84C0] =	vst v0  }
0x1e: {  	[tilespmem:s18+$0x84D0] =	vst v0  }
0x1f: {  	s17 =	simm.s32 $0x0;
	[tilespmem:s18+$0x84E0] =	vst v0;
	s18 =	simm.s32 $0x0  }
.LBB2_4:
0x20: {  	s19 =	sshll.u32 s18, $0x4  }
0x21: {  	s19 =	sadd.s32 s8, s19  }
0x22: {  	s20 =	sadd.s32 s4, s19  }
0x23: {  	[tilespmem:s17], [sflag:$0x1] =	stream.strided.gather [hbm4b:s20+s12], $0x4000, s13, s12, $0x38;
	[tilespmem:$0xC480] =	vst v63  }
0x24: {  	_ =	swait.ge [sflag:s11], $0x4000  }
0x25: {  	s31 =	sshll.u32 s18, $0x7;
	[sflag:s11] =	ssyncset.done $0x0  }
0x26: {  	s20 =	sand.u32 $0x3FFFFF80, s31;
	[sflag:s11] =	ssyncadd.s32 $0xFFFFC000  }
0x27: {  	s21 =	simm.s32 $0x40;
	s22 =	simm.s32 $0x0;
	v4 =	vld [tilespmem:s20+$0x8080];
	s20 =	simm.s32 $0x70  }
.LBB2_5:
0x28: {  	v5 =	vld [tilespmem:s21+$0xFFFFFFC0];
	_ =	sdelay $0x4  }
0x29: {  	vm0 =	vle.f32 v5, v4  }
0x2a: {  	v5 =	vsel vm0, $0x1, v1  }
0x2b: {  	(xrf0) =	vadd.scan.msk.s32 $0xffff, v5;
	_ =	sdelay $0x2  }
0x2c: {  	v5 =	vmov s22  }
0x2d: {  	v5 =	vadd.s32 $0xFFFFFFFF, v5  }
0x2e: {  	v6 =	vmpcnt.ones.xlane vm0;
	v5 =	vbroadcast v5, $0x0  }
0x2f: {  	v7, _, _ =	vpop (xrf0)  }
0x30: {  	(v2sf) =	vpush v6, $0x0;
	v5 =	vadd.s32 v7, v5  }
0x31: {  	v5 =	vnsel vm0, $0x4000, v5;
	_ =	sdelay $0x2  }
0x32: {  	s23 =	sadd.s32 $0xFFFFFF90, s20  }
0x33: {  	v6 =	vor.u32 s23, v2  }
0x34: {  	[tilespmem:v5+s14+$0x0] =	vst.idx.msk $0xffff, v6  }
0x35: {  	v5 =	vld [tilespmem:s21+$0xFFFFFFD0];
	_ =	sdelay $0x4  }
0x36: {  	vm9 =	vle.f32 v5, v4  }
0x37: {  	v5 =	vsel vm9, $0x1, v1  }
0x38: {  	(xrf0) =	vadd.scan.msk.s32 $0xffff, v5  }
0x39: {  	s31 =	spop (v2sf)  }
0x3a: {  	s24 =	sadd.s32 s22, s31  }
0x3b: {  	v5 =	vmov s24  }
0x3c: {  	v5 =	vadd.s32 $0xFFFFFFFF, v5  }
0x3d: {  	v6 =	vmpcnt.ones.xlane vm9;
	v5 =	vbroadcast v5, $0x0  }
0x3e: {  	v7, _, _ =	vpop (xrf0)  }
0x3f: {  	(v2sf) =	vpush v6, $0x0;
	v5 =	vadd.s32 v7, v5  }
0x40: {  	v5 =	vnsel vm9, $0x4000, v5;
	_ =	sdelay $0x2  }
0x41: {  	s25 =	sadd.s32 $0xFFFFFFA0, s20  }
0x42: {  	v6 =	vor.u32 s25, v2  }
0x43: {  	[tilespmem:v5+s14+$0x0] =	vst.idx.msk $0xffff, v6  }
0x44: {  	v5 =	vld [tilespmem:s21+$0xFFFFFFE0];
	_ =	sdelay $0x4  }
0x45: {  	vm10 =	vle.f32 v5, v4  }
0x46: {  	v5 =	vsel vm10, $0x1, v1  }
0x47: {  	(xrf0) =	vadd.scan.msk.s32 $0xffff, v5  }
0x48: {  	s26 =	spop (v2sf)  }
0x49: {  	s22 =	sadd.s32 s24, s26  }
0x4a: {  	v5 =	vmov s22  }
0x4b: {  	v5 =	vadd.s32 $0xFFFFFFFF, v5  }
0x4c: {  	v6 =	vmpcnt.ones.xlane vm10;
	v5 =	vbroadcast v5, $0x0  }
0x4d: {  	v7, _, _ =	vpop (xrf0)  }
0x4e: {  	(v2sf) =	vpush v6, $0x0;
	v5 =	vadd.s32 v7, v5  }
0x4f: {  	v5 =	vnsel vm10, $0x4000, v5;
	_ =	sdelay $0x2  }
0x50: {  	s28 =	sadd.s32 $0xFFFFFFB0, s20  }
0x51: {  	v6 =	vor.u32 s28, v2  }
0x52: {  	[tilespmem:v5+s14+$0x0] =	vst.idx.msk $0xffff, v6  }
0x53: {  	v5 =	vld [tilespmem:s21+$0xFFFFFFF0];
	_ =	sdelay $0x4  }
0x54: {  	vm11 =	vle.f32 v5, v4  }
0x55: {  	v5 =	vsel vm11, $0x1, v1  }
0x56: {  	(xrf0) =	vadd.scan.msk.s32 $0xffff, v5  }
0x57: {  	s29 =	spop (v2sf)  }
0x58: {  	s22 =	sadd.s32 s22, s29  }
0x59: {  	v5 =	vmov s22  }
0x5a: {  	v5 =	vadd.s32 $0xFFFFFFFF, v5  }
0x5b: {  	v6 =	vmpcnt.ones.xlane vm11;
	v5 =	vbroadcast v5, $0x0  }
0x5c: {  	v7, _, _ =	vpop (xrf0)  }
0x5d: {  	(v2sf) =	vpush v6, $0x0;
	v5 =	vadd.s32 v7, v5  }
0x5e: {  	v5 =	vnsel vm11, $0x4000, v5;
	_ =	sdelay $0x2  }
0x5f: {  	s30 =	sadd.s32 $0xFFFFFFC0, s20  }
0x60: {  	v6 =	vor.u32 s30, v2  }
0x61: {  	[tilespmem:v5+s14+$0x0] =	vst.idx.msk $0xffff, v6  }
0x62: {  	v5 =	vld [tilespmem:s21+$0x0];
	_ =	sdelay $0x4  }
0x63: {  	vm12 =	vle.f32 v5, v4  }
0x64: {  	v5 =	vsel vm12, $0x1, v1  }
0x65: {  	(xrf0) =	vadd.scan.msk.s32 $0xffff, v5  }
0x66: {  	s31 =	spop (v2sf)  }
0x67: {  	s22 =	sadd.s32 s22, s31  }
0x68: {  	v5 =	vmov s22  }
0x69: {  	v5 =	vadd.s32 $0xFFFFFFFF, v5  }
0x6a: {  	v6 =	vmpcnt.ones.xlane vm12;
	v5 =	vbroadcast v5, $0x0  }
0x6b: {  	v7, _, _ =	vpop (xrf0)  }
0x6c: {  	(v2sf) =	vpush v6, $0x0;
	v5 =	vadd.s32 v7, v5  }
0x6d: {  	v5 =	vnsel vm12, $0x4000, v5;
	_ =	sdelay $0x2  }
0x6e: {  	s24 =	sadd.s32 $0xFFFFFFD0, s20  }
0x6f: {  	v6 =	vor.u32 s24, v2  }
0x70: {  	[tilespmem:v5+s14+$0x0] =	vst.idx.msk $0xffff, v6  }
0x71: {  	v5 =	vld [tilespmem:s21+$0x10];
	_ =	sdelay $0x4  }
0x72: {  	vm13 =	vle.f32 v5, v4  }
0x73: {  	v5 =	vsel vm13, $0x1, v1  }
0x74: {  	(xrf0) =	vadd.scan.msk.s32 $0xffff, v5  }
0x75: {  	s25 =	spop (v2sf)  }
0x76: {  	s22 =	sadd.s32 s22, s25  }
0x77: {  	v5 =	vmov s22  }
0x78: {  	v5 =	vadd.s32 $0xFFFFFFFF, v5  }
0x79: {  	v6 =	vmpcnt.ones.xlane vm13;
	v5 =	vbroadcast v5, $0x0  }
0x7a: {  	v7, _, _ =	vpop (xrf0)  }
0x7b: {  	(v2sf) =	vpush v6, $0x0;
	v5 =	vadd.s32 v7, v5  }
0x7c: {  	v5 =	vnsel vm13, $0x4000, v5;
	_ =	sdelay $0x2  }
0x7d: {  	s26 =	sadd.s32 $0xFFFFFFE0, s20  }
0x7e: {  	v6 =	vor.u32 s26, v2  }
0x7f: {  	[tilespmem:v5+s14+$0x0] =	vst.idx.msk $0xffff, v6  }
0x80: {  	v5 =	vld [tilespmem:s21+$0x20];
	_ =	sdelay $0x4  }
0x81: {  	vm14 =	vle.f32 v5, v4  }
0x82: {  	v5 =	vsel vm14, $0x1, v1  }
0x83: {  	(xrf0) =	vadd.scan.msk.s32 $0xffff, v5  }
0x84: {  	s28 =	spop (v2sf)  }
0x85: {  	s22 =	sadd.s32 s22, s28  }
0x86: {  	v5 =	vmov s22  }
0x87: {  	v5 =	vadd.s32 $0xFFFFFFFF, v5  }
0x88: {  	v5 =	vbroadcast v5, $0x0  }
0x89: {  	v6, _, _ =	vpop (xrf0)  }
0x8a: {  	v5 =	vadd.s32 v6, v5  }
0x8b: {  	v5 =	vnsel vm14, $0x4000, v5  }
0x8c: {  	v6 =	vmpcnt.ones.xlane vm14;
	_ =	sdelay $0x1  }
0x8d: {  	s29 =	sadd.s32 $0xFFFFFFF0, s20;
	(v2sf) =	vpush v6, $0x0  }
0x8e: {  	v6 =	vor.u32 s29, v2  }
0x8f: {  	[tilespmem:v5+s14+$0x0] =	vst.idx.msk $0xffff, v6  }
0x90: {  	v5 =	vld [tilespmem:s21+$0x30];
	_ =	sdelay $0x4  }
0x91: {  	vm15 =	vle.f32 v5, v4  }
0x92: {  	v5 =	vmpcnt.ones.xlane vm15;
	_ =	sdelay $0x1  }
0x93: {  	(v2sf) =	vpush v5, $0x0;
	_ =	sdelay $0x1  }
0x94: {  	v5 =	vsel vm15, $0x1, v1  }
0x95: {  	(xrf0) =	vadd.scan.msk.s32 $0xffff, v5  }
0x96: {  	s30 =	spop (v2sf)  }
0x97: {  	s22 =	sadd.s32 s22, s30  }
0x98: {  	v5 =	vmov s22  }
0x99: {  	v5 =	vadd.s32 $0xFFFFFFFF, v5  }
0x9a: {  	v5 =	vbroadcast v5, $0x0  }
0x9b: {  	v6, _, _ =	vpop (xrf0)  }
0x9c: {  	v5 =	vadd.s32 v6, v5  }
0x9d: {  	p0 =	sne.s32 s20, $0x3FF0;
	v5 =	vnsel vm15, $0x4000, v5  }
.Ltmp1:
0x9e: {  	_ = 	snop;
	(pc) =	sbr.rel @p0 .LBB2_5-.Ltmp1, $3  }
0x9f: {  	_ =	sdelay $0x1  }
0xa0: {  	v6 =	vor.u32 s20, v2;
	s31 =	spop (v2sf)  }
0xa1: {  	s21 =	sadd.s32 $0x80, s21;
	s20 =	sadd.s32 $0x80, s20;
	[tilespmem:v5+s14+$0x0] =	vst.idx.msk $0xffff, v6;
	s22 =	sadd.s32 s22, s31  }
0xa2: {  	s20 =	sadd.s32 s3, s18  }
0xa3: {  	s20 =	sshll.u32 s20, $0x4  }
0xa4: {  	s20 =	sadd.s32 s5, s20  }
0xa5: {  	[hbm4b:s20+s2] =	stream.linear.scatter [tilespmem:s14], [sflag:$0x1], $0x80, $0x38;
	[tilespmem:$0xC480] =	vst v63  }
0xa6: {  	_ =	swait.ge [sflag:s11], $0x80  }
0xa7: {  	[sflag:s11] =	ssyncset.done $0x0  }
0xa8: {  	[sflag:s11] =	ssyncadd.s32 $0xFFFFFF80  }
0xa9: {  	v4 =	vld [tilespmem:$0x4000];
	_ =	sdelay $0x7  }
0xaa: {  	[tilespmem:v4+s15+$0x0] =	vst.idx.msk $0xffff, v3  }
0xab: {  	v4 =	vld [tilespmem:$0x4010];
	_ =	sdelay $0x7  }
0xac: {  	[tilespmem:v4+s15+$0x0] =	vst.idx.msk $0xffff, v3  }
0xad: {  	v4 =	vld [tilespmem:$0x4020];
	_ =	sdelay $0x7  }
0xae: {  	[tilespmem:v4+s15+$0x0] =	vst.idx.msk $0xffff, v3  }
0xaf: {  	v4 =	vld [tilespmem:$0x4030];
	_ =	sdelay $0x7  }
0xb0: {  	[tilespmem:v4+s15+$0x0] =	vst.idx.msk $0xffff, v3  }
0xb1: {  	v4 =	vld [tilespmem:$0x4040];
	_ =	sdelay $0x7  }
0xb2: {  	[tilespmem:v4+s15+$0x0] =	vst.idx.msk $0xffff, v3  }
0xb3: {  	v4 =	vld [tilespmem:$0x4050];
	_ =	sdelay $0x7  }
0xb4: {  	[tilespmem:v4+s15+$0x0] =	vst.idx.msk $0xffff, v3  }
0xb5: {  	v4 =	vld [tilespmem:$0x4060];
	_ =	sdelay $0x7  }
0xb6: {  	[tilespmem:v4+s15+$0x0] =	vst.idx.msk $0xffff, v3  }
0xb7: {  	v4 =	vld [tilespmem:$0x4070];
	_ =	sdelay $0x7  }
0xb8: {  	s19 =	sadd.s32 s6, s19;
	[tilespmem:v4+s15+$0x0] =	vst.idx.msk $0xffff, v3  }
0xb9: {  	[hbm4b:s19+s12] =	stream.strided.scatter [tilespmem:s15], [sflag:$0x1], $0x4000, s13, s12, $0x38;
	[tilespmem:$0xC480] =	vst v63  }
0xba: {  	_ =	swait.ge [sflag:s11], $0x4000  }
0xbb: {  	[sflag:s11] =	ssyncset.done $0x0  }
0xbc: {  	[sflag:s11] =	ssyncadd.s32 $0xFFFFC000  }
0xbd: {  	v4 =	vld [tilespmem:$0x4000];
	_ =	sdelay $0x7  }
0xbe: {  	[tilespmem:v4+s15+$0x0] =	vst.idx.msk $0xffff, v0  }
0xbf: {  	v4 =	vld [tilespmem:$0x4010];
	_ =	sdelay $0x7  }
0xc0: {  	[tilespmem:v4+s15+$0x0] =	vst.idx.msk $0xffff, v0  }
0xc1: {  	v4 =	vld [tilespmem:$0x4020];
	_ =	sdelay $0x7  }
0xc2: {  	[tilespmem:v4+s15+$0x0] =	vst.idx.msk $0xffff, v0  }
0xc3: {  	v4 =	vld [tilespmem:$0x4030];
	_ =	sdelay $0x7  }
0xc4: {  	[tilespmem:v4+s15+$0x0] =	vst.idx.msk $0xffff, v0  }
0xc5: {  	v4 =	vld [tilespmem:$0x4040];
	_ =	sdelay $0x7  }
0xc6: {  	[tilespmem:v4+s15+$0x0] =	vst.idx.msk $0xffff, v0  }
0xc7: {  	v4 =	vld [tilespmem:$0x4050];
	_ =	sdelay $0x7  }
0xc8: {  	[tilespmem:v4+s15+$0x0] =	vst.idx.msk $0xffff, v0  }
0xc9: {  	v4 =	vld [tilespmem:$0x4060];
	_ =	sdelay $0x7  }
0xca: {  	[tilespmem:v4+s15+$0x0] =	vst.idx.msk $0xffff, v0  }
0xcb: {  	v4 =	vld [tilespmem:$0x4070];
	_ =	sdelay $0x1  }
0xcc: {  	s18 =	sadd.s32 $0x1, s18  }
0xcd: {  	p0 =	sne.s32 s18, $0x8  }
.Ltmp2:
0xce: {  	_ = 	snop;
	(pc) =	sbr.rel @p0 .LBB2_4-.Ltmp2, $2  }
0xcf: {  	_ =	sdelay $0x2  }
0xd0: {  	[tilespmem:v4+s15+$0x0] =	vst.idx.msk $0xffff, v0  }
0xd1: {  	s16 =	sadd.s32 $0x1, s16  }
0xd2: {  	p0 =	sne.s32 s16, s9  }
.Ltmp3:
0xd3: {  	_ = 	snop;
	(pc) =	sbr.rel @p0 .LBB2_1-.Ltmp3, $1  }
0xd4: {  	_ =	sdelay $0x3  }
0xd5: {  	_ =	sfence.sel $0x180000  }
0xd6: {  	[bflag:$0x0] =	sbarrier.arrive $0xFFFF  }
0xd7: {  	p0 =	sne.s32 s1, $0x0;
	_ =	strace $0x90000047  }
0xd8: {  	s0 =	sadd.s32 @!p0 $0x100000, s0;
	[bflag:$0x2] =	sbarrier.arrive $0xFFFF  }
0xd9: {  	[sflag:s0] =	ssyncadd.tile.s32 @!p0 $0x1;
	_ =	shalt  }
.Lfunc_end2:
_tile_overlayer_lowered:
.L_overlay_start_2:
0xda: {  	(tag) =	ssettag $0x2  }
0xdb: {  	s0 =	rddreg [dreg:$0x0];
	s2 =	stileid.u32  }
0xdc: {  	s1 =	rddreg [dreg:$0x1];
	p0 =	sne.s32 s2, $0x0  }
0xdd: {  	s3 =	rddreg [dreg:$0x2];
	[bflag:$0x3] =	sbarrier.arrive $0xFFFF;
	s2 =	simm.s32 @!p0 $0x1C01  }
0xde: {  	[timem:s3], [sflag:s2] =	dma.local @!p0 [hbm:s0], s1  }
0xdf: {  	s0 =	simm.s32 @!p0 $0x1  }
0xe0: {  	_ =	swait.ge @!p0 [sflag:s0], s1  }
0xe1: {  	s1 =	ssub.s32 @!p0 $0x0, s1;
	[sflag:s0] =	ssyncset.done @!p0 $0x0  }
0xe2: {  	[sflag:s0] =	ssyncadd.s32 @!p0 s1  }
0xe3: {  	[bflag:$0x3] =	sbarrier.arrive $0xFFFF  }
0xe4: {  	_ =	shalt  }

</sc_bundles>
